<compile_context>
chip_gen: v7x
topology: tpu7x:2x2x1
jax: 0.10.2.dev20260603
libtpu: 0.0.44.dev20260713+nightly
codegen_flags: <defaults>
</compile_context>

<pallas_src>
import functools

import jax
import jax.numpy as jnp
from jax import lax
from jax.experimental import pallas as pl
from jax.experimental.pallas import tpu as pltpu
from jax.experimental.pallas import tpu_sc as plsc


def _make_kernel(V, D, B, L):
    NC, NS = 2, 16
    NW = NC * NS
    b_per_w = B // NW
    CB = 8
    n_chunks = b_per_w // CB
    UN = 8

    mesh = plsc.VectorSubcoreMesh(core_axis_name="c", subcore_axis_name="s")

    @functools.partial(
        pl.kernel,
        mesh=mesh,
        out_type=jax.ShapeDtypeStruct((B, D), jnp.float32),
        scratch_types=[
            pltpu.VMEM((CB * L,), jnp.int32),
            pltpu.VMEM((CB * L,), jnp.int32),
            pltpu.VMEM((CB * L,), jnp.int32),
            pltpu.VMEM((CB * L,), jnp.int32),
            pltpu.VMEM((CB * L, D), jnp.float32),
            pltpu.VMEM((CB * L, D), jnp.float32),
            pltpu.VMEM((CB * L, D), jnp.float32),
            pltpu.VMEM((CB * L, D), jnp.float32),
            pltpu.VMEM((CB, D), jnp.float32),
            pltpu.VMEM((CB, D), jnp.float32),
            pltpu.VMEM((CB, D), jnp.float32),
            pltpu.VMEM((CB, D), jnp.float32),
            pltpu.SemaphoreType.DMA,
            pltpu.SemaphoreType.DMA,
            pltpu.SemaphoreType.DMA,
            pltpu.SemaphoreType.DMA,
            pltpu.SemaphoreType.DMA,
            pltpu.SemaphoreType.DMA,
            pltpu.SemaphoreType.DMA,
            pltpu.SemaphoreType.DMA,
        ],
        compiler_params=pltpu.CompilerParams(use_tc_tiling_on_sc=False),
    )
    def ker(table_hbm, ids_hbm, out_hbm,
            idx0, idx1, idx2, idx3, rows0, rows1, rows2, rows3,
            ov0, ov1, ov2, ov3, sem0, sem1, sem2, sem3,
            os0, os1, os2, os3):
        wid = lax.axis_index("s") * NC + lax.axis_index("c")
        w0 = wid * b_per_w
        scale = jnp.float32(1.0 / L)
        idx = (idx0, idx1, idx2, idx3)
        rows = (rows0, rows1, rows2, rows3)
        sems = (sem0, sem1, sem2, sem3)
        ovs = (ov0, ov1, ov2, ov3)
        osems = (os0, os1, os2, os3)

        def out_copy(ch, u):
            return pltpu.make_async_copy(
                ovs[u], out_hbm.at[pl.ds(w0 + ch * CB, CB)], osems[u])

        H = CB * L // 2

        def fetch(ch, buf):
            base_b = w0 + ch * CB
            pltpu.sync_copy(ids_hbm.at[pl.ds(base_b * L, CB * L)], idx[buf])
            pltpu.async_copy(table_hbm.at[idx[buf].at[pl.ds(0, H)]],
                             rows[buf].at[pl.ds(0, H), :], sems[buf])
            pltpu.async_copy(table_hbm.at[idx[buf].at[pl.ds(H, H)]],
                             rows[buf].at[pl.ds(H, H), :], sems[buf])

        def consume(ch, buf):
            pltpu.make_async_copy(table_hbm.at[idx[buf].at[pl.ds(0, H)]],
                                  rows[buf].at[pl.ds(0, H), :],
                                  sems[buf]).wait()
            pltpu.make_async_copy(table_hbm.at[idx[buf].at[pl.ds(H, H)]],
                                  rows[buf].at[pl.ds(H, H), :],
                                  sems[buf]).wait()

            @pl.when(ch >= 4)
            def _():
                out_copy(ch - 4, buf).wait()

            r = rows[buf]
            ov = ovs[buf]
            for bb in range(CB):
                def red(i, accs):
                    base = bb * L + i * UN
                    return tuple(a + r[base + j]
                                 for j, a in enumerate(accs))
                z = jnp.zeros((D,), jnp.float32)
                accs = lax.fori_loop(0, L // UN, red, (z,) * UN)
                s = accs[0]
                for a in accs[1:]:
                    s = s + a
                ov[bb] = s * scale
            pltpu.async_copy(ovs[buf],
                             out_hbm.at[pl.ds(w0 + ch * CB, CB)],
                             osems[buf])

        fetch(0, 0)
        fetch(1, 1)
        fetch(2, 2)

        def body(g, carry):
            ch0 = 4 * g
            for u in range(4):
                ch = ch0 + u

                @pl.when(ch + 3 < n_chunks)
                def _():
                    fetch(ch + 3, (u + 3) % 4)

                consume(ch, u)
            return carry

        lax.fori_loop(0, n_chunks // 4, body, 0)
        for u in range(4):
            out_copy(n_chunks - 4 + u, u).wait()

    return ker


def kernel(table, input_ids):
    V, D = table.shape
    B, L = input_ids.shape
    ids_flat = input_ids.reshape(-1).astype(jnp.int32)
    return _make_kernel(V, D, B, L)(table, ids_flat)

# --- scband reference (transcript-rebuilt; emitter-appended) ---
"""Pipeline reference for scband-related-embeddings-9904194584813 (READ-ONLY COPY).

The authoritative reference and input builder live on the scoring server;
editing this copy changes nothing except your own understanding.
"""

import jax, jax.numpy as jnp
import numpy as np

VOCAB = 1000000
EMBED_DIM = 16
BATCH = 16384
HIST_LEN = 200


def setup_inputs(seed: int = 0) -> dict:
    key = jax.random.key(seed)
    k_table, k_ids = jax.random.split(key)
    # Pretrained relatedness table (nn.Embedding.from_pretrained)
    table = jax.random.normal(k_table, (VOCAB, EMBED_DIM), dtype=jnp.float32)
    input_ids = jax.random.randint(k_ids, (BATCH, HIST_LEN), 0, VOCAB, dtype=jnp.int64)
    return {"table": table, "input_ids": input_ids}


def reference(table, input_ids):
    # relatedness = self.relatedness(input_ids)  -> gather rows
    relatedness = jnp.take(table, input_ids, axis=0)  # [B, L, D]
    # torch.mean(..., dim=1)
    return jnp.mean(relatedness, axis=1)  # [B, D]

if __name__ == "__main__":
    import jax
    _d = setup_inputs()
    print(jax.jit(kernel)(*tuple(_d.values())))

</pallas_src>

<mosaic_0001>
#map = affine_map<(d0, d1) -> (0, 0)>
#map1 = affine_map<(d0, d1) -> (0)>
module attributes {stable_mosaic.version = 14 : i64} {
  func.func @ker(%arg0: i32, %arg1: i32, %arg2: memref<1000000x16xf32, #tpu.memory_space<hbm>>, %arg3: memref<3276800xi32, #tpu.memory_space<hbm>>, %arg4: memref<16384x16xf32, #tpu.memory_space<hbm>>, %arg5: memref<1600xi32, #tpu.memory_space<vmem>>, %arg6: memref<1600xi32, #tpu.memory_space<vmem>>, %arg7: memref<1600xi32, #tpu.memory_space<vmem>>, %arg8: memref<1600xi32, #tpu.memory_space<vmem>>, %arg9: memref<1600x16xf32, #tpu.memory_space<vmem>>, %arg10: memref<1600x16xf32, #tpu.memory_space<vmem>>, %arg11: memref<1600x16xf32, #tpu.memory_space<vmem>>, %arg12: memref<1600x16xf32, #tpu.memory_space<vmem>>, %arg13: memref<8x16xf32, #tpu.memory_space<vmem>>, %arg14: memref<8x16xf32, #tpu.memory_space<vmem>>, %arg15: memref<8x16xf32, #tpu.memory_space<vmem>>, %arg16: memref<8x16xf32, #tpu.memory_space<vmem>>, %arg17: memref<!tpu.dma_semaphore, #tpu.memory_space<semaphore_mem>>, %arg18: memref<!tpu.dma_semaphore, #tpu.memory_space<semaphore_mem>>, %arg19: memref<!tpu.dma_semaphore, #tpu.memory_space<semaphore_mem>>, %arg20: memref<!tpu.dma_semaphore, #tpu.memory_space<semaphore_mem>>, %arg21: memref<!tpu.dma_semaphore, #tpu.memory_space<semaphore_mem>>, %arg22: memref<!tpu.dma_semaphore, #tpu.memory_space<semaphore_mem>>, %arg23: memref<!tpu.dma_semaphore, #tpu.memory_space<semaphore_mem>>, %arg24: memref<!tpu.dma_semaphore, #tpu.memory_space<semaphore_mem>>) attributes {dimension_semantics = [#tpu.dimension_semantics<core_parallel>, #tpu.dimension_semantics<subcore_parallel>], iteration_bounds = array<i64: 2, 16>, scalar_prefetch = 0 : i64, scratch_operands = 20 : i64, tpu.core_type = #tpu.core_type<sc_vector_subcore>, window_params = [{transform_indices = #map}, {transform_indices = #map1}, {transform_indices = #map}]} {
    %mul3A = arith.constant 2 : i32
    %mul3A_0 = arith.muli %arg1, %mul3A : i32
    %add3A = arith.addi %mul3A_0, %arg0 : i32
    %mul3A_1 = arith.constant 512 : i32
    %mul3A_2 = arith.muli %add3A, %mul3A_1 : i32
    %add3A_3 = arith.constant 0 : i32
    %add3A_4 = arith.addi %mul3A_2, %add3A_3 : i32
    %mul3A_5 = arith.constant 200 : i32
    %mul3A_6 = arith.muli %add3A_4, %mul3A_5 : i32
    "tpu.region"() ({
      %run_scoped3A = tpu.sem_alloc : memref<!tpu.dma_semaphore, #tpu.memory_space<semaphore_mem>>
      %dma_start3A_91 = tpu.memref_slice %arg3[%mul3A_6] : memref<3276800xi32, #tpu.memory_space<hbm>> -> memref<1600xi32, #tpu.memory_space<hbm>>
      %dma_start3A_92 = tpu.memref_slice %arg3[%mul3A_6] : memref<3276800xi32, #tpu.memory_space<hbm>> -> memref<1600xi32, #tpu.memory_space<hbm>>
      tpu.enqueue_dma source(%dma_start3A_92 : memref<1600xi32, #tpu.memory_space<hbm>>) target(%arg5 : memref<1600xi32, #tpu.memory_space<vmem>>) target_semaphore(%run_scoped3A : memref<!tpu.dma_semaphore, #tpu.memory_space<semaphore_mem>>)
      %dma_wait3A_93 = tpu.memref_slice %arg3[%mul3A_6] : memref<3276800xi32, #tpu.memory_space<hbm>> -> memref<1600xi32, #tpu.memory_space<hbm>>
      %dma_wait3A_94 = tpu.memref_slice %arg3[%mul3A_6] : memref<3276800xi32, #tpu.memory_space<hbm>> -> memref<1600xi32, #tpu.memory_space<hbm>>
      tpu.wait_dma2 semaphore(%run_scoped3A : memref<!tpu.dma_semaphore, #tpu.memory_space<semaphore_mem>>) src(%dma_wait3A_94 : memref<1600xi32, #tpu.memory_space<hbm>>) dst(%arg5 : memref<1600xi32, #tpu.memory_space<vmem>>)
      tpu.yield
    }) : () -> ()
    %dma_start3A = arith.constant 0 : i32
    %dma_start3A_7 = arith.constant 0 : i32
    %dma_start3A_8 = tpu.memref_slice %arg9[%dma_start3A, %dma_start3A_7] : memref<1600x16xf32, #tpu.memory_space<vmem>> -> memref<800x16xf32, #tpu.memory_space<vmem>>
    %dma_start3A_9 = arith.constant 0 : i32
    %dma_start3A_10 = tpu.memref_slice %arg5[%dma_start3A_9] : memref<1600xi32, #tpu.memory_space<vmem>> -> memref<800xi32, #tpu.memory_space<vmem>>
    %dma_start3A_11 = arith.constant 0 : i32
    %dma_start3A_12 = arith.constant 0 : i32
    %dma_start3A_13 = tpu.memref_slice %arg2[%dma_start3A_11, %dma_start3A_12] : memref<1000000x16xf32, #tpu.memory_space<hbm>> -> memref<1000000x16xf32, #tpu.memory_space<hbm>>
    tpu.enqueue_indirect_dma source(%dma_start3A_13 : memref<1000000x16xf32, #tpu.memory_space<hbm>>) target(%dma_start3A_8 : memref<800x16xf32, #tpu.memory_space<vmem>>) offsets(%dma_start3A_10 : memref<800xi32, #tpu.memory_space<vmem>>) semaphore(%arg17 : memref<!tpu.dma_semaphore, #tpu.memory_space<semaphore_mem>>)
    %dma_start3A_14 = arith.constant 800 : i32
    %dma_start3A_15 = arith.constant 0 : i32
    %dma_start3A_16 = tpu.memref_slice %arg9[%dma_start3A_14, %dma_start3A_15] : memref<1600x16xf32, #tpu.memory_space<vmem>> -> memref<800x16xf32, #tpu.memory_space<vmem>>
    %dma_start3A_17 = arith.constant 800 : i32
    %dma_start3A_18 = tpu.memref_slice %arg5[%dma_start3A_17] : memref<1600xi32, #tpu.memory_space<vmem>> -> memref<800xi32, #tpu.memory_space<vmem>>
    %dma_start3A_19 = arith.constant 0 : i32
    %dma_start3A_20 = arith.constant 0 : i32
    %dma_start3A_21 = tpu.memref_slice %arg2[%dma_start3A_19, %dma_start3A_20] : memref<1000000x16xf32, #tpu.memory_space<hbm>> -> memref<1000000x16xf32, #tpu.memory_space<hbm>>
    tpu.enqueue_indirect_dma source(%dma_start3A_21 : memref<1000000x16xf32, #tpu.memory_space<hbm>>) target(%dma_start3A_16 : memref<800x16xf32, #tpu.memory_space<vmem>>) offsets(%dma_start3A_18 : memref<800xi32, #tpu.memory_space<vmem>>) semaphore(%arg17 : memref<!tpu.dma_semaphore, #tpu.memory_space<semaphore_mem>>)
    %add3A_22 = arith.constant 8 : i32
    %add3A_23 = arith.addi %mul3A_2, %add3A_22 : i32
    %mul3A_24 = arith.constant 200 : i32
    %mul3A_25 = arith.muli %add3A_23, %mul3A_24 : i32
    "tpu.region"() ({
      %run_scoped3A = tpu.sem_alloc : memref<!tpu.dma_semaphore, #tpu.memory_space<semaphore_mem>>
      %dma_start3A_91 = tpu.memref_slice %arg3[%mul3A_25] : memref<3276800xi32, #tpu.memory_space<hbm>> -> memref<1600xi32, #tpu.memory_space<hbm>>
      %dma_start3A_92 = tpu.memref_slice %arg3[%mul3A_25] : memref<3276800xi32, #tpu.memory_space<hbm>> -> memref<1600xi32, #tpu.memory_space<hbm>>
      tpu.enqueue_dma source(%dma_start3A_92 : memref<1600xi32, #tpu.memory_space<hbm>>) target(%arg6 : memref<1600xi32, #tpu.memory_space<vmem>>) target_semaphore(%run_scoped3A : memref<!tpu.dma_semaphore, #tpu.memory_space<semaphore_mem>>)
      %dma_wait3A_93 = tpu.memref_slice %arg3[%mul3A_25] : memref<3276800xi32, #tpu.memory_space<hbm>> -> memref<1600xi32, #tpu.memory_space<hbm>>
      %dma_wait3A_94 = tpu.memref_slice %arg3[%mul3A_25] : memref<3276800xi32, #tpu.memory_space<hbm>> -> memref<1600xi32, #tpu.memory_space<hbm>>
      tpu.wait_dma2 semaphore(%run_scoped3A : memref<!tpu.dma_semaphore, #tpu.memory_space<semaphore_mem>>) src(%dma_wait3A_94 : memref<1600xi32, #tpu.memory_space<hbm>>) dst(%arg6 : memref<1600xi32, #tpu.memory_space<vmem>>)
      tpu.yield
    }) : () -> ()
    %dma_start3A_26 = arith.constant 0 : i32
    %dma_start3A_27 = arith.constant 0 : i32
    %dma_start3A_28 = tpu.memref_slice %arg10[%dma_start3A_26, %dma_start3A_27] : memref<1600x16xf32, #tpu.memory_space<vmem>> -> memref<800x16xf32, #tpu.memory_space<vmem>>
    %dma_start3A_29 = arith.constant 0 : i32
    %dma_start3A_30 = tpu.memref_slice %arg6[%dma_start3A_29] : memref<1600xi32, #tpu.memory_space<vmem>> -> memref<800xi32, #tpu.memory_space<vmem>>
    %dma_start3A_31 = arith.constant 0 : i32
    %dma_start3A_32 = arith.constant 0 : i32
    %dma_start3A_33 = tpu.memref_slice %arg2[%dma_start3A_31, %dma_start3A_32] : memref<1000000x16xf32, #tpu.memory_space<hbm>> -> memref<1000000x16xf32, #tpu.memory_space<hbm>>
    tpu.enqueue_indirect_dma source(%dma_start3A_33 : memref<1000000x16xf32, #tpu.memory_space<hbm>>) target(%dma_start3A_28 : memref<800x16xf32, #tpu.memory_space<vmem>>) offsets(%dma_start3A_30 : memref<800xi32, #tpu.memory_space<vmem>>) semaphore(%arg18 : memref<!tpu.dma_semaphore, #tpu.memory_space<semaphore_mem>>)
    %dma_start3A_34 = arith.constant 800 : i32
    %dma_start3A_35 = arith.constant 0 : i32
    %dma_start3A_36 = tpu.memref_slice %arg10[%dma_start3A_34, %dma_start3A_35] : memref<1600x16xf32, #tpu.memory_space<vmem>> -> memref<800x16xf32, #tpu.memory_space<vmem>>
    %dma_start3A_37 = arith.constant 800 : i32
    %dma_start3A_38 = tpu.memref_slice %arg6[%dma_start3A_37] : memref<1600xi32, #tpu.memory_space<vmem>> -> memref<800xi32, #tpu.memory_space<vmem>>
    %dma_start3A_39 = arith.constant 0 : i32
    %dma_start3A_40 = arith.constant 0 : i32
    %dma_start3A_41 = tpu.memref_slice %arg2[%dma_start3A_39, %dma_start3A_40] : memref<1000000x16xf32, #tpu.memory_space<hbm>> -> memref<1000000x16xf32, #tpu.memory_space<hbm>>
    tpu.enqueue_indirect_dma source(%dma_start3A_41 : memref<1000000x16xf32, #tpu.memory_space<hbm>>) target(%dma_start3A_36 : memref<800x16xf32, #tpu.memory_space<vmem>>) offsets(%dma_start3A_38 : memref<800xi32, #tpu.memory_space<vmem>>) semaphore(%arg18 : memref<!tpu.dma_semaphore, #tpu.memory_space<semaphore_mem>>)
    %add3A_42 = arith.constant 16 : i32
    %add3A_43 = arith.addi %mul3A_2, %add3A_42 : i32
    %mul3A_44 = arith.constant 200 : i32
    %mul3A_45 = arith.muli %add3A_43, %mul3A_44 : i32
    "tpu.region"() ({
      %run_scoped3A = tpu.sem_alloc : memref<!tpu.dma_semaphore, #tpu.memory_space<semaphore_mem>>
      %dma_start3A_91 = tpu.memref_slice %arg3[%mul3A_45] : memref<3276800xi32, #tpu.memory_space<hbm>> -> memref<1600xi32, #tpu.memory_space<hbm>>
      %dma_start3A_92 = tpu.memref_slice %arg3[%mul3A_45] : memref<3276800xi32, #tpu.memory_space<hbm>> -> memref<1600xi32, #tpu.memory_space<hbm>>
      tpu.enqueue_dma source(%dma_start3A_92 : memref<1600xi32, #tpu.memory_space<hbm>>) target(%arg7 : memref<1600xi32, #tpu.memory_space<vmem>>) target_semaphore(%run_scoped3A : memref<!tpu.dma_semaphore, #tpu.memory_space<semaphore_mem>>)
      %dma_wait3A_93 = tpu.memref_slice %arg3[%mul3A_45] : memref<3276800xi32, #tpu.memory_space<hbm>> -> memref<1600xi32, #tpu.memory_space<hbm>>
      %dma_wait3A_94 = tpu.memref_slice %arg3[%mul3A_45] : memref<3276800xi32, #tpu.memory_space<hbm>> -> memref<1600xi32, #tpu.memory_space<hbm>>
      tpu.wait_dma2 semaphore(%run_scoped3A : memref<!tpu.dma_semaphore, #tpu.memory_space<semaphore_mem>>) src(%dma_wait3A_94 : memref<1600xi32, #tpu.memory_space<hbm>>) dst(%arg7 : memref<1600xi32, #tpu.memory_space<vmem>>)
      tpu.yield
    }) : () -> ()
    %dma_start3A_46 = arith.constant 0 : i32
    %dma_start3A_47 = arith.constant 0 : i32
    %dma_start3A_48 = tpu.memref_slice %arg11[%dma_start3A_46, %dma_start3A_47] : memref<1600x16xf32, #tpu.memory_space<vmem>> -> memref<800x16xf32, #tpu.memory_space<vmem>>
    %dma_start3A_49 = arith.constant 0 : i32
    %dma_start3A_50 = tpu.memref_slice %arg7[%dma_start3A_49] : memref<1600xi32, #tpu.memory_space<vmem>> -> memref<800xi32, #tpu.memory_space<vmem>>
    %dma_start3A_51 = arith.constant 0 : i32
    %dma_start3A_52 = arith.constant 0 : i32
    %dma_start3A_53 = tpu.memref_slice %arg2[%dma_start3A_51, %dma_start3A_52] : memref<1000000x16xf32, #tpu.memory_space<hbm>> -> memref<1000000x16xf32, #tpu.memory_space<hbm>>
    tpu.enqueue_indirect_dma source(%dma_start3A_53 : memref<1000000x16xf32, #tpu.memory_space<hbm>>) target(%dma_start3A_48 : memref<800x16xf32, #tpu.memory_space<vmem>>) offsets(%dma_start3A_50 : memref<800xi32, #tpu.memory_space<vmem>>) semaphore(%arg19 : memref<!tpu.dma_semaphore, #tpu.memory_space<semaphore_mem>>)
    %dma_start3A_54 = arith.constant 800 : i32
    %dma_start3A_55 = arith.constant 0 : i32
    %dma_start3A_56 = tpu.memref_slice %arg11[%dma_start3A_54, %dma_start3A_55] : memref<1600x16xf32, #tpu.memory_space<vmem>> -> memref<800x16xf32, #tpu.memory_space<vmem>>
    %dma_start3A_57 = arith.constant 800 : i32
    %dma_start3A_58 = tpu.memref_slice %arg7[%dma_start3A_57] : memref<1600xi32, #tpu.memory_space<vmem>> -> memref<800xi32, #tpu.memory_space<vmem>>
    %dma_start3A_59 = arith.constant 0 : i32
    %dma_start3A_60 = arith.constant 0 : i32
    %dma_start3A_61 = tpu.memref_slice %arg2[%dma_start3A_59, %dma_start3A_60] : memref<1000000x16xf32, #tpu.memory_space<hbm>> -> memref<1000000x16xf32, #tpu.memory_space<hbm>>
    tpu.enqueue_indirect_dma source(%dma_start3A_61 : memref<1000000x16xf32, #tpu.memory_space<hbm>>) target(%dma_start3A_56 : memref<800x16xf32, #tpu.memory_space<vmem>>) offsets(%dma_start3A_58 : memref<800xi32, #tpu.memory_space<vmem>>) semaphore(%arg19 : memref<!tpu.dma_semaphore, #tpu.memory_space<semaphore_mem>>)
    %scan3A = arith.constant 0 : i32
    %scan3A_62 = arith.constant 5.000000e-03 : f32
    %scan3A_63 = arith.constant 0 : i32
    %scan3A_64 = arith.constant 16 : i32
    %scan3A_65 = arith.addi %scan3A_63, %scan3A_64 : i32
    %scan3A_66 = arith.constant 1 : i32
    scf.for %scan3A_91 = %scan3A_63 to %scan3A_65 step %scan3A_66  : i32 {
      %mul3A_92 = arith.constant 4 : i32
      %mul3A_93 = arith.muli %mul3A_92, %scan3A_91 : i32
      %add3A_94 = arith.constant 0 : i32
      %add3A_95 = arith.addi %mul3A_93, %add3A_94 : i32
      %add3A_96 = arith.constant 3 : i32
      %add3A_97 = arith.addi %add3A_95, %add3A_96 : i32
      %lt3A = arith.constant 64 : i32
      %lt3A_98 = arith.cmpi slt, %add3A_97, %lt3A : i32
      %convert_element_type3A = arith.extui %lt3A_98 : i1 to i32
      %cond3A = arith.constant 0 : i32
      %cond3A_99 = arith.cmpi ne, %convert_element_type3A, %cond3A : i32
      scf.if %cond3A_99 {
        %add3A_972 = arith.constant 3 : i32
        %add3A_973 = arith.addi %add3A_95, %add3A_972 : i32
        %mul3A_974 = arith.constant 8 : i32
        %mul3A_975 = arith.muli %add3A_973, %mul3A_974 : i32
        %add3A_976 = arith.addi %mul3A_2, %mul3A_975 : i32
        %mul3A_977 = arith.constant 200 : i32
        %mul3A_978 = arith.muli %add3A_976, %mul3A_977 : i32
        "tpu.region"() ({
          %run_scoped3A = tpu.sem_alloc : memref<!tpu.dma_semaphore, #tpu.memory_space<semaphore_mem>>
          %dma_start3A_995 = tpu.memref_slice %arg3[%mul3A_978] : memref<3276800xi32, #tpu.memory_space<hbm>> -> memref<1600xi32, #tpu.memory_space<hbm>>
          %dma_start3A_996 = tpu.memref_slice %arg3[%mul3A_978] : memref<3276800xi32, #tpu.memory_space<hbm>> -> memref<1600xi32, #tpu.memory_space<hbm>>
          tpu.enqueue_dma source(%dma_start3A_996 : memref<1600xi32, #tpu.memory_space<hbm>>) target(%arg8 : memref<1600xi32, #tpu.memory_space<vmem>>) target_semaphore(%run_scoped3A : memref<!tpu.dma_semaphore, #tpu.memory_space<semaphore_mem>>)
          %dma_wait3A_997 = tpu.memref_slice %arg3[%mul3A_978] : memref<3276800xi32, #tpu.memory_space<hbm>> -> memref<1600xi32, #tpu.memory_space<hbm>>
          %dma_wait3A_998 = tpu.memref_slice %arg3[%mul3A_978] : memref<3276800xi32, #tpu.memory_space<hbm>> -> memref<1600xi32, #tpu.memory_space<hbm>>
          tpu.wait_dma2 semaphore(%run_scoped3A : memref<!tpu.dma_semaphore, #tpu.memory_space<semaphore_mem>>) src(%dma_wait3A_998 : memref<1600xi32, #tpu.memory_space<hbm>>) dst(%arg8 : memref<1600xi32, #tpu.memory_space<vmem>>)
          tpu.yield
        }) : () -> ()
        %dma_start3A_979 = arith.constant 0 : i32
        %dma_start3A_980 = arith.constant 0 : i32
        %dma_start3A_981 = tpu.memref_slice %arg12[%dma_start3A_979, %dma_start3A_980] : memref<1600x16xf32, #tpu.memory_space<vmem>> -> memref<800x16xf32, #tpu.memory_space<vmem>>
        %dma_start3A_982 = arith.constant 0 : i32
        %dma_start3A_983 = tpu.memref_slice %arg8[%dma_start3A_982] : memref<1600xi32, #tpu.memory_space<vmem>> -> memref<800xi32, #tpu.memory_space<vmem>>
        %dma_start3A_984 = arith.constant 0 : i32
        %dma_start3A_985 = arith.constant 0 : i32
        %dma_start3A_986 = tpu.memref_slice %arg2[%dma_start3A_984, %dma_start3A_985] : memref<1000000x16xf32, #tpu.memory_space<hbm>> -> memref<1000000x16xf32, #tpu.memory_space<hbm>>
        tpu.enqueue_indirect_dma source(%dma_start3A_986 : memref<1000000x16xf32, #tpu.memory_space<hbm>>) target(%dma_start3A_981 : memref<800x16xf32, #tpu.memory_space<vmem>>) offsets(%dma_start3A_983 : memref<800xi32, #tpu.memory_space<vmem>>) semaphore(%arg20 : memref<!tpu.dma_semaphore, #tpu.memory_space<semaphore_mem>>)
        %dma_start3A_987 = arith.constant 800 : i32
        %dma_start3A_988 = arith.constant 0 : i32
        %dma_start3A_989 = tpu.memref_slice %arg12[%dma_start3A_987, %dma_start3A_988] : memref<1600x16xf32, #tpu.memory_space<vmem>> -> memref<800x16xf32, #tpu.memory_space<vmem>>
        %dma_start3A_990 = arith.constant 800 : i32
        %dma_start3A_991 = tpu.memref_slice %arg8[%dma_start3A_990] : memref<1600xi32, #tpu.memory_space<vmem>> -> memref<800xi32, #tpu.memory_space<vmem>>
        %dma_start3A_992 = arith.constant 0 : i32
        %dma_start3A_993 = arith.constant 0 : i32
        %dma_start3A_994 = tpu.memref_slice %arg2[%dma_start3A_992, %dma_start3A_993] : memref<1000000x16xf32, #tpu.memory_space<hbm>> -> memref<1000000x16xf32, #tpu.memory_space<hbm>>
        tpu.enqueue_indirect_dma source(%dma_start3A_994 : memref<1000000x16xf32, #tpu.memory_space<hbm>>) target(%dma_start3A_989 : memref<800x16xf32, #tpu.memory_space<vmem>>) offsets(%dma_start3A_991 : memref<800xi32, #tpu.memory_space<vmem>>) semaphore(%arg20 : memref<!tpu.dma_semaphore, #tpu.memory_space<semaphore_mem>>)
      } else {
      }
      %dma_wait3A_100 = arith.constant 0 : i32
      %dma_wait3A_101 = arith.constant 0 : i32
      %dma_wait3A_102 = tpu.memref_slice %arg9[%dma_wait3A_100, %dma_wait3A_101] : memref<1600x16xf32, #tpu.memory_space<vmem>> -> memref<800x16xf32, #tpu.memory_space<vmem>>
      %dma_wait3A_103 = arith.constant 0 : i32
      %dma_wait3A_104 = tpu.memref_slice %arg5[%dma_wait3A_103] : memref<1600xi32, #tpu.memory_space<vmem>> -> memref<800xi32, #tpu.memory_space<vmem>>
      %dma_wait3A_105 = arith.constant 0 : i32
      %dma_wait3A_106 = arith.constant 0 : i32
      %dma_wait3A_107 = tpu.memref_slice %arg2[%dma_wait3A_105, %dma_wait3A_106] : memref<1000000x16xf32, #tpu.memory_space<hbm>> -> memref<1000000x16xf32, #tpu.memory_space<hbm>>
      tpu.wait_indirect_dma semaphore(%arg17 : memref<!tpu.dma_semaphore, #tpu.memory_space<semaphore_mem>>) src(%dma_wait3A_107 : memref<1000000x16xf32, #tpu.memory_space<hbm>>) dst(%dma_wait3A_102 : memref<800x16xf32, #tpu.memory_space<vmem>>)
      %dma_wait3A_108 = arith.constant 800 : i32
      %dma_wait3A_109 = arith.constant 0 : i32
      %dma_wait3A_110 = tpu.memref_slice %arg9[%dma_wait3A_108, %dma_wait3A_109] : memref<1600x16xf32, #tpu.memory_space<vmem>> -> memref<800x16xf32, #tpu.memory_space<vmem>>
      %dma_wait3A_111 = arith.constant 800 : i32
      %dma_wait3A_112 = tpu.memref_slice %arg5[%dma_wait3A_111] : memref<1600xi32, #tpu.memory_space<vmem>> -> memref<800xi32, #tpu.memory_space<vmem>>
      %dma_wait3A_113 = arith.constant 0 : i32
      %dma_wait3A_114 = arith.constant 0 : i32
      %dma_wait3A_115 = tpu.memref_slice %arg2[%dma_wait3A_113, %dma_wait3A_114] : memref<1000000x16xf32, #tpu.memory_space<hbm>> -> memref<1000000x16xf32, #tpu.memory_space<hbm>>
      tpu.wait_indirect_dma semaphore(%arg17 : memref<!tpu.dma_semaphore, #tpu.memory_space<semaphore_mem>>) src(%dma_wait3A_115 : memref<1000000x16xf32, #tpu.memory_space<hbm>>) dst(%dma_wait3A_110 : memref<800x16xf32, #tpu.memory_space<vmem>>)
      %ge3A = arith.constant 4 : i32
      %ge3A_116 = arith.cmpi sge, %add3A_95, %ge3A : i32
      %convert_element_type3A_117 = arith.extui %ge3A_116 : i1 to i32
      %cond3A_118 = arith.constant 0 : i32
      %cond3A_119 = arith.cmpi ne, %convert_element_type3A_117, %cond3A_118 : i32
      scf.if %cond3A_119 {
        %sub3A = arith.constant 4 : i32
        %sub3A_972 = arith.subi %add3A_95, %sub3A : i32
        %mul3A_973 = arith.constant 8 : i32
        %mul3A_974 = arith.muli %sub3A_972, %mul3A_973 : i32
        %add3A_975 = arith.addi %mul3A_2, %mul3A_974 : i32
        %dma_wait3A_976 = arith.constant 0 : i32
        %dma_wait3A_977 = tpu.memref_slice %arg4[%add3A_975, %dma_wait3A_976] : memref<16384x16xf32, #tpu.memory_space<hbm>> -> memref<8x16xf32, #tpu.memory_space<hbm>>
        %dma_wait3A_978 = arith.constant 0 : i32
        %dma_wait3A_979 = tpu.memref_slice %arg4[%add3A_975, %dma_wait3A_978] : memref<16384x16xf32, #tpu.memory_space<hbm>> -> memref<8x16xf32, #tpu.memory_space<hbm>>
        tpu.wait_dma2 semaphore(%arg21 : memref<!tpu.dma_semaphore, #tpu.memory_space<semaphore_mem>>) src(%arg13 : memref<8x16xf32, #tpu.memory_space<vmem>>) dst(%dma_wait3A_979 : memref<8x16xf32, #tpu.memory_space<hbm>>)
      } else {
      }
      %broadcast_in_dim3A = arith.constant 0.000000e+00 : f32
      %broadcast_in_dim3A_120 = vector.broadcast %broadcast_in_dim3A : f32 to vector<16xf32>
      %scan3A_121 = arith.constant 0 : i32
      %scan3A_122 = arith.constant 25 : i32
      %scan3A_123 = arith.addi %scan3A_121, %scan3A_122 : i32
      %scan3A_124 = arith.constant 1 : i32
      %scan3A_125:8 = scf.for %scan3A_972 = %scan3A_121 to %scan3A_123 step %scan3A_124 iter_args(%scan3A_973 = %broadcast_in_dim3A_120, %scan3A_974 = %broadcast_in_dim3A_120, %scan3A_975 = %broadcast_in_dim3A_120, %scan3A_976 = %broadcast_in_dim3A_120, %scan3A_977 = %broadcast_in_dim3A_120, %scan3A_978 = %broadcast_in_dim3A_120, %scan3A_979 = %broadcast_in_dim3A_120, %scan3A_980 = %broadcast_in_dim3A_120) -> (vector<16xf32>, vector<16xf32>, vector<16xf32>, vector<16xf32>, vector<16xf32>, vector<16xf32>, vector<16xf32>, vector<16xf32>)  : i32 {
        %mul3A_981 = arith.constant 8 : i32
        %mul3A_982 = arith.muli %scan3A_972, %mul3A_981 : i32
        %add3A_983 = arith.constant 0 : i32
        %add3A_984 = arith.addi %add3A_983, %mul3A_982 : i32
        %add3A_985 = arith.constant 0 : i32
        %add3A_986 = arith.addi %add3A_984, %add3A_985 : i32
        %get3A = arith.index_cast %add3A_986 : i32 to index
        %get3A_987 = arith.constant 0 : index
        %get3A_988 = tpu.vector_load %arg9[%get3A, %get3A_987] {strides = array<i32>} : memref<1600x16xf32, #tpu.memory_space<vmem>>, vector<1x16xf32>,
        %get3A_989 = vector.shape_cast %get3A_988 : vector<1x16xf32> to vector<16xf32>
        %add3A_990 = arith.addf %scan3A_973, %get3A_989 : vector<16xf32>
        %add3A_991 = arith.constant 1 : i32
        %add3A_992 = arith.addi %add3A_984, %add3A_991 : i32
        %get3A_993 = arith.index_cast %add3A_992 : i32 to index
        %get3A_994 = arith.constant 0 : index
        %get3A_995 = tpu.vector_load %arg9[%get3A_993, %get3A_994] {strides = array<i32>} : memref<1600x16xf32, #tpu.memory_space<vmem>>, vector<1x16xf32>,
        %get3A_996 = vector.shape_cast %get3A_995 : vector<1x16xf32> to vector<16xf32>
        %add3A_997 = arith.addf %scan3A_974, %get3A_996 : vector<16xf32>
        %add3A_998 = arith.constant 2 : i32
        %add3A_999 = arith.addi %add3A_984, %add3A_998 : i32
        %get3A_1000 = arith.index_cast %add3A_999 : i32 to index
        %get3A_1001 = arith.constant 0 : index
        %get3A_1002 = tpu.vector_load %arg9[%get3A_1000, %get3A_1001] {strides = array<i32>} : memref<1600x16xf32, #tpu.memory_space<vmem>>, vector<1x16xf32>,
        %get3A_1003 = vector.shape_cast %get3A_1002 : vector<1x16xf32> to vector<16xf32>
        %add3A_1004 = arith.addf %scan3A_975, %get3A_1003 : vector<16xf32>
        %add3A_1005 = arith.constant 3 : i32
        %add3A_1006 = arith.addi %add3A_984, %add3A_1005 : i32
        %get3A_1007 = arith.index_cast %add3A_1006 : i32 to index
        %get3A_1008 = arith.constant 0 : index
        %get3A_1009 = tpu.vector_load %arg9[%get3A_1007, %get3A_1008] {strides = array<i32>} : memref<1600x16xf32, #tpu.memory_space<vmem>>, vector<1x16xf32>,
        %get3A_1010 = vector.shape_cast %get3A_1009 : vector<1x16xf32> to vector<16xf32>
        %add3A_1011 = arith.addf %scan3A_976, %get3A_1010 : vector<16xf32>
        %add3A_1012 = arith.constant 4 : i32
        %add3A_1013 = arith.addi %add3A_984, %add3A_1012 : i32
        %get3A_1014 = arith.index_cast %add3A_1013 : i32 to index
        %get3A_1015 = arith.constant 0 : index
        %get3A_1016 = tpu.vector_load %arg9[%get3A_1014, %get3A_1015] {strides = array<i32>} : memref<1600x16xf32, #tpu.memory_space<vmem>>, vector<1x16xf32>,
        %get3A_1017 = vector.shape_cast %get3A_1016 : vector<1x16xf32> to vector<16xf32>
        %add3A_1018 = arith.addf %scan3A_977, %get3A_1017 : vector<16xf32>
        %add3A_1019 = arith.constant 5 : i32
        %add3A_1020 = arith.addi %add3A_984, %add3A_1019 : i32
        %get3A_1021 = arith.index_cast %add3A_1020 : i32 to index
        %get3A_1022 = arith.constant 0 : index
        %get3A_1023 = tpu.vector_load %arg9[%get3A_1021, %get3A_1022] {strides = array<i32>} : memref<1600x16xf32, #tpu.memory_space<vmem>>, vector<1x16xf32>,
        %get3A_1024 = vector.shape_cast %get3A_1023 : vector<1x16xf32> to vector<16xf32>
        %add3A_1025 = arith.addf %scan3A_978, %get3A_1024 : vector<16xf32>
        %add3A_1026 = arith.constant 6 : i32
        %add3A_1027 = arith.addi %add3A_984, %add3A_1026 : i32
        %get3A_1028 = arith.index_cast %add3A_1027 : i32 to index
        %get3A_1029 = arith.constant 0 : index
        %get3A_1030 = tpu.vector_load %arg9[%get3A_1028, %get3A_1029] {strides = array<i32>} : memref<1600x16xf32, #tpu.memory_space<vmem>>, vector<1x16xf32>,
        %get3A_1031 = vector.shape_cast %get3A_1030 : vector<1x16xf32> to vector<16xf32>
        %add3A_1032 = arith.addf %scan3A_979, %get3A_1031 : vector<16xf32>
        %add3A_1033 = arith.constant 7 : i32
        %add3A_1034 = arith.addi %add3A_984, %add3A_1033 : i32
        %get3A_1035 = arith.index_cast %add3A_1034 : i32 to index
        %get3A_1036 = arith.constant 0 : index
        %get3A_1037 = tpu.vector_load %arg9[%get3A_1035, %get3A_1036] {strides = array<i32>} : memref<1600x16xf32, #tpu.memory_space<vmem>>, vector<1x16xf32>,
        %get3A_1038 = vector.shape_cast %get3A_1037 : vector<1x16xf32> to vector<16xf32>
        %add3A_1039 = arith.addf %scan3A_980, %get3A_1038 : vector<16xf32>
        scf.yield %add3A_990, %add3A_997, %add3A_1004, %add3A_1011, %add3A_1018, %add3A_1025, %add3A_1032, %add3A_1039 : vector<16xf32>, vector<16xf32>, vector<16xf32>, vector<16xf32>, vector<16xf32>, vector<16xf32>, vector<16xf32>, vector<16xf32>
      }
      %scan3A_126 = arith.constant 25 : i32
      %add3A_127 = arith.addf %scan3A_125#0, %scan3A_125#1 : vector<16xf32>
      %add3A_128 = arith.addf %add3A_127, %scan3A_125#2 : vector<16xf32>
      %add3A_129 = arith.addf %add3A_128, %scan3A_125#3 : vector<16xf32>
      %add3A_130 = arith.addf %add3A_129, %scan3A_125#4 : vector<16xf32>
      %add3A_131 = arith.addf %add3A_130, %scan3A_125#5 : vector<16xf32>
      %add3A_132 = arith.addf %add3A_131, %scan3A_125#6 : vector<16xf32>
      %add3A_133 = arith.addf %add3A_132, %scan3A_125#7 : vector<16xf32>
      %mul3A_134 = vector.broadcast %scan3A_62 : f32 to vector<16xf32>
      %mul3A_135 = arith.mulf %add3A_133, %mul3A_134 : vector<16xf32>
      %swap3A = arith.constant 0 : i32
      %swap3A_136 = arith.index_cast %swap3A : i32 to index
      %swap3A_137 = arith.constant 0 : index
      %swap3A_138 = tpu.vector_load %arg13[%swap3A_136, %swap3A_137] {strides = array<i32>} : memref<8x16xf32, #tpu.memory_space<vmem>>, vector<1x16xf32>,
      %swap3A_139 = vector.shape_cast %swap3A_138 : vector<1x16xf32> to vector<16xf32>
      %swap3A_140 = vector.shape_cast %mul3A_135 : vector<16xf32> to vector<1x16xf32>
      tpu.vector_store %arg13[%swap3A_136, %swap3A_137], %swap3A_140 {strides = array<i32>} : memref<8x16xf32, #tpu.memory_space<vmem>>, vector<1x16xf32>,
      %broadcast_in_dim3A_141 = arith.constant 0.000000e+00 : f32
      %broadcast_in_dim3A_142 = vector.broadcast %broadcast_in_dim3A_141 : f32 to vector<16xf32>
      %scan3A_143 = arith.constant 0 : i32
      %scan3A_144 = arith.constant 25 : i32
      %scan3A_145 = arith.addi %scan3A_143, %scan3A_144 : i32
      %scan3A_146 = arith.constant 1 : i32
      %scan3A_147:8 = scf.for %scan3A_972 = %scan3A_143 to %scan3A_145 step %scan3A_146 iter_args(%scan3A_973 = %broadcast_in_dim3A_142, %scan3A_974 = %broadcast_in_dim3A_142, %scan3A_975 = %broadcast_in_dim3A_142, %scan3A_976 = %broadcast_in_dim3A_142, %scan3A_977 = %broadcast_in_dim3A_142, %scan3A_978 = %broadcast_in_dim3A_142, %scan3A_979 = %broadcast_in_dim3A_142, %scan3A_980 = %broadcast_in_dim3A_142) -> (vector<16xf32>, vector<16xf32>, vector<16xf32>, vector<16xf32>, vector<16xf32>, vector<16xf32>, vector<16xf32>, vector<16xf32>)  : i32 {
        %mul3A_981 = arith.constant 8 : i32
        %mul3A_982 = arith.muli %scan3A_972, %mul3A_981 : i32
        %add3A_983 = arith.constant 200 : i32
        %add3A_984 = arith.addi %add3A_983, %mul3A_982 : i32
        %add3A_985 = arith.constant 0 : i32
        %add3A_986 = arith.addi %add3A_984, %add3A_985 : i32
        %get3A = arith.index_cast %add3A_986 : i32 to index
        %get3A_987 = arith.constant 0 : index
        %get3A_988 = tpu.vector_load %arg9[%get3A, %get3A_987] {strides = array<i32>} : memref<1600x16xf32, #tpu.memory_space<vmem>>, vector<1x16xf32>,
        %get3A_989 = vector.shape_cast %get3A_988 : vector<1x16xf32> to vector<16xf32>
        %add3A_990 = arith.addf %scan3A_973, %get3A_989 : vector<16xf32>
        %add3A_991 = arith.constant 1 : i32
        %add3A_992 = arith.addi %add3A_984, %add3A_991 : i32
        %get3A_993 = arith.index_cast %add3A_992 : i32 to index
        %get3A_994 = arith.constant 0 : index
        %get3A_995 = tpu.vector_load %arg9[%get3A_993, %get3A_994] {strides = array<i32>} : memref<1600x16xf32, #tpu.memory_space<vmem>>, vector<1x16xf32>,
        %get3A_996 = vector.shape_cast %get3A_995 : vector<1x16xf32> to vector<16xf32>
        %add3A_997 = arith.addf %scan3A_974, %get3A_996 : vector<16xf32>
        %add3A_998 = arith.constant 2 : i32
        %add3A_999 = arith.addi %add3A_984, %add3A_998 : i32
        %get3A_1000 = arith.index_cast %add3A_999 : i32 to index
        %get3A_1001 = arith.constant 0 : index
        %get3A_1002 = tpu.vector_load %arg9[%get3A_1000, %get3A_1001] {strides = array<i32>} : memref<1600x16xf32, #tpu.memory_space<vmem>>, vector<1x16xf32>,
        %get3A_1003 = vector.shape_cast %get3A_1002 : vector<1x16xf32> to vector<16xf32>
        %add3A_1004 = arith.addf %scan3A_975, %get3A_1003 : vector<16xf32>
        %add3A_1005 = arith.constant 3 : i32
        %add3A_1006 = arith.addi %add3A_984, %add3A_1005 : i32
        %get3A_1007 = arith.index_cast %add3A_1006 : i32 to index
        %get3A_1008 = arith.constant 0 : index
        %get3A_1009 = tpu.vector_load %arg9[%get3A_1007, %get3A_1008] {strides = array<i32>} : memref<1600x16xf32, #tpu.memory_space<vmem>>, vector<1x16xf32>,
        %get3A_1010 = vector.shape_cast %get3A_1009 : vector<1x16xf32> to vector<16xf32>
        %add3A_1011 = arith.addf %scan3A_976, %get3A_1010 : vector<16xf32>
        %add3A_1012 = arith.constant 4 : i32
        %add3A_1013 = arith.addi %add3A_984, %add3A_1012 : i32
        %get3A_1014 = arith.index_cast %add3A_1013 : i32 to index
        %get3A_1015 = arith.constant 0 : index
        %get3A_1016 = tpu.vector_load %arg9[%get3A_1014, %get3A_1015] {strides = array<i32>} : memref<1600x16xf32, #tpu.memory_space<vmem>>, vector<1x16xf32>,
        %get3A_1017 = vector.shape_cast %get3A_1016 : vector<1x16xf32> to vector<16xf32>
        %add3A_1018 = arith.addf %scan3A_977, %get3A_1017 : vector<16xf32>
        %add3A_1019 = arith.constant 5 : i32
        %add3A_1020 = arith.addi %add3A_984, %add3A_1019 : i32
        %get3A_1021 = arith.index_cast %add3A_1020 : i32 to index
        %get3A_1022 = arith.constant 0 : index
        %get3A_1023 = tpu.vector_load %arg9[%get3A_1021, %get3A_1022] {strides = array<i32>} : memref<1600x16xf32, #tpu.memory_space<vmem>>, vector<1x16xf32>,
        %get3A_1024 = vector.shape_cast %get3A_1023 : vector<1x16xf32> to vector<16xf32>
        %add3A_1025 = arith.addf %scan3A_978, %get3A_1024 : vector<16xf32>
        %add3A_1026 = arith.constant 6 : i32
        %add3A_1027 = arith.addi %add3A_984, %add3A_1026 : i32
        %get3A_1028 = arith.index_cast %add3A_1027 : i32 to index
        %get3A_1029 = arith.constant 0 : index
        %get3A_1030 = tpu.vector_load %arg9[%get3A_1028, %get3A_1029] {strides = array<i32>} : memref<1600x16xf32, #tpu.memory_space<vmem>>, vector<1x16xf32>,
        %get3A_1031 = vector.shape_cast %get3A_1030 : vector<1x16xf32> to vector<16xf32>
        %add3A_1032 = arith.addf %scan3A_979, %get3A_1031 : vector<16xf32>
        %add3A_1033 = arith.constant 7 : i32
        %add3A_1034 = arith.addi %add3A_984, %add3A_1033 : i32
        %get3A_1035 = arith.index_cast %add3A_1034 : i32 to index
        %get3A_1036 = arith.constant 0 : index
        %get3A_1037 = tpu.vector_load %arg9[%get3A_1035, %get3A_1036] {strides = array<i32>} : memref<1600x16xf32, #tpu.memory_space<vmem>>, vector<1x16xf32>,
        %get3A_1038 = vector.shape_cast %get3A_1037 : vector<1x16xf32> to vector<16xf32>
        %add3A_1039 = arith.addf %scan3A_980, %get3A_1038 : vector<16xf32>
        scf.yield %add3A_990, %add3A_997, %add3A_1004, %add3A_1011, %add3A_1018, %add3A_1025, %add3A_1032, %add3A_1039 : vector<16xf32>, vector<16xf32>, vector<16xf32>, vector<16xf32>, vector<16xf32>, vector<16xf32>, vector<16xf32>, vector<16xf32>
      }
      %scan3A_148 = arith.constant 25 : i32
      %add3A_149 = arith.addf %scan3A_147#0, %scan3A_147#1 : vector<16xf32>
      %add3A_150 = arith.addf %add3A_149, %scan3A_147#2 : vector<16xf32>
      %add3A_151 = arith.addf %add3A_150, %scan3A_147#3 : vector<16xf32>
      %add3A_152 = arith.addf %add3A_151, %scan3A_147#4 : vector<16xf32>
      %add3A_153 = arith.addf %add3A_152, %scan3A_147#5 : vector<16xf32>
      %add3A_154 = arith.addf %add3A_153, %scan3A_147#6 : vector<16xf32>
      %add3A_155 = arith.addf %add3A_154, %scan3A_147#7 : vector<16xf32>
      %mul3A_156 = vector.broadcast %scan3A_62 : f32 to vector<16xf32>
      %mul3A_157 = arith.mulf %add3A_155, %mul3A_156 : vector<16xf32>
      %swap3A_158 = arith.constant 1 : i32
      %swap3A_159 = arith.index_cast %swap3A_158 : i32 to index
      %swap3A_160 = arith.constant 0 : index
      %swap3A_161 = tpu.vector_load %arg13[%swap3A_159, %swap3A_160] {strides = array<i32>} : memref<8x16xf32, #tpu.memory_space<vmem>>, vector<1x16xf32>,
      %swap3A_162 = vector.shape_cast %swap3A_161 : vector<1x16xf32> to vector<16xf32>
      %swap3A_163 = vector.shape_cast %mul3A_157 : vector<16xf32> to vector<1x16xf32>
      tpu.vector_store %arg13[%swap3A_159, %swap3A_160], %swap3A_163 {strides = array<i32>} : memref<8x16xf32, #tpu.memory_space<vmem>>, vector<1x16xf32>,
      %broadcast_in_dim3A_164 = arith.constant 0.000000e+00 : f32
      %broadcast_in_dim3A_165 = vector.broadcast %broadcast_in_dim3A_164 : f32 to vector<16xf32>
      %scan3A_166 = arith.constant 0 : i32
      %scan3A_167 = arith.constant 25 : i32
      %scan3A_168 = arith.addi %scan3A_166, %scan3A_167 : i32
      %scan3A_169 = arith.constant 1 : i32
      %scan3A_170:8 = scf.for %scan3A_972 = %scan3A_166 to %scan3A_168 step %scan3A_169 iter_args(%scan3A_973 = %broadcast_in_dim3A_165, %scan3A_974 = %broadcast_in_dim3A_165, %scan3A_975 = %broadcast_in_dim3A_165, %scan3A_976 = %broadcast_in_dim3A_165, %scan3A_977 = %broadcast_in_dim3A_165, %scan3A_978 = %broadcast_in_dim3A_165, %scan3A_979 = %broadcast_in_dim3A_165, %scan3A_980 = %broadcast_in_dim3A_165) -> (vector<16xf32>, vector<16xf32>, vector<16xf32>, vector<16xf32>, vector<16xf32>, vector<16xf32>, vector<16xf32>, vector<16xf32>)  : i32 {
        %mul3A_981 = arith.constant 8 : i32
        %mul3A_982 = arith.muli %scan3A_972, %mul3A_981 : i32
        %add3A_983 = arith.constant 400 : i32
        %add3A_984 = arith.addi %add3A_983, %mul3A_982 : i32
        %add3A_985 = arith.constant 0 : i32
        %add3A_986 = arith.addi %add3A_984, %add3A_985 : i32
        %get3A = arith.index_cast %add3A_986 : i32 to index
        %get3A_987 = arith.constant 0 : index
        %get3A_988 = tpu.vector_load %arg9[%get3A, %get3A_987] {strides = array<i32>} : memref<1600x16xf32, #tpu.memory_space<vmem>>, vector<1x16xf32>,
        %get3A_989 = vector.shape_cast %get3A_988 : vector<1x16xf32> to vector<16xf32>
        %add3A_990 = arith.addf %scan3A_973, %get3A_989 : vector<16xf32>
        %add3A_991 = arith.constant 1 : i32
        %add3A_992 = arith.addi %add3A_984, %add3A_991 : i32
        %get3A_993 = arith.index_cast %add3A_992 : i32 to index
        %get3A_994 = arith.constant 0 : index
        %get3A_995 = tpu.vector_load %arg9[%get3A_993, %get3A_994] {strides = array<i32>} : memref<1600x16xf32, #tpu.memory_space<vmem>>, vector<1x16xf32>,
        %get3A_996 = vector.shape_cast %get3A_995 : vector<1x16xf32> to vector<16xf32>
        %add3A_997 = arith.addf %scan3A_974, %get3A_996 : vector<16xf32>
        %add3A_998 = arith.constant 2 : i32
        %add3A_999 = arith.addi %add3A_984, %add3A_998 : i32
        %get3A_1000 = arith.index_cast %add3A_999 : i32 to index
        %get3A_1001 = arith.constant 0 : index
        %get3A_1002 = tpu.vector_load %arg9[%get3A_1000, %get3A_1001] {strides = array<i32>} : memref<1600x16xf32, #tpu.memory_space<vmem>>, vector<1x16xf32>,
        %get3A_1003 = vector.shape_cast %get3A_1002 : vector<1x16xf32> to vector<16xf32>
        %add3A_1004 = arith.addf %scan3A_975, %get3A_1003 : vector<16xf32>
        %add3A_1005 = arith.constant 3 : i32
        %add3A_1006 = arith.addi %add3A_984, %add3A_1005 : i32
        %get3A_1007 = arith.index_cast %add3A_1006 : i32 to index
        %get3A_1008 = arith.constant 0 : index
        %get3A_1009 = tpu.vector_load %arg9[%get3A_1007, %get3A_1008] {strides = array<i32>} : memref<1600x16xf32, #tpu.memory_space<vmem>>, vector<1x16xf32>,
        %get3A_1010 = vector.shape_cast %get3A_1009 : vector<1x16xf32> to vector<16xf32>
        %add3A_1011 = arith.addf %scan3A_976, %get3A_1010 : vector<16xf32>
        %add3A_1012 = arith.constant 4 : i32
        %add3A_1013 = arith.addi %add3A_984, %add3A_1012 : i32
        %get3A_1014 = arith.index_cast %add3A_1013 : i32 to index
        %get3A_1015 = arith.constant 0 : index
        %get3A_1016 = tpu.vector_load %arg9[%get3A_1014, %get3A_1015] {strides = array<i32>} : memref<1600x16xf32, #tpu.memory_space<vmem>>, vector<1x16xf32>,
        %get3A_1017 = vector.shape_cast %get3A_1016 : vector<1x16xf32> to vector<16xf32>
        %add3A_1018 = arith.addf %scan3A_977, %get3A_1017 : vector<16xf32>
        %add3A_1019 = arith.constant 5 : i32
        %add3A_1020 = arith.addi %add3A_984, %add3A_1019 : i32
        %get3A_1021 = arith.index_cast %add3A_1020 : i32 to index
        %get3A_1022 = arith.constant 0 : index
        %get3A_1023 = tpu.vector_load %arg9[%get3A_1021, %get3A_1022] {strides = array<i32>} : memref<1600x16xf32, #tpu.memory_space<vmem>>, vector<1x16xf32>,
        %get3A_1024 = vector.shape_cast %get3A_1023 : vector<1x16xf32> to vector<16xf32>
        %add3A_1025 = arith.addf %scan3A_978, %get3A_1024 : vector<16xf32>
        %add3A_1026 = arith.constant 6 : i32
        %add3A_1027 = arith.addi %add3A_984, %add3A_1026 : i32
        %get3A_1028 = arith.index_cast %add3A_1027 : i32 to index
        %get3A_1029 = arith.constant 0 : index
        %get3A_1030 = tpu.vector_load %arg9[%get3A_1028, %get3A_1029] {strides = array<i32>} : memref<1600x16xf32, #tpu.memory_space<vmem>>, vector<1x16xf32>,
        %get3A_1031 = vector.shape_cast %get3A_1030 : vector<1x16xf32> to vector<16xf32>
        %add3A_1032 = arith.addf %scan3A_979, %get3A_1031 : vector<16xf32>
        %add3A_1033 = arith.constant 7 : i32
        %add3A_1034 = arith.addi %add3A_984, %add3A_1033 : i32
        %get3A_1035 = arith.index_cast %add3A_1034 : i32 to index
        %get3A_1036 = arith.constant 0 : index
        %get3A_1037 = tpu.vector_load %arg9[%get3A_1035, %get3A_1036] {strides = array<i32>} : memref<1600x16xf32, #tpu.memory_space<vmem>>, vector<1x16xf32>,
        %get3A_1038 = vector.shape_cast %get3A_1037 : vector<1x16xf32> to vector<16xf32>
        %add3A_1039 = arith.addf %scan3A_980, %get3A_1038 : vector<16xf32>
        scf.yield %add3A_990, %add3A_997, %add3A_1004, %add3A_1011, %add3A_1018, %add3A_1025, %add3A_1032, %add3A_1039 : vector<16xf32>, vector<16xf32>, vector<16xf32>, vector<16xf32>, vector<16xf32>, vector<16xf32>, vector<16xf32>, vector<16xf32>
      }
      %scan3A_171 = arith.constant 25 : i32
      %add3A_172 = arith.addf %scan3A_170#0, %scan3A_170#1 : vector<16xf32>
      %add3A_173 = arith.addf %add3A_172, %scan3A_170#2 : vector<16xf32>
      %add3A_174 = arith.addf %add3A_173, %scan3A_170#3 : vector<16xf32>
      %add3A_175 = arith.addf %add3A_174, %scan3A_170#4 : vector<16xf32>
      %add3A_176 = arith.addf %add3A_175, %scan3A_170#5 : vector<16xf32>
      %add3A_177 = arith.addf %add3A_176, %scan3A_170#6 : vector<16xf32>
      %add3A_178 = arith.addf %add3A_177, %scan3A_170#7 : vector<16xf32>
      %mul3A_179 = vector.broadcast %scan3A_62 : f32 to vector<16xf32>
      %mul3A_180 = arith.mulf %add3A_178, %mul3A_179 : vector<16xf32>
      %swap3A_181 = arith.constant 2 : i32
      %swap3A_182 = arith.index_cast %swap3A_181 : i32 to index
      %swap3A_183 = arith.constant 0 : index
      %swap3A_184 = tpu.vector_load %arg13[%swap3A_182, %swap3A_183] {strides = array<i32>} : memref<8x16xf32, #tpu.memory_space<vmem>>, vector<1x16xf32>,
      %swap3A_185 = vector.shape_cast %swap3A_184 : vector<1x16xf32> to vector<16xf32>
      %swap3A_186 = vector.shape_cast %mul3A_180 : vector<16xf32> to vector<1x16xf32>
      tpu.vector_store %arg13[%swap3A_182, %swap3A_183], %swap3A_186 {strides = array<i32>} : memref<8x16xf32, #tpu.memory_space<vmem>>, vector<1x16xf32>,
      %broadcast_in_dim3A_187 = arith.constant 0.000000e+00 : f32
      %broadcast_in_dim3A_188 = vector.broadcast %broadcast_in_dim3A_187 : f32 to vector<16xf32>
      %scan3A_189 = arith.constant 0 : i32
      %scan3A_190 = arith.constant 25 : i32
      %scan3A_191 = arith.addi %scan3A_189, %scan3A_190 : i32
      %scan3A_192 = arith.constant 1 : i32
      %scan3A_193:8 = scf.for %scan3A_972 = %scan3A_189 to %scan3A_191 step %scan3A_192 iter_args(%scan3A_973 = %broadcast_in_dim3A_188, %scan3A_974 = %broadcast_in_dim3A_188, %scan3A_975 = %broadcast_in_dim3A_188, %scan3A_976 = %broadcast_in_dim3A_188, %scan3A_977 = %broadcast_in_dim3A_188, %scan3A_978 = %broadcast_in_dim3A_188, %scan3A_979 = %broadcast_in_dim3A_188, %scan3A_980 = %broadcast_in_dim3A_188) -> (vector<16xf32>, vector<16xf32>, vector<16xf32>, vector<16xf32>, vector<16xf32>, vector<16xf32>, vector<16xf32>, vector<16xf32>)  : i32 {
        %mul3A_981 = arith.constant 8 : i32
        %mul3A_982 = arith.muli %scan3A_972, %mul3A_981 : i32
        %add3A_983 = arith.constant 600 : i32
        %add3A_984 = arith.addi %add3A_983, %mul3A_982 : i32
        %add3A_985 = arith.constant 0 : i32
        %add3A_986 = arith.addi %add3A_984, %add3A_985 : i32
        %get3A = arith.index_cast %add3A_986 : i32 to index
        %get3A_987 = arith.constant 0 : index
        %get3A_988 = tpu.vector_load %arg9[%get3A, %get3A_987] {strides = array<i32>} : memref<1600x16xf32, #tpu.memory_space<vmem>>, vector<1x16xf32>,
        %get3A_989 = vector.shape_cast %get3A_988 : vector<1x16xf32> to vector<16xf32>
        %add3A_990 = arith.addf %scan3A_973, %get3A_989 : vector<16xf32>
        %add3A_991 = arith.constant 1 : i32
        %add3A_992 = arith.addi %add3A_984, %add3A_991 : i32
        %get3A_993 = arith.index_cast %add3A_992 : i32 to index
        %get3A_994 = arith.constant 0 : index
        %get3A_995 = tpu.vector_load %arg9[%get3A_993, %get3A_994] {strides = array<i32>} : memref<1600x16xf32, #tpu.memory_space<vmem>>, vector<1x16xf32>,
        %get3A_996 = vector.shape_cast %get3A_995 : vector<1x16xf32> to vector<16xf32>
        %add3A_997 = arith.addf %scan3A_974, %get3A_996 : vector<16xf32>
        %add3A_998 = arith.constant 2 : i32
        %add3A_999 = arith.addi %add3A_984, %add3A_998 : i32
        %get3A_1000 = arith.index_cast %add3A_999 : i32 to index
        %get3A_1001 = arith.constant 0 : index
        %get3A_1002 = tpu.vector_load %arg9[%get3A_1000, %get3A_1001] {strides = array<i32>} : memref<1600x16xf32, #tpu.memory_space<vmem>>, vector<1x16xf32>,
        %get3A_1003 = vector.shape_cast %get3A_1002 : vector<1x16xf32> to vector<16xf32>
        %add3A_1004 = arith.addf %scan3A_975, %get3A_1003 : vector<16xf32>
        %add3A_1005 = arith.constant 3 : i32
        %add3A_1006 = arith.addi %add3A_984, %add3A_1005 : i32
        %get3A_1007 = arith.index_cast %add3A_1006 : i32 to index
        %get3A_1008 = arith.constant 0 : index
        %get3A_1009 = tpu.vector_load %arg9[%get3A_1007, %get3A_1008] {strides = array<i32>} : memref<1600x16xf32, #tpu.memory_space<vmem>>, vector<1x16xf32>,
        %get3A_1010 = vector.shape_cast %get3A_1009 : vector<1x16xf32> to vector<16xf32>
        %add3A_1011 = arith.addf %scan3A_976, %get3A_1010 : vector<16xf32>
        %add3A_1012 = arith.constant 4 : i32
        %add3A_1013 = arith.addi %add3A_984, %add3A_1012 : i32
        %get3A_1014 = arith.index_cast %add3A_1013 : i32 to index
        %get3A_1015 = arith.constant 0 : index
        %get3A_1016 = tpu.vector_load %arg9[%get3A_1014, %get3A_1015] {strides = array<i32>} : memref<1600x16xf32, #tpu.memory_space<vmem>>, vector<1x16xf32>,
        %get3A_1017 = vector.shape_cast %get3A_1016 : vector<1x16xf32> to vector<16xf32>
        %add3A_1018 = arith.addf %scan3A_977, %get3A_1017 : vector<16xf32>
        %add3A_1019 = arith.constant 5 : i32
        %add3A_1020 = arith.addi %add3A_984, %add3A_1019 : i32
        %get3A_1021 = arith.index_cast %add3A_1020 : i32 to index
        %get3A_1022 = arith.constant 0 : index
        %get3A_1023 = tpu.vector_load %arg9[%get3A_1021, %get3A_1022] {strides = array<i32>} : memref<1600x16xf32, #tpu.memory_space<vmem>>, vector<1x16xf32>,
        %get3A_1024 = vector.shape_cast %get3A_1023 : vector<1x16xf32> to vector<16xf32>
        %add3A_1025 = arith.addf %scan3A_978, %get3A_1024 : vector<16xf32>
        %add3A_1026 = arith.constant 6 : i32
        %add3A_1027 = arith.addi %add3A_984, %add3A_1026 : i32
        %get3A_1028 = arith.index_cast %add3A_1027 : i32 to index
        %get3A_1029 = arith.constant 0 : index
        %get3A_1030 = tpu.vector_load %arg9[%get3A_1028, %get3A_1029] {strides = array<i32>} : memref<1600x16xf32, #tpu.memory_space<vmem>>, vector<1x16xf32>,
        %get3A_1031 = vector.shape_cast %get3A_1030 : vector<1x16xf32> to vector<16xf32>
        %add3A_1032 = arith.addf %scan3A_979, %get3A_1031 : vector<16xf32>
        %add3A_1033 = arith.constant 7 : i32
        %add3A_1034 = arith.addi %add3A_984, %add3A_1033 : i32
        %get3A_1035 = arith.index_cast %add3A_1034 : i32 to index
        %get3A_1036 = arith.constant 0 : index
        %get3A_1037 = tpu.vector_load %arg9[%get3A_1035, %get3A_1036] {strides = array<i32>} : memref<1600x16xf32, #tpu.memory_space<vmem>>, vector<1x16xf32>,
        %get3A_1038 = vector.shape_cast %get3A_1037 : vector<1x16xf32> to vector<16xf32>
        %add3A_1039 = arith.addf %scan3A_980, %get3A_1038 : vector<16xf32>
        scf.yield %add3A_990, %add3A_997, %add3A_1004, %add3A_1011, %add3A_1018, %add3A_1025, %add3A_1032, %add3A_1039 : vector<16xf32>, vector<16xf32>, vector<16xf32>, vector<16xf32>, vector<16xf32>, vector<16xf32>, vector<16xf32>, vector<16xf32>
      }
      %scan3A_194 = arith.constant 25 : i32
      %add3A_195 = arith.addf %scan3A_193#0, %scan3A_193#1 : vector<16xf32>
      %add3A_196 = arith.addf %add3A_195, %scan3A_193#2 : vector<16xf32>
      %add3A_197 = arith.addf %add3A_196, %scan3A_193#3 : vector<16xf32>
      %add3A_198 = arith.addf %add3A_197, %scan3A_193#4 : vector<16xf32>
      %add3A_199 = arith.addf %add3A_198, %scan3A_193#5 : vector<16xf32>
      %add3A_200 = arith.addf %add3A_199, %scan3A_193#6 : vector<16xf32>
      %add3A_201 = arith.addf %add3A_200, %scan3A_193#7 : vector<16xf32>
      %mul3A_202 = vector.broadcast %scan3A_62 : f32 to vector<16xf32>
      %mul3A_203 = arith.mulf %add3A_201, %mul3A_202 : vector<16xf32>
      %swap3A_204 = arith.constant 3 : i32
      %swap3A_205 = arith.index_cast %swap3A_204 : i32 to index
      %swap3A_206 = arith.constant 0 : index
      %swap3A_207 = tpu.vector_load %arg13[%swap3A_205, %swap3A_206] {strides = array<i32>} : memref<8x16xf32, #tpu.memory_space<vmem>>, vector<1x16xf32>,
      %swap3A_208 = vector.shape_cast %swap3A_207 : vector<1x16xf32> to vector<16xf32>
      %swap3A_209 = vector.shape_cast %mul3A_203 : vector<16xf32> to vector<1x16xf32>
      tpu.vector_store %arg13[%swap3A_205, %swap3A_206], %swap3A_209 {strides = array<i32>} : memref<8x16xf32, #tpu.memory_space<vmem>>, vector<1x16xf32>,
      %broadcast_in_dim3A_210 = arith.constant 0.000000e+00 : f32
      %broadcast_in_dim3A_211 = vector.broadcast %broadcast_in_dim3A_210 : f32 to vector<16xf32>
      %scan3A_212 = arith.constant 0 : i32
      %scan3A_213 = arith.constant 25 : i32
      %scan3A_214 = arith.addi %scan3A_212, %scan3A_213 : i32
      %scan3A_215 = arith.constant 1 : i32
      %scan3A_216:8 = scf.for %scan3A_972 = %scan3A_212 to %scan3A_214 step %scan3A_215 iter_args(%scan3A_973 = %broadcast_in_dim3A_211, %scan3A_974 = %broadcast_in_dim3A_211, %scan3A_975 = %broadcast_in_dim3A_211, %scan3A_976 = %broadcast_in_dim3A_211, %scan3A_977 = %broadcast_in_dim3A_211, %scan3A_978 = %broadcast_in_dim3A_211, %scan3A_979 = %broadcast_in_dim3A_211, %scan3A_980 = %broadcast_in_dim3A_211) -> (vector<16xf32>, vector<16xf32>, vector<16xf32>, vector<16xf32>, vector<16xf32>, vector<16xf32>, vector<16xf32>, vector<16xf32>)  : i32 {
        %mul3A_981 = arith.constant 8 : i32
        %mul3A_982 = arith.muli %scan3A_972, %mul3A_981 : i32
        %add3A_983 = arith.constant 800 : i32
        %add3A_984 = arith.addi %add3A_983, %mul3A_982 : i32
        %add3A_985 = arith.constant 0 : i32
        %add3A_986 = arith.addi %add3A_984, %add3A_985 : i32
        %get3A = arith.index_cast %add3A_986 : i32 to index
        %get3A_987 = arith.constant 0 : index
        %get3A_988 = tpu.vector_load %arg9[%get3A, %get3A_987] {strides = array<i32>} : memref<1600x16xf32, #tpu.memory_space<vmem>>, vector<1x16xf32>,
        %get3A_989 = vector.shape_cast %get3A_988 : vector<1x16xf32> to vector<16xf32>
        %add3A_990 = arith.addf %scan3A_973, %get3A_989 : vector<16xf32>
        %add3A_991 = arith.constant 1 : i32
        %add3A_992 = arith.addi %add3A_984, %add3A_991 : i32
        %get3A_993 = arith.index_cast %add3A_992 : i32 to index
        %get3A_994 = arith.constant 0 : index
        %get3A_995 = tpu.vector_load %arg9[%get3A_993, %get3A_994] {strides = array<i32>} : memref<1600x16xf32, #tpu.memory_space<vmem>>, vector<1x16xf32>,
        %get3A_996 = vector.shape_cast %get3A_995 : vector<1x16xf32> to vector<16xf32>
        %add3A_997 = arith.addf %scan3A_974, %get3A_996 : vector<16xf32>
        %add3A_998 = arith.constant 2 : i32
        %add3A_999 = arith.addi %add3A_984, %add3A_998 : i32
        %get3A_1000 = arith.index_cast %add3A_999 : i32 to index
        %get3A_1001 = arith.constant 0 : index
        %get3A_1002 = tpu.vector_load %arg9[%get3A_1000, %get3A_1001] {strides = array<i32>} : memref<1600x16xf32, #tpu.memory_space<vmem>>, vector<1x16xf32>,
        %get3A_1003 = vector.shape_cast %get3A_1002 : vector<1x16xf32> to vector<16xf32>
        %add3A_1004 = arith.addf %scan3A_975, %get3A_1003 : vector<16xf32>
        %add3A_1005 = arith.constant 3 : i32
        %add3A_1006 = arith.addi %add3A_984, %add3A_1005 : i32
        %get3A_1007 = arith.index_cast %add3A_1006 : i32 to index
        %get3A_1008 = arith.constant 0 : index
        %get3A_1009 = tpu.vector_load %arg9[%get3A_1007, %get3A_1008] {strides = array<i32>} : memref<1600x16xf32, #tpu.memory_space<vmem>>, vector<1x16xf32>,
        %get3A_1010 = vector.shape_cast %get3A_1009 : vector<1x16xf32> to vector<16xf32>
        %add3A_1011 = arith.addf %scan3A_976, %get3A_1010 : vector<16xf32>
        %add3A_1012 = arith.constant 4 : i32
        %add3A_1013 = arith.addi %add3A_984, %add3A_1012 : i32
        %get3A_1014 = arith.index_cast %add3A_1013 : i32 to index
        %get3A_1015 = arith.constant 0 : index
        %get3A_1016 = tpu.vector_load %arg9[%get3A_1014, %get3A_1015] {strides = array<i32>} : memref<1600x16xf32, #tpu.memory_space<vmem>>, vector<1x16xf32>,
        %get3A_1017 = vector.shape_cast %get3A_1016 : vector<1x16xf32> to vector<16xf32>
        %add3A_1018 = arith.addf %scan3A_977, %get3A_1017 : vector<16xf32>
        %add3A_1019 = arith.constant 5 : i32
        %add3A_1020 = arith.addi %add3A_984, %add3A_1019 : i32
        %get3A_1021 = arith.index_cast %add3A_1020 : i32 to index
        %get3A_1022 = arith.constant 0 : index
        %get3A_1023 = tpu.vector_load %arg9[%get3A_1021, %get3A_1022] {strides = array<i32>} : memref<1600x16xf32, #tpu.memory_space<vmem>>, vector<1x16xf32>,
        %get3A_1024 = vector.shape_cast %get3A_1023 : vector<1x16xf32> to vector<16xf32>
        %add3A_1025 = arith.addf %scan3A_978, %get3A_1024 : vector<16xf32>
        %add3A_1026 = arith.constant 6 : i32
        %add3A_1027 = arith.addi %add3A_984, %add3A_1026 : i32
        %get3A_1028 = arith.index_cast %add3A_1027 : i32 to index
        %get3A_1029 = arith.constant 0 : index
        %get3A_1030 = tpu.vector_load %arg9[%get3A_1028, %get3A_1029] {strides = array<i32>} : memref<1600x16xf32, #tpu.memory_space<vmem>>, vector<1x16xf32>,
        %get3A_1031 = vector.shape_cast %get3A_1030 : vector<1x16xf32> to vector<16xf32>
        %add3A_1032 = arith.addf %scan3A_979, %get3A_1031 : vector<16xf32>
        %add3A_1033 = arith.constant 7 : i32
        %add3A_1034 = arith.addi %add3A_984, %add3A_1033 : i32
        %get3A_1035 = arith.index_cast %add3A_1034 : i32 to index
        %get3A_1036 = arith.constant 0 : index
        %get3A_1037 = tpu.vector_load %arg9[%get3A_1035, %get3A_1036] {strides = array<i32>} : memref<1600x16xf32, #tpu.memory_space<vmem>>, vector<1x16xf32>,
        %get3A_1038 = vector.shape_cast %get3A_1037 : vector<1x16xf32> to vector<16xf32>
        %add3A_1039 = arith.addf %scan3A_980, %get3A_1038 : vector<16xf32>
        scf.yield %add3A_990, %add3A_997, %add3A_1004, %add3A_1011, %add3A_1018, %add3A_1025, %add3A_1032, %add3A_1039 : vector<16xf32>, vector<16xf32>, vector<16xf32>, vector<16xf32>, vector<16xf32>, vector<16xf32>, vector<16xf32>, vector<16xf32>
      }
      %scan3A_217 = arith.constant 25 : i32
      %add3A_218 = arith.addf %scan3A_216#0, %scan3A_216#1 : vector<16xf32>
      %add3A_219 = arith.addf %add3A_218, %scan3A_216#2 : vector<16xf32>
      %add3A_220 = arith.addf %add3A_219, %scan3A_216#3 : vector<16xf32>
      %add3A_221 = arith.addf %add3A_220, %scan3A_216#4 : vector<16xf32>
      %add3A_222 = arith.addf %add3A_221, %scan3A_216#5 : vector<16xf32>
      %add3A_223 = arith.addf %add3A_222, %scan3A_216#6 : vector<16xf32>
      %add3A_224 = arith.addf %add3A_223, %scan3A_216#7 : vector<16xf32>
      %mul3A_225 = vector.broadcast %scan3A_62 : f32 to vector<16xf32>
      %mul3A_226 = arith.mulf %add3A_224, %mul3A_225 : vector<16xf32>
      %swap3A_227 = arith.constant 4 : i32
      %swap3A_228 = arith.index_cast %swap3A_227 : i32 to index
      %swap3A_229 = arith.constant 0 : index
      %swap3A_230 = tpu.vector_load %arg13[%swap3A_228, %swap3A_229] {strides = array<i32>} : memref<8x16xf32, #tpu.memory_space<vmem>>, vector<1x16xf32>,
      %swap3A_231 = vector.shape_cast %swap3A_230 : vector<1x16xf32> to vector<16xf32>
      %swap3A_232 = vector.shape_cast %mul3A_226 : vector<16xf32> to vector<1x16xf32>
      tpu.vector_store %arg13[%swap3A_228, %swap3A_229], %swap3A_232 {strides = array<i32>} : memref<8x16xf32, #tpu.memory_space<vmem>>, vector<1x16xf32>,
      %broadcast_in_dim3A_233 = arith.constant 0.000000e+00 : f32
      %broadcast_in_dim3A_234 = vector.broadcast %broadcast_in_dim3A_233 : f32 to vector<16xf32>
      %scan3A_235 = arith.constant 0 : i32
      %scan3A_236 = arith.constant 25 : i32
      %scan3A_237 = arith.addi %scan3A_235, %scan3A_236 : i32
      %scan3A_238 = arith.constant 1 : i32
      %scan3A_239:8 = scf.for %scan3A_972 = %scan3A_235 to %scan3A_237 step %scan3A_238 iter_args(%scan3A_973 = %broadcast_in_dim3A_234, %scan3A_974 = %broadcast_in_dim3A_234, %scan3A_975 = %broadcast_in_dim3A_234, %scan3A_976 = %broadcast_in_dim3A_234, %scan3A_977 = %broadcast_in_dim3A_234, %scan3A_978 = %broadcast_in_dim3A_234, %scan3A_979 = %broadcast_in_dim3A_234, %scan3A_980 = %broadcast_in_dim3A_234) -> (vector<16xf32>, vector<16xf32>, vector<16xf32>, vector<16xf32>, vector<16xf32>, vector<16xf32>, vector<16xf32>, vector<16xf32>)  : i32 {
        %mul3A_981 = arith.constant 8 : i32
        %mul3A_982 = arith.muli %scan3A_972, %mul3A_981 : i32
        %add3A_983 = arith.constant 1000 : i32
        %add3A_984 = arith.addi %add3A_983, %mul3A_982 : i32
        %add3A_985 = arith.constant 0 : i32
        %add3A_986 = arith.addi %add3A_984, %add3A_985 : i32
        %get3A = arith.index_cast %add3A_986 : i32 to index
        %get3A_987 = arith.constant 0 : index
        %get3A_988 = tpu.vector_load %arg9[%get3A, %get3A_987] {strides = array<i32>} : memref<1600x16xf32, #tpu.memory_space<vmem>>, vector<1x16xf32>,
        %get3A_989 = vector.shape_cast %get3A_988 : vector<1x16xf32> to vector<16xf32>
        %add3A_990 = arith.addf %scan3A_973, %get3A_989 : vector<16xf32>
        %add3A_991 = arith.constant 1 : i32
        %add3A_992 = arith.addi %add3A_984, %add3A_991 : i32
        %get3A_993 = arith.index_cast %add3A_992 : i32 to index
        %get3A_994 = arith.constant 0 : index
        %get3A_995 = tpu.vector_load %arg9[%get3A_993, %get3A_994] {strides = array<i32>} : memref<1600x16xf32, #tpu.memory_space<vmem>>, vector<1x16xf32>,
        %get3A_996 = vector.shape_cast %get3A_995 : vector<1x16xf32> to vector<16xf32>
        %add3A_997 = arith.addf %scan3A_974, %get3A_996 : vector<16xf32>
        %add3A_998 = arith.constant 2 : i32
        %add3A_999 = arith.addi %add3A_984, %add3A_998 : i32
        %get3A_1000 = arith.index_cast %add3A_999 : i32 to index
        %get3A_1001 = arith.constant 0 : index
        %get3A_1002 = tpu.vector_load %arg9[%get3A_1000, %get3A_1001] {strides = array<i32>} : memref<1600x16xf32, #tpu.memory_space<vmem>>, vector<1x16xf32>,
        %get3A_1003 = vector.shape_cast %get3A_1002 : vector<1x16xf32> to vector<16xf32>
        %add3A_1004 = arith.addf %scan3A_975, %get3A_1003 : vector<16xf32>
        %add3A_1005 = arith.constant 3 : i32
        %add3A_1006 = arith.addi %add3A_984, %add3A_1005 : i32
        %get3A_1007 = arith.index_cast %add3A_1006 : i32 to index
        %get3A_1008 = arith.constant 0 : index
        %get3A_1009 = tpu.vector_load %arg9[%get3A_1007, %get3A_1008] {strides = array<i32>} : memref<1600x16xf32, #tpu.memory_space<vmem>>, vector<1x16xf32>,
        %get3A_1010 = vector.shape_cast %get3A_1009 : vector<1x16xf32> to vector<16xf32>
        %add3A_1011 = arith.addf %scan3A_976, %get3A_1010 : vector<16xf32>
        %add3A_1012 = arith.constant 4 : i32
        %add3A_1013 = arith.addi %add3A_984, %add3A_1012 : i32
        %get3A_1014 = arith.index_cast %add3A_1013 : i32 to index
        %get3A_1015 = arith.constant 0 : index
        %get3A_1016 = tpu.vector_load %arg9[%get3A_1014, %get3A_1015] {strides = array<i32>} : memref<1600x16xf32, #tpu.memory_space<vmem>>, vector<1x16xf32>,
        %get3A_1017 = vector.shape_cast %get3A_1016 : vector<1x16xf32> to vector<16xf32>
        %add3A_1018 = arith.addf %scan3A_977, %get3A_1017 : vector<16xf32>
        %add3A_1019 = arith.constant 5 : i32
        %add3A_1020 = arith.addi %add3A_984, %add3A_1019 : i32
        %get3A_1021 = arith.index_cast %add3A_1020 : i32 to index
        %get3A_1022 = arith.constant 0 : index
        %get3A_1023 = tpu.vector_load %arg9[%get3A_1021, %get3A_1022] {strides = array<i32>} : memref<1600x16xf32, #tpu.memory_space<vmem>>, vector<1x16xf32>,
        %get3A_1024 = vector.shape_cast %get3A_1023 : vector<1x16xf32> to vector<16xf32>
        %add3A_1025 = arith.addf %scan3A_978, %get3A_1024 : vector<16xf32>
        %add3A_1026 = arith.constant 6 : i32
        %add3A_1027 = arith.addi %add3A_984, %add3A_1026 : i32
        %get3A_1028 = arith.index_cast %add3A_1027 : i32 to index
        %get3A_1029 = arith.constant 0 : index
        %get3A_1030 = tpu.vector_load %arg9[%get3A_1028, %get3A_1029] {strides = array<i32>} : memref<1600x16xf32, #tpu.memory_space<vmem>>, vector<1x16xf32>,
        %get3A_1031 = vector.shape_cast %get3A_1030 : vector<1x16xf32> to vector<16xf32>
        %add3A_1032 = arith.addf %scan3A_979, %get3A_1031 : vector<16xf32>
        %add3A_1033 = arith.constant 7 : i32
        %add3A_1034 = arith.addi %add3A_984, %add3A_1033 : i32
        %get3A_1035 = arith.index_cast %add3A_1034 : i32 to index
        %get3A_1036 = arith.constant 0 : index
        %get3A_1037 = tpu.vector_load %arg9[%get3A_1035, %get3A_1036] {strides = array<i32>} : memref<1600x16xf32, #tpu.memory_space<vmem>>, vector<1x16xf32>,
        %get3A_1038 = vector.shape_cast %get3A_1037 : vector<1x16xf32> to vector<16xf32>
        %add3A_1039 = arith.addf %scan3A_980, %get3A_1038 : vector<16xf32>
        scf.yield %add3A_990, %add3A_997, %add3A_1004, %add3A_1011, %add3A_1018, %add3A_1025, %add3A_1032, %add3A_1039 : vector<16xf32>, vector<16xf32>, vector<16xf32>, vector<16xf32>, vector<16xf32>, vector<16xf32>, vector<16xf32>, vector<16xf32>
      }
      %scan3A_240 = arith.constant 25 : i32
      %add3A_241 = arith.addf %scan3A_239#0, %scan3A_239#1 : vector<16xf32>
      %add3A_242 = arith.addf %add3A_241, %scan3A_239#2 : vector<16xf32>
      %add3A_243 = arith.addf %add3A_242, %scan3A_239#3 : vector<16xf32>
      %add3A_244 = arith.addf %add3A_243, %scan3A_239#4 : vector<16xf32>
      %add3A_245 = arith.addf %add3A_244, %scan3A_239#5 : vector<16xf32>
      %add3A_246 = arith.addf %add3A_245, %scan3A_239#6 : vector<16xf32>
      %add3A_247 = arith.addf %add3A_246, %scan3A_239#7 : vector<16xf32>
      %mul3A_248 = vector.broadcast %scan3A_62 : f32 to vector<16xf32>
      %mul3A_249 = arith.mulf %add3A_247, %mul3A_248 : vector<16xf32>
      %swap3A_250 = arith.constant 5 : i32
      %swap3A_251 = arith.index_cast %swap3A_250 : i32 to index
      %swap3A_252 = arith.constant 0 : index
      %swap3A_253 = tpu.vector_load %arg13[%swap3A_251, %swap3A_252] {strides = array<i32>} : memref<8x16xf32, #tpu.memory_space<vmem>>, vector<1x16xf32>,
      %swap3A_254 = vector.shape_cast %swap3A_253 : vector<1x16xf32> to vector<16xf32>
      %swap3A_255 = vector.shape_cast %mul3A_249 : vector<16xf32> to vector<1x16xf32>
      tpu.vector_store %arg13[%swap3A_251, %swap3A_252], %swap3A_255 {strides = array<i32>} : memref<8x16xf32, #tpu.memory_space<vmem>>, vector<1x16xf32>,
      %broadcast_in_dim3A_256 = arith.constant 0.000000e+00 : f32
      %broadcast_in_dim3A_257 = vector.broadcast %broadcast_in_dim3A_256 : f32 to vector<16xf32>
      %scan3A_258 = arith.constant 0 : i32
      %scan3A_259 = arith.constant 25 : i32
      %scan3A_260 = arith.addi %scan3A_258, %scan3A_259 : i32
      %scan3A_261 = arith.constant 1 : i32
      %scan3A_262:8 = scf.for %scan3A_972 = %scan3A_258 to %scan3A_260 step %scan3A_261 iter_args(%scan3A_973 = %broadcast_in_dim3A_257, %scan3A_974 = %broadcast_in_dim3A_257, %scan3A_975 = %broadcast_in_dim3A_257, %scan3A_976 = %broadcast_in_dim3A_257, %scan3A_977 = %broadcast_in_dim3A_257, %scan3A_978 = %broadcast_in_dim3A_257, %scan3A_979 = %broadcast_in_dim3A_257, %scan3A_980 = %broadcast_in_dim3A_257) -> (vector<16xf32>, vector<16xf32>, vector<16xf32>, vector<16xf32>, vector<16xf32>, vector<16xf32>, vector<16xf32>, vector<16xf32>)  : i32 {
        %mul3A_981 = arith.constant 8 : i32
        %mul3A_982 = arith.muli %scan3A_972, %mul3A_981 : i32
        %add3A_983 = arith.constant 1200 : i32
        %add3A_984 = arith.addi %add3A_983, %mul3A_982 : i32
        %add3A_985 = arith.constant 0 : i32
        %add3A_986 = arith.addi %add3A_984, %add3A_985 : i32
        %get3A = arith.index_cast %add3A_986 : i32 to index
        %get3A_987 = arith.constant 0 : index
        %get3A_988 = tpu.vector_load %arg9[%get3A, %get3A_987] {strides = array<i32>} : memref<1600x16xf32, #tpu.memory_space<vmem>>, vector<1x16xf32>,
        %get3A_989 = vector.shape_cast %get3A_988 : vector<1x16xf32> to vector<16xf32>
        %add3A_990 = arith.addf %scan3A_973, %get3A_989 : vector<16xf32>
        %add3A_991 = arith.constant 1 : i32
        %add3A_992 = arith.addi %add3A_984, %add3A_991 : i32
        %get3A_993 = arith.index_cast %add3A_992 : i32 to index
        %get3A_994 = arith.constant 0 : index
        %get3A_995 = tpu.vector_load %arg9[%get3A_993, %get3A_994] {strides = array<i32>} : memref<1600x16xf32, #tpu.memory_space<vmem>>, vector<1x16xf32>,
        %get3A_996 = vector.shape_cast %get3A_995 : vector<1x16xf32> to vector<16xf32>
        %add3A_997 = arith.addf %scan3A_974, %get3A_996 : vector<16xf32>
        %add3A_998 = arith.constant 2 : i32
        %add3A_999 = arith.addi %add3A_984, %add3A_998 : i32
        %get3A_1000 = arith.index_cast %add3A_999 : i32 to index
        %get3A_1001 = arith.constant 0 : index
        %get3A_1002 = tpu.vector_load %arg9[%get3A_1000, %get3A_1001] {strides = array<i32>} : memref<1600x16xf32, #tpu.memory_space<vmem>>, vector<1x16xf32>,
        %get3A_1003 = vector.shape_cast %get3A_1002 : vector<1x16xf32> to vector<16xf32>
        %add3A_1004 = arith.addf %scan3A_975, %get3A_1003 : vector<16xf32>
        %add3A_1005 = arith.constant 3 : i32
        %add3A_1006 = arith.addi %add3A_984, %add3A_1005 : i32
        %get3A_1007 = arith.index_cast %add3A_1006 : i32 to index
        %get3A_1008 = arith.constant 0 : index
        %get3A_1009 = tpu.vector_load %arg9[%get3A_1007, %get3A_1008] {strides = array<i32>} : memref<1600x16xf32, #tpu.memory_space<vmem>>, vector<1x16xf32>,
        %get3A_1010 = vector.shape_cast %get3A_1009 : vector<1x16xf32> to vector<16xf32>
        %add3A_1011 = arith.addf %scan3A_976, %get3A_1010 : vector<16xf32>
        %add3A_1012 = arith.constant 4 : i32
        %add3A_1013 = arith.addi %add3A_984, %add3A_1012 : i32
        %get3A_1014 = arith.index_cast %add3A_1013 : i32 to index
        %get3A_1015 = arith.constant 0 : index
        %get3A_1016 = tpu.vector_load %arg9[%get3A_1014, %get3A_1015] {strides = array<i32>} : memref<1600x16xf32, #tpu.memory_space<vmem>>, vector<1x16xf32>,
        %get3A_1017 = vector.shape_cast %get3A_1016 : vector<1x16xf32> to vector<16xf32>
        %add3A_1018 = arith.addf %scan3A_977, %get3A_1017 : vector<16xf32>
        %add3A_1019 = arith.constant 5 : i32
        %add3A_1020 = arith.addi %add3A_984, %add3A_1019 : i32
        %get3A_1021 = arith.index_cast %add3A_1020 : i32 to index
        %get3A_1022 = arith.constant 0 : index
        %get3A_1023 = tpu.vector_load %arg9[%get3A_1021, %get3A_1022] {strides = array<i32>} : memref<1600x16xf32, #tpu.memory_space<vmem>>, vector<1x16xf32>,
        %get3A_1024 = vector.shape_cast %get3A_1023 : vector<1x16xf32> to vector<16xf32>
        %add3A_1025 = arith.addf %scan3A_978, %get3A_1024 : vector<16xf32>
        %add3A_1026 = arith.constant 6 : i32
        %add3A_1027 = arith.addi %add3A_984, %add3A_1026 : i32
        %get3A_1028 = arith.index_cast %add3A_1027 : i32 to index
        %get3A_1029 = arith.constant 0 : index
        %get3A_1030 = tpu.vector_load %arg9[%get3A_1028, %get3A_1029] {strides = array<i32>} : memref<1600x16xf32, #tpu.memory_space<vmem>>, vector<1x16xf32>,
        %get3A_1031 = vector.shape_cast %get3A_1030 : vector<1x16xf32> to vector<16xf32>
        %add3A_1032 = arith.addf %scan3A_979, %get3A_1031 : vector<16xf32>
        %add3A_1033 = arith.constant 7 : i32
        %add3A_1034 = arith.addi %add3A_984, %add3A_1033 : i32
        %get3A_1035 = arith.index_cast %add3A_1034 : i32 to index
        %get3A_1036 = arith.constant 0 : index
        %get3A_1037 = tpu.vector_load %arg9[%get3A_1035, %get3A_1036] {strides = array<i32>} : memref<1600x16xf32, #tpu.memory_space<vmem>>, vector<1x16xf32>,
        %get3A_1038 = vector.shape_cast %get3A_1037 : vector<1x16xf32> to vector<16xf32>
        %add3A_1039 = arith.addf %scan3A_980, %get3A_1038 : vector<16xf32>
        scf.yield %add3A_990, %add3A_997, %add3A_1004, %add3A_1011, %add3A_1018, %add3A_1025, %add3A_1032, %add3A_1039 : vector<16xf32>, vector<16xf32>, vector<16xf32>, vector<16xf32>, vector<16xf32>, vector<16xf32>, vector<16xf32>, vector<16xf32>
      }
      %scan3A_263 = arith.constant 25 : i32
      %add3A_264 = arith.addf %scan3A_262#0, %scan3A_262#1 : vector<16xf32>
      %add3A_265 = arith.addf %add3A_264, %scan3A_262#2 : vector<16xf32>
      %add3A_266 = arith.addf %add3A_265, %scan3A_262#3 : vector<16xf32>
      %add3A_267 = arith.addf %add3A_266, %scan3A_262#4 : vector<16xf32>
      %add3A_268 = arith.addf %add3A_267, %scan3A_262#5 : vector<16xf32>
      %add3A_269 = arith.addf %add3A_268, %scan3A_262#6 : vector<16xf32>
      %add3A_270 = arith.addf %add3A_269, %scan3A_262#7 : vector<16xf32>
      %mul3A_271 = vector.broadcast %scan3A_62 : f32 to vector<16xf32>
      %mul3A_272 = arith.mulf %add3A_270, %mul3A_271 : vector<16xf32>
      %swap3A_273 = arith.constant 6 : i32
      %swap3A_274 = arith.index_cast %swap3A_273 : i32 to index
      %swap3A_275 = arith.constant 0 : index
      %swap3A_276 = tpu.vector_load %arg13[%swap3A_274, %swap3A_275] {strides = array<i32>} : memref<8x16xf32, #tpu.memory_space<vmem>>, vector<1x16xf32>,
      %swap3A_277 = vector.shape_cast %swap3A_276 : vector<1x16xf32> to vector<16xf32>
      %swap3A_278 = vector.shape_cast %mul3A_272 : vector<16xf32> to vector<1x16xf32>
      tpu.vector_store %arg13[%swap3A_274, %swap3A_275], %swap3A_278 {strides = array<i32>} : memref<8x16xf32, #tpu.memory_space<vmem>>, vector<1x16xf32>,
      %broadcast_in_dim3A_279 = arith.constant 0.000000e+00 : f32
      %broadcast_in_dim3A_280 = vector.broadcast %broadcast_in_dim3A_279 : f32 to vector<16xf32>
      %scan3A_281 = arith.constant 0 : i32
      %scan3A_282 = arith.constant 25 : i32
      %scan3A_283 = arith.addi %scan3A_281, %scan3A_282 : i32
      %scan3A_284 = arith.constant 1 : i32
      %scan3A_285:8 = scf.for %scan3A_972 = %scan3A_281 to %scan3A_283 step %scan3A_284 iter_args(%scan3A_973 = %broadcast_in_dim3A_280, %scan3A_974 = %broadcast_in_dim3A_280, %scan3A_975 = %broadcast_in_dim3A_280, %scan3A_976 = %broadcast_in_dim3A_280, %scan3A_977 = %broadcast_in_dim3A_280, %scan3A_978 = %broadcast_in_dim3A_280, %scan3A_979 = %broadcast_in_dim3A_280, %scan3A_980 = %broadcast_in_dim3A_280) -> (vector<16xf32>, vector<16xf32>, vector<16xf32>, vector<16xf32>, vector<16xf32>, vector<16xf32>, vector<16xf32>, vector<16xf32>)  : i32 {
        %mul3A_981 = arith.constant 8 : i32
        %mul3A_982 = arith.muli %scan3A_972, %mul3A_981 : i32
        %add3A_983 = arith.constant 1400 : i32
        %add3A_984 = arith.addi %add3A_983, %mul3A_982 : i32
        %add3A_985 = arith.constant 0 : i32
        %add3A_986 = arith.addi %add3A_984, %add3A_985 : i32
        %get3A = arith.index_cast %add3A_986 : i32 to index
        %get3A_987 = arith.constant 0 : index
        %get3A_988 = tpu.vector_load %arg9[%get3A, %get3A_987] {strides = array<i32>} : memref<1600x16xf32, #tpu.memory_space<vmem>>, vector<1x16xf32>,
        %get3A_989 = vector.shape_cast %get3A_988 : vector<1x16xf32> to vector<16xf32>
        %add3A_990 = arith.addf %scan3A_973, %get3A_989 : vector<16xf32>
        %add3A_991 = arith.constant 1 : i32
        %add3A_992 = arith.addi %add3A_984, %add3A_991 : i32
        %get3A_993 = arith.index_cast %add3A_992 : i32 to index
        %get3A_994 = arith.constant 0 : index
        %get3A_995 = tpu.vector_load %arg9[%get3A_993, %get3A_994] {strides = array<i32>} : memref<1600x16xf32, #tpu.memory_space<vmem>>, vector<1x16xf32>,
        %get3A_996 = vector.shape_cast %get3A_995 : vector<1x16xf32> to vector<16xf32>
        %add3A_997 = arith.addf %scan3A_974, %get3A_996 : vector<16xf32>
        %add3A_998 = arith.constant 2 : i32
        %add3A_999 = arith.addi %add3A_984, %add3A_998 : i32
        %get3A_1000 = arith.index_cast %add3A_999 : i32 to index
        %get3A_1001 = arith.constant 0 : index
        %get3A_1002 = tpu.vector_load %arg9[%get3A_1000, %get3A_1001] {strides = array<i32>} : memref<1600x16xf32, #tpu.memory_space<vmem>>, vector<1x16xf32>,
        %get3A_1003 = vector.shape_cast %get3A_1002 : vector<1x16xf32> to vector<16xf32>
        %add3A_1004 = arith.addf %scan3A_975, %get3A_1003 : vector<16xf32>
        %add3A_1005 = arith.constant 3 : i32
        %add3A_1006 = arith.addi %add3A_984, %add3A_1005 : i32
        %get3A_1007 = arith.index_cast %add3A_1006 : i32 to index
        %get3A_1008 = arith.constant 0 : index
        %get3A_1009 = tpu.vector_load %arg9[%get3A_1007, %get3A_1008] {strides = array<i32>} : memref<1600x16xf32, #tpu.memory_space<vmem>>, vector<1x16xf32>,
        %get3A_1010 = vector.shape_cast %get3A_1009 : vector<1x16xf32> to vector<16xf32>
        %add3A_1011 = arith.addf %scan3A_976, %get3A_1010 : vector<16xf32>
        %add3A_1012 = arith.constant 4 : i32
        %add3A_1013 = arith.addi %add3A_984, %add3A_1012 : i32
        %get3A_1014 = arith.index_cast %add3A_1013 : i32 to index
        %get3A_1015 = arith.constant 0 : index
        %get3A_1016 = tpu.vector_load %arg9[%get3A_1014, %get3A_1015] {strides = array<i32>} : memref<1600x16xf32, #tpu.memory_space<vmem>>, vector<1x16xf32>,
        %get3A_1017 = vector.shape_cast %get3A_1016 : vector<1x16xf32> to vector<16xf32>
        %add3A_1018 = arith.addf %scan3A_977, %get3A_1017 : vector<16xf32>
        %add3A_1019 = arith.constant 5 : i32
        %add3A_1020 = arith.addi %add3A_984, %add3A_1019 : i32
        %get3A_1021 = arith.index_cast %add3A_1020 : i32 to index
        %get3A_1022 = arith.constant 0 : index
        %get3A_1023 = tpu.vector_load %arg9[%get3A_1021, %get3A_1022] {strides = array<i32>} : memref<1600x16xf32, #tpu.memory_space<vmem>>, vector<1x16xf32>,
        %get3A_1024 = vector.shape_cast %get3A_1023 : vector<1x16xf32> to vector<16xf32>
        %add3A_1025 = arith.addf %scan3A_978, %get3A_1024 : vector<16xf32>
        %add3A_1026 = arith.constant 6 : i32
        %add3A_1027 = arith.addi %add3A_984, %add3A_1026 : i32
        %get3A_1028 = arith.index_cast %add3A_1027 : i32 to index
        %get3A_1029 = arith.constant 0 : index
        %get3A_1030 = tpu.vector_load %arg9[%get3A_1028, %get3A_1029] {strides = array<i32>} : memref<1600x16xf32, #tpu.memory_space<vmem>>, vector<1x16xf32>,
        %get3A_1031 = vector.shape_cast %get3A_1030 : vector<1x16xf32> to vector<16xf32>
        %add3A_1032 = arith.addf %scan3A_979, %get3A_1031 : vector<16xf32>
        %add3A_1033 = arith.constant 7 : i32
        %add3A_1034 = arith.addi %add3A_984, %add3A_1033 : i32
        %get3A_1035 = arith.index_cast %add3A_1034 : i32 to index
        %get3A_1036 = arith.constant 0 : index
        %get3A_1037 = tpu.vector_load %arg9[%get3A_1035, %get3A_1036] {strides = array<i32>} : memref<1600x16xf32, #tpu.memory_space<vmem>>, vector<1x16xf32>,
        %get3A_1038 = vector.shape_cast %get3A_1037 : vector<1x16xf32> to vector<16xf32>
        %add3A_1039 = arith.addf %scan3A_980, %get3A_1038 : vector<16xf32>
        scf.yield %add3A_990, %add3A_997, %add3A_1004, %add3A_1011, %add3A_1018, %add3A_1025, %add3A_1032, %add3A_1039 : vector<16xf32>, vector<16xf32>, vector<16xf32>, vector<16xf32>, vector<16xf32>, vector<16xf32>, vector<16xf32>, vector<16xf32>
      }
      %scan3A_286 = arith.constant 25 : i32
      %add3A_287 = arith.addf %scan3A_285#0, %scan3A_285#1 : vector<16xf32>
      %add3A_288 = arith.addf %add3A_287, %scan3A_285#2 : vector<16xf32>
      %add3A_289 = arith.addf %add3A_288, %scan3A_285#3 : vector<16xf32>
      %add3A_290 = arith.addf %add3A_289, %scan3A_285#4 : vector<16xf32>
      %add3A_291 = arith.addf %add3A_290, %scan3A_285#5 : vector<16xf32>
      %add3A_292 = arith.addf %add3A_291, %scan3A_285#6 : vector<16xf32>
      %add3A_293 = arith.addf %add3A_292, %scan3A_285#7 : vector<16xf32>
      %mul3A_294 = vector.broadcast %scan3A_62 : f32 to vector<16xf32>
      %mul3A_295 = arith.mulf %add3A_293, %mul3A_294 : vector<16xf32>
      %swap3A_296 = arith.constant 7 : i32
      %swap3A_297 = arith.index_cast %swap3A_296 : i32 to index
      %swap3A_298 = arith.constant 0 : index
      %swap3A_299 = tpu.vector_load %arg13[%swap3A_297, %swap3A_298] {strides = array<i32>} : memref<8x16xf32, #tpu.memory_space<vmem>>, vector<1x16xf32>,
      %swap3A_300 = vector.shape_cast %swap3A_299 : vector<1x16xf32> to vector<16xf32>
      %swap3A_301 = vector.shape_cast %mul3A_295 : vector<16xf32> to vector<1x16xf32>
      tpu.vector_store %arg13[%swap3A_297, %swap3A_298], %swap3A_301 {strides = array<i32>} : memref<8x16xf32, #tpu.memory_space<vmem>>, vector<1x16xf32>,
      %mul3A_302 = arith.constant 8 : i32
      %mul3A_303 = arith.muli %add3A_95, %mul3A_302 : i32
      %add3A_304 = arith.addi %mul3A_2, %mul3A_303 : i32
      %dma_start3A_305 = arith.constant 0 : i32
      %dma_start3A_306 = tpu.memref_slice %arg4[%add3A_304, %dma_start3A_305] : memref<16384x16xf32, #tpu.memory_space<hbm>> -> memref<8x16xf32, #tpu.memory_space<hbm>>
      %dma_start3A_307 = arith.constant 0 : i32
      %dma_start3A_308 = tpu.memref_slice %arg4[%add3A_304, %dma_start3A_307] : memref<16384x16xf32, #tpu.memory_space<hbm>> -> memref<8x16xf32, #tpu.memory_space<hbm>>
      tpu.enqueue_dma source(%arg13 : memref<8x16xf32, #tpu.memory_space<vmem>>) target(%dma_start3A_308 : memref<8x16xf32, #tpu.memory_space<hbm>>) target_semaphore(%arg21 : memref<!tpu.dma_semaphore, #tpu.memory_space<semaphore_mem>>)
      %add3A_309 = arith.constant 1 : i32
      %add3A_310 = arith.addi %mul3A_93, %add3A_309 : i32
      %add3A_311 = arith.constant 3 : i32
      %add3A_312 = arith.addi %add3A_310, %add3A_311 : i32
      %lt3A_313 = arith.constant 64 : i32
      %lt3A_314 = arith.cmpi slt, %add3A_312, %lt3A_313 : i32
      %convert_element_type3A_315 = arith.extui %lt3A_314 : i1 to i32
      %cond3A_316 = arith.constant 0 : i32
      %cond3A_317 = arith.cmpi ne, %convert_element_type3A_315, %cond3A_316 : i32
      scf.if %cond3A_317 {
        %add3A_972 = arith.constant 3 : i32
        %add3A_973 = arith.addi %add3A_310, %add3A_972 : i32
        %mul3A_974 = arith.constant 8 : i32
        %mul3A_975 = arith.muli %add3A_973, %mul3A_974 : i32
        %add3A_976 = arith.addi %mul3A_2, %mul3A_975 : i32
        %mul3A_977 = arith.constant 200 : i32
        %mul3A_978 = arith.muli %add3A_976, %mul3A_977 : i32
        "tpu.region"() ({
          %run_scoped3A = tpu.sem_alloc : memref<!tpu.dma_semaphore, #tpu.memory_space<semaphore_mem>>
          %dma_start3A_995 = tpu.memref_slice %arg3[%mul3A_978] : memref<3276800xi32, #tpu.memory_space<hbm>> -> memref<1600xi32, #tpu.memory_space<hbm>>
          %dma_start3A_996 = tpu.memref_slice %arg3[%mul3A_978] : memref<3276800xi32, #tpu.memory_space<hbm>> -> memref<1600xi32, #tpu.memory_space<hbm>>
          tpu.enqueue_dma source(%dma_start3A_996 : memref<1600xi32, #tpu.memory_space<hbm>>) target(%arg5 : memref<1600xi32, #tpu.memory_space<vmem>>) target_semaphore(%run_scoped3A : memref<!tpu.dma_semaphore, #tpu.memory_space<semaphore_mem>>)
          %dma_wait3A_997 = tpu.memref_slice %arg3[%mul3A_978] : memref<3276800xi32, #tpu.memory_space<hbm>> -> memref<1600xi32, #tpu.memory_space<hbm>>
          %dma_wait3A_998 = tpu.memref_slice %arg3[%mul3A_978] : memref<3276800xi32, #tpu.memory_space<hbm>> -> memref<1600xi32, #tpu.memory_space<hbm>>
          tpu.wait_dma2 semaphore(%run_scoped3A : memref<!tpu.dma_semaphore, #tpu.memory_space<semaphore_mem>>) src(%dma_wait3A_998 : memref<1600xi32, #tpu.memory_space<hbm>>) dst(%arg5 : memref<1600xi32, #tpu.memory_space<vmem>>)
          tpu.yield
        }) : () -> ()
        %dma_start3A_979 = arith.constant 0 : i32
        %dma_start3A_980 = arith.constant 0 : i32
        %dma_start3A_981 = tpu.memref_slice %arg9[%dma_start3A_979, %dma_start3A_980] : memref<1600x16xf32, #tpu.memory_space<vmem>> -> memref<800x16xf32, #tpu.memory_space<vmem>>
        %dma_start3A_982 = arith.constant 0 : i32
        %dma_start3A_983 = tpu.memref_slice %arg5[%dma_start3A_982] : memref<1600xi32, #tpu.memory_space<vmem>> -> memref<800xi32, #tpu.memory_space<vmem>>
        %dma_start3A_984 = arith.constant 0 : i32
        %dma_start3A_985 = arith.constant 0 : i32
        %dma_start3A_986 = tpu.memref_slice %arg2[%dma_start3A_984, %dma_start3A_985] : memref<1000000x16xf32, #tpu.memory_space<hbm>> -> memref<1000000x16xf32, #tpu.memory_space<hbm>>
        tpu.enqueue_indirect_dma source(%dma_start3A_986 : memref<1000000x16xf32, #tpu.memory_space<hbm>>) target(%dma_start3A_981 : memref<800x16xf32, #tpu.memory_space<vmem>>) offsets(%dma_start3A_983 : memref<800xi32, #tpu.memory_space<vmem>>) semaphore(%arg17 : memref<!tpu.dma_semaphore, #tpu.memory_space<semaphore_mem>>)
        %dma_start3A_987 = arith.constant 800 : i32
        %dma_start3A_988 = arith.constant 0 : i32
        %dma_start3A_989 = tpu.memref_slice %arg9[%dma_start3A_987, %dma_start3A_988] : memref<1600x16xf32, #tpu.memory_space<vmem>> -> memref<800x16xf32, #tpu.memory_space<vmem>>
        %dma_start3A_990 = arith.constant 800 : i32
        %dma_start3A_991 = tpu.memref_slice %arg5[%dma_start3A_990] : memref<1600xi32, #tpu.memory_space<vmem>> -> memref<800xi32, #tpu.memory_space<vmem>>
        %dma_start3A_992 = arith.constant 0 : i32
        %dma_start3A_993 = arith.constant 0 : i32
        %dma_start3A_994 = tpu.memref_slice %arg2[%dma_start3A_992, %dma_start3A_993] : memref<1000000x16xf32, #tpu.memory_space<hbm>> -> memref<1000000x16xf32, #tpu.memory_space<hbm>>
        tpu.enqueue_indirect_dma source(%dma_start3A_994 : memref<1000000x16xf32, #tpu.memory_space<hbm>>) target(%dma_start3A_989 : memref<800x16xf32, #tpu.memory_space<vmem>>) offsets(%dma_start3A_991 : memref<800xi32, #tpu.memory_space<vmem>>) semaphore(%arg17 : memref<!tpu.dma_semaphore, #tpu.memory_space<semaphore_mem>>)
      } else {
      }
      %dma_wait3A_318 = arith.constant 0 : i32
      %dma_wait3A_319 = arith.constant 0 : i32
      %dma_wait3A_320 = tpu.memref_slice %arg10[%dma_wait3A_318, %dma_wait3A_319] : memref<1600x16xf32, #tpu.memory_space<vmem>> -> memref<800x16xf32, #tpu.memory_space<vmem>>
      %dma_wait3A_321 = arith.constant 0 : i32
      %dma_wait3A_322 = tpu.memref_slice %arg6[%dma_wait3A_321] : memref<1600xi32, #tpu.memory_space<vmem>> -> memref<800xi32, #tpu.memory_space<vmem>>
      %dma_wait3A_323 = arith.constant 0 : i32
      %dma_wait3A_324 = arith.constant 0 : i32
      %dma_wait3A_325 = tpu.memref_slice %arg2[%dma_wait3A_323, %dma_wait3A_324] : memref<1000000x16xf32, #tpu.memory_space<hbm>> -> memref<1000000x16xf32, #tpu.memory_space<hbm>>
      tpu.wait_indirect_dma semaphore(%arg18 : memref<!tpu.dma_semaphore, #tpu.memory_space<semaphore_mem>>) src(%dma_wait3A_325 : memref<1000000x16xf32, #tpu.memory_space<hbm>>) dst(%dma_wait3A_320 : memref<800x16xf32, #tpu.memory_space<vmem>>)
      %dma_wait3A_326 = arith.constant 800 : i32
      %dma_wait3A_327 = arith.constant 0 : i32
      %dma_wait3A_328 = tpu.memref_slice %arg10[%dma_wait3A_326, %dma_wait3A_327] : memref<1600x16xf32, #tpu.memory_space<vmem>> -> memref<800x16xf32, #tpu.memory_space<vmem>>
      %dma_wait3A_329 = arith.constant 800 : i32
      %dma_wait3A_330 = tpu.memref_slice %arg6[%dma_wait3A_329] : memref<1600xi32, #tpu.memory_space<vmem>> -> memref<800xi32, #tpu.memory_space<vmem>>
      %dma_wait3A_331 = arith.constant 0 : i32
      %dma_wait3A_332 = arith.constant 0 : i32
      %dma_wait3A_333 = tpu.memref_slice %arg2[%dma_wait3A_331, %dma_wait3A_332] : memref<1000000x16xf32, #tpu.memory_space<hbm>> -> memref<1000000x16xf32, #tpu.memory_space<hbm>>
      tpu.wait_indirect_dma semaphore(%arg18 : memref<!tpu.dma_semaphore, #tpu.memory_space<semaphore_mem>>) src(%dma_wait3A_333 : memref<1000000x16xf32, #tpu.memory_space<hbm>>) dst(%dma_wait3A_328 : memref<800x16xf32, #tpu.memory_space<vmem>>)
      %ge3A_334 = arith.constant 4 : i32
      %ge3A_335 = arith.cmpi sge, %add3A_310, %ge3A_334 : i32
      %convert_element_type3A_336 = arith.extui %ge3A_335 : i1 to i32
      %cond3A_337 = arith.constant 0 : i32
      %cond3A_338 = arith.cmpi ne, %convert_element_type3A_336, %cond3A_337 : i32
      scf.if %cond3A_338 {
        %sub3A = arith.constant 4 : i32
        %sub3A_972 = arith.subi %add3A_310, %sub3A : i32
        %mul3A_973 = arith.constant 8 : i32
        %mul3A_974 = arith.muli %sub3A_972, %mul3A_973 : i32
        %add3A_975 = arith.addi %mul3A_2, %mul3A_974 : i32
        %dma_wait3A_976 = arith.constant 0 : i32
        %dma_wait3A_977 = tpu.memref_slice %arg4[%add3A_975, %dma_wait3A_976] : memref<16384x16xf32, #tpu.memory_space<hbm>> -> memref<8x16xf32, #tpu.memory_space<hbm>>
        %dma_wait3A_978 = arith.constant 0 : i32
        %dma_wait3A_979 = tpu.memref_slice %arg4[%add3A_975, %dma_wait3A_978] : memref<16384x16xf32, #tpu.memory_space<hbm>> -> memref<8x16xf32, #tpu.memory_space<hbm>>
        tpu.wait_dma2 semaphore(%arg22 : memref<!tpu.dma_semaphore, #tpu.memory_space<semaphore_mem>>) src(%arg14 : memref<8x16xf32, #tpu.memory_space<vmem>>) dst(%dma_wait3A_979 : memref<8x16xf32, #tpu.memory_space<hbm>>)
      } else {
      }
      %broadcast_in_dim3A_339 = arith.constant 0.000000e+00 : f32
      %broadcast_in_dim3A_340 = vector.broadcast %broadcast_in_dim3A_339 : f32 to vector<16xf32>
      %scan3A_341 = arith.constant 0 : i32
      %scan3A_342 = arith.constant 25 : i32
      %scan3A_343 = arith.addi %scan3A_341, %scan3A_342 : i32
      %scan3A_344 = arith.constant 1 : i32
      %scan3A_345:8 = scf.for %scan3A_972 = %scan3A_341 to %scan3A_343 step %scan3A_344 iter_args(%scan3A_973 = %broadcast_in_dim3A_340, %scan3A_974 = %broadcast_in_dim3A_340, %scan3A_975 = %broadcast_in_dim3A_340, %scan3A_976 = %broadcast_in_dim3A_340, %scan3A_977 = %broadcast_in_dim3A_340, %scan3A_978 = %broadcast_in_dim3A_340, %scan3A_979 = %broadcast_in_dim3A_340, %scan3A_980 = %broadcast_in_dim3A_340) -> (vector<16xf32>, vector<16xf32>, vector<16xf32>, vector<16xf32>, vector<16xf32>, vector<16xf32>, vector<16xf32>, vector<16xf32>)  : i32 {
        %mul3A_981 = arith.constant 8 : i32
        %mul3A_982 = arith.muli %scan3A_972, %mul3A_981 : i32
        %add3A_983 = arith.constant 0 : i32
        %add3A_984 = arith.addi %add3A_983, %mul3A_982 : i32
        %add3A_985 = arith.constant 0 : i32
        %add3A_986 = arith.addi %add3A_984, %add3A_985 : i32
        %get3A = arith.index_cast %add3A_986 : i32 to index
        %get3A_987 = arith.constant 0 : index
        %get3A_988 = tpu.vector_load %arg10[%get3A, %get3A_987] {strides = array<i32>} : memref<1600x16xf32, #tpu.memory_space<vmem>>, vector<1x16xf32>,
        %get3A_989 = vector.shape_cast %get3A_988 : vector<1x16xf32> to vector<16xf32>
        %add3A_990 = arith.addf %scan3A_973, %get3A_989 : vector<16xf32>
        %add3A_991 = arith.constant 1 : i32
        %add3A_992 = arith.addi %add3A_984, %add3A_991 : i32
        %get3A_993 = arith.index_cast %add3A_992 : i32 to index
        %get3A_994 = arith.constant 0 : index
        %get3A_995 = tpu.vector_load %arg10[%get3A_993, %get3A_994] {strides = array<i32>} : memref<1600x16xf32, #tpu.memory_space<vmem>>, vector<1x16xf32>,
        %get3A_996 = vector.shape_cast %get3A_995 : vector<1x16xf32> to vector<16xf32>
        %add3A_997 = arith.addf %scan3A_974, %get3A_996 : vector<16xf32>
        %add3A_998 = arith.constant 2 : i32
        %add3A_999 = arith.addi %add3A_984, %add3A_998 : i32
        %get3A_1000 = arith.index_cast %add3A_999 : i32 to index
        %get3A_1001 = arith.constant 0 : index
        %get3A_1002 = tpu.vector_load %arg10[%get3A_1000, %get3A_1001] {strides = array<i32>} : memref<1600x16xf32, #tpu.memory_space<vmem>>, vector<1x16xf32>,
        %get3A_1003 = vector.shape_cast %get3A_1002 : vector<1x16xf32> to vector<16xf32>
        %add3A_1004 = arith.addf %scan3A_975, %get3A_1003 : vector<16xf32>
        %add3A_1005 = arith.constant 3 : i32
        %add3A_1006 = arith.addi %add3A_984, %add3A_1005 : i32
        %get3A_1007 = arith.index_cast %add3A_1006 : i32 to index
        %get3A_1008 = arith.constant 0 : index
        %get3A_1009 = tpu.vector_load %arg10[%get3A_1007, %get3A_1008] {strides = array<i32>} : memref<1600x16xf32, #tpu.memory_space<vmem>>, vector<1x16xf32>,
        %get3A_1010 = vector.shape_cast %get3A_1009 : vector<1x16xf32> to vector<16xf32>
        %add3A_1011 = arith.addf %scan3A_976, %get3A_1010 : vector<16xf32>
        %add3A_1012 = arith.constant 4 : i32
        %add3A_1013 = arith.addi %add3A_984, %add3A_1012 : i32
        %get3A_1014 = arith.index_cast %add3A_1013 : i32 to index
        %get3A_1015 = arith.constant 0 : index
        %get3A_1016 = tpu.vector_load %arg10[%get3A_1014, %get3A_1015] {strides = array<i32>} : memref<1600x16xf32, #tpu.memory_space<vmem>>, vector<1x16xf32>,
        %get3A_1017 = vector.shape_cast %get3A_1016 : vector<1x16xf32> to vector<16xf32>
        %add3A_1018 = arith.addf %scan3A_977, %get3A_1017 : vector<16xf32>
        %add3A_1019 = arith.constant 5 : i32
        %add3A_1020 = arith.addi %add3A_984, %add3A_1019 : i32
        %get3A_1021 = arith.index_cast %add3A_1020 : i32 to index
        %get3A_1022 = arith.constant 0 : index
        %get3A_1023 = tpu.vector_load %arg10[%get3A_1021, %get3A_1022] {strides = array<i32>} : memref<1600x16xf32, #tpu.memory_space<vmem>>, vector<1x16xf32>,
        %get3A_1024 = vector.shape_cast %get3A_1023 : vector<1x16xf32> to vector<16xf32>
        %add3A_1025 = arith.addf %scan3A_978, %get3A_1024 : vector<16xf32>
        %add3A_1026 = arith.constant 6 : i32
        %add3A_1027 = arith.addi %add3A_984, %add3A_1026 : i32
        %get3A_1028 = arith.index_cast %add3A_1027 : i32 to index
        %get3A_1029 = arith.constant 0 : index
        %get3A_1030 = tpu.vector_load %arg10[%get3A_1028, %get3A_1029] {strides = array<i32>} : memref<1600x16xf32, #tpu.memory_space<vmem>>, vector<1x16xf32>,
        %get3A_1031 = vector.shape_cast %get3A_1030 : vector<1x16xf32> to vector<16xf32>
        %add3A_1032 = arith.addf %scan3A_979, %get3A_1031 : vector<16xf32>
        %add3A_1033 = arith.constant 7 : i32
        %add3A_1034 = arith.addi %add3A_984, %add3A_1033 : i32
        %get3A_1035 = arith.index_cast %add3A_1034 : i32 to index
        %get3A_1036 = arith.constant 0 : index
        %get3A_1037 = tpu.vector_load %arg10[%get3A_1035, %get3A_1036] {strides = array<i32>} : memref<1600x16xf32, #tpu.memory_space<vmem>>, vector<1x16xf32>,
        %get3A_1038 = vector.shape_cast %get3A_1037 : vector<1x16xf32> to vector<16xf32>
        %add3A_1039 = arith.addf %scan3A_980, %get3A_1038 : vector<16xf32>
        scf.yield %add3A_990, %add3A_997, %add3A_1004, %add3A_1011, %add3A_1018, %add3A_1025, %add3A_1032, %add3A_1039 : vector<16xf32>, vector<16xf32>, vector<16xf32>, vector<16xf32>, vector<16xf32>, vector<16xf32>, vector<16xf32>, vector<16xf32>
      }
      %scan3A_346 = arith.constant 25 : i32
      %add3A_347 = arith.addf %scan3A_345#0, %scan3A_345#1 : vector<16xf32>
      %add3A_348 = arith.addf %add3A_347, %scan3A_345#2 : vector<16xf32>
      %add3A_349 = arith.addf %add3A_348, %scan3A_345#3 : vector<16xf32>
      %add3A_350 = arith.addf %add3A_349, %scan3A_345#4 : vector<16xf32>
      %add3A_351 = arith.addf %add3A_350, %scan3A_345#5 : vector<16xf32>
      %add3A_352 = arith.addf %add3A_351, %scan3A_345#6 : vector<16xf32>
      %add3A_353 = arith.addf %add3A_352, %scan3A_345#7 : vector<16xf32>
      %mul3A_354 = vector.broadcast %scan3A_62 : f32 to vector<16xf32>
      %mul3A_355 = arith.mulf %add3A_353, %mul3A_354 : vector<16xf32>
      %swap3A_356 = arith.constant 0 : i32
      %swap3A_357 = arith.index_cast %swap3A_356 : i32 to index
      %swap3A_358 = arith.constant 0 : index
      %swap3A_359 = tpu.vector_load %arg14[%swap3A_357, %swap3A_358] {strides = array<i32>} : memref<8x16xf32, #tpu.memory_space<vmem>>, vector<1x16xf32>,
      %swap3A_360 = vector.shape_cast %swap3A_359 : vector<1x16xf32> to vector<16xf32>
      %swap3A_361 = vector.shape_cast %mul3A_355 : vector<16xf32> to vector<1x16xf32>
      tpu.vector_store %arg14[%swap3A_357, %swap3A_358], %swap3A_361 {strides = array<i32>} : memref<8x16xf32, #tpu.memory_space<vmem>>, vector<1x16xf32>,
      %broadcast_in_dim3A_362 = arith.constant 0.000000e+00 : f32
      %broadcast_in_dim3A_363 = vector.broadcast %broadcast_in_dim3A_362 : f32 to vector<16xf32>
      %scan3A_364 = arith.constant 0 : i32
      %scan3A_365 = arith.constant 25 : i32
      %scan3A_366 = arith.addi %scan3A_364, %scan3A_365 : i32
      %scan3A_367 = arith.constant 1 : i32
      %scan3A_368:8 = scf.for %scan3A_972 = %scan3A_364 to %scan3A_366 step %scan3A_367 iter_args(%scan3A_973 = %broadcast_in_dim3A_363, %scan3A_974 = %broadcast_in_dim3A_363, %scan3A_975 = %broadcast_in_dim3A_363, %scan3A_976 = %broadcast_in_dim3A_363, %scan3A_977 = %broadcast_in_dim3A_363, %scan3A_978 = %broadcast_in_dim3A_363, %scan3A_979 = %broadcast_in_dim3A_363, %scan3A_980 = %broadcast_in_dim3A_363) -> (vector<16xf32>, vector<16xf32>, vector<16xf32>, vector<16xf32>, vector<16xf32>, vector<16xf32>, vector<16xf32>, vector<16xf32>)  : i32 {
        %mul3A_981 = arith.constant 8 : i32
        %mul3A_982 = arith.muli %scan3A_972, %mul3A_981 : i32
        %add3A_983 = arith.constant 200 : i32
        %add3A_984 = arith.addi %add3A_983, %mul3A_982 : i32
        %add3A_985 = arith.constant 0 : i32
        %add3A_986 = arith.addi %add3A_984, %add3A_985 : i32
        %get3A = arith.index_cast %add3A_986 : i32 to index
        %get3A_987 = arith.constant 0 : index
        %get3A_988 = tpu.vector_load %arg10[%get3A, %get3A_987] {strides = array<i32>} : memref<1600x16xf32, #tpu.memory_space<vmem>>, vector<1x16xf32>,
        %get3A_989 = vector.shape_cast %get3A_988 : vector<1x16xf32> to vector<16xf32>
        %add3A_990 = arith.addf %scan3A_973, %get3A_989 : vector<16xf32>
        %add3A_991 = arith.constant 1 : i32
        %add3A_992 = arith.addi %add3A_984, %add3A_991 : i32
        %get3A_993 = arith.index_cast %add3A_992 : i32 to index
        %get3A_994 = arith.constant 0 : index
        %get3A_995 = tpu.vector_load %arg10[%get3A_993, %get3A_994] {strides = array<i32>} : memref<1600x16xf32, #tpu.memory_space<vmem>>, vector<1x16xf32>,
        %get3A_996 = vector.shape_cast %get3A_995 : vector<1x16xf32> to vector<16xf32>
        %add3A_997 = arith.addf %scan3A_974, %get3A_996 : vector<16xf32>
        %add3A_998 = arith.constant 2 : i32
        %add3A_999 = arith.addi %add3A_984, %add3A_998 : i32
        %get3A_1000 = arith.index_cast %add3A_999 : i32 to index
        %get3A_1001 = arith.constant 0 : index
        %get3A_1002 = tpu.vector_load %arg10[%get3A_1000, %get3A_1001] {strides = array<i32>} : memref<1600x16xf32, #tpu.memory_space<vmem>>, vector<1x16xf32>,
        %get3A_1003 = vector.shape_cast %get3A_1002 : vector<1x16xf32> to vector<16xf32>
        %add3A_1004 = arith.addf %scan3A_975, %get3A_1003 : vector<16xf32>
        %add3A_1005 = arith.constant 3 : i32
        %add3A_1006 = arith.addi %add3A_984, %add3A_1005 : i32
        %get3A_1007 = arith.index_cast %add3A_1006 : i32 to index
        %get3A_1008 = arith.constant 0 : index
        %get3A_1009 = tpu.vector_load %arg10[%get3A_1007, %get3A_1008] {strides = array<i32>} : memref<1600x16xf32, #tpu.memory_space<vmem>>, vector<1x16xf32>,
        %get3A_1010 = vector.shape_cast %get3A_1009 : vector<1x16xf32> to vector<16xf32>
        %add3A_1011 = arith.addf %scan3A_976, %get3A_1010 : vector<16xf32>
        %add3A_1012 = arith.constant 4 : i32
        %add3A_1013 = arith.addi %add3A_984, %add3A_1012 : i32
        %get3A_1014 = arith.index_cast %add3A_1013 : i32 to index
        %get3A_1015 = arith.constant 0 : index
        %get3A_1016 = tpu.vector_load %arg10[%get3A_1014, %get3A_1015] {strides = array<i32>} : memref<1600x16xf32, #tpu.memory_space<vmem>>, vector<1x16xf32>,
        %get3A_1017 = vector.shape_cast %get3A_1016 : vector<1x16xf32> to vector<16xf32>
        %add3A_1018 = arith.addf %scan3A_977, %get3A_1017 : vector<16xf32>
        %add3A_1019 = arith.constant 5 : i32
        %add3A_1020 = arith.addi %add3A_984, %add3A_1019 : i32
        %get3A_1021 = arith.index_cast %add3A_1020 : i32 to index
        %get3A_1022 = arith.constant 0 : index
        %get3A_1023 = tpu.vector_load %arg10[%get3A_1021, %get3A_1022] {strides = array<i32>} : memref<1600x16xf32, #tpu.memory_space<vmem>>, vector<1x16xf32>,
        %get3A_1024 = vector.shape_cast %get3A_1023 : vector<1x16xf32> to vector<16xf32>
        %add3A_1025 = arith.addf %scan3A_978, %get3A_1024 : vector<16xf32>
        %add3A_1026 = arith.constant 6 : i32
        %add3A_1027 = arith.addi %add3A_984, %add3A_1026 : i32
        %get3A_1028 = arith.index_cast %add3A_1027 : i32 to index
        %get3A_1029 = arith.constant 0 : index
        %get3A_1030 = tpu.vector_load %arg10[%get3A_1028, %get3A_1029] {strides = array<i32>} : memref<1600x16xf32, #tpu.memory_space<vmem>>, vector<1x16xf32>,
        %get3A_1031 = vector.shape_cast %get3A_1030 : vector<1x16xf32> to vector<16xf32>
        %add3A_1032 = arith.addf %scan3A_979, %get3A_1031 : vector<16xf32>
        %add3A_1033 = arith.constant 7 : i32
        %add3A_1034 = arith.addi %add3A_984, %add3A_1033 : i32
        %get3A_1035 = arith.index_cast %add3A_1034 : i32 to index
        %get3A_1036 = arith.constant 0 : index
        %get3A_1037 = tpu.vector_load %arg10[%get3A_1035, %get3A_1036] {strides = array<i32>} : memref<1600x16xf32, #tpu.memory_space<vmem>>, vector<1x16xf32>,
        %get3A_1038 = vector.shape_cast %get3A_1037 : vector<1x16xf32> to vector<16xf32>
        %add3A_1039 = arith.addf %scan3A_980, %get3A_1038 : vector<16xf32>
        scf.yield %add3A_990, %add3A_997, %add3A_1004, %add3A_1011, %add3A_1018, %add3A_1025, %add3A_1032, %add3A_1039 : vector<16xf32>, vector<16xf32>, vector<16xf32>, vector<16xf32>, vector<16xf32>, vector<16xf32>, vector<16xf32>, vector<16xf32>
      }
      %scan3A_369 = arith.constant 25 : i32
      %add3A_370 = arith.addf %scan3A_368#0, %scan3A_368#1 : vector<16xf32>
      %add3A_371 = arith.addf %add3A_370, %scan3A_368#2 : vector<16xf32>
      %add3A_372 = arith.addf %add3A_371, %scan3A_368#3 : vector<16xf32>
      %add3A_373 = arith.addf %add3A_372, %scan3A_368#4 : vector<16xf32>
      %add3A_374 = arith.addf %add3A_373, %scan3A_368#5 : vector<16xf32>
      %add3A_375 = arith.addf %add3A_374, %scan3A_368#6 : vector<16xf32>
      %add3A_376 = arith.addf %add3A_375, %scan3A_368#7 : vector<16xf32>
      %mul3A_377 = vector.broadcast %scan3A_62 : f32 to vector<16xf32>
      %mul3A_378 = arith.mulf %add3A_376, %mul3A_377 : vector<16xf32>
      %swap3A_379 = arith.constant 1 : i32
      %swap3A_380 = arith.index_cast %swap3A_379 : i32 to index
      %swap3A_381 = arith.constant 0 : index
      %swap3A_382 = tpu.vector_load %arg14[%swap3A_380, %swap3A_381] {strides = array<i32>} : memref<8x16xf32, #tpu.memory_space<vmem>>, vector<1x16xf32>,
      %swap3A_383 = vector.shape_cast %swap3A_382 : vector<1x16xf32> to vector<16xf32>
      %swap3A_384 = vector.shape_cast %mul3A_378 : vector<16xf32> to vector<1x16xf32>
      tpu.vector_store %arg14[%swap3A_380, %swap3A_381], %swap3A_384 {strides = array<i32>} : memref<8x16xf32, #tpu.memory_space<vmem>>, vector<1x16xf32>,
      %broadcast_in_dim3A_385 = arith.constant 0.000000e+00 : f32
      %broadcast_in_dim3A_386 = vector.broadcast %broadcast_in_dim3A_385 : f32 to vector<16xf32>
      %scan3A_387 = arith.constant 0 : i32
      %scan3A_388 = arith.constant 25 : i32
      %scan3A_389 = arith.addi %scan3A_387, %scan3A_388 : i32
      %scan3A_390 = arith.constant 1 : i32
      %scan3A_391:8 = scf.for %scan3A_972 = %scan3A_387 to %scan3A_389 step %scan3A_390 iter_args(%scan3A_973 = %broadcast_in_dim3A_386, %scan3A_974 = %broadcast_in_dim3A_386, %scan3A_975 = %broadcast_in_dim3A_386, %scan3A_976 = %broadcast_in_dim3A_386, %scan3A_977 = %broadcast_in_dim3A_386, %scan3A_978 = %broadcast_in_dim3A_386, %scan3A_979 = %broadcast_in_dim3A_386, %scan3A_980 = %broadcast_in_dim3A_386) -> (vector<16xf32>, vector<16xf32>, vector<16xf32>, vector<16xf32>, vector<16xf32>, vector<16xf32>, vector<16xf32>, vector<16xf32>)  : i32 {
        %mul3A_981 = arith.constant 8 : i32
        %mul3A_982 = arith.muli %scan3A_972, %mul3A_981 : i32
        %add3A_983 = arith.constant 400 : i32
        %add3A_984 = arith.addi %add3A_983, %mul3A_982 : i32
        %add3A_985 = arith.constant 0 : i32
        %add3A_986 = arith.addi %add3A_984, %add3A_985 : i32
        %get3A = arith.index_cast %add3A_986 : i32 to index
        %get3A_987 = arith.constant 0 : index
        %get3A_988 = tpu.vector_load %arg10[%get3A, %get3A_987] {strides = array<i32>} : memref<1600x16xf32, #tpu.memory_space<vmem>>, vector<1x16xf32>,
        %get3A_989 = vector.shape_cast %get3A_988 : vector<1x16xf32> to vector<16xf32>
        %add3A_990 = arith.addf %scan3A_973, %get3A_989 : vector<16xf32>
        %add3A_991 = arith.constant 1 : i32
        %add3A_992 = arith.addi %add3A_984, %add3A_991 : i32
        %get3A_993 = arith.index_cast %add3A_992 : i32 to index
        %get3A_994 = arith.constant 0 : index
        %get3A_995 = tpu.vector_load %arg10[%get3A_993, %get3A_994] {strides = array<i32>} : memref<1600x16xf32, #tpu.memory_space<vmem>>, vector<1x16xf32>,
        %get3A_996 = vector.shape_cast %get3A_995 : vector<1x16xf32> to vector<16xf32>
        %add3A_997 = arith.addf %scan3A_974, %get3A_996 : vector<16xf32>
        %add3A_998 = arith.constant 2 : i32
        %add3A_999 = arith.addi %add3A_984, %add3A_998 : i32
        %get3A_1000 = arith.index_cast %add3A_999 : i32 to index
        %get3A_1001 = arith.constant 0 : index
        %get3A_1002 = tpu.vector_load %arg10[%get3A_1000, %get3A_1001] {strides = array<i32>} : memref<1600x16xf32, #tpu.memory_space<vmem>>, vector<1x16xf32>,
        %get3A_1003 = vector.shape_cast %get3A_1002 : vector<1x16xf32> to vector<16xf32>
        %add3A_1004 = arith.addf %scan3A_975, %get3A_1003 : vector<16xf32>
        %add3A_1005 = arith.constant 3 : i32
        %add3A_1006 = arith.addi %add3A_984, %add3A_1005 : i32
        %get3A_1007 = arith.index_cast %add3A_1006 : i32 to index
        %get3A_1008 = arith.constant 0 : index
        %get3A_1009 = tpu.vector_load %arg10[%get3A_1007, %get3A_1008] {strides = array<i32>} : memref<1600x16xf32, #tpu.memory_space<vmem>>, vector<1x16xf32>,
        %get3A_1010 = vector.shape_cast %get3A_1009 : vector<1x16xf32> to vector<16xf32>
        %add3A_1011 = arith.addf %scan3A_976, %get3A_1010 : vector<16xf32>
        %add3A_1012 = arith.constant 4 : i32
        %add3A_1013 = arith.addi %add3A_984, %add3A_1012 : i32
        %get3A_1014 = arith.index_cast %add3A_1013 : i32 to index
        %get3A_1015 = arith.constant 0 : index
        %get3A_1016 = tpu.vector_load %arg10[%get3A_1014, %get3A_1015] {strides = array<i32>} : memref<1600x16xf32, #tpu.memory_space<vmem>>, vector<1x16xf32>,
        %get3A_1017 = vector.shape_cast %get3A_1016 : vector<1x16xf32> to vector<16xf32>
        %add3A_1018 = arith.addf %scan3A_977, %get3A_1017 : vector<16xf32>
        %add3A_1019 = arith.constant 5 : i32
        %add3A_1020 = arith.addi %add3A_984, %add3A_1019 : i32
        %get3A_1021 = arith.index_cast %add3A_1020 : i32 to index
        %get3A_1022 = arith.constant 0 : index
        %get3A_1023 = tpu.vector_load %arg10[%get3A_1021, %get3A_1022] {strides = array<i32>} : memref<1600x16xf32, #tpu.memory_space<vmem>>, vector<1x16xf32>,
        %get3A_1024 = vector.shape_cast %get3A_1023 : vector<1x16xf32> to vector<16xf32>
        %add3A_1025 = arith.addf %scan3A_978, %get3A_1024 : vector<16xf32>
        %add3A_1026 = arith.constant 6 : i32
        %add3A_1027 = arith.addi %add3A_984, %add3A_1026 : i32
        %get3A_1028 = arith.index_cast %add3A_1027 : i32 to index
        %get3A_1029 = arith.constant 0 : index
        %get3A_1030 = tpu.vector_load %arg10[%get3A_1028, %get3A_1029] {strides = array<i32>} : memref<1600x16xf32, #tpu.memory_space<vmem>>, vector<1x16xf32>,
        %get3A_1031 = vector.shape_cast %get3A_1030 : vector<1x16xf32> to vector<16xf32>
        %add3A_1032 = arith.addf %scan3A_979, %get3A_1031 : vector<16xf32>
        %add3A_1033 = arith.constant 7 : i32
        %add3A_1034 = arith.addi %add3A_984, %add3A_1033 : i32
        %get3A_1035 = arith.index_cast %add3A_1034 : i32 to index
        %get3A_1036 = arith.constant 0 : index
        %get3A_1037 = tpu.vector_load %arg10[%get3A_1035, %get3A_1036] {strides = array<i32>} : memref<1600x16xf32, #tpu.memory_space<vmem>>, vector<1x16xf32>,
        %get3A_1038 = vector.shape_cast %get3A_1037 : vector<1x16xf32> to vector<16xf32>
        %add3A_1039 = arith.addf %scan3A_980, %get3A_1038 : vector<16xf32>
        scf.yield %add3A_990, %add3A_997, %add3A_1004, %add3A_1011, %add3A_1018, %add3A_1025, %add3A_1032, %add3A_1039 : vector<16xf32>, vector<16xf32>, vector<16xf32>, vector<16xf32>, vector<16xf32>, vector<16xf32>, vector<16xf32>, vector<16xf32>
      }
      %scan3A_392 = arith.constant 25 : i32
      %add3A_393 = arith.addf %scan3A_391#0, %scan3A_391#1 : vector<16xf32>
      %add3A_394 = arith.addf %add3A_393, %scan3A_391#2 : vector<16xf32>
      %add3A_395 = arith.addf %add3A_394, %scan3A_391#3 : vector<16xf32>
      %add3A_396 = arith.addf %add3A_395, %scan3A_391#4 : vector<16xf32>
      %add3A_397 = arith.addf %add3A_396, %scan3A_391#5 : vector<16xf32>
      %add3A_398 = arith.addf %add3A_397, %scan3A_391#6 : vector<16xf32>
      %add3A_399 = arith.addf %add3A_398, %scan3A_391#7 : vector<16xf32>
      %mul3A_400 = vector.broadcast %scan3A_62 : f32 to vector<16xf32>
      %mul3A_401 = arith.mulf %add3A_399, %mul3A_400 : vector<16xf32>
      %swap3A_402 = arith.constant 2 : i32
      %swap3A_403 = arith.index_cast %swap3A_402 : i32 to index
      %swap3A_404 = arith.constant 0 : index
      %swap3A_405 = tpu.vector_load %arg14[%swap3A_403, %swap3A_404] {strides = array<i32>} : memref<8x16xf32, #tpu.memory_space<vmem>>, vector<1x16xf32>,
      %swap3A_406 = vector.shape_cast %swap3A_405 : vector<1x16xf32> to vector<16xf32>
      %swap3A_407 = vector.shape_cast %mul3A_401 : vector<16xf32> to vector<1x16xf32>
      tpu.vector_store %arg14[%swap3A_403, %swap3A_404], %swap3A_407 {strides = array<i32>} : memref<8x16xf32, #tpu.memory_space<vmem>>, vector<1x16xf32>,
      %broadcast_in_dim3A_408 = arith.constant 0.000000e+00 : f32
      %broadcast_in_dim3A_409 = vector.broadcast %broadcast_in_dim3A_408 : f32 to vector<16xf32>
      %scan3A_410 = arith.constant 0 : i32
      %scan3A_411 = arith.constant 25 : i32
      %scan3A_412 = arith.addi %scan3A_410, %scan3A_411 : i32
      %scan3A_413 = arith.constant 1 : i32
      %scan3A_414:8 = scf.for %scan3A_972 = %scan3A_410 to %scan3A_412 step %scan3A_413 iter_args(%scan3A_973 = %broadcast_in_dim3A_409, %scan3A_974 = %broadcast_in_dim3A_409, %scan3A_975 = %broadcast_in_dim3A_409, %scan3A_976 = %broadcast_in_dim3A_409, %scan3A_977 = %broadcast_in_dim3A_409, %scan3A_978 = %broadcast_in_dim3A_409, %scan3A_979 = %broadcast_in_dim3A_409, %scan3A_980 = %broadcast_in_dim3A_409) -> (vector<16xf32>, vector<16xf32>, vector<16xf32>, vector<16xf32>, vector<16xf32>, vector<16xf32>, vector<16xf32>, vector<16xf32>)  : i32 {
        %mul3A_981 = arith.constant 8 : i32
        %mul3A_982 = arith.muli %scan3A_972, %mul3A_981 : i32
        %add3A_983 = arith.constant 600 : i32
        %add3A_984 = arith.addi %add3A_983, %mul3A_982 : i32
        %add3A_985 = arith.constant 0 : i32
        %add3A_986 = arith.addi %add3A_984, %add3A_985 : i32
        %get3A = arith.index_cast %add3A_986 : i32 to index
        %get3A_987 = arith.constant 0 : index
        %get3A_988 = tpu.vector_load %arg10[%get3A, %get3A_987] {strides = array<i32>} : memref<1600x16xf32, #tpu.memory_space<vmem>>, vector<1x16xf32>,
        %get3A_989 = vector.shape_cast %get3A_988 : vector<1x16xf32> to vector<16xf32>
        %add3A_990 = arith.addf %scan3A_973, %get3A_989 : vector<16xf32>
        %add3A_991 = arith.constant 1 : i32
        %add3A_992 = arith.addi %add3A_984, %add3A_991 : i32
        %get3A_993 = arith.index_cast %add3A_992 : i32 to index
        %get3A_994 = arith.constant 0 : index
        %get3A_995 = tpu.vector_load %arg10[%get3A_993, %get3A_994] {strides = array<i32>} : memref<1600x16xf32, #tpu.memory_space<vmem>>, vector<1x16xf32>,
        %get3A_996 = vector.shape_cast %get3A_995 : vector<1x16xf32> to vector<16xf32>
        %add3A_997 = arith.addf %scan3A_974, %get3A_996 : vector<16xf32>
        %add3A_998 = arith.constant 2 : i32
        %add3A_999 = arith.addi %add3A_984, %add3A_998 : i32
        %get3A_1000 = arith.index_cast %add3A_999 : i32 to index
        %get3A_1001 = arith.constant 0 : index
        %get3A_1002 = tpu.vector_load %arg10[%get3A_1000, %get3A_1001] {strides = array<i32>} : memref<1600x16xf32, #tpu.memory_space<vmem>>, vector<1x16xf32>,
        %get3A_1003 = vector.shape_cast %get3A_1002 : vector<1x16xf32> to vector<16xf32>
        %add3A_1004 = arith.addf %scan3A_975, %get3A_1003 : vector<16xf32>
        %add3A_1005 = arith.constant 3 : i32
        %add3A_1006 = arith.addi %add3A_984, %add3A_1005 : i32
        %get3A_1007 = arith.index_cast %add3A_1006 : i32 to index
        %get3A_1008 = arith.constant 0 : index
        %get3A_1009 = tpu.vector_load %arg10[%get3A_1007, %get3A_1008] {strides = array<i32>} : memref<1600x16xf32, #tpu.memory_space<vmem>>, vector<1x16xf32>,
        %get3A_1010 = vector.shape_cast %get3A_1009 : vector<1x16xf32> to vector<16xf32>
        %add3A_1011 = arith.addf %scan3A_976, %get3A_1010 : vector<16xf32>
        %add3A_1012 = arith.constant 4 : i32
        %add3A_1013 = arith.addi %add3A_984, %add3A_1012 : i32
        %get3A_1014 = arith.index_cast %add3A_1013 : i32 to index
        %get3A_1015 = arith.constant 0 : index
        %get3A_1016 = tpu.vector_load %arg10[%get3A_1014, %get3A_1015] {strides = array<i32>} : memref<1600x16xf32, #tpu.memory_space<vmem>>, vector<1x16xf32>,
        %get3A_1017 = vector.shape_cast %get3A_1016 : vector<1x16xf32> to vector<16xf32>
        %add3A_1018 = arith.addf %scan3A_977, %get3A_1017 : vector<16xf32>
        %add3A_1019 = arith.constant 5 : i32
        %add3A_1020 = arith.addi %add3A_984, %add3A_1019 : i32
        %get3A_1021 = arith.index_cast %add3A_1020 : i32 to index
        %get3A_1022 = arith.constant 0 : index
        %get3A_1023 = tpu.vector_load %arg10[%get3A_1021, %get3A_1022] {strides = array<i32>} : memref<1600x16xf32, #tpu.memory_space<vmem>>, vector<1x16xf32>,
        %get3A_1024 = vector.shape_cast %get3A_1023 : vector<1x16xf32> to vector<16xf32>
        %add3A_1025 = arith.addf %scan3A_978, %get3A_1024 : vector<16xf32>
        %add3A_1026 = arith.constant 6 : i32
        %add3A_1027 = arith.addi %add3A_984, %add3A_1026 : i32
        %get3A_1028 = arith.index_cast %add3A_1027 : i32 to index
        %get3A_1029 = arith.constant 0 : index
        %get3A_1030 = tpu.vector_load %arg10[%get3A_1028, %get3A_1029] {strides = array<i32>} : memref<1600x16xf32, #tpu.memory_space<vmem>>, vector<1x16xf32>,
        %get3A_1031 = vector.shape_cast %get3A_1030 : vector<1x16xf32> to vector<16xf32>
        %add3A_1032 = arith.addf %scan3A_979, %get3A_1031 : vector<16xf32>
        %add3A_1033 = arith.constant 7 : i32
        %add3A_1034 = arith.addi %add3A_984, %add3A_1033 : i32
        %get3A_1035 = arith.index_cast %add3A_1034 : i32 to index
        %get3A_1036 = arith.constant 0 : index
        %get3A_1037 = tpu.vector_load %arg10[%get3A_1035, %get3A_1036] {strides = array<i32>} : memref<1600x16xf32, #tpu.memory_space<vmem>>, vector<1x16xf32>,
        %get3A_1038 = vector.shape_cast %get3A_1037 : vector<1x16xf32> to vector<16xf32>
        %add3A_1039 = arith.addf %scan3A_980, %get3A_1038 : vector<16xf32>
        scf.yield %add3A_990, %add3A_997, %add3A_1004, %add3A_1011, %add3A_1018, %add3A_1025, %add3A_1032, %add3A_1039 : vector<16xf32>, vector<16xf32>, vector<16xf32>, vector<16xf32>, vector<16xf32>, vector<16xf32>, vector<16xf32>, vector<16xf32>
      }
      %scan3A_415 = arith.constant 25 : i32
      %add3A_416 = arith.addf %scan3A_414#0, %scan3A_414#1 : vector<16xf32>
      %add3A_417 = arith.addf %add3A_416, %scan3A_414#2 : vector<16xf32>
      %add3A_418 = arith.addf %add3A_417, %scan3A_414#3 : vector<16xf32>
      %add3A_419 = arith.addf %add3A_418, %scan3A_414#4 : vector<16xf32>
      %add3A_420 = arith.addf %add3A_419, %scan3A_414#5 : vector<16xf32>
      %add3A_421 = arith.addf %add3A_420, %scan3A_414#6 : vector<16xf32>
      %add3A_422 = arith.addf %add3A_421, %scan3A_414#7 : vector<16xf32>
      %mul3A_423 = vector.broadcast %scan3A_62 : f32 to vector<16xf32>
      %mul3A_424 = arith.mulf %add3A_422, %mul3A_423 : vector<16xf32>
      %swap3A_425 = arith.constant 3 : i32
      %swap3A_426 = arith.index_cast %swap3A_425 : i32 to index
      %swap3A_427 = arith.constant 0 : index
      %swap3A_428 = tpu.vector_load %arg14[%swap3A_426, %swap3A_427] {strides = array<i32>} : memref<8x16xf32, #tpu.memory_space<vmem>>, vector<1x16xf32>,
      %swap3A_429 = vector.shape_cast %swap3A_428 : vector<1x16xf32> to vector<16xf32>
      %swap3A_430 = vector.shape_cast %mul3A_424 : vector<16xf32> to vector<1x16xf32>
      tpu.vector_store %arg14[%swap3A_426, %swap3A_427], %swap3A_430 {strides = array<i32>} : memref<8x16xf32, #tpu.memory_space<vmem>>, vector<1x16xf32>,
      %broadcast_in_dim3A_431 = arith.constant 0.000000e+00 : f32
      %broadcast_in_dim3A_432 = vector.broadcast %broadcast_in_dim3A_431 : f32 to vector<16xf32>
      %scan3A_433 = arith.constant 0 : i32
      %scan3A_434 = arith.constant 25 : i32
      %scan3A_435 = arith.addi %scan3A_433, %scan3A_434 : i32
      %scan3A_436 = arith.constant 1 : i32
      %scan3A_437:8 = scf.for %scan3A_972 = %scan3A_433 to %scan3A_435 step %scan3A_436 iter_args(%scan3A_973 = %broadcast_in_dim3A_432, %scan3A_974 = %broadcast_in_dim3A_432, %scan3A_975 = %broadcast_in_dim3A_432, %scan3A_976 = %broadcast_in_dim3A_432, %scan3A_977 = %broadcast_in_dim3A_432, %scan3A_978 = %broadcast_in_dim3A_432, %scan3A_979 = %broadcast_in_dim3A_432, %scan3A_980 = %broadcast_in_dim3A_432) -> (vector<16xf32>, vector<16xf32>, vector<16xf32>, vector<16xf32>, vector<16xf32>, vector<16xf32>, vector<16xf32>, vector<16xf32>)  : i32 {
        %mul3A_981 = arith.constant 8 : i32
        %mul3A_982 = arith.muli %scan3A_972, %mul3A_981 : i32
        %add3A_983 = arith.constant 800 : i32
        %add3A_984 = arith.addi %add3A_983, %mul3A_982 : i32
        %add3A_985 = arith.constant 0 : i32
        %add3A_986 = arith.addi %add3A_984, %add3A_985 : i32
        %get3A = arith.index_cast %add3A_986 : i32 to index
        %get3A_987 = arith.constant 0 : index
        %get3A_988 = tpu.vector_load %arg10[%get3A, %get3A_987] {strides = array<i32>} : memref<1600x16xf32, #tpu.memory_space<vmem>>, vector<1x16xf32>,
        %get3A_989 = vector.shape_cast %get3A_988 : vector<1x16xf32> to vector<16xf32>
        %add3A_990 = arith.addf %scan3A_973, %get3A_989 : vector<16xf32>
        %add3A_991 = arith.constant 1 : i32
        %add3A_992 = arith.addi %add3A_984, %add3A_991 : i32
        %get3A_993 = arith.index_cast %add3A_992 : i32 to index
        %get3A_994 = arith.constant 0 : index
        %get3A_995 = tpu.vector_load %arg10[%get3A_993, %get3A_994] {strides = array<i32>} : memref<1600x16xf32, #tpu.memory_space<vmem>>, vector<1x16xf32>,
        %get3A_996 = vector.shape_cast %get3A_995 : vector<1x16xf32> to vector<16xf32>
        %add3A_997 = arith.addf %scan3A_974, %get3A_996 : vector<16xf32>
        %add3A_998 = arith.constant 2 : i32
        %add3A_999 = arith.addi %add3A_984, %add3A_998 : i32
        %get3A_1000 = arith.index_cast %add3A_999 : i32 to index
        %get3A_1001 = arith.constant 0 : index
        %get3A_1002 = tpu.vector_load %arg10[%get3A_1000, %get3A_1001] {strides = array<i32>} : memref<1600x16xf32, #tpu.memory_space<vmem>>, vector<1x16xf32>,
        %get3A_1003 = vector.shape_cast %get3A_1002 : vector<1x16xf32> to vector<16xf32>
        %add3A_1004 = arith.addf %scan3A_975, %get3A_1003 : vector<16xf32>
        %add3A_1005 = arith.constant 3 : i32
        %add3A_1006 = arith.addi %add3A_984, %add3A_1005 : i32
        %get3A_1007 = arith.index_cast %add3A_1006 : i32 to index
        %get3A_1008 = arith.constant 0 : index
        %get3A_1009 = tpu.vector_load %arg10[%get3A_1007, %get3A_1008] {strides = array<i32>} : memref<1600x16xf32, #tpu.memory_space<vmem>>, vector<1x16xf32>,
        %get3A_1010 = vector.shape_cast %get3A_1009 : vector<1x16xf32> to vector<16xf32>
        %add3A_1011 = arith.addf %scan3A_976, %get3A_1010 : vector<16xf32>
        %add3A_1012 = arith.constant 4 : i32
        %add3A_1013 = arith.addi %add3A_984, %add3A_1012 : i32
        %get3A_1014 = arith.index_cast %add3A_1013 : i32 to index
        %get3A_1015 = arith.constant 0 : index
        %get3A_1016 = tpu.vector_load %arg10[%get3A_1014, %get3A_1015] {strides = array<i32>} : memref<1600x16xf32, #tpu.memory_space<vmem>>, vector<1x16xf32>,
        %get3A_1017 = vector.shape_cast %get3A_1016 : vector<1x16xf32> to vector<16xf32>
        %add3A_1018 = arith.addf %scan3A_977, %get3A_1017 : vector<16xf32>
        %add3A_1019 = arith.constant 5 : i32
        %add3A_1020 = arith.addi %add3A_984, %add3A_1019 : i32
        %get3A_1021 = arith.index_cast %add3A_1020 : i32 to index
        %get3A_1022 = arith.constant 0 : index
        %get3A_1023 = tpu.vector_load %arg10[%get3A_1021, %get3A_1022] {strides = array<i32>} : memref<1600x16xf32, #tpu.memory_space<vmem>>, vector<1x16xf32>,
        %get3A_1024 = vector.shape_cast %get3A_1023 : vector<1x16xf32> to vector<16xf32>
        %add3A_1025 = arith.addf %scan3A_978, %get3A_1024 : vector<16xf32>
        %add3A_1026 = arith.constant 6 : i32
        %add3A_1027 = arith.addi %add3A_984, %add3A_1026 : i32
        %get3A_1028 = arith.index_cast %add3A_1027 : i32 to index
        %get3A_1029 = arith.constant 0 : index
        %get3A_1030 = tpu.vector_load %arg10[%get3A_1028, %get3A_1029] {strides = array<i32>} : memref<1600x16xf32, #tpu.memory_space<vmem>>, vector<1x16xf32>,
        %get3A_1031 = vector.shape_cast %get3A_1030 : vector<1x16xf32> to vector<16xf32>
        %add3A_1032 = arith.addf %scan3A_979, %get3A_1031 : vector<16xf32>
        %add3A_1033 = arith.constant 7 : i32
        %add3A_1034 = arith.addi %add3A_984, %add3A_1033 : i32
        %get3A_1035 = arith.index_cast %add3A_1034 : i32 to index
        %get3A_1036 = arith.constant 0 : index
        %get3A_1037 = tpu.vector_load %arg10[%get3A_1035, %get3A_1036] {strides = array<i32>} : memref<1600x16xf32, #tpu.memory_space<vmem>>, vector<1x16xf32>,
        %get3A_1038 = vector.shape_cast %get3A_1037 : vector<1x16xf32> to vector<16xf32>
        %add3A_1039 = arith.addf %scan3A_980, %get3A_1038 : vector<16xf32>
        scf.yield %add3A_990, %add3A_997, %add3A_1004, %add3A_1011, %add3A_1018, %add3A_1025, %add3A_1032, %add3A_1039 : vector<16xf32>, vector<16xf32>, vector<16xf32>, vector<16xf32>, vector<16xf32>, vector<16xf32>, vector<16xf32>, vector<16xf32>
      }
      %scan3A_438 = arith.constant 25 : i32
      %add3A_439 = arith.addf %scan3A_437#0, %scan3A_437#1 : vector<16xf32>
      %add3A_440 = arith.addf %add3A_439, %scan3A_437#2 : vector<16xf32>
      %add3A_441 = arith.addf %add3A_440, %scan3A_437#3 : vector<16xf32>
      %add3A_442 = arith.addf %add3A_441, %scan3A_437#4 : vector<16xf32>
      %add3A_443 = arith.addf %add3A_442, %scan3A_437#5 : vector<16xf32>
      %add3A_444 = arith.addf %add3A_443, %scan3A_437#6 : vector<16xf32>
      %add3A_445 = arith.addf %add3A_444, %scan3A_437#7 : vector<16xf32>
      %mul3A_446 = vector.broadcast %scan3A_62 : f32 to vector<16xf32>
      %mul3A_447 = arith.mulf %add3A_445, %mul3A_446 : vector<16xf32>
      %swap3A_448 = arith.constant 4 : i32
      %swap3A_449 = arith.index_cast %swap3A_448 : i32 to index
      %swap3A_450 = arith.constant 0 : index
      %swap3A_451 = tpu.vector_load %arg14[%swap3A_449, %swap3A_450] {strides = array<i32>} : memref<8x16xf32, #tpu.memory_space<vmem>>, vector<1x16xf32>,
      %swap3A_452 = vector.shape_cast %swap3A_451 : vector<1x16xf32> to vector<16xf32>
      %swap3A_453 = vector.shape_cast %mul3A_447 : vector<16xf32> to vector<1x16xf32>
      tpu.vector_store %arg14[%swap3A_449, %swap3A_450], %swap3A_453 {strides = array<i32>} : memref<8x16xf32, #tpu.memory_space<vmem>>, vector<1x16xf32>,
      %broadcast_in_dim3A_454 = arith.constant 0.000000e+00 : f32
      %broadcast_in_dim3A_455 = vector.broadcast %broadcast_in_dim3A_454 : f32 to vector<16xf32>
      %scan3A_456 = arith.constant 0 : i32
      %scan3A_457 = arith.constant 25 : i32
      %scan3A_458 = arith.addi %scan3A_456, %scan3A_457 : i32
      %scan3A_459 = arith.constant 1 : i32
      %scan3A_460:8 = scf.for %scan3A_972 = %scan3A_456 to %scan3A_458 step %scan3A_459 iter_args(%scan3A_973 = %broadcast_in_dim3A_455, %scan3A_974 = %broadcast_in_dim3A_455, %scan3A_975 = %broadcast_in_dim3A_455, %scan3A_976 = %broadcast_in_dim3A_455, %scan3A_977 = %broadcast_in_dim3A_455, %scan3A_978 = %broadcast_in_dim3A_455, %scan3A_979 = %broadcast_in_dim3A_455, %scan3A_980 = %broadcast_in_dim3A_455) -> (vector<16xf32>, vector<16xf32>, vector<16xf32>, vector<16xf32>, vector<16xf32>, vector<16xf32>, vector<16xf32>, vector<16xf32>)  : i32 {
        %mul3A_981 = arith.constant 8 : i32
        %mul3A_982 = arith.muli %scan3A_972, %mul3A_981 : i32
        %add3A_983 = arith.constant 1000 : i32
        %add3A_984 = arith.addi %add3A_983, %mul3A_982 : i32
        %add3A_985 = arith.constant 0 : i32
        %add3A_986 = arith.addi %add3A_984, %add3A_985 : i32
        %get3A = arith.index_cast %add3A_986 : i32 to index
        %get3A_987 = arith.constant 0 : index
        %get3A_988 = tpu.vector_load %arg10[%get3A, %get3A_987] {strides = array<i32>} : memref<1600x16xf32, #tpu.memory_space<vmem>>, vector<1x16xf32>,
        %get3A_989 = vector.shape_cast %get3A_988 : vector<1x16xf32> to vector<16xf32>
        %add3A_990 = arith.addf %scan3A_973, %get3A_989 : vector<16xf32>
        %add3A_991 = arith.constant 1 : i32
        %add3A_992 = arith.addi %add3A_984, %add3A_991 : i32
        %get3A_993 = arith.index_cast %add3A_992 : i32 to index
        %get3A_994 = arith.constant 0 : index
        %get3A_995 = tpu.vector_load %arg10[%get3A_993, %get3A_994] {strides = array<i32>} : memref<1600x16xf32, #tpu.memory_space<vmem>>, vector<1x16xf32>,
        %get3A_996 = vector.shape_cast %get3A_995 : vector<1x16xf32> to vector<16xf32>
        %add3A_997 = arith.addf %scan3A_974, %get3A_996 : vector<16xf32>
        %add3A_998 = arith.constant 2 : i32
        %add3A_999 = arith.addi %add3A_984, %add3A_998 : i32
        %get3A_1000 = arith.index_cast %add3A_999 : i32 to index
        %get3A_1001 = arith.constant 0 : index
        %get3A_1002 = tpu.vector_load %arg10[%get3A_1000, %get3A_1001] {strides = array<i32>} : memref<1600x16xf32, #tpu.memory_space<vmem>>, vector<1x16xf32>,
        %get3A_1003 = vector.shape_cast %get3A_1002 : vector<1x16xf32> to vector<16xf32>
        %add3A_1004 = arith.addf %scan3A_975, %get3A_1003 : vector<16xf32>
        %add3A_1005 = arith.constant 3 : i32
        %add3A_1006 = arith.addi %add3A_984, %add3A_1005 : i32
        %get3A_1007 = arith.index_cast %add3A_1006 : i32 to index
        %get3A_1008 = arith.constant 0 : index
        %get3A_1009 = tpu.vector_load %arg10[%get3A_1007, %get3A_1008] {strides = array<i32>} : memref<1600x16xf32, #tpu.memory_space<vmem>>, vector<1x16xf32>,
        %get3A_1010 = vector.shape_cast %get3A_1009 : vector<1x16xf32> to vector<16xf32>
        %add3A_1011 = arith.addf %scan3A_976, %get3A_1010 : vector<16xf32>
        %add3A_1012 = arith.constant 4 : i32
        %add3A_1013 = arith.addi %add3A_984, %add3A_1012 : i32
        %get3A_1014 = arith.index_cast %add3A_1013 : i32 to index
        %get3A_1015 = arith.constant 0 : index
        %get3A_1016 = tpu.vector_load %arg10[%get3A_1014, %get3A_1015] {strides = array<i32>} : memref<1600x16xf32, #tpu.memory_space<vmem>>, vector<1x16xf32>,
        %get3A_1017 = vector.shape_cast %get3A_1016 : vector<1x16xf32> to vector<16xf32>
        %add3A_1018 = arith.addf %scan3A_977, %get3A_1017 : vector<16xf32>
        %add3A_1019 = arith.constant 5 : i32
        %add3A_1020 = arith.addi %add3A_984, %add3A_1019 : i32
        %get3A_1021 = arith.index_cast %add3A_1020 : i32 to index
        %get3A_1022 = arith.constant 0 : index
        %get3A_1023 = tpu.vector_load %arg10[%get3A_1021, %get3A_1022] {strides = array<i32>} : memref<1600x16xf32, #tpu.memory_space<vmem>>, vector<1x16xf32>,
        %get3A_1024 = vector.shape_cast %get3A_1023 : vector<1x16xf32> to vector<16xf32>
        %add3A_1025 = arith.addf %scan3A_978, %get3A_1024 : vector<16xf32>
        %add3A_1026 = arith.constant 6 : i32
        %add3A_1027 = arith.addi %add3A_984, %add3A_1026 : i32
        %get3A_1028 = arith.index_cast %add3A_1027 : i32 to index
        %get3A_1029 = arith.constant 0 : index
        %get3A_1030 = tpu.vector_load %arg10[%get3A_1028, %get3A_1029] {strides = array<i32>} : memref<1600x16xf32, #tpu.memory_space<vmem>>, vector<1x16xf32>,
        %get3A_1031 = vector.shape_cast %get3A_1030 : vector<1x16xf32> to vector<16xf32>
        %add3A_1032 = arith.addf %scan3A_979, %get3A_1031 : vector<16xf32>
        %add3A_1033 = arith.constant 7 : i32
        %add3A_1034 = arith.addi %add3A_984, %add3A_1033 : i32
        %get3A_1035 = arith.index_cast %add3A_1034 : i32 to index
        %get3A_1036 = arith.constant 0 : index
        %get3A_1037 = tpu.vector_load %arg10[%get3A_1035, %get3A_1036] {strides = array<i32>} : memref<1600x16xf32, #tpu.memory_space<vmem>>, vector<1x16xf32>,
        %get3A_1038 = vector.shape_cast %get3A_1037 : vector<1x16xf32> to vector<16xf32>
        %add3A_1039 = arith.addf %scan3A_980, %get3A_1038 : vector<16xf32>
        scf.yield %add3A_990, %add3A_997, %add3A_1004, %add3A_1011, %add3A_1018, %add3A_1025, %add3A_1032, %add3A_1039 : vector<16xf32>, vector<16xf32>, vector<16xf32>, vector<16xf32>, vector<16xf32>, vector<16xf32>, vector<16xf32>, vector<16xf32>
      }
      %scan3A_461 = arith.constant 25 : i32
      %add3A_462 = arith.addf %scan3A_460#0, %scan3A_460#1 : vector<16xf32>
      %add3A_463 = arith.addf %add3A_462, %scan3A_460#2 : vector<16xf32>
      %add3A_464 = arith.addf %add3A_463, %scan3A_460#3 : vector<16xf32>
      %add3A_465 = arith.addf %add3A_464, %scan3A_460#4 : vector<16xf32>
      %add3A_466 = arith.addf %add3A_465, %scan3A_460#5 : vector<16xf32>
      %add3A_467 = arith.addf %add3A_466, %scan3A_460#6 : vector<16xf32>
      %add3A_468 = arith.addf %add3A_467, %scan3A_460#7 : vector<16xf32>
      %mul3A_469 = vector.broadcast %scan3A_62 : f32 to vector<16xf32>
      %mul3A_470 = arith.mulf %add3A_468, %mul3A_469 : vector<16xf32>
      %swap3A_471 = arith.constant 5 : i32
      %swap3A_472 = arith.index_cast %swap3A_471 : i32 to index
      %swap3A_473 = arith.constant 0 : index
      %swap3A_474 = tpu.vector_load %arg14[%swap3A_472, %swap3A_473] {strides = array<i32>} : memref<8x16xf32, #tpu.memory_space<vmem>>, vector<1x16xf32>,
      %swap3A_475 = vector.shape_cast %swap3A_474 : vector<1x16xf32> to vector<16xf32>
      %swap3A_476 = vector.shape_cast %mul3A_470 : vector<16xf32> to vector<1x16xf32>
      tpu.vector_store %arg14[%swap3A_472, %swap3A_473], %swap3A_476 {strides = array<i32>} : memref<8x16xf32, #tpu.memory_space<vmem>>, vector<1x16xf32>,
      %broadcast_in_dim3A_477 = arith.constant 0.000000e+00 : f32
      %broadcast_in_dim3A_478 = vector.broadcast %broadcast_in_dim3A_477 : f32 to vector<16xf32>
      %scan3A_479 = arith.constant 0 : i32
      %scan3A_480 = arith.constant 25 : i32
      %scan3A_481 = arith.addi %scan3A_479, %scan3A_480 : i32
      %scan3A_482 = arith.constant 1 : i32
      %scan3A_483:8 = scf.for %scan3A_972 = %scan3A_479 to %scan3A_481 step %scan3A_482 iter_args(%scan3A_973 = %broadcast_in_dim3A_478, %scan3A_974 = %broadcast_in_dim3A_478, %scan3A_975 = %broadcast_in_dim3A_478, %scan3A_976 = %broadcast_in_dim3A_478, %scan3A_977 = %broadcast_in_dim3A_478, %scan3A_978 = %broadcast_in_dim3A_478, %scan3A_979 = %broadcast_in_dim3A_478, %scan3A_980 = %broadcast_in_dim3A_478) -> (vector<16xf32>, vector<16xf32>, vector<16xf32>, vector<16xf32>, vector<16xf32>, vector<16xf32>, vector<16xf32>, vector<16xf32>)  : i32 {
        %mul3A_981 = arith.constant 8 : i32
        %mul3A_982 = arith.muli %scan3A_972, %mul3A_981 : i32
        %add3A_983 = arith.constant 1200 : i32
        %add3A_984 = arith.addi %add3A_983, %mul3A_982 : i32
        %add3A_985 = arith.constant 0 : i32
        %add3A_986 = arith.addi %add3A_984, %add3A_985 : i32
        %get3A = arith.index_cast %add3A_986 : i32 to index
        %get3A_987 = arith.constant 0 : index
        %get3A_988 = tpu.vector_load %arg10[%get3A, %get3A_987] {strides = array<i32>} : memref<1600x16xf32, #tpu.memory_space<vmem>>, vector<1x16xf32>,
        %get3A_989 = vector.shape_cast %get3A_988 : vector<1x16xf32> to vector<16xf32>
        %add3A_990 = arith.addf %scan3A_973, %get3A_989 : vector<16xf32>
        %add3A_991 = arith.constant 1 : i32
        %add3A_992 = arith.addi %add3A_984, %add3A_991 : i32
        %get3A_993 = arith.index_cast %add3A_992 : i32 to index
        %get3A_994 = arith.constant 0 : index
        %get3A_995 = tpu.vector_load %arg10[%get3A_993, %get3A_994] {strides = array<i32>} : memref<1600x16xf32, #tpu.memory_space<vmem>>, vector<1x16xf32>,
        %get3A_996 = vector.shape_cast %get3A_995 : vector<1x16xf32> to vector<16xf32>
        %add3A_997 = arith.addf %scan3A_974, %get3A_996 : vector<16xf32>
        %add3A_998 = arith.constant 2 : i32
        %add3A_999 = arith.addi %add3A_984, %add3A_998 : i32
        %get3A_1000 = arith.index_cast %add3A_999 : i32 to index
        %get3A_1001 = arith.constant 0 : index
        %get3A_1002 = tpu.vector_load %arg10[%get3A_1000, %get3A_1001] {strides = array<i32>} : memref<1600x16xf32, #tpu.memory_space<vmem>>, vector<1x16xf32>,
        %get3A_1003 = vector.shape_cast %get3A_1002 : vector<1x16xf32> to vector<16xf32>
        %add3A_1004 = arith.addf %scan3A_975, %get3A_1003 : vector<16xf32>
        %add3A_1005 = arith.constant 3 : i32
        %add3A_1006 = arith.addi %add3A_984, %add3A_1005 : i32
        %get3A_1007 = arith.index_cast %add3A_1006 : i32 to index
        %get3A_1008 = arith.constant 0 : index
        %get3A_1009 = tpu.vector_load %arg10[%get3A_1007, %get3A_1008] {strides = array<i32>} : memref<1600x16xf32, #tpu.memory_space<vmem>>, vector<1x16xf32>,
        %get3A_1010 = vector.shape_cast %get3A_1009 : vector<1x16xf32> to vector<16xf32>
        %add3A_1011 = arith.addf %scan3A_976, %get3A_1010 : vector<16xf32>
        %add3A_1012 = arith.constant 4 : i32
        %add3A_1013 = arith.addi %add3A_984, %add3A_1012 : i32
        %get3A_1014 = arith.index_cast %add3A_1013 : i32 to index
        %get3A_1015 = arith.constant 0 : index
        %get3A_1016 = tpu.vector_load %arg10[%get3A_1014, %get3A_1015] {strides = array<i32>} : memref<1600x16xf32, #tpu.memory_space<vmem>>, vector<1x16xf32>,
        %get3A_1017 = vector.shape_cast %get3A_1016 : vector<1x16xf32> to vector<16xf32>
        %add3A_1018 = arith.addf %scan3A_977, %get3A_1017 : vector<16xf32>
        %add3A_1019 = arith.constant 5 : i32
        %add3A_1020 = arith.addi %add3A_984, %add3A_1019 : i32
        %get3A_1021 = arith.index_cast %add3A_1020 : i32 to index
        %get3A_1022 = arith.constant 0 : index
        %get3A_1023 = tpu.vector_load %arg10[%get3A_1021, %get3A_1022] {strides = array<i32>} : memref<1600x16xf32, #tpu.memory_space<vmem>>, vector<1x16xf32>,
        %get3A_1024 = vector.shape_cast %get3A_1023 : vector<1x16xf32> to vector<16xf32>
        %add3A_1025 = arith.addf %scan3A_978, %get3A_1024 : vector<16xf32>
        %add3A_1026 = arith.constant 6 : i32
        %add3A_1027 = arith.addi %add3A_984, %add3A_1026 : i32
        %get3A_1028 = arith.index_cast %add3A_1027 : i32 to index
        %get3A_1029 = arith.constant 0 : index
        %get3A_1030 = tpu.vector_load %arg10[%get3A_1028, %get3A_1029] {strides = array<i32>} : memref<1600x16xf32, #tpu.memory_space<vmem>>, vector<1x16xf32>,
        %get3A_1031 = vector.shape_cast %get3A_1030 : vector<1x16xf32> to vector<16xf32>
        %add3A_1032 = arith.addf %scan3A_979, %get3A_1031 : vector<16xf32>
        %add3A_1033 = arith.constant 7 : i32
        %add3A_1034 = arith.addi %add3A_984, %add3A_1033 : i32
        %get3A_1035 = arith.index_cast %add3A_1034 : i32 to index
        %get3A_1036 = arith.constant 0 : index
        %get3A_1037 = tpu.vector_load %arg10[%get3A_1035, %get3A_1036] {strides = array<i32>} : memref<1600x16xf32, #tpu.memory_space<vmem>>, vector<1x16xf32>,
        %get3A_1038 = vector.shape_cast %get3A_1037 : vector<1x16xf32> to vector<16xf32>
        %add3A_1039 = arith.addf %scan3A_980, %get3A_1038 : vector<16xf32>
        scf.yield %add3A_990, %add3A_997, %add3A_1004, %add3A_1011, %add3A_1018, %add3A_1025, %add3A_1032, %add3A_1039 : vector<16xf32>, vector<16xf32>, vector<16xf32>, vector<16xf32>, vector<16xf32>, vector<16xf32>, vector<16xf32>, vector<16xf32>
      }
      %scan3A_484 = arith.constant 25 : i32
      %add3A_485 = arith.addf %scan3A_483#0, %scan3A_483#1 : vector<16xf32>
      %add3A_486 = arith.addf %add3A_485, %scan3A_483#2 : vector<16xf32>
      %add3A_487 = arith.addf %add3A_486, %scan3A_483#3 : vector<16xf32>
      %add3A_488 = arith.addf %add3A_487, %scan3A_483#4 : vector<16xf32>
      %add3A_489 = arith.addf %add3A_488, %scan3A_483#5 : vector<16xf32>
      %add3A_490 = arith.addf %add3A_489, %scan3A_483#6 : vector<16xf32>
      %add3A_491 = arith.addf %add3A_490, %scan3A_483#7 : vector<16xf32>
      %mul3A_492 = vector.broadcast %scan3A_62 : f32 to vector<16xf32>
      %mul3A_493 = arith.mulf %add3A_491, %mul3A_492 : vector<16xf32>
      %swap3A_494 = arith.constant 6 : i32
      %swap3A_495 = arith.index_cast %swap3A_494 : i32 to index
      %swap3A_496 = arith.constant 0 : index
      %swap3A_497 = tpu.vector_load %arg14[%swap3A_495, %swap3A_496] {strides = array<i32>} : memref<8x16xf32, #tpu.memory_space<vmem>>, vector<1x16xf32>,
      %swap3A_498 = vector.shape_cast %swap3A_497 : vector<1x16xf32> to vector<16xf32>
      %swap3A_499 = vector.shape_cast %mul3A_493 : vector<16xf32> to vector<1x16xf32>
      tpu.vector_store %arg14[%swap3A_495, %swap3A_496], %swap3A_499 {strides = array<i32>} : memref<8x16xf32, #tpu.memory_space<vmem>>, vector<1x16xf32>,
      %broadcast_in_dim3A_500 = arith.constant 0.000000e+00 : f32
      %broadcast_in_dim3A_501 = vector.broadcast %broadcast_in_dim3A_500 : f32 to vector<16xf32>
      %scan3A_502 = arith.constant 0 : i32
      %scan3A_503 = arith.constant 25 : i32
      %scan3A_504 = arith.addi %scan3A_502, %scan3A_503 : i32
      %scan3A_505 = arith.constant 1 : i32
      %scan3A_506:8 = scf.for %scan3A_972 = %scan3A_502 to %scan3A_504 step %scan3A_505 iter_args(%scan3A_973 = %broadcast_in_dim3A_501, %scan3A_974 = %broadcast_in_dim3A_501, %scan3A_975 = %broadcast_in_dim3A_501, %scan3A_976 = %broadcast_in_dim3A_501, %scan3A_977 = %broadcast_in_dim3A_501, %scan3A_978 = %broadcast_in_dim3A_501, %scan3A_979 = %broadcast_in_dim3A_501, %scan3A_980 = %broadcast_in_dim3A_501) -> (vector<16xf32>, vector<16xf32>, vector<16xf32>, vector<16xf32>, vector<16xf32>, vector<16xf32>, vector<16xf32>, vector<16xf32>)  : i32 {
        %mul3A_981 = arith.constant 8 : i32
        %mul3A_982 = arith.muli %scan3A_972, %mul3A_981 : i32
        %add3A_983 = arith.constant 1400 : i32
        %add3A_984 = arith.addi %add3A_983, %mul3A_982 : i32
        %add3A_985 = arith.constant 0 : i32
        %add3A_986 = arith.addi %add3A_984, %add3A_985 : i32
        %get3A = arith.index_cast %add3A_986 : i32 to index
        %get3A_987 = arith.constant 0 : index
        %get3A_988 = tpu.vector_load %arg10[%get3A, %get3A_987] {strides = array<i32>} : memref<1600x16xf32, #tpu.memory_space<vmem>>, vector<1x16xf32>,
        %get3A_989 = vector.shape_cast %get3A_988 : vector<1x16xf32> to vector<16xf32>
        %add3A_990 = arith.addf %scan3A_973, %get3A_989 : vector<16xf32>
        %add3A_991 = arith.constant 1 : i32
        %add3A_992 = arith.addi %add3A_984, %add3A_991 : i32
        %get3A_993 = arith.index_cast %add3A_992 : i32 to index
        %get3A_994 = arith.constant 0 : index
        %get3A_995 = tpu.vector_load %arg10[%get3A_993, %get3A_994] {strides = array<i32>} : memref<1600x16xf32, #tpu.memory_space<vmem>>, vector<1x16xf32>,
        %get3A_996 = vector.shape_cast %get3A_995 : vector<1x16xf32> to vector<16xf32>
        %add3A_997 = arith.addf %scan3A_974, %get3A_996 : vector<16xf32>
        %add3A_998 = arith.constant 2 : i32
        %add3A_999 = arith.addi %add3A_984, %add3A_998 : i32
        %get3A_1000 = arith.index_cast %add3A_999 : i32 to index
        %get3A_1001 = arith.constant 0 : index
        %get3A_1002 = tpu.vector_load %arg10[%get3A_1000, %get3A_1001] {strides = array<i32>} : memref<1600x16xf32, #tpu.memory_space<vmem>>, vector<1x16xf32>,
        %get3A_1003 = vector.shape_cast %get3A_1002 : vector<1x16xf32> to vector<16xf32>
        %add3A_1004 = arith.addf %scan3A_975, %get3A_1003 : vector<16xf32>
        %add3A_1005 = arith.constant 3 : i32
        %add3A_1006 = arith.addi %add3A_984, %add3A_1005 : i32
        %get3A_1007 = arith.index_cast %add3A_1006 : i32 to index
        %get3A_1008 = arith.constant 0 : index
        %get3A_1009 = tpu.vector_load %arg10[%get3A_1007, %get3A_1008] {strides = array<i32>} : memref<1600x16xf32, #tpu.memory_space<vmem>>, vector<1x16xf32>,
        %get3A_1010 = vector.shape_cast %get3A_1009 : vector<1x16xf32> to vector<16xf32>
        %add3A_1011 = arith.addf %scan3A_976, %get3A_1010 : vector<16xf32>
        %add3A_1012 = arith.constant 4 : i32
        %add3A_1013 = arith.addi %add3A_984, %add3A_1012 : i32
        %get3A_1014 = arith.index_cast %add3A_1013 : i32 to index
        %get3A_1015 = arith.constant 0 : index
        %get3A_1016 = tpu.vector_load %arg10[%get3A_1014, %get3A_1015] {strides = array<i32>} : memref<1600x16xf32, #tpu.memory_space<vmem>>, vector<1x16xf32>,
        %get3A_1017 = vector.shape_cast %get3A_1016 : vector<1x16xf32> to vector<16xf32>
        %add3A_1018 = arith.addf %scan3A_977, %get3A_1017 : vector<16xf32>
        %add3A_1019 = arith.constant 5 : i32
        %add3A_1020 = arith.addi %add3A_984, %add3A_1019 : i32
        %get3A_1021 = arith.index_cast %add3A_1020 : i32 to index
        %get3A_1022 = arith.constant 0 : index
        %get3A_1023 = tpu.vector_load %arg10[%get3A_1021, %get3A_1022] {strides = array<i32>} : memref<1600x16xf32, #tpu.memory_space<vmem>>, vector<1x16xf32>,
        %get3A_1024 = vector.shape_cast %get3A_1023 : vector<1x16xf32> to vector<16xf32>
        %add3A_1025 = arith.addf %scan3A_978, %get3A_1024 : vector<16xf32>
        %add3A_1026 = arith.constant 6 : i32
        %add3A_1027 = arith.addi %add3A_984, %add3A_1026 : i32
        %get3A_1028 = arith.index_cast %add3A_1027 : i32 to index
        %get3A_1029 = arith.constant 0 : index
        %get3A_1030 = tpu.vector_load %arg10[%get3A_1028, %get3A_1029] {strides = array<i32>} : memref<1600x16xf32, #tpu.memory_space<vmem>>, vector<1x16xf32>,
        %get3A_1031 = vector.shape_cast %get3A_1030 : vector<1x16xf32> to vector<16xf32>
        %add3A_1032 = arith.addf %scan3A_979, %get3A_1031 : vector<16xf32>
        %add3A_1033 = arith.constant 7 : i32
        %add3A_1034 = arith.addi %add3A_984, %add3A_1033 : i32
        %get3A_1035 = arith.index_cast %add3A_1034 : i32 to index
        %get3A_1036 = arith.constant 0 : index
        %get3A_1037 = tpu.vector_load %arg10[%get3A_1035, %get3A_1036] {strides = array<i32>} : memref<1600x16xf32, #tpu.memory_space<vmem>>, vector<1x16xf32>,
        %get3A_1038 = vector.shape_cast %get3A_1037 : vector<1x16xf32> to vector<16xf32>
        %add3A_1039 = arith.addf %scan3A_980, %get3A_1038 : vector<16xf32>
        scf.yield %add3A_990, %add3A_997, %add3A_1004, %add3A_1011, %add3A_1018, %add3A_1025, %add3A_1032, %add3A_1039 : vector<16xf32>, vector<16xf32>, vector<16xf32>, vector<16xf32>, vector<16xf32>, vector<16xf32>, vector<16xf32>, vector<16xf32>
      }
      %scan3A_507 = arith.constant 25 : i32
      %add3A_508 = arith.addf %scan3A_506#0, %scan3A_506#1 : vector<16xf32>
      %add3A_509 = arith.addf %add3A_508, %scan3A_506#2 : vector<16xf32>
      %add3A_510 = arith.addf %add3A_509, %scan3A_506#3 : vector<16xf32>
      %add3A_511 = arith.addf %add3A_510, %scan3A_506#4 : vector<16xf32>
      %add3A_512 = arith.addf %add3A_511, %scan3A_506#5 : vector<16xf32>
      %add3A_513 = arith.addf %add3A_512, %scan3A_506#6 : vector<16xf32>
      %add3A_514 = arith.addf %add3A_513, %scan3A_506#7 : vector<16xf32>
      %mul3A_515 = vector.broadcast %scan3A_62 : f32 to vector<16xf32>
      %mul3A_516 = arith.mulf %add3A_514, %mul3A_515 : vector<16xf32>
      %swap3A_517 = arith.constant 7 : i32
      %swap3A_518 = arith.index_cast %swap3A_517 : i32 to index
      %swap3A_519 = arith.constant 0 : index
      %swap3A_520 = tpu.vector_load %arg14[%swap3A_518, %swap3A_519] {strides = array<i32>} : memref<8x16xf32, #tpu.memory_space<vmem>>, vector<1x16xf32>,
      %swap3A_521 = vector.shape_cast %swap3A_520 : vector<1x16xf32> to vector<16xf32>
      %swap3A_522 = vector.shape_cast %mul3A_516 : vector<16xf32> to vector<1x16xf32>
      tpu.vector_store %arg14[%swap3A_518, %swap3A_519], %swap3A_522 {strides = array<i32>} : memref<8x16xf32, #tpu.memory_space<vmem>>, vector<1x16xf32>,
      %mul3A_523 = arith.constant 8 : i32
      %mul3A_524 = arith.muli %add3A_310, %mul3A_523 : i32
      %add3A_525 = arith.addi %mul3A_2, %mul3A_524 : i32
      %dma_start3A_526 = arith.constant 0 : i32
      %dma_start3A_527 = tpu.memref_slice %arg4[%add3A_525, %dma_start3A_526] : memref<16384x16xf32, #tpu.memory_space<hbm>> -> memref<8x16xf32, #tpu.memory_space<hbm>>
      %dma_start3A_528 = arith.constant 0 : i32
      %dma_start3A_529 = tpu.memref_slice %arg4[%add3A_525, %dma_start3A_528] : memref<16384x16xf32, #tpu.memory_space<hbm>> -> memref<8x16xf32, #tpu.memory_space<hbm>>
      tpu.enqueue_dma source(%arg14 : memref<8x16xf32, #tpu.memory_space<vmem>>) target(%dma_start3A_529 : memref<8x16xf32, #tpu.memory_space<hbm>>) target_semaphore(%arg22 : memref<!tpu.dma_semaphore, #tpu.memory_space<semaphore_mem>>)
      %add3A_530 = arith.constant 2 : i32
      %add3A_531 = arith.addi %mul3A_93, %add3A_530 : i32
      %add3A_532 = arith.constant 3 : i32
      %add3A_533 = arith.addi %add3A_531, %add3A_532 : i32
      %lt3A_534 = arith.constant 64 : i32
      %lt3A_535 = arith.cmpi slt, %add3A_533, %lt3A_534 : i32
      %convert_element_type3A_536 = arith.extui %lt3A_535 : i1 to i32
      %cond3A_537 = arith.constant 0 : i32
      %cond3A_538 = arith.cmpi ne, %convert_element_type3A_536, %cond3A_537 : i32
      scf.if %cond3A_538 {
        %add3A_972 = arith.constant 3 : i32
        %add3A_973 = arith.addi %add3A_531, %add3A_972 : i32
        %mul3A_974 = arith.constant 8 : i32
        %mul3A_975 = arith.muli %add3A_973, %mul3A_974 : i32
        %add3A_976 = arith.addi %mul3A_2, %mul3A_975 : i32
        %mul3A_977 = arith.constant 200 : i32
        %mul3A_978 = arith.muli %add3A_976, %mul3A_977 : i32
        "tpu.region"() ({
          %run_scoped3A = tpu.sem_alloc : memref<!tpu.dma_semaphore, #tpu.memory_space<semaphore_mem>>
          %dma_start3A_995 = tpu.memref_slice %arg3[%mul3A_978] : memref<3276800xi32, #tpu.memory_space<hbm>> -> memref<1600xi32, #tpu.memory_space<hbm>>
          %dma_start3A_996 = tpu.memref_slice %arg3[%mul3A_978] : memref<3276800xi32, #tpu.memory_space<hbm>> -> memref<1600xi32, #tpu.memory_space<hbm>>
          tpu.enqueue_dma source(%dma_start3A_996 : memref<1600xi32, #tpu.memory_space<hbm>>) target(%arg6 : memref<1600xi32, #tpu.memory_space<vmem>>) target_semaphore(%run_scoped3A : memref<!tpu.dma_semaphore, #tpu.memory_space<semaphore_mem>>)
          %dma_wait3A_997 = tpu.memref_slice %arg3[%mul3A_978] : memref<3276800xi32, #tpu.memory_space<hbm>> -> memref<1600xi32, #tpu.memory_space<hbm>>
          %dma_wait3A_998 = tpu.memref_slice %arg3[%mul3A_978] : memref<3276800xi32, #tpu.memory_space<hbm>> -> memref<1600xi32, #tpu.memory_space<hbm>>
          tpu.wait_dma2 semaphore(%run_scoped3A : memref<!tpu.dma_semaphore, #tpu.memory_space<semaphore_mem>>) src(%dma_wait3A_998 : memref<1600xi32, #tpu.memory_space<hbm>>) dst(%arg6 : memref<1600xi32, #tpu.memory_space<vmem>>)
          tpu.yield
        }) : () -> ()
        %dma_start3A_979 = arith.constant 0 : i32
        %dma_start3A_980 = arith.constant 0 : i32
        %dma_start3A_981 = tpu.memref_slice %arg10[%dma_start3A_979, %dma_start3A_980] : memref<1600x16xf32, #tpu.memory_space<vmem>> -> memref<800x16xf32, #tpu.memory_space<vmem>>
        %dma_start3A_982 = arith.constant 0 : i32
        %dma_start3A_983 = tpu.memref_slice %arg6[%dma_start3A_982] : memref<1600xi32, #tpu.memory_space<vmem>> -> memref<800xi32, #tpu.memory_space<vmem>>
        %dma_start3A_984 = arith.constant 0 : i32
        %dma_start3A_985 = arith.constant 0 : i32
        %dma_start3A_986 = tpu.memref_slice %arg2[%dma_start3A_984, %dma_start3A_985] : memref<1000000x16xf32, #tpu.memory_space<hbm>> -> memref<1000000x16xf32, #tpu.memory_space<hbm>>
        tpu.enqueue_indirect_dma source(%dma_start3A_986 : memref<1000000x16xf32, #tpu.memory_space<hbm>>) target(%dma_start3A_981 : memref<800x16xf32, #tpu.memory_space<vmem>>) offsets(%dma_start3A_983 : memref<800xi32, #tpu.memory_space<vmem>>) semaphore(%arg18 : memref<!tpu.dma_semaphore, #tpu.memory_space<semaphore_mem>>)
        %dma_start3A_987 = arith.constant 800 : i32
        %dma_start3A_988 = arith.constant 0 : i32
        %dma_start3A_989 = tpu.memref_slice %arg10[%dma_start3A_987, %dma_start3A_988] : memref<1600x16xf32, #tpu.memory_space<vmem>> -> memref<800x16xf32, #tpu.memory_space<vmem>>
        %dma_start3A_990 = arith.constant 800 : i32
        %dma_start3A_991 = tpu.memref_slice %arg6[%dma_start3A_990] : memref<1600xi32, #tpu.memory_space<vmem>> -> memref<800xi32, #tpu.memory_space<vmem>>
        %dma_start3A_992 = arith.constant 0 : i32
        %dma_start3A_993 = arith.constant 0 : i32
        %dma_start3A_994 = tpu.memref_slice %arg2[%dma_start3A_992, %dma_start3A_993] : memref<1000000x16xf32, #tpu.memory_space<hbm>> -> memref<1000000x16xf32, #tpu.memory_space<hbm>>
        tpu.enqueue_indirect_dma source(%dma_start3A_994 : memref<1000000x16xf32, #tpu.memory_space<hbm>>) target(%dma_start3A_989 : memref<800x16xf32, #tpu.memory_space<vmem>>) offsets(%dma_start3A_991 : memref<800xi32, #tpu.memory_space<vmem>>) semaphore(%arg18 : memref<!tpu.dma_semaphore, #tpu.memory_space<semaphore_mem>>)
      } else {
      }
      %dma_wait3A_539 = arith.constant 0 : i32
      %dma_wait3A_540 = arith.constant 0 : i32
      %dma_wait3A_541 = tpu.memref_slice %arg11[%dma_wait3A_539, %dma_wait3A_540] : memref<1600x16xf32, #tpu.memory_space<vmem>> -> memref<800x16xf32, #tpu.memory_space<vmem>>
      %dma_wait3A_542 = arith.constant 0 : i32
      %dma_wait3A_543 = tpu.memref_slice %arg7[%dma_wait3A_542] : memref<1600xi32, #tpu.memory_space<vmem>> -> memref<800xi32, #tpu.memory_space<vmem>>
      %dma_wait3A_544 = arith.constant 0 : i32
      %dma_wait3A_545 = arith.constant 0 : i32
      %dma_wait3A_546 = tpu.memref_slice %arg2[%dma_wait3A_544, %dma_wait3A_545] : memref<1000000x16xf32, #tpu.memory_space<hbm>> -> memref<1000000x16xf32, #tpu.memory_space<hbm>>
      tpu.wait_indirect_dma semaphore(%arg19 : memref<!tpu.dma_semaphore, #tpu.memory_space<semaphore_mem>>) src(%dma_wait3A_546 : memref<1000000x16xf32, #tpu.memory_space<hbm>>) dst(%dma_wait3A_541 : memref<800x16xf32, #tpu.memory_space<vmem>>)
      %dma_wait3A_547 = arith.constant 800 : i32
      %dma_wait3A_548 = arith.constant 0 : i32
      %dma_wait3A_549 = tpu.memref_slice %arg11[%dma_wait3A_547, %dma_wait3A_548] : memref<1600x16xf32, #tpu.memory_space<vmem>> -> memref<800x16xf32, #tpu.memory_space<vmem>>
      %dma_wait3A_550 = arith.constant 800 : i32
      %dma_wait3A_551 = tpu.memref_slice %arg7[%dma_wait3A_550] : memref<1600xi32, #tpu.memory_space<vmem>> -> memref<800xi32, #tpu.memory_space<vmem>>
      %dma_wait3A_552 = arith.constant 0 : i32
      %dma_wait3A_553 = arith.constant 0 : i32
      %dma_wait3A_554 = tpu.memref_slice %arg2[%dma_wait3A_552, %dma_wait3A_553] : memref<1000000x16xf32, #tpu.memory_space<hbm>> -> memref<1000000x16xf32, #tpu.memory_space<hbm>>
      tpu.wait_indirect_dma semaphore(%arg19 : memref<!tpu.dma_semaphore, #tpu.memory_space<semaphore_mem>>) src(%dma_wait3A_554 : memref<1000000x16xf32, #tpu.memory_space<hbm>>) dst(%dma_wait3A_549 : memref<800x16xf32, #tpu.memory_space<vmem>>)
      %ge3A_555 = arith.constant 4 : i32
      %ge3A_556 = arith.cmpi sge, %add3A_531, %ge3A_555 : i32
      %convert_element_type3A_557 = arith.extui %ge3A_556 : i1 to i32
      %cond3A_558 = arith.constant 0 : i32
      %cond3A_559 = arith.cmpi ne, %convert_element_type3A_557, %cond3A_558 : i32
      scf.if %cond3A_559 {
        %sub3A = arith.constant 4 : i32
        %sub3A_972 = arith.subi %add3A_531, %sub3A : i32
        %mul3A_973 = arith.constant 8 : i32
        %mul3A_974 = arith.muli %sub3A_972, %mul3A_973 : i32
        %add3A_975 = arith.addi %mul3A_2, %mul3A_974 : i32
        %dma_wait3A_976 = arith.constant 0 : i32
        %dma_wait3A_977 = tpu.memref_slice %arg4[%add3A_975, %dma_wait3A_976] : memref<16384x16xf32, #tpu.memory_space<hbm>> -> memref<8x16xf32, #tpu.memory_space<hbm>>
        %dma_wait3A_978 = arith.constant 0 : i32
        %dma_wait3A_979 = tpu.memref_slice %arg4[%add3A_975, %dma_wait3A_978] : memref<16384x16xf32, #tpu.memory_space<hbm>> -> memref<8x16xf32, #tpu.memory_space<hbm>>
        tpu.wait_dma2 semaphore(%arg23 : memref<!tpu.dma_semaphore, #tpu.memory_space<semaphore_mem>>) src(%arg15 : memref<8x16xf32, #tpu.memory_space<vmem>>) dst(%dma_wait3A_979 : memref<8x16xf32, #tpu.memory_space<hbm>>)
      } else {
      }
      %broadcast_in_dim3A_560 = arith.constant 0.000000e+00 : f32
      %broadcast_in_dim3A_561 = vector.broadcast %broadcast_in_dim3A_560 : f32 to vector<16xf32>
      %scan3A_562 = arith.constant 0 : i32
      %scan3A_563 = arith.constant 25 : i32
      %scan3A_564 = arith.addi %scan3A_562, %scan3A_563 : i32
      %scan3A_565 = arith.constant 1 : i32
      %scan3A_566:8 = scf.for %scan3A_972 = %scan3A_562 to %scan3A_564 step %scan3A_565 iter_args(%scan3A_973 = %broadcast_in_dim3A_561, %scan3A_974 = %broadcast_in_dim3A_561, %scan3A_975 = %broadcast_in_dim3A_561, %scan3A_976 = %broadcast_in_dim3A_561, %scan3A_977 = %broadcast_in_dim3A_561, %scan3A_978 = %broadcast_in_dim3A_561, %scan3A_979 = %broadcast_in_dim3A_561, %scan3A_980 = %broadcast_in_dim3A_561) -> (vector<16xf32>, vector<16xf32>, vector<16xf32>, vector<16xf32>, vector<16xf32>, vector<16xf32>, vector<16xf32>, vector<16xf32>)  : i32 {
        %mul3A_981 = arith.constant 8 : i32
        %mul3A_982 = arith.muli %scan3A_972, %mul3A_981 : i32
        %add3A_983 = arith.constant 0 : i32
        %add3A_984 = arith.addi %add3A_983, %mul3A_982 : i32
        %add3A_985 = arith.constant 0 : i32
        %add3A_986 = arith.addi %add3A_984, %add3A_985 : i32
        %get3A = arith.index_cast %add3A_986 : i32 to index
        %get3A_987 = arith.constant 0 : index
        %get3A_988 = tpu.vector_load %arg11[%get3A, %get3A_987] {strides = array<i32>} : memref<1600x16xf32, #tpu.memory_space<vmem>>, vector<1x16xf32>,
        %get3A_989 = vector.shape_cast %get3A_988 : vector<1x16xf32> to vector<16xf32>
        %add3A_990 = arith.addf %scan3A_973, %get3A_989 : vector<16xf32>
        %add3A_991 = arith.constant 1 : i32
        %add3A_992 = arith.addi %add3A_984, %add3A_991 : i32
        %get3A_993 = arith.index_cast %add3A_992 : i32 to index
        %get3A_994 = arith.constant 0 : index
        %get3A_995 = tpu.vector_load %arg11[%get3A_993, %get3A_994] {strides = array<i32>} : memref<1600x16xf32, #tpu.memory_space<vmem>>, vector<1x16xf32>,
        %get3A_996 = vector.shape_cast %get3A_995 : vector<1x16xf32> to vector<16xf32>
        %add3A_997 = arith.addf %scan3A_974, %get3A_996 : vector<16xf32>
        %add3A_998 = arith.constant 2 : i32
        %add3A_999 = arith.addi %add3A_984, %add3A_998 : i32
        %get3A_1000 = arith.index_cast %add3A_999 : i32 to index
        %get3A_1001 = arith.constant 0 : index
        %get3A_1002 = tpu.vector_load %arg11[%get3A_1000, %get3A_1001] {strides = array<i32>} : memref<1600x16xf32, #tpu.memory_space<vmem>>, vector<1x16xf32>,
        %get3A_1003 = vector.shape_cast %get3A_1002 : vector<1x16xf32> to vector<16xf32>
        %add3A_1004 = arith.addf %scan3A_975, %get3A_1003 : vector<16xf32>
        %add3A_1005 = arith.constant 3 : i32
        %add3A_1006 = arith.addi %add3A_984, %add3A_1005 : i32
        %get3A_1007 = arith.index_cast %add3A_1006 : i32 to index
        %get3A_1008 = arith.constant 0 : index
        %get3A_1009 = tpu.vector_load %arg11[%get3A_1007, %get3A_1008] {strides = array<i32>} : memref<1600x16xf32, #tpu.memory_space<vmem>>, vector<1x16xf32>,
        %get3A_1010 = vector.shape_cast %get3A_1009 : vector<1x16xf32> to vector<16xf32>
        %add3A_1011 = arith.addf %scan3A_976, %get3A_1010 : vector<16xf32>
        %add3A_1012 = arith.constant 4 : i32
        %add3A_1013 = arith.addi %add3A_984, %add3A_1012 : i32
        %get3A_1014 = arith.index_cast %add3A_1013 : i32 to index
        %get3A_1015 = arith.constant 0 : index
        %get3A_1016 = tpu.vector_load %arg11[%get3A_1014, %get3A_1015] {strides = array<i32>} : memref<1600x16xf32, #tpu.memory_space<vmem>>, vector<1x16xf32>,
        %get3A_1017 = vector.shape_cast %get3A_1016 : vector<1x16xf32> to vector<16xf32>
        %add3A_1018 = arith.addf %scan3A_977, %get3A_1017 : vector<16xf32>
        %add3A_1019 = arith.constant 5 : i32
        %add3A_1020 = arith.addi %add3A_984, %add3A_1019 : i32
        %get3A_1021 = arith.index_cast %add3A_1020 : i32 to index
        %get3A_1022 = arith.constant 0 : index
        %get3A_1023 = tpu.vector_load %arg11[%get3A_1021, %get3A_1022] {strides = array<i32>} : memref<1600x16xf32, #tpu.memory_space<vmem>>, vector<1x16xf32>,
        %get3A_1024 = vector.shape_cast %get3A_1023 : vector<1x16xf32> to vector<16xf32>
        %add3A_1025 = arith.addf %scan3A_978, %get3A_1024 : vector<16xf32>
        %add3A_1026 = arith.constant 6 : i32
        %add3A_1027 = arith.addi %add3A_984, %add3A_1026 : i32
        %get3A_1028 = arith.index_cast %add3A_1027 : i32 to index
        %get3A_1029 = arith.constant 0 : index
        %get3A_1030 = tpu.vector_load %arg11[%get3A_1028, %get3A_1029] {strides = array<i32>} : memref<1600x16xf32, #tpu.memory_space<vmem>>, vector<1x16xf32>,
        %get3A_1031 = vector.shape_cast %get3A_1030 : vector<1x16xf32> to vector<16xf32>
        %add3A_1032 = arith.addf %scan3A_979, %get3A_1031 : vector<16xf32>
        %add3A_1033 = arith.constant 7 : i32
        %add3A_1034 = arith.addi %add3A_984, %add3A_1033 : i32
        %get3A_1035 = arith.index_cast %add3A_1034 : i32 to index
        %get3A_1036 = arith.constant 0 : index
        %get3A_1037 = tpu.vector_load %arg11[%get3A_1035, %get3A_1036] {strides = array<i32>} : memref<1600x16xf32, #tpu.memory_space<vmem>>, vector<1x16xf32>,
        %get3A_1038 = vector.shape_cast %get3A_1037 : vector<1x16xf32> to vector<16xf32>
        %add3A_1039 = arith.addf %scan3A_980, %get3A_1038 : vector<16xf32>
        scf.yield %add3A_990, %add3A_997, %add3A_1004, %add3A_1011, %add3A_1018, %add3A_1025, %add3A_1032, %add3A_1039 : vector<16xf32>, vector<16xf32>, vector<16xf32>, vector<16xf32>, vector<16xf32>, vector<16xf32>, vector<16xf32>, vector<16xf32>
      }
      %scan3A_567 = arith.constant 25 : i32
      %add3A_568 = arith.addf %scan3A_566#0, %scan3A_566#1 : vector<16xf32>
      %add3A_569 = arith.addf %add3A_568, %scan3A_566#2 : vector<16xf32>
      %add3A_570 = arith.addf %add3A_569, %scan3A_566#3 : vector<16xf32>
      %add3A_571 = arith.addf %add3A_570, %scan3A_566#4 : vector<16xf32>
      %add3A_572 = arith.addf %add3A_571, %scan3A_566#5 : vector<16xf32>
      %add3A_573 = arith.addf %add3A_572, %scan3A_566#6 : vector<16xf32>
      %add3A_574 = arith.addf %add3A_573, %scan3A_566#7 : vector<16xf32>
      %mul3A_575 = vector.broadcast %scan3A_62 : f32 to vector<16xf32>
      %mul3A_576 = arith.mulf %add3A_574, %mul3A_575 : vector<16xf32>
      %swap3A_577 = arith.constant 0 : i32
      %swap3A_578 = arith.index_cast %swap3A_577 : i32 to index
      %swap3A_579 = arith.constant 0 : index
      %swap3A_580 = tpu.vector_load %arg15[%swap3A_578, %swap3A_579] {strides = array<i32>} : memref<8x16xf32, #tpu.memory_space<vmem>>, vector<1x16xf32>,
      %swap3A_581 = vector.shape_cast %swap3A_580 : vector<1x16xf32> to vector<16xf32>
      %swap3A_582 = vector.shape_cast %mul3A_576 : vector<16xf32> to vector<1x16xf32>
      tpu.vector_store %arg15[%swap3A_578, %swap3A_579], %swap3A_582 {strides = array<i32>} : memref<8x16xf32, #tpu.memory_space<vmem>>, vector<1x16xf32>,
      %broadcast_in_dim3A_583 = arith.constant 0.000000e+00 : f32
      %broadcast_in_dim3A_584 = vector.broadcast %broadcast_in_dim3A_583 : f32 to vector<16xf32>
      %scan3A_585 = arith.constant 0 : i32
      %scan3A_586 = arith.constant 25 : i32
      %scan3A_587 = arith.addi %scan3A_585, %scan3A_586 : i32
      %scan3A_588 = arith.constant 1 : i32
      %scan3A_589:8 = scf.for %scan3A_972 = %scan3A_585 to %scan3A_587 step %scan3A_588 iter_args(%scan3A_973 = %broadcast_in_dim3A_584, %scan3A_974 = %broadcast_in_dim3A_584, %scan3A_975 = %broadcast_in_dim3A_584, %scan3A_976 = %broadcast_in_dim3A_584, %scan3A_977 = %broadcast_in_dim3A_584, %scan3A_978 = %broadcast_in_dim3A_584, %scan3A_979 = %broadcast_in_dim3A_584, %scan3A_980 = %broadcast_in_dim3A_584) -> (vector<16xf32>, vector<16xf32>, vector<16xf32>, vector<16xf32>, vector<16xf32>, vector<16xf32>, vector<16xf32>, vector<16xf32>)  : i32 {
        %mul3A_981 = arith.constant 8 : i32
        %mul3A_982 = arith.muli %scan3A_972, %mul3A_981 : i32
        %add3A_983 = arith.constant 200 : i32
        %add3A_984 = arith.addi %add3A_983, %mul3A_982 : i32
        %add3A_985 = arith.constant 0 : i32
        %add3A_986 = arith.addi %add3A_984, %add3A_985 : i32
        %get3A = arith.index_cast %add3A_986 : i32 to index
        %get3A_987 = arith.constant 0 : index
        %get3A_988 = tpu.vector_load %arg11[%get3A, %get3A_987] {strides = array<i32>} : memref<1600x16xf32, #tpu.memory_space<vmem>>, vector<1x16xf32>,
        %get3A_989 = vector.shape_cast %get3A_988 : vector<1x16xf32> to vector<16xf32>
        %add3A_990 = arith.addf %scan3A_973, %get3A_989 : vector<16xf32>
        %add3A_991 = arith.constant 1 : i32
        %add3A_992 = arith.addi %add3A_984, %add3A_991 : i32
        %get3A_993 = arith.index_cast %add3A_992 : i32 to index
        %get3A_994 = arith.constant 0 : index
        %get3A_995 = tpu.vector_load %arg11[%get3A_993, %get3A_994] {strides = array<i32>} : memref<1600x16xf32, #tpu.memory_space<vmem>>, vector<1x16xf32>,
        %get3A_996 = vector.shape_cast %get3A_995 : vector<1x16xf32> to vector<16xf32>
        %add3A_997 = arith.addf %scan3A_974, %get3A_996 : vector<16xf32>
        %add3A_998 = arith.constant 2 : i32
        %add3A_999 = arith.addi %add3A_984, %add3A_998 : i32
        %get3A_1000 = arith.index_cast %add3A_999 : i32 to index
        %get3A_1001 = arith.constant 0 : index
        %get3A_1002 = tpu.vector_load %arg11[%get3A_1000, %get3A_1001] {strides = array<i32>} : memref<1600x16xf32, #tpu.memory_space<vmem>>, vector<1x16xf32>,
        %get3A_1003 = vector.shape_cast %get3A_1002 : vector<1x16xf32> to vector<16xf32>
        %add3A_1004 = arith.addf %scan3A_975, %get3A_1003 : vector<16xf32>
        %add3A_1005 = arith.constant 3 : i32
        %add3A_1006 = arith.addi %add3A_984, %add3A_1005 : i32
        %get3A_1007 = arith.index_cast %add3A_1006 : i32 to index
        %get3A_1008 = arith.constant 0 : index
        %get3A_1009 = tpu.vector_load %arg11[%get3A_1007, %get3A_1008] {strides = array<i32>} : memref<1600x16xf32, #tpu.memory_space<vmem>>, vector<1x16xf32>,
        %get3A_1010 = vector.shape_cast %get3A_1009 : vector<1x16xf32> to vector<16xf32>
        %add3A_1011 = arith.addf %scan3A_976, %get3A_1010 : vector<16xf32>
        %add3A_1012 = arith.constant 4 : i32
        %add3A_1013 = arith.addi %add3A_984, %add3A_1012 : i32
        %get3A_1014 = arith.index_cast %add3A_1013 : i32 to index
        %get3A_1015 = arith.constant 0 : index
        %get3A_1016 = tpu.vector_load %arg11[%get3A_1014, %get3A_1015] {strides = array<i32>} : memref<1600x16xf32, #tpu.memory_space<vmem>>, vector<1x16xf32>,
        %get3A_1017 = vector.shape_cast %get3A_1016 : vector<1x16xf32> to vector<16xf32>
        %add3A_1018 = arith.addf %scan3A_977, %get3A_1017 : vector<16xf32>
        %add3A_1019 = arith.constant 5 : i32
        %add3A_1020 = arith.addi %add3A_984, %add3A_1019 : i32
        %get3A_1021 = arith.index_cast %add3A_1020 : i32 to index
        %get3A_1022 = arith.constant 0 : index
        %get3A_1023 = tpu.vector_load %arg11[%get3A_1021, %get3A_1022] {strides = array<i32>} : memref<1600x16xf32, #tpu.memory_space<vmem>>, vector<1x16xf32>,
        %get3A_1024 = vector.shape_cast %get3A_1023 : vector<1x16xf32> to vector<16xf32>
        %add3A_1025 = arith.addf %scan3A_978, %get3A_1024 : vector<16xf32>
        %add3A_1026 = arith.constant 6 : i32
        %add3A_1027 = arith.addi %add3A_984, %add3A_1026 : i32
        %get3A_1028 = arith.index_cast %add3A_1027 : i32 to index
        %get3A_1029 = arith.constant 0 : index
        %get3A_1030 = tpu.vector_load %arg11[%get3A_1028, %get3A_1029] {strides = array<i32>} : memref<1600x16xf32, #tpu.memory_space<vmem>>, vector<1x16xf32>,
        %get3A_1031 = vector.shape_cast %get3A_1030 : vector<1x16xf32> to vector<16xf32>
        %add3A_1032 = arith.addf %scan3A_979, %get3A_1031 : vector<16xf32>
        %add3A_1033 = arith.constant 7 : i32
        %add3A_1034 = arith.addi %add3A_984, %add3A_1033 : i32
        %get3A_1035 = arith.index_cast %add3A_1034 : i32 to index
        %get3A_1036 = arith.constant 0 : index
        %get3A_1037 = tpu.vector_load %arg11[%get3A_1035, %get3A_1036] {strides = array<i32>} : memref<1600x16xf32, #tpu.memory_space<vmem>>, vector<1x16xf32>,
        %get3A_1038 = vector.shape_cast %get3A_1037 : vector<1x16xf32> to vector<16xf32>
        %add3A_1039 = arith.addf %scan3A_980, %get3A_1038 : vector<16xf32>
        scf.yield %add3A_990, %add3A_997, %add3A_1004, %add3A_1011, %add3A_1018, %add3A_1025, %add3A_1032, %add3A_1039 : vector<16xf32>, vector<16xf32>, vector<16xf32>, vector<16xf32>, vector<16xf32>, vector<16xf32>, vector<16xf32>, vector<16xf32>
      }
      %scan3A_590 = arith.constant 25 : i32
      %add3A_591 = arith.addf %scan3A_589#0, %scan3A_589#1 : vector<16xf32>
      %add3A_592 = arith.addf %add3A_591, %scan3A_589#2 : vector<16xf32>
      %add3A_593 = arith.addf %add3A_592, %scan3A_589#3 : vector<16xf32>
      %add3A_594 = arith.addf %add3A_593, %scan3A_589#4 : vector<16xf32>
      %add3A_595 = arith.addf %add3A_594, %scan3A_589#5 : vector<16xf32>
      %add3A_596 = arith.addf %add3A_595, %scan3A_589#6 : vector<16xf32>
      %add3A_597 = arith.addf %add3A_596, %scan3A_589#7 : vector<16xf32>
      %mul3A_598 = vector.broadcast %scan3A_62 : f32 to vector<16xf32>
      %mul3A_599 = arith.mulf %add3A_597, %mul3A_598 : vector<16xf32>
      %swap3A_600 = arith.constant 1 : i32
      %swap3A_601 = arith.index_cast %swap3A_600 : i32 to index
      %swap3A_602 = arith.constant 0 : index
      %swap3A_603 = tpu.vector_load %arg15[%swap3A_601, %swap3A_602] {strides = array<i32>} : memref<8x16xf32, #tpu.memory_space<vmem>>, vector<1x16xf32>,
      %swap3A_604 = vector.shape_cast %swap3A_603 : vector<1x16xf32> to vector<16xf32>
      %swap3A_605 = vector.shape_cast %mul3A_599 : vector<16xf32> to vector<1x16xf32>
      tpu.vector_store %arg15[%swap3A_601, %swap3A_602], %swap3A_605 {strides = array<i32>} : memref<8x16xf32, #tpu.memory_space<vmem>>, vector<1x16xf32>,
      %broadcast_in_dim3A_606 = arith.constant 0.000000e+00 : f32
      %broadcast_in_dim3A_607 = vector.broadcast %broadcast_in_dim3A_606 : f32 to vector<16xf32>
      %scan3A_608 = arith.constant 0 : i32
      %scan3A_609 = arith.constant 25 : i32
      %scan3A_610 = arith.addi %scan3A_608, %scan3A_609 : i32
      %scan3A_611 = arith.constant 1 : i32
      %scan3A_612:8 = scf.for %scan3A_972 = %scan3A_608 to %scan3A_610 step %scan3A_611 iter_args(%scan3A_973 = %broadcast_in_dim3A_607, %scan3A_974 = %broadcast_in_dim3A_607, %scan3A_975 = %broadcast_in_dim3A_607, %scan3A_976 = %broadcast_in_dim3A_607, %scan3A_977 = %broadcast_in_dim3A_607, %scan3A_978 = %broadcast_in_dim3A_607, %scan3A_979 = %broadcast_in_dim3A_607, %scan3A_980 = %broadcast_in_dim3A_607) -> (vector<16xf32>, vector<16xf32>, vector<16xf32>, vector<16xf32>, vector<16xf32>, vector<16xf32>, vector<16xf32>, vector<16xf32>)  : i32 {
        %mul3A_981 = arith.constant 8 : i32
        %mul3A_982 = arith.muli %scan3A_972, %mul3A_981 : i32
        %add3A_983 = arith.constant 400 : i32
        %add3A_984 = arith.addi %add3A_983, %mul3A_982 : i32
        %add3A_985 = arith.constant 0 : i32
        %add3A_986 = arith.addi %add3A_984, %add3A_985 : i32
        %get3A = arith.index_cast %add3A_986 : i32 to index
        %get3A_987 = arith.constant 0 : index
        %get3A_988 = tpu.vector_load %arg11[%get3A, %get3A_987] {strides = array<i32>} : memref<1600x16xf32, #tpu.memory_space<vmem>>, vector<1x16xf32>,
        %get3A_989 = vector.shape_cast %get3A_988 : vector<1x16xf32> to vector<16xf32>
        %add3A_990 = arith.addf %scan3A_973, %get3A_989 : vector<16xf32>
        %add3A_991 = arith.constant 1 : i32
        %add3A_992 = arith.addi %add3A_984, %add3A_991 : i32
        %get3A_993 = arith.index_cast %add3A_992 : i32 to index
        %get3A_994 = arith.constant 0 : index
        %get3A_995 = tpu.vector_load %arg11[%get3A_993, %get3A_994] {strides = array<i32>} : memref<1600x16xf32, #tpu.memory_space<vmem>>, vector<1x16xf32>,
        %get3A_996 = vector.shape_cast %get3A_995 : vector<1x16xf32> to vector<16xf32>
        %add3A_997 = arith.addf %scan3A_974, %get3A_996 : vector<16xf32>
        %add3A_998 = arith.constant 2 : i32
        %add3A_999 = arith.addi %add3A_984, %add3A_998 : i32
        %get3A_1000 = arith.index_cast %add3A_999 : i32 to index
        %get3A_1001 = arith.constant 0 : index
        %get3A_1002 = tpu.vector_load %arg11[%get3A_1000, %get3A_1001] {strides = array<i32>} : memref<1600x16xf32, #tpu.memory_space<vmem>>, vector<1x16xf32>,
        %get3A_1003 = vector.shape_cast %get3A_1002 : vector<1x16xf32> to vector<16xf32>
        %add3A_1004 = arith.addf %scan3A_975, %get3A_1003 : vector<16xf32>
        %add3A_1005 = arith.constant 3 : i32
        %add3A_1006 = arith.addi %add3A_984, %add3A_1005 : i32
        %get3A_1007 = arith.index_cast %add3A_1006 : i32 to index
        %get3A_1008 = arith.constant 0 : index
        %get3A_1009 = tpu.vector_load %arg11[%get3A_1007, %get3A_1008] {strides = array<i32>} : memref<1600x16xf32, #tpu.memory_space<vmem>>, vector<1x16xf32>,
        %get3A_1010 = vector.shape_cast %get3A_1009 : vector<1x16xf32> to vector<16xf32>
        %add3A_1011 = arith.addf %scan3A_976, %get3A_1010 : vector<16xf32>
        %add3A_1012 = arith.constant 4 : i32
        %add3A_1013 = arith.addi %add3A_984, %add3A_1012 : i32
        %get3A_1014 = arith.index_cast %add3A_1013 : i32 to index
        %get3A_1015 = arith.constant 0 : index
        %get3A_1016 = tpu.vector_load %arg11[%get3A_1014, %get3A_1015] {strides = array<i32>} : memref<1600x16xf32, #tpu.memory_space<vmem>>, vector<1x16xf32>,
        %get3A_1017 = vector.shape_cast %get3A_1016 : vector<1x16xf32> to vector<16xf32>
        %add3A_1018 = arith.addf %scan3A_977, %get3A_1017 : vector<16xf32>
        %add3A_1019 = arith.constant 5 : i32
        %add3A_1020 = arith.addi %add3A_984, %add3A_1019 : i32
        %get3A_1021 = arith.index_cast %add3A_1020 : i32 to index
        %get3A_1022 = arith.constant 0 : index
        %get3A_1023 = tpu.vector_load %arg11[%get3A_1021, %get3A_1022] {strides = array<i32>} : memref<1600x16xf32, #tpu.memory_space<vmem>>, vector<1x16xf32>,
        %get3A_1024 = vector.shape_cast %get3A_1023 : vector<1x16xf32> to vector<16xf32>
        %add3A_1025 = arith.addf %scan3A_978, %get3A_1024 : vector<16xf32>
        %add3A_1026 = arith.constant 6 : i32
        %add3A_1027 = arith.addi %add3A_984, %add3A_1026 : i32
        %get3A_1028 = arith.index_cast %add3A_1027 : i32 to index
        %get3A_1029 = arith.constant 0 : index
        %get3A_1030 = tpu.vector_load %arg11[%get3A_1028, %get3A_1029] {strides = array<i32>} : memref<1600x16xf32, #tpu.memory_space<vmem>>, vector<1x16xf32>,
        %get3A_1031 = vector.shape_cast %get3A_1030 : vector<1x16xf32> to vector<16xf32>
        %add3A_1032 = arith.addf %scan3A_979, %get3A_1031 : vector<16xf32>
        %add3A_1033 = arith.constant 7 : i32
        %add3A_1034 = arith.addi %add3A_984, %add3A_1033 : i32
        %get3A_1035 = arith.index_cast %add3A_1034 : i32 to index
        %get3A_1036 = arith.constant 0 : index
        %get3A_1037 = tpu.vector_load %arg11[%get3A_1035, %get3A_1036] {strides = array<i32>} : memref<1600x16xf32, #tpu.memory_space<vmem>>, vector<1x16xf32>,
        %get3A_1038 = vector.shape_cast %get3A_1037 : vector<1x16xf32> to vector<16xf32>
        %add3A_1039 = arith.addf %scan3A_980, %get3A_1038 : vector<16xf32>
        scf.yield %add3A_990, %add3A_997, %add3A_1004, %add3A_1011, %add3A_1018, %add3A_1025, %add3A_1032, %add3A_1039 : vector<16xf32>, vector<16xf32>, vector<16xf32>, vector<16xf32>, vector<16xf32>, vector<16xf32>, vector<16xf32>, vector<16xf32>
      }
      %scan3A_613 = arith.constant 25 : i32
      %add3A_614 = arith.addf %scan3A_612#0, %scan3A_612#1 : vector<16xf32>
      %add3A_615 = arith.addf %add3A_614, %scan3A_612#2 : vector<16xf32>
      %add3A_616 = arith.addf %add3A_615, %scan3A_612#3 : vector<16xf32>
      %add3A_617 = arith.addf %add3A_616, %scan3A_612#4 : vector<16xf32>
      %add3A_618 = arith.addf %add3A_617, %scan3A_612#5 : vector<16xf32>
      %add3A_619 = arith.addf %add3A_618, %scan3A_612#6 : vector<16xf32>
      %add3A_620 = arith.addf %add3A_619, %scan3A_612#7 : vector<16xf32>
      %mul3A_621 = vector.broadcast %scan3A_62 : f32 to vector<16xf32>
      %mul3A_622 = arith.mulf %add3A_620, %mul3A_621 : vector<16xf32>
      %swap3A_623 = arith.constant 2 : i32
      %swap3A_624 = arith.index_cast %swap3A_623 : i32 to index
      %swap3A_625 = arith.constant 0 : index
      %swap3A_626 = tpu.vector_load %arg15[%swap3A_624, %swap3A_625] {strides = array<i32>} : memref<8x16xf32, #tpu.memory_space<vmem>>, vector<1x16xf32>,
      %swap3A_627 = vector.shape_cast %swap3A_626 : vector<1x16xf32> to vector<16xf32>
      %swap3A_628 = vector.shape_cast %mul3A_622 : vector<16xf32> to vector<1x16xf32>
      tpu.vector_store %arg15[%swap3A_624, %swap3A_625], %swap3A_628 {strides = array<i32>} : memref<8x16xf32, #tpu.memory_space<vmem>>, vector<1x16xf32>,
      %broadcast_in_dim3A_629 = arith.constant 0.000000e+00 : f32
      %broadcast_in_dim3A_630 = vector.broadcast %broadcast_in_dim3A_629 : f32 to vector<16xf32>
      %scan3A_631 = arith.constant 0 : i32
      %scan3A_632 = arith.constant 25 : i32
      %scan3A_633 = arith.addi %scan3A_631, %scan3A_632 : i32
      %scan3A_634 = arith.constant 1 : i32
      %scan3A_635:8 = scf.for %scan3A_972 = %scan3A_631 to %scan3A_633 step %scan3A_634 iter_args(%scan3A_973 = %broadcast_in_dim3A_630, %scan3A_974 = %broadcast_in_dim3A_630, %scan3A_975 = %broadcast_in_dim3A_630, %scan3A_976 = %broadcast_in_dim3A_630, %scan3A_977 = %broadcast_in_dim3A_630, %scan3A_978 = %broadcast_in_dim3A_630, %scan3A_979 = %broadcast_in_dim3A_630, %scan3A_980 = %broadcast_in_dim3A_630) -> (vector<16xf32>, vector<16xf32>, vector<16xf32>, vector<16xf32>, vector<16xf32>, vector<16xf32>, vector<16xf32>, vector<16xf32>)  : i32 {
        %mul3A_981 = arith.constant 8 : i32
        %mul3A_982 = arith.muli %scan3A_972, %mul3A_981 : i32
        %add3A_983 = arith.constant 600 : i32
        %add3A_984 = arith.addi %add3A_983, %mul3A_982 : i32
        %add3A_985 = arith.constant 0 : i32
        %add3A_986 = arith.addi %add3A_984, %add3A_985 : i32
        %get3A = arith.index_cast %add3A_986 : i32 to index
        %get3A_987 = arith.constant 0 : index
        %get3A_988 = tpu.vector_load %arg11[%get3A, %get3A_987] {strides = array<i32>} : memref<1600x16xf32, #tpu.memory_space<vmem>>, vector<1x16xf32>,
        %get3A_989 = vector.shape_cast %get3A_988 : vector<1x16xf32> to vector<16xf32>
        %add3A_990 = arith.addf %scan3A_973, %get3A_989 : vector<16xf32>
        %add3A_991 = arith.constant 1 : i32
        %add3A_992 = arith.addi %add3A_984, %add3A_991 : i32
        %get3A_993 = arith.index_cast %add3A_992 : i32 to index
        %get3A_994 = arith.constant 0 : index
        %get3A_995 = tpu.vector_load %arg11[%get3A_993, %get3A_994] {strides = array<i32>} : memref<1600x16xf32, #tpu.memory_space<vmem>>, vector<1x16xf32>,
        %get3A_996 = vector.shape_cast %get3A_995 : vector<1x16xf32> to vector<16xf32>
        %add3A_997 = arith.addf %scan3A_974, %get3A_996 : vector<16xf32>
        %add3A_998 = arith.constant 2 : i32
        %add3A_999 = arith.addi %add3A_984, %add3A_998 : i32
        %get3A_1000 = arith.index_cast %add3A_999 : i32 to index
        %get3A_1001 = arith.constant 0 : index
        %get3A_1002 = tpu.vector_load %arg11[%get3A_1000, %get3A_1001] {strides = array<i32>} : memref<1600x16xf32, #tpu.memory_space<vmem>>, vector<1x16xf32>,
        %get3A_1003 = vector.shape_cast %get3A_1002 : vector<1x16xf32> to vector<16xf32>
        %add3A_1004 = arith.addf %scan3A_975, %get3A_1003 : vector<16xf32>
        %add3A_1005 = arith.constant 3 : i32
        %add3A_1006 = arith.addi %add3A_984, %add3A_1005 : i32
        %get3A_1007 = arith.index_cast %add3A_1006 : i32 to index
        %get3A_1008 = arith.constant 0 : index
        %get3A_1009 = tpu.vector_load %arg11[%get3A_1007, %get3A_1008] {strides = array<i32>} : memref<1600x16xf32, #tpu.memory_space<vmem>>, vector<1x16xf32>,
        %get3A_1010 = vector.shape_cast %get3A_1009 : vector<1x16xf32> to vector<16xf32>
        %add3A_1011 = arith.addf %scan3A_976, %get3A_1010 : vector<16xf32>
        %add3A_1012 = arith.constant 4 : i32
        %add3A_1013 = arith.addi %add3A_984, %add3A_1012 : i32
        %get3A_1014 = arith.index_cast %add3A_1013 : i32 to index
        %get3A_1015 = arith.constant 0 : index
        %get3A_1016 = tpu.vector_load %arg11[%get3A_1014, %get3A_1015] {strides = array<i32>} : memref<1600x16xf32, #tpu.memory_space<vmem>>, vector<1x16xf32>,
        %get3A_1017 = vector.shape_cast %get3A_1016 : vector<1x16xf32> to vector<16xf32>
        %add3A_1018 = arith.addf %scan3A_977, %get3A_1017 : vector<16xf32>
        %add3A_1019 = arith.constant 5 : i32
        %add3A_1020 = arith.addi %add3A_984, %add3A_1019 : i32
        %get3A_1021 = arith.index_cast %add3A_1020 : i32 to index
        %get3A_1022 = arith.constant 0 : index
        %get3A_1023 = tpu.vector_load %arg11[%get3A_1021, %get3A_1022] {strides = array<i32>} : memref<1600x16xf32, #tpu.memory_space<vmem>>, vector<1x16xf32>,
        %get3A_1024 = vector.shape_cast %get3A_1023 : vector<1x16xf32> to vector<16xf32>
        %add3A_1025 = arith.addf %scan3A_978, %get3A_1024 : vector<16xf32>
        %add3A_1026 = arith.constant 6 : i32
        %add3A_1027 = arith.addi %add3A_984, %add3A_1026 : i32
        %get3A_1028 = arith.index_cast %add3A_1027 : i32 to index
        %get3A_1029 = arith.constant 0 : index
        %get3A_1030 = tpu.vector_load %arg11[%get3A_1028, %get3A_1029] {strides = array<i32>} : memref<1600x16xf32, #tpu.memory_space<vmem>>, vector<1x16xf32>,
        %get3A_1031 = vector.shape_cast %get3A_1030 : vector<1x16xf32> to vector<16xf32>
        %add3A_1032 = arith.addf %scan3A_979, %get3A_1031 : vector<16xf32>
        %add3A_1033 = arith.constant 7 : i32
        %add3A_1034 = arith.addi %add3A_984, %add3A_1033 : i32
        %get3A_1035 = arith.index_cast %add3A_1034 : i32 to index
        %get3A_1036 = arith.constant 0 : index
        %get3A_1037 = tpu.vector_load %arg11[%get3A_1035, %get3A_1036] {strides = array<i32>} : memref<1600x16xf32, #tpu.memory_space<vmem>>, vector<1x16xf32>,
        %get3A_1038 = vector.shape_cast %get3A_1037 : vector<1x16xf32> to vector<16xf32>
        %add3A_1039 = arith.addf %scan3A_980, %get3A_1038 : vector<16xf32>
        scf.yield %add3A_990, %add3A_997, %add3A_1004, %add3A_1011, %add3A_1018, %add3A_1025, %add3A_1032, %add3A_1039 : vector<16xf32>, vector<16xf32>, vector<16xf32>, vector<16xf32>, vector<16xf32>, vector<16xf32>, vector<16xf32>, vector<16xf32>
      }
      %scan3A_636 = arith.constant 25 : i32
      %add3A_637 = arith.addf %scan3A_635#0, %scan3A_635#1 : vector<16xf32>
      %add3A_638 = arith.addf %add3A_637, %scan3A_635#2 : vector<16xf32>
      %add3A_639 = arith.addf %add3A_638, %scan3A_635#3 : vector<16xf32>
      %add3A_640 = arith.addf %add3A_639, %scan3A_635#4 : vector<16xf32>
      %add3A_641 = arith.addf %add3A_640, %scan3A_635#5 : vector<16xf32>
      %add3A_642 = arith.addf %add3A_641, %scan3A_635#6 : vector<16xf32>
      %add3A_643 = arith.addf %add3A_642, %scan3A_635#7 : vector<16xf32>
      %mul3A_644 = vector.broadcast %scan3A_62 : f32 to vector<16xf32>
      %mul3A_645 = arith.mulf %add3A_643, %mul3A_644 : vector<16xf32>
      %swap3A_646 = arith.constant 3 : i32
      %swap3A_647 = arith.index_cast %swap3A_646 : i32 to index
      %swap3A_648 = arith.constant 0 : index
      %swap3A_649 = tpu.vector_load %arg15[%swap3A_647, %swap3A_648] {strides = array<i32>} : memref<8x16xf32, #tpu.memory_space<vmem>>, vector<1x16xf32>,
      %swap3A_650 = vector.shape_cast %swap3A_649 : vector<1x16xf32> to vector<16xf32>
      %swap3A_651 = vector.shape_cast %mul3A_645 : vector<16xf32> to vector<1x16xf32>
      tpu.vector_store %arg15[%swap3A_647, %swap3A_648], %swap3A_651 {strides = array<i32>} : memref<8x16xf32, #tpu.memory_space<vmem>>, vector<1x16xf32>,
      %broadcast_in_dim3A_652 = arith.constant 0.000000e+00 : f32
      %broadcast_in_dim3A_653 = vector.broadcast %broadcast_in_dim3A_652 : f32 to vector<16xf32>
      %scan3A_654 = arith.constant 0 : i32
      %scan3A_655 = arith.constant 25 : i32
      %scan3A_656 = arith.addi %scan3A_654, %scan3A_655 : i32
      %scan3A_657 = arith.constant 1 : i32
      %scan3A_658:8 = scf.for %scan3A_972 = %scan3A_654 to %scan3A_656 step %scan3A_657 iter_args(%scan3A_973 = %broadcast_in_dim3A_653, %scan3A_974 = %broadcast_in_dim3A_653, %scan3A_975 = %broadcast_in_dim3A_653, %scan3A_976 = %broadcast_in_dim3A_653, %scan3A_977 = %broadcast_in_dim3A_653, %scan3A_978 = %broadcast_in_dim3A_653, %scan3A_979 = %broadcast_in_dim3A_653, %scan3A_980 = %broadcast_in_dim3A_653) -> (vector<16xf32>, vector<16xf32>, vector<16xf32>, vector<16xf32>, vector<16xf32>, vector<16xf32>, vector<16xf32>, vector<16xf32>)  : i32 {
        %mul3A_981 = arith.constant 8 : i32
        %mul3A_982 = arith.muli %scan3A_972, %mul3A_981 : i32
        %add3A_983 = arith.constant 800 : i32
        %add3A_984 = arith.addi %add3A_983, %mul3A_982 : i32
        %add3A_985 = arith.constant 0 : i32
        %add3A_986 = arith.addi %add3A_984, %add3A_985 : i32
        %get3A = arith.index_cast %add3A_986 : i32 to index
        %get3A_987 = arith.constant 0 : index
        %get3A_988 = tpu.vector_load %arg11[%get3A, %get3A_987] {strides = array<i32>} : memref<1600x16xf32, #tpu.memory_space<vmem>>, vector<1x16xf32>,
        %get3A_989 = vector.shape_cast %get3A_988 : vector<1x16xf32> to vector<16xf32>
        %add3A_990 = arith.addf %scan3A_973, %get3A_989 : vector<16xf32>
        %add3A_991 = arith.constant 1 : i32
        %add3A_992 = arith.addi %add3A_984, %add3A_991 : i32
        %get3A_993 = arith.index_cast %add3A_992 : i32 to index
        %get3A_994 = arith.constant 0 : index
        %get3A_995 = tpu.vector_load %arg11[%get3A_993, %get3A_994] {strides = array<i32>} : memref<1600x16xf32, #tpu.memory_space<vmem>>, vector<1x16xf32>,
        %get3A_996 = vector.shape_cast %get3A_995 : vector<1x16xf32> to vector<16xf32>
        %add3A_997 = arith.addf %scan3A_974, %get3A_996 : vector<16xf32>
        %add3A_998 = arith.constant 2 : i32
        %add3A_999 = arith.addi %add3A_984, %add3A_998 : i32
        %get3A_1000 = arith.index_cast %add3A_999 : i32 to index
        %get3A_1001 = arith.constant 0 : index
        %get3A_1002 = tpu.vector_load %arg11[%get3A_1000, %get3A_1001] {strides = array<i32>} : memref<1600x16xf32, #tpu.memory_space<vmem>>, vector<1x16xf32>,
        %get3A_1003 = vector.shape_cast %get3A_1002 : vector<1x16xf32> to vector<16xf32>
        %add3A_1004 = arith.addf %scan3A_975, %get3A_1003 : vector<16xf32>
        %add3A_1005 = arith.constant 3 : i32
        %add3A_1006 = arith.addi %add3A_984, %add3A_1005 : i32
        %get3A_1007 = arith.index_cast %add3A_1006 : i32 to index
        %get3A_1008 = arith.constant 0 : index
        %get3A_1009 = tpu.vector_load %arg11[%get3A_1007, %get3A_1008] {strides = array<i32>} : memref<1600x16xf32, #tpu.memory_space<vmem>>, vector<1x16xf32>,
        %get3A_1010 = vector.shape_cast %get3A_1009 : vector<1x16xf32> to vector<16xf32>
        %add3A_1011 = arith.addf %scan3A_976, %get3A_1010 : vector<16xf32>
        %add3A_1012 = arith.constant 4 : i32
        %add3A_1013 = arith.addi %add3A_984, %add3A_1012 : i32
        %get3A_1014 = arith.index_cast %add3A_1013 : i32 to index
        %get3A_1015 = arith.constant 0 : index
        %get3A_1016 = tpu.vector_load %arg11[%get3A_1014, %get3A_1015] {strides = array<i32>} : memref<1600x16xf32, #tpu.memory_space<vmem>>, vector<1x16xf32>,
        %get3A_1017 = vector.shape_cast %get3A_1016 : vector<1x16xf32> to vector<16xf32>
        %add3A_1018 = arith.addf %scan3A_977, %get3A_1017 : vector<16xf32>
        %add3A_1019 = arith.constant 5 : i32
        %add3A_1020 = arith.addi %add3A_984, %add3A_1019 : i32
        %get3A_1021 = arith.index_cast %add3A_1020 : i32 to index
        %get3A_1022 = arith.constant 0 : index
        %get3A_1023 = tpu.vector_load %arg11[%get3A_1021, %get3A_1022] {strides = array<i32>} : memref<1600x16xf32, #tpu.memory_space<vmem>>, vector<1x16xf32>,
        %get3A_1024 = vector.shape_cast %get3A_1023 : vector<1x16xf32> to vector<16xf32>
        %add3A_1025 = arith.addf %scan3A_978, %get3A_1024 : vector<16xf32>
        %add3A_1026 = arith.constant 6 : i32
        %add3A_1027 = arith.addi %add3A_984, %add3A_1026 : i32
        %get3A_1028 = arith.index_cast %add3A_1027 : i32 to index
        %get3A_1029 = arith.constant 0 : index
        %get3A_1030 = tpu.vector_load %arg11[%get3A_1028, %get3A_1029] {strides = array<i32>} : memref<1600x16xf32, #tpu.memory_space<vmem>>, vector<1x16xf32>,
        %get3A_1031 = vector.shape_cast %get3A_1030 : vector<1x16xf32> to vector<16xf32>
        %add3A_1032 = arith.addf %scan3A_979, %get3A_1031 : vector<16xf32>
        %add3A_1033 = arith.constant 7 : i32
        %add3A_1034 = arith.addi %add3A_984, %add3A_1033 : i32
        %get3A_1035 = arith.index_cast %add3A_1034 : i32 to index
        %get3A_1036 = arith.constant 0 : index
        %get3A_1037 = tpu.vector_load %arg11[%get3A_1035, %get3A_1036] {strides = array<i32>} : memref<1600x16xf32, #tpu.memory_space<vmem>>, vector<1x16xf32>,
        %get3A_1038 = vector.shape_cast %get3A_1037 : vector<1x16xf32> to vector<16xf32>
        %add3A_1039 = arith.addf %scan3A_980, %get3A_1038 : vector<16xf32>
        scf.yield %add3A_990, %add3A_997, %add3A_1004, %add3A_1011, %add3A_1018, %add3A_1025, %add3A_1032, %add3A_1039 : vector<16xf32>, vector<16xf32>, vector<16xf32>, vector<16xf32>, vector<16xf32>, vector<16xf32>, vector<16xf32>, vector<16xf32>
      }
      %scan3A_659 = arith.constant 25 : i32
      %add3A_660 = arith.addf %scan3A_658#0, %scan3A_658#1 : vector<16xf32>
      %add3A_661 = arith.addf %add3A_660, %scan3A_658#2 : vector<16xf32>
      %add3A_662 = arith.addf %add3A_661, %scan3A_658#3 : vector<16xf32>
      %add3A_663 = arith.addf %add3A_662, %scan3A_658#4 : vector<16xf32>
      %add3A_664 = arith.addf %add3A_663, %scan3A_658#5 : vector<16xf32>
      %add3A_665 = arith.addf %add3A_664, %scan3A_658#6 : vector<16xf32>
      %add3A_666 = arith.addf %add3A_665, %scan3A_658#7 : vector<16xf32>
      %mul3A_667 = vector.broadcast %scan3A_62 : f32 to vector<16xf32>
      %mul3A_668 = arith.mulf %add3A_666, %mul3A_667 : vector<16xf32>
      %swap3A_669 = arith.constant 4 : i32
      %swap3A_670 = arith.index_cast %swap3A_669 : i32 to index
      %swap3A_671 = arith.constant 0 : index
      %swap3A_672 = tpu.vector_load %arg15[%swap3A_670, %swap3A_671] {strides = array<i32>} : memref<8x16xf32, #tpu.memory_space<vmem>>, vector<1x16xf32>,
      %swap3A_673 = vector.shape_cast %swap3A_672 : vector<1x16xf32> to vector<16xf32>
      %swap3A_674 = vector.shape_cast %mul3A_668 : vector<16xf32> to vector<1x16xf32>
      tpu.vector_store %arg15[%swap3A_670, %swap3A_671], %swap3A_674 {strides = array<i32>} : memref<8x16xf32, #tpu.memory_space<vmem>>, vector<1x16xf32>,
      %broadcast_in_dim3A_675 = arith.constant 0.000000e+00 : f32
      %broadcast_in_dim3A_676 = vector.broadcast %broadcast_in_dim3A_675 : f32 to vector<16xf32>
      %scan3A_677 = arith.constant 0 : i32
      %scan3A_678 = arith.constant 25 : i32
      %scan3A_679 = arith.addi %scan3A_677, %scan3A_678 : i32
      %scan3A_680 = arith.constant 1 : i32
      %scan3A_681:8 = scf.for %scan3A_972 = %scan3A_677 to %scan3A_679 step %scan3A_680 iter_args(%scan3A_973 = %broadcast_in_dim3A_676, %scan3A_974 = %broadcast_in_dim3A_676, %scan3A_975 = %broadcast_in_dim3A_676, %scan3A_976 = %broadcast_in_dim3A_676, %scan3A_977 = %broadcast_in_dim3A_676, %scan3A_978 = %broadcast_in_dim3A_676, %scan3A_979 = %broadcast_in_dim3A_676, %scan3A_980 = %broadcast_in_dim3A_676) -> (vector<16xf32>, vector<16xf32>, vector<16xf32>, vector<16xf32>, vector<16xf32>, vector<16xf32>, vector<16xf32>, vector<16xf32>)  : i32 {
        %mul3A_981 = arith.constant 8 : i32
        %mul3A_982 = arith.muli %scan3A_972, %mul3A_981 : i32
        %add3A_983 = arith.constant 1000 : i32
        %add3A_984 = arith.addi %add3A_983, %mul3A_982 : i32
        %add3A_985 = arith.constant 0 : i32
        %add3A_986 = arith.addi %add3A_984, %add3A_985 : i32
        %get3A = arith.index_cast %add3A_986 : i32 to index
        %get3A_987 = arith.constant 0 : index
        %get3A_988 = tpu.vector_load %arg11[%get3A, %get3A_987] {strides = array<i32>} : memref<1600x16xf32, #tpu.memory_space<vmem>>, vector<1x16xf32>,
        %get3A_989 = vector.shape_cast %get3A_988 : vector<1x16xf32> to vector<16xf32>
        %add3A_990 = arith.addf %scan3A_973, %get3A_989 : vector<16xf32>
        %add3A_991 = arith.constant 1 : i32
        %add3A_992 = arith.addi %add3A_984, %add3A_991 : i32
        %get3A_993 = arith.index_cast %add3A_992 : i32 to index
        %get3A_994 = arith.constant 0 : index
        %get3A_995 = tpu.vector_load %arg11[%get3A_993, %get3A_994] {strides = array<i32>} : memref<1600x16xf32, #tpu.memory_space<vmem>>, vector<1x16xf32>,
        %get3A_996 = vector.shape_cast %get3A_995 : vector<1x16xf32> to vector<16xf32>
        %add3A_997 = arith.addf %scan3A_974, %get3A_996 : vector<16xf32>
        %add3A_998 = arith.constant 2 : i32
        %add3A_999 = arith.addi %add3A_984, %add3A_998 : i32
        %get3A_1000 = arith.index_cast %add3A_999 : i32 to index
        %get3A_1001 = arith.constant 0 : index
        %get3A_1002 = tpu.vector_load %arg11[%get3A_1000, %get3A_1001] {strides = array<i32>} : memref<1600x16xf32, #tpu.memory_space<vmem>>, vector<1x16xf32>,
        %get3A_1003 = vector.shape_cast %get3A_1002 : vector<1x16xf32> to vector<16xf32>
        %add3A_1004 = arith.addf %scan3A_975, %get3A_1003 : vector<16xf32>
        %add3A_1005 = arith.constant 3 : i32
        %add3A_1006 = arith.addi %add3A_984, %add3A_1005 : i32
        %get3A_1007 = arith.index_cast %add3A_1006 : i32 to index
        %get3A_1008 = arith.constant 0 : index
        %get3A_1009 = tpu.vector_load %arg11[%get3A_1007, %get3A_1008] {strides = array<i32>} : memref<1600x16xf32, #tpu.memory_space<vmem>>, vector<1x16xf32>,
        %get3A_1010 = vector.shape_cast %get3A_1009 : vector<1x16xf32> to vector<16xf32>
        %add3A_1011 = arith.addf %scan3A_976, %get3A_1010 : vector<16xf32>
        %add3A_1012 = arith.constant 4 : i32
        %add3A_1013 = arith.addi %add3A_984, %add3A_1012 : i32
        %get3A_1014 = arith.index_cast %add3A_1013 : i32 to index
        %get3A_1015 = arith.constant 0 : index
        %get3A_1016 = tpu.vector_load %arg11[%get3A_1014, %get3A_1015] {strides = array<i32>} : memref<1600x16xf32, #tpu.memory_space<vmem>>, vector<1x16xf32>,
        %get3A_1017 = vector.shape_cast %get3A_1016 : vector<1x16xf32> to vector<16xf32>
        %add3A_1018 = arith.addf %scan3A_977, %get3A_1017 : vector<16xf32>
        %add3A_1019 = arith.constant 5 : i32
        %add3A_1020 = arith.addi %add3A_984, %add3A_1019 : i32
        %get3A_1021 = arith.index_cast %add3A_1020 : i32 to index
        %get3A_1022 = arith.constant 0 : index
        %get3A_1023 = tpu.vector_load %arg11[%get3A_1021, %get3A_1022] {strides = array<i32>} : memref<1600x16xf32, #tpu.memory_space<vmem>>, vector<1x16xf32>,
        %get3A_1024 = vector.shape_cast %get3A_1023 : vector<1x16xf32> to vector<16xf32>
        %add3A_1025 = arith.addf %scan3A_978, %get3A_1024 : vector<16xf32>
        %add3A_1026 = arith.constant 6 : i32
        %add3A_1027 = arith.addi %add3A_984, %add3A_1026 : i32
        %get3A_1028 = arith.index_cast %add3A_1027 : i32 to index
        %get3A_1029 = arith.constant 0 : index
        %get3A_1030 = tpu.vector_load %arg11[%get3A_1028, %get3A_1029] {strides = array<i32>} : memref<1600x16xf32, #tpu.memory_space<vmem>>, vector<1x16xf32>,
        %get3A_1031 = vector.shape_cast %get3A_1030 : vector<1x16xf32> to vector<16xf32>
        %add3A_1032 = arith.addf %scan3A_979, %get3A_1031 : vector<16xf32>
        %add3A_1033 = arith.constant 7 : i32
        %add3A_1034 = arith.addi %add3A_984, %add3A_1033 : i32
        %get3A_1035 = arith.index_cast %add3A_1034 : i32 to index
        %get3A_1036 = arith.constant 0 : index
        %get3A_1037 = tpu.vector_load %arg11[%get3A_1035, %get3A_1036] {strides = array<i32>} : memref<1600x16xf32, #tpu.memory_space<vmem>>, vector<1x16xf32>,
        %get3A_1038 = vector.shape_cast %get3A_1037 : vector<1x16xf32> to vector<16xf32>
        %add3A_1039 = arith.addf %scan3A_980, %get3A_1038 : vector<16xf32>
        scf.yield %add3A_990, %add3A_997, %add3A_1004, %add3A_1011, %add3A_1018, %add3A_1025, %add3A_1032, %add3A_1039 : vector<16xf32>, vector<16xf32>, vector<16xf32>, vector<16xf32>, vector<16xf32>, vector<16xf32>, vector<16xf32>, vector<16xf32>
      }
      %scan3A_682 = arith.constant 25 : i32
      %add3A_683 = arith.addf %scan3A_681#0, %scan3A_681#1 : vector<16xf32>
      %add3A_684 = arith.addf %add3A_683, %scan3A_681#2 : vector<16xf32>
      %add3A_685 = arith.addf %add3A_684, %scan3A_681#3 : vector<16xf32>
      %add3A_686 = arith.addf %add3A_685, %scan3A_681#4 : vector<16xf32>
      %add3A_687 = arith.addf %add3A_686, %scan3A_681#5 : vector<16xf32>
      %add3A_688 = arith.addf %add3A_687, %scan3A_681#6 : vector<16xf32>
      %add3A_689 = arith.addf %add3A_688, %scan3A_681#7 : vector<16xf32>
      %mul3A_690 = vector.broadcast %scan3A_62 : f32 to vector<16xf32>
      %mul3A_691 = arith.mulf %add3A_689, %mul3A_690 : vector<16xf32>
      %swap3A_692 = arith.constant 5 : i32
      %swap3A_693 = arith.index_cast %swap3A_692 : i32 to index
      %swap3A_694 = arith.constant 0 : index
      %swap3A_695 = tpu.vector_load %arg15[%swap3A_693, %swap3A_694] {strides = array<i32>} : memref<8x16xf32, #tpu.memory_space<vmem>>, vector<1x16xf32>,
      %swap3A_696 = vector.shape_cast %swap3A_695 : vector<1x16xf32> to vector<16xf32>
      %swap3A_697 = vector.shape_cast %mul3A_691 : vector<16xf32> to vector<1x16xf32>
      tpu.vector_store %arg15[%swap3A_693, %swap3A_694], %swap3A_697 {strides = array<i32>} : memref<8x16xf32, #tpu.memory_space<vmem>>, vector<1x16xf32>,
      %broadcast_in_dim3A_698 = arith.constant 0.000000e+00 : f32
      %broadcast_in_dim3A_699 = vector.broadcast %broadcast_in_dim3A_698 : f32 to vector<16xf32>
      %scan3A_700 = arith.constant 0 : i32
      %scan3A_701 = arith.constant 25 : i32
      %scan3A_702 = arith.addi %scan3A_700, %scan3A_701 : i32
      %scan3A_703 = arith.constant 1 : i32
      %scan3A_704:8 = scf.for %scan3A_972 = %scan3A_700 to %scan3A_702 step %scan3A_703 iter_args(%scan3A_973 = %broadcast_in_dim3A_699, %scan3A_974 = %broadcast_in_dim3A_699, %scan3A_975 = %broadcast_in_dim3A_699, %scan3A_976 = %broadcast_in_dim3A_699, %scan3A_977 = %broadcast_in_dim3A_699, %scan3A_978 = %broadcast_in_dim3A_699, %scan3A_979 = %broadcast_in_dim3A_699, %scan3A_980 = %broadcast_in_dim3A_699) -> (vector<16xf32>, vector<16xf32>, vector<16xf32>, vector<16xf32>, vector<16xf32>, vector<16xf32>, vector<16xf32>, vector<16xf32>)  : i32 {
        %mul3A_981 = arith.constant 8 : i32
        %mul3A_982 = arith.muli %scan3A_972, %mul3A_981 : i32
        %add3A_983 = arith.constant 1200 : i32
        %add3A_984 = arith.addi %add3A_983, %mul3A_982 : i32
        %add3A_985 = arith.constant 0 : i32
        %add3A_986 = arith.addi %add3A_984, %add3A_985 : i32
        %get3A = arith.index_cast %add3A_986 : i32 to index
        %get3A_987 = arith.constant 0 : index
        %get3A_988 = tpu.vector_load %arg11[%get3A, %get3A_987] {strides = array<i32>} : memref<1600x16xf32, #tpu.memory_space<vmem>>, vector<1x16xf32>,
        %get3A_989 = vector.shape_cast %get3A_988 : vector<1x16xf32> to vector<16xf32>
        %add3A_990 = arith.addf %scan3A_973, %get3A_989 : vector<16xf32>
        %add3A_991 = arith.constant 1 : i32
        %add3A_992 = arith.addi %add3A_984, %add3A_991 : i32
        %get3A_993 = arith.index_cast %add3A_992 : i32 to index
        %get3A_994 = arith.constant 0 : index
        %get3A_995 = tpu.vector_load %arg11[%get3A_993, %get3A_994] {strides = array<i32>} : memref<1600x16xf32, #tpu.memory_space<vmem>>, vector<1x16xf32>,
        %get3A_996 = vector.shape_cast %get3A_995 : vector<1x16xf32> to vector<16xf32>
        %add3A_997 = arith.addf %scan3A_974, %get3A_996 : vector<16xf32>
        %add3A_998 = arith.constant 2 : i32
        %add3A_999 = arith.addi %add3A_984, %add3A_998 : i32
        %get3A_1000 = arith.index_cast %add3A_999 : i32 to index
        %get3A_1001 = arith.constant 0 : index
        %get3A_1002 = tpu.vector_load %arg11[%get3A_1000, %get3A_1001] {strides = array<i32>} : memref<1600x16xf32, #tpu.memory_space<vmem>>, vector<1x16xf32>,
        %get3A_1003 = vector.shape_cast %get3A_1002 : vector<1x16xf32> to vector<16xf32>
        %add3A_1004 = arith.addf %scan3A_975, %get3A_1003 : vector<16xf32>
        %add3A_1005 = arith.constant 3 : i32
        %add3A_1006 = arith.addi %add3A_984, %add3A_1005 : i32
        %get3A_1007 = arith.index_cast %add3A_1006 : i32 to index
        %get3A_1008 = arith.constant 0 : index
        %get3A_1009 = tpu.vector_load %arg11[%get3A_1007, %get3A_1008] {strides = array<i32>} : memref<1600x16xf32, #tpu.memory_space<vmem>>, vector<1x16xf32>,
        %get3A_1010 = vector.shape_cast %get3A_1009 : vector<1x16xf32> to vector<16xf32>
        %add3A_1011 = arith.addf %scan3A_976, %get3A_1010 : vector<16xf32>
        %add3A_1012 = arith.constant 4 : i32
        %add3A_1013 = arith.addi %add3A_984, %add3A_1012 : i32
        %get3A_1014 = arith.index_cast %add3A_1013 : i32 to index
        %get3A_1015 = arith.constant 0 : index
        %get3A_1016 = tpu.vector_load %arg11[%get3A_1014, %get3A_1015] {strides = array<i32>} : memref<1600x16xf32, #tpu.memory_space<vmem>>, vector<1x16xf32>,
        %get3A_1017 = vector.shape_cast %get3A_1016 : vector<1x16xf32> to vector<16xf32>
        %add3A_1018 = arith.addf %scan3A_977, %get3A_1017 : vector<16xf32>
        %add3A_1019 = arith.constant 5 : i32
        %add3A_1020 = arith.addi %add3A_984, %add3A_1019 : i32
        %get3A_1021 = arith.index_cast %add3A_1020 : i32 to index
        %get3A_1022 = arith.constant 0 : index
        %get3A_1023 = tpu.vector_load %arg11[%get3A_1021, %get3A_1022] {strides = array<i32>} : memref<1600x16xf32, #tpu.memory_space<vmem>>, vector<1x16xf32>,
        %get3A_1024 = vector.shape_cast %get3A_1023 : vector<1x16xf32> to vector<16xf32>
        %add3A_1025 = arith.addf %scan3A_978, %get3A_1024 : vector<16xf32>
        %add3A_1026 = arith.constant 6 : i32
        %add3A_1027 = arith.addi %add3A_984, %add3A_1026 : i32
        %get3A_1028 = arith.index_cast %add3A_1027 : i32 to index
        %get3A_1029 = arith.constant 0 : index
        %get3A_1030 = tpu.vector_load %arg11[%get3A_1028, %get3A_1029] {strides = array<i32>} : memref<1600x16xf32, #tpu.memory_space<vmem>>, vector<1x16xf32>,
        %get3A_1031 = vector.shape_cast %get3A_1030 : vector<1x16xf32> to vector<16xf32>
        %add3A_1032 = arith.addf %scan3A_979, %get3A_1031 : vector<16xf32>
        %add3A_1033 = arith.constant 7 : i32
        %add3A_1034 = arith.addi %add3A_984, %add3A_1033 : i32
        %get3A_1035 = arith.index_cast %add3A_1034 : i32 to index
        %get3A_1036 = arith.constant 0 : index
        %get3A_1037 = tpu.vector_load %arg11[%get3A_1035, %get3A_1036] {strides = array<i32>} : memref<1600x16xf32, #tpu.memory_space<vmem>>, vector<1x16xf32>,
        %get3A_1038 = vector.shape_cast %get3A_1037 : vector<1x16xf32> to vector<16xf32>
        %add3A_1039 = arith.addf %scan3A_980, %get3A_1038 : vector<16xf32>
        scf.yield %add3A_990, %add3A_997, %add3A_1004, %add3A_1011, %add3A_1018, %add3A_1025, %add3A_1032, %add3A_1039 : vector<16xf32>, vector<16xf32>, vector<16xf32>, vector<16xf32>, vector<16xf32>, vector<16xf32>, vector<16xf32>, vector<16xf32>
      }
      %scan3A_705 = arith.constant 25 : i32
      %add3A_706 = arith.addf %scan3A_704#0, %scan3A_704#1 : vector<16xf32>
      %add3A_707 = arith.addf %add3A_706, %scan3A_704#2 : vector<16xf32>
      %add3A_708 = arith.addf %add3A_707, %scan3A_704#3 : vector<16xf32>
      %add3A_709 = arith.addf %add3A_708, %scan3A_704#4 : vector<16xf32>
      %add3A_710 = arith.addf %add3A_709, %scan3A_704#5 : vector<16xf32>
      %add3A_711 = arith.addf %add3A_710, %scan3A_704#6 : vector<16xf32>
      %add3A_712 = arith.addf %add3A_711, %scan3A_704#7 : vector<16xf32>
      %mul3A_713 = vector.broadcast %scan3A_62 : f32 to vector<16xf32>
      %mul3A_714 = arith.mulf %add3A_712, %mul3A_713 : vector<16xf32>
      %swap3A_715 = arith.constant 6 : i32
      %swap3A_716 = arith.index_cast %swap3A_715 : i32 to index
      %swap3A_717 = arith.constant 0 : index
      %swap3A_718 = tpu.vector_load %arg15[%swap3A_716, %swap3A_717] {strides = array<i32>} : memref<8x16xf32, #tpu.memory_space<vmem>>, vector<1x16xf32>,
      %swap3A_719 = vector.shape_cast %swap3A_718 : vector<1x16xf32> to vector<16xf32>
      %swap3A_720 = vector.shape_cast %mul3A_714 : vector<16xf32> to vector<1x16xf32>
      tpu.vector_store %arg15[%swap3A_716, %swap3A_717], %swap3A_720 {strides = array<i32>} : memref<8x16xf32, #tpu.memory_space<vmem>>, vector<1x16xf32>,
      %broadcast_in_dim3A_721 = arith.constant 0.000000e+00 : f32
      %broadcast_in_dim3A_722 = vector.broadcast %broadcast_in_dim3A_721 : f32 to vector<16xf32>
      %scan3A_723 = arith.constant 0 : i32
      %scan3A_724 = arith.constant 25 : i32
      %scan3A_725 = arith.addi %scan3A_723, %scan3A_724 : i32
      %scan3A_726 = arith.constant 1 : i32
      %scan3A_727:8 = scf.for %scan3A_972 = %scan3A_723 to %scan3A_725 step %scan3A_726 iter_args(%scan3A_973 = %broadcast_in_dim3A_722, %scan3A_974 = %broadcast_in_dim3A_722, %scan3A_975 = %broadcast_in_dim3A_722, %scan3A_976 = %broadcast_in_dim3A_722, %scan3A_977 = %broadcast_in_dim3A_722, %scan3A_978 = %broadcast_in_dim3A_722, %scan3A_979 = %broadcast_in_dim3A_722, %scan3A_980 = %broadcast_in_dim3A_722) -> (vector<16xf32>, vector<16xf32>, vector<16xf32>, vector<16xf32>, vector<16xf32>, vector<16xf32>, vector<16xf32>, vector<16xf32>)  : i32 {
        %mul3A_981 = arith.constant 8 : i32
        %mul3A_982 = arith.muli %scan3A_972, %mul3A_981 : i32
        %add3A_983 = arith.constant 1400 : i32
        %add3A_984 = arith.addi %add3A_983, %mul3A_982 : i32
        %add3A_985 = arith.constant 0 : i32
        %add3A_986 = arith.addi %add3A_984, %add3A_985 : i32
        %get3A = arith.index_cast %add3A_986 : i32 to index
        %get3A_987 = arith.constant 0 : index
        %get3A_988 = tpu.vector_load %arg11[%get3A, %get3A_987] {strides = array<i32>} : memref<1600x16xf32, #tpu.memory_space<vmem>>, vector<1x16xf32>,
        %get3A_989 = vector.shape_cast %get3A_988 : vector<1x16xf32> to vector<16xf32>
        %add3A_990 = arith.addf %scan3A_973, %get3A_989 : vector<16xf32>
        %add3A_991 = arith.constant 1 : i32
        %add3A_992 = arith.addi %add3A_984, %add3A_991 : i32
        %get3A_993 = arith.index_cast %add3A_992 : i32 to index
        %get3A_994 = arith.constant 0 : index
        %get3A_995 = tpu.vector_load %arg11[%get3A_993, %get3A_994] {strides = array<i32>} : memref<1600x16xf32, #tpu.memory_space<vmem>>, vector<1x16xf32>,
        %get3A_996 = vector.shape_cast %get3A_995 : vector<1x16xf32> to vector<16xf32>
        %add3A_997 = arith.addf %scan3A_974, %get3A_996 : vector<16xf32>
        %add3A_998 = arith.constant 2 : i32
        %add3A_999 = arith.addi %add3A_984, %add3A_998 : i32
        %get3A_1000 = arith.index_cast %add3A_999 : i32 to index
        %get3A_1001 = arith.constant 0 : index
        %get3A_1002 = tpu.vector_load %arg11[%get3A_1000, %get3A_1001] {strides = array<i32>} : memref<1600x16xf32, #tpu.memory_space<vmem>>, vector<1x16xf32>,
        %get3A_1003 = vector.shape_cast %get3A_1002 : vector<1x16xf32> to vector<16xf32>
        %add3A_1004 = arith.addf %scan3A_975, %get3A_1003 : vector<16xf32>
        %add3A_1005 = arith.constant 3 : i32
        %add3A_1006 = arith.addi %add3A_984, %add3A_1005 : i32
        %get3A_1007 = arith.index_cast %add3A_1006 : i32 to index
        %get3A_1008 = arith.constant 0 : index
        %get3A_1009 = tpu.vector_load %arg11[%get3A_1007, %get3A_1008] {strides = array<i32>} : memref<1600x16xf32, #tpu.memory_space<vmem>>, vector<1x16xf32>,
        %get3A_1010 = vector.shape_cast %get3A_1009 : vector<1x16xf32> to vector<16xf32>
        %add3A_1011 = arith.addf %scan3A_976, %get3A_1010 : vector<16xf32>
        %add3A_1012 = arith.constant 4 : i32
        %add3A_1013 = arith.addi %add3A_984, %add3A_1012 : i32
        %get3A_1014 = arith.index_cast %add3A_1013 : i32 to index
        %get3A_1015 = arith.constant 0 : index
        %get3A_1016 = tpu.vector_load %arg11[%get3A_1014, %get3A_1015] {strides = array<i32>} : memref<1600x16xf32, #tpu.memory_space<vmem>>, vector<1x16xf32>,
        %get3A_1017 = vector.shape_cast %get3A_1016 : vector<1x16xf32> to vector<16xf32>
        %add3A_1018 = arith.addf %scan3A_977, %get3A_1017 : vector<16xf32>
        %add3A_1019 = arith.constant 5 : i32
        %add3A_1020 = arith.addi %add3A_984, %add3A_1019 : i32
        %get3A_1021 = arith.index_cast %add3A_1020 : i32 to index
        %get3A_1022 = arith.constant 0 : index
        %get3A_1023 = tpu.vector_load %arg11[%get3A_1021, %get3A_1022] {strides = array<i32>} : memref<1600x16xf32, #tpu.memory_space<vmem>>, vector<1x16xf32>,
        %get3A_1024 = vector.shape_cast %get3A_1023 : vector<1x16xf32> to vector<16xf32>
        %add3A_1025 = arith.addf %scan3A_978, %get3A_1024 : vector<16xf32>
        %add3A_1026 = arith.constant 6 : i32
        %add3A_1027 = arith.addi %add3A_984, %add3A_1026 : i32
        %get3A_1028 = arith.index_cast %add3A_1027 : i32 to index
        %get3A_1029 = arith.constant 0 : index
        %get3A_1030 = tpu.vector_load %arg11[%get3A_1028, %get3A_1029] {strides = array<i32>} : memref<1600x16xf32, #tpu.memory_space<vmem>>, vector<1x16xf32>,
        %get3A_1031 = vector.shape_cast %get3A_1030 : vector<1x16xf32> to vector<16xf32>
        %add3A_1032 = arith.addf %scan3A_979, %get3A_1031 : vector<16xf32>
        %add3A_1033 = arith.constant 7 : i32
        %add3A_1034 = arith.addi %add3A_984, %add3A_1033 : i32
        %get3A_1035 = arith.index_cast %add3A_1034 : i32 to index
        %get3A_1036 = arith.constant 0 : index
        %get3A_1037 = tpu.vector_load %arg11[%get3A_1035, %get3A_1036] {strides = array<i32>} : memref<1600x16xf32, #tpu.memory_space<vmem>>, vector<1x16xf32>,
        %get3A_1038 = vector.shape_cast %get3A_1037 : vector<1x16xf32> to vector<16xf32>
        %add3A_1039 = arith.addf %scan3A_980, %get3A_1038 : vector<16xf32>
        scf.yield %add3A_990, %add3A_997, %add3A_1004, %add3A_1011, %add3A_1018, %add3A_1025, %add3A_1032, %add3A_1039 : vector<16xf32>, vector<16xf32>, vector<16xf32>, vector<16xf32>, vector<16xf32>, vector<16xf32>, vector<16xf32>, vector<16xf32>
      }
      %scan3A_728 = arith.constant 25 : i32
      %add3A_729 = arith.addf %scan3A_727#0, %scan3A_727#1 : vector<16xf32>
      %add3A_730 = arith.addf %add3A_729, %scan3A_727#2 : vector<16xf32>
      %add3A_731 = arith.addf %add3A_730, %scan3A_727#3 : vector<16xf32>
      %add3A_732 = arith.addf %add3A_731, %scan3A_727#4 : vector<16xf32>
      %add3A_733 = arith.addf %add3A_732, %scan3A_727#5 : vector<16xf32>
      %add3A_734 = arith.addf %add3A_733, %scan3A_727#6 : vector<16xf32>
      %add3A_735 = arith.addf %add3A_734, %scan3A_727#7 : vector<16xf32>
      %mul3A_736 = vector.broadcast %scan3A_62 : f32 to vector<16xf32>
      %mul3A_737 = arith.mulf %add3A_735, %mul3A_736 : vector<16xf32>
      %swap3A_738 = arith.constant 7 : i32
      %swap3A_739 = arith.index_cast %swap3A_738 : i32 to index
      %swap3A_740 = arith.constant 0 : index
      %swap3A_741 = tpu.vector_load %arg15[%swap3A_739, %swap3A_740] {strides = array<i32>} : memref<8x16xf32, #tpu.memory_space<vmem>>, vector<1x16xf32>,
      %swap3A_742 = vector.shape_cast %swap3A_741 : vector<1x16xf32> to vector<16xf32>
      %swap3A_743 = vector.shape_cast %mul3A_737 : vector<16xf32> to vector<1x16xf32>
      tpu.vector_store %arg15[%swap3A_739, %swap3A_740], %swap3A_743 {strides = array<i32>} : memref<8x16xf32, #tpu.memory_space<vmem>>, vector<1x16xf32>,
      %mul3A_744 = arith.constant 8 : i32
      %mul3A_745 = arith.muli %add3A_531, %mul3A_744 : i32
      %add3A_746 = arith.addi %mul3A_2, %mul3A_745 : i32
      %dma_start3A_747 = arith.constant 0 : i32
      %dma_start3A_748 = tpu.memref_slice %arg4[%add3A_746, %dma_start3A_747] : memref<16384x16xf32, #tpu.memory_space<hbm>> -> memref<8x16xf32, #tpu.memory_space<hbm>>
      %dma_start3A_749 = arith.constant 0 : i32
      %dma_start3A_750 = tpu.memref_slice %arg4[%add3A_746, %dma_start3A_749] : memref<16384x16xf32, #tpu.memory_space<hbm>> -> memref<8x16xf32, #tpu.memory_space<hbm>>
      tpu.enqueue_dma source(%arg15 : memref<8x16xf32, #tpu.memory_space<vmem>>) target(%dma_start3A_750 : memref<8x16xf32, #tpu.memory_space<hbm>>) target_semaphore(%arg23 : memref<!tpu.dma_semaphore, #tpu.memory_space<semaphore_mem>>)
      %add3A_751 = arith.constant 3 : i32
      %add3A_752 = arith.addi %mul3A_93, %add3A_751 : i32
      %add3A_753 = arith.constant 3 : i32
      %add3A_754 = arith.addi %add3A_752, %add3A_753 : i32
      %lt3A_755 = arith.constant 64 : i32
      %lt3A_756 = arith.cmpi slt, %add3A_754, %lt3A_755 : i32
      %convert_element_type3A_757 = arith.extui %lt3A_756 : i1 to i32
      %cond3A_758 = arith.constant 0 : i32
      %cond3A_759 = arith.cmpi ne, %convert_element_type3A_757, %cond3A_758 : i32
      scf.if %cond3A_759 {
        %add3A_972 = arith.constant 3 : i32
        %add3A_973 = arith.addi %add3A_752, %add3A_972 : i32
        %mul3A_974 = arith.constant 8 : i32
        %mul3A_975 = arith.muli %add3A_973, %mul3A_974 : i32
        %add3A_976 = arith.addi %mul3A_2, %mul3A_975 : i32
        %mul3A_977 = arith.constant 200 : i32
        %mul3A_978 = arith.muli %add3A_976, %mul3A_977 : i32
        "tpu.region"() ({
          %run_scoped3A = tpu.sem_alloc : memref<!tpu.dma_semaphore, #tpu.memory_space<semaphore_mem>>
          %dma_start3A_995 = tpu.memref_slice %arg3[%mul3A_978] : memref<3276800xi32, #tpu.memory_space<hbm>> -> memref<1600xi32, #tpu.memory_space<hbm>>
          %dma_start3A_996 = tpu.memref_slice %arg3[%mul3A_978] : memref<3276800xi32, #tpu.memory_space<hbm>> -> memref<1600xi32, #tpu.memory_space<hbm>>
          tpu.enqueue_dma source(%dma_start3A_996 : memref<1600xi32, #tpu.memory_space<hbm>>) target(%arg7 : memref<1600xi32, #tpu.memory_space<vmem>>) target_semaphore(%run_scoped3A : memref<!tpu.dma_semaphore, #tpu.memory_space<semaphore_mem>>)
          %dma_wait3A_997 = tpu.memref_slice %arg3[%mul3A_978] : memref<3276800xi32, #tpu.memory_space<hbm>> -> memref<1600xi32, #tpu.memory_space<hbm>>
          %dma_wait3A_998 = tpu.memref_slice %arg3[%mul3A_978] : memref<3276800xi32, #tpu.memory_space<hbm>> -> memref<1600xi32, #tpu.memory_space<hbm>>
          tpu.wait_dma2 semaphore(%run_scoped3A : memref<!tpu.dma_semaphore, #tpu.memory_space<semaphore_mem>>) src(%dma_wait3A_998 : memref<1600xi32, #tpu.memory_space<hbm>>) dst(%arg7 : memref<1600xi32, #tpu.memory_space<vmem>>)
          tpu.yield
        }) : () -> ()
        %dma_start3A_979 = arith.constant 0 : i32
        %dma_start3A_980 = arith.constant 0 : i32
        %dma_start3A_981 = tpu.memref_slice %arg11[%dma_start3A_979, %dma_start3A_980] : memref<1600x16xf32, #tpu.memory_space<vmem>> -> memref<800x16xf32, #tpu.memory_space<vmem>>
        %dma_start3A_982 = arith.constant 0 : i32
        %dma_start3A_983 = tpu.memref_slice %arg7[%dma_start3A_982] : memref<1600xi32, #tpu.memory_space<vmem>> -> memref<800xi32, #tpu.memory_space<vmem>>
        %dma_start3A_984 = arith.constant 0 : i32
        %dma_start3A_985 = arith.constant 0 : i32
        %dma_start3A_986 = tpu.memref_slice %arg2[%dma_start3A_984, %dma_start3A_985] : memref<1000000x16xf32, #tpu.memory_space<hbm>> -> memref<1000000x16xf32, #tpu.memory_space<hbm>>
        tpu.enqueue_indirect_dma source(%dma_start3A_986 : memref<1000000x16xf32, #tpu.memory_space<hbm>>) target(%dma_start3A_981 : memref<800x16xf32, #tpu.memory_space<vmem>>) offsets(%dma_start3A_983 : memref<800xi32, #tpu.memory_space<vmem>>) semaphore(%arg19 : memref<!tpu.dma_semaphore, #tpu.memory_space<semaphore_mem>>)
        %dma_start3A_987 = arith.constant 800 : i32
        %dma_start3A_988 = arith.constant 0 : i32
        %dma_start3A_989 = tpu.memref_slice %arg11[%dma_start3A_987, %dma_start3A_988] : memref<1600x16xf32, #tpu.memory_space<vmem>> -> memref<800x16xf32, #tpu.memory_space<vmem>>
        %dma_start3A_990 = arith.constant 800 : i32
        %dma_start3A_991 = tpu.memref_slice %arg7[%dma_start3A_990] : memref<1600xi32, #tpu.memory_space<vmem>> -> memref<800xi32, #tpu.memory_space<vmem>>
        %dma_start3A_992 = arith.constant 0 : i32
        %dma_start3A_993 = arith.constant 0 : i32
        %dma_start3A_994 = tpu.memref_slice %arg2[%dma_start3A_992, %dma_start3A_993] : memref<1000000x16xf32, #tpu.memory_space<hbm>> -> memref<1000000x16xf32, #tpu.memory_space<hbm>>
        tpu.enqueue_indirect_dma source(%dma_start3A_994 : memref<1000000x16xf32, #tpu.memory_space<hbm>>) target(%dma_start3A_989 : memref<800x16xf32, #tpu.memory_space<vmem>>) offsets(%dma_start3A_991 : memref<800xi32, #tpu.memory_space<vmem>>) semaphore(%arg19 : memref<!tpu.dma_semaphore, #tpu.memory_space<semaphore_mem>>)
      } else {
      }
      %dma_wait3A_760 = arith.constant 0 : i32
      %dma_wait3A_761 = arith.constant 0 : i32
      %dma_wait3A_762 = tpu.memref_slice %arg12[%dma_wait3A_760, %dma_wait3A_761] : memref<1600x16xf32, #tpu.memory_space<vmem>> -> memref<800x16xf32, #tpu.memory_space<vmem>>
      %dma_wait3A_763 = arith.constant 0 : i32
      %dma_wait3A_764 = tpu.memref_slice %arg8[%dma_wait3A_763] : memref<1600xi32, #tpu.memory_space<vmem>> -> memref<800xi32, #tpu.memory_space<vmem>>
      %dma_wait3A_765 = arith.constant 0 : i32
      %dma_wait3A_766 = arith.constant 0 : i32
      %dma_wait3A_767 = tpu.memref_slice %arg2[%dma_wait3A_765, %dma_wait3A_766] : memref<1000000x16xf32, #tpu.memory_space<hbm>> -> memref<1000000x16xf32, #tpu.memory_space<hbm>>
      tpu.wait_indirect_dma semaphore(%arg20 : memref<!tpu.dma_semaphore, #tpu.memory_space<semaphore_mem>>) src(%dma_wait3A_767 : memref<1000000x16xf32, #tpu.memory_space<hbm>>) dst(%dma_wait3A_762 : memref<800x16xf32, #tpu.memory_space<vmem>>)
      %dma_wait3A_768 = arith.constant 800 : i32
      %dma_wait3A_769 = arith.constant 0 : i32
      %dma_wait3A_770 = tpu.memref_slice %arg12[%dma_wait3A_768, %dma_wait3A_769] : memref<1600x16xf32, #tpu.memory_space<vmem>> -> memref<800x16xf32, #tpu.memory_space<vmem>>
      %dma_wait3A_771 = arith.constant 800 : i32
      %dma_wait3A_772 = tpu.memref_slice %arg8[%dma_wait3A_771] : memref<1600xi32, #tpu.memory_space<vmem>> -> memref<800xi32, #tpu.memory_space<vmem>>
      %dma_wait3A_773 = arith.constant 0 : i32
      %dma_wait3A_774 = arith.constant 0 : i32
      %dma_wait3A_775 = tpu.memref_slice %arg2[%dma_wait3A_773, %dma_wait3A_774] : memref<1000000x16xf32, #tpu.memory_space<hbm>> -> memref<1000000x16xf32, #tpu.memory_space<hbm>>
      tpu.wait_indirect_dma semaphore(%arg20 : memref<!tpu.dma_semaphore, #tpu.memory_space<semaphore_mem>>) src(%dma_wait3A_775 : memref<1000000x16xf32, #tpu.memory_space<hbm>>) dst(%dma_wait3A_770 : memref<800x16xf32, #tpu.memory_space<vmem>>)
      %ge3A_776 = arith.constant 4 : i32
      %ge3A_777 = arith.cmpi sge, %add3A_752, %ge3A_776 : i32
      %convert_element_type3A_778 = arith.extui %ge3A_777 : i1 to i32
      %cond3A_779 = arith.constant 0 : i32
      %cond3A_780 = arith.cmpi ne, %convert_element_type3A_778, %cond3A_779 : i32
      scf.if %cond3A_780 {
        %sub3A = arith.constant 4 : i32
        %sub3A_972 = arith.subi %add3A_752, %sub3A : i32
        %mul3A_973 = arith.constant 8 : i32
        %mul3A_974 = arith.muli %sub3A_972, %mul3A_973 : i32
        %add3A_975 = arith.addi %mul3A_2, %mul3A_974 : i32
        %dma_wait3A_976 = arith.constant 0 : i32
        %dma_wait3A_977 = tpu.memref_slice %arg4[%add3A_975, %dma_wait3A_976] : memref<16384x16xf32, #tpu.memory_space<hbm>> -> memref<8x16xf32, #tpu.memory_space<hbm>>
        %dma_wait3A_978 = arith.constant 0 : i32
        %dma_wait3A_979 = tpu.memref_slice %arg4[%add3A_975, %dma_wait3A_978] : memref<16384x16xf32, #tpu.memory_space<hbm>> -> memref<8x16xf32, #tpu.memory_space<hbm>>
        tpu.wait_dma2 semaphore(%arg24 : memref<!tpu.dma_semaphore, #tpu.memory_space<semaphore_mem>>) src(%arg16 : memref<8x16xf32, #tpu.memory_space<vmem>>) dst(%dma_wait3A_979 : memref<8x16xf32, #tpu.memory_space<hbm>>)
      } else {
      }
      %broadcast_in_dim3A_781 = arith.constant 0.000000e+00 : f32
      %broadcast_in_dim3A_782 = vector.broadcast %broadcast_in_dim3A_781 : f32 to vector<16xf32>
      %scan3A_783 = arith.constant 0 : i32
      %scan3A_784 = arith.constant 25 : i32
      %scan3A_785 = arith.addi %scan3A_783, %scan3A_784 : i32
      %scan3A_786 = arith.constant 1 : i32
      %scan3A_787:8 = scf.for %scan3A_972 = %scan3A_783 to %scan3A_785 step %scan3A_786 iter_args(%scan3A_973 = %broadcast_in_dim3A_782, %scan3A_974 = %broadcast_in_dim3A_782, %scan3A_975 = %broadcast_in_dim3A_782, %scan3A_976 = %broadcast_in_dim3A_782, %scan3A_977 = %broadcast_in_dim3A_782, %scan3A_978 = %broadcast_in_dim3A_782, %scan3A_979 = %broadcast_in_dim3A_782, %scan3A_980 = %broadcast_in_dim3A_782) -> (vector<16xf32>, vector<16xf32>, vector<16xf32>, vector<16xf32>, vector<16xf32>, vector<16xf32>, vector<16xf32>, vector<16xf32>)  : i32 {
        %mul3A_981 = arith.constant 8 : i32
        %mul3A_982 = arith.muli %scan3A_972, %mul3A_981 : i32
        %add3A_983 = arith.constant 0 : i32
        %add3A_984 = arith.addi %add3A_983, %mul3A_982 : i32
        %add3A_985 = arith.constant 0 : i32
        %add3A_986 = arith.addi %add3A_984, %add3A_985 : i32
        %get3A = arith.index_cast %add3A_986 : i32 to index
        %get3A_987 = arith.constant 0 : index
        %get3A_988 = tpu.vector_load %arg12[%get3A, %get3A_987] {strides = array<i32>} : memref<1600x16xf32, #tpu.memory_space<vmem>>, vector<1x16xf32>,
        %get3A_989 = vector.shape_cast %get3A_988 : vector<1x16xf32> to vector<16xf32>
        %add3A_990 = arith.addf %scan3A_973, %get3A_989 : vector<16xf32>
        %add3A_991 = arith.constant 1 : i32
        %add3A_992 = arith.addi %add3A_984, %add3A_991 : i32
        %get3A_993 = arith.index_cast %add3A_992 : i32 to index
        %get3A_994 = arith.constant 0 : index
        %get3A_995 = tpu.vector_load %arg12[%get3A_993, %get3A_994] {strides = array<i32>} : memref<1600x16xf32, #tpu.memory_space<vmem>>, vector<1x16xf32>,
        %get3A_996 = vector.shape_cast %get3A_995 : vector<1x16xf32> to vector<16xf32>
        %add3A_997 = arith.addf %scan3A_974, %get3A_996 : vector<16xf32>
        %add3A_998 = arith.constant 2 : i32
        %add3A_999 = arith.addi %add3A_984, %add3A_998 : i32
        %get3A_1000 = arith.index_cast %add3A_999 : i32 to index
        %get3A_1001 = arith.constant 0 : index
        %get3A_1002 = tpu.vector_load %arg12[%get3A_1000, %get3A_1001] {strides = array<i32>} : memref<1600x16xf32, #tpu.memory_space<vmem>>, vector<1x16xf32>,
        %get3A_1003 = vector.shape_cast %get3A_1002 : vector<1x16xf32> to vector<16xf32>
        %add3A_1004 = arith.addf %scan3A_975, %get3A_1003 : vector<16xf32>
        %add3A_1005 = arith.constant 3 : i32
        %add3A_1006 = arith.addi %add3A_984, %add3A_1005 : i32
        %get3A_1007 = arith.index_cast %add3A_1006 : i32 to index
        %get3A_1008 = arith.constant 0 : index
        %get3A_1009 = tpu.vector_load %arg12[%get3A_1007, %get3A_1008] {strides = array<i32>} : memref<1600x16xf32, #tpu.memory_space<vmem>>, vector<1x16xf32>,
        %get3A_1010 = vector.shape_cast %get3A_1009 : vector<1x16xf32> to vector<16xf32>
        %add3A_1011 = arith.addf %scan3A_976, %get3A_1010 : vector<16xf32>
        %add3A_1012 = arith.constant 4 : i32
        %add3A_1013 = arith.addi %add3A_984, %add3A_1012 : i32
        %get3A_1014 = arith.index_cast %add3A_1013 : i32 to index
        %get3A_1015 = arith.constant 0 : index
        %get3A_1016 = tpu.vector_load %arg12[%get3A_1014, %get3A_1015] {strides = array<i32>} : memref<1600x16xf32, #tpu.memory_space<vmem>>, vector<1x16xf32>,
        %get3A_1017 = vector.shape_cast %get3A_1016 : vector<1x16xf32> to vector<16xf32>
        %add3A_1018 = arith.addf %scan3A_977, %get3A_1017 : vector<16xf32>
        %add3A_1019 = arith.constant 5 : i32
        %add3A_1020 = arith.addi %add3A_984, %add3A_1019 : i32
        %get3A_1021 = arith.index_cast %add3A_1020 : i32 to index
        %get3A_1022 = arith.constant 0 : index
        %get3A_1023 = tpu.vector_load %arg12[%get3A_1021, %get3A_1022] {strides = array<i32>} : memref<1600x16xf32, #tpu.memory_space<vmem>>, vector<1x16xf32>,
        %get3A_1024 = vector.shape_cast %get3A_1023 : vector<1x16xf32> to vector<16xf32>
        %add3A_1025 = arith.addf %scan3A_978, %get3A_1024 : vector<16xf32>
        %add3A_1026 = arith.constant 6 : i32
        %add3A_1027 = arith.addi %add3A_984, %add3A_1026 : i32
        %get3A_1028 = arith.index_cast %add3A_1027 : i32 to index
        %get3A_1029 = arith.constant 0 : index
        %get3A_1030 = tpu.vector_load %arg12[%get3A_1028, %get3A_1029] {strides = array<i32>} : memref<1600x16xf32, #tpu.memory_space<vmem>>, vector<1x16xf32>,
        %get3A_1031 = vector.shape_cast %get3A_1030 : vector<1x16xf32> to vector<16xf32>
        %add3A_1032 = arith.addf %scan3A_979, %get3A_1031 : vector<16xf32>
        %add3A_1033 = arith.constant 7 : i32
        %add3A_1034 = arith.addi %add3A_984, %add3A_1033 : i32
        %get3A_1035 = arith.index_cast %add3A_1034 : i32 to index
        %get3A_1036 = arith.constant 0 : index
        %get3A_1037 = tpu.vector_load %arg12[%get3A_1035, %get3A_1036] {strides = array<i32>} : memref<1600x16xf32, #tpu.memory_space<vmem>>, vector<1x16xf32>,
        %get3A_1038 = vector.shape_cast %get3A_1037 : vector<1x16xf32> to vector<16xf32>
        %add3A_1039 = arith.addf %scan3A_980, %get3A_1038 : vector<16xf32>
        scf.yield %add3A_990, %add3A_997, %add3A_1004, %add3A_1011, %add3A_1018, %add3A_1025, %add3A_1032, %add3A_1039 : vector<16xf32>, vector<16xf32>, vector<16xf32>, vector<16xf32>, vector<16xf32>, vector<16xf32>, vector<16xf32>, vector<16xf32>
      }
      %scan3A_788 = arith.constant 25 : i32
      %add3A_789 = arith.addf %scan3A_787#0, %scan3A_787#1 : vector<16xf32>
      %add3A_790 = arith.addf %add3A_789, %scan3A_787#2 : vector<16xf32>
      %add3A_791 = arith.addf %add3A_790, %scan3A_787#3 : vector<16xf32>
      %add3A_792 = arith.addf %add3A_791, %scan3A_787#4 : vector<16xf32>
      %add3A_793 = arith.addf %add3A_792, %scan3A_787#5 : vector<16xf32>
      %add3A_794 = arith.addf %add3A_793, %scan3A_787#6 : vector<16xf32>
      %add3A_795 = arith.addf %add3A_794, %scan3A_787#7 : vector<16xf32>
      %mul3A_796 = vector.broadcast %scan3A_62 : f32 to vector<16xf32>
      %mul3A_797 = arith.mulf %add3A_795, %mul3A_796 : vector<16xf32>
      %swap3A_798 = arith.constant 0 : i32
      %swap3A_799 = arith.index_cast %swap3A_798 : i32 to index
      %swap3A_800 = arith.constant 0 : index
      %swap3A_801 = tpu.vector_load %arg16[%swap3A_799, %swap3A_800] {strides = array<i32>} : memref<8x16xf32, #tpu.memory_space<vmem>>, vector<1x16xf32>,
      %swap3A_802 = vector.shape_cast %swap3A_801 : vector<1x16xf32> to vector<16xf32>
      %swap3A_803 = vector.shape_cast %mul3A_797 : vector<16xf32> to vector<1x16xf32>
      tpu.vector_store %arg16[%swap3A_799, %swap3A_800], %swap3A_803 {strides = array<i32>} : memref<8x16xf32, #tpu.memory_space<vmem>>, vector<1x16xf32>,
      %broadcast_in_dim3A_804 = arith.constant 0.000000e+00 : f32
      %broadcast_in_dim3A_805 = vector.broadcast %broadcast_in_dim3A_804 : f32 to vector<16xf32>
      %scan3A_806 = arith.constant 0 : i32
      %scan3A_807 = arith.constant 25 : i32
      %scan3A_808 = arith.addi %scan3A_806, %scan3A_807 : i32
      %scan3A_809 = arith.constant 1 : i32
      %scan3A_810:8 = scf.for %scan3A_972 = %scan3A_806 to %scan3A_808 step %scan3A_809 iter_args(%scan3A_973 = %broadcast_in_dim3A_805, %scan3A_974 = %broadcast_in_dim3A_805, %scan3A_975 = %broadcast_in_dim3A_805, %scan3A_976 = %broadcast_in_dim3A_805, %scan3A_977 = %broadcast_in_dim3A_805, %scan3A_978 = %broadcast_in_dim3A_805, %scan3A_979 = %broadcast_in_dim3A_805, %scan3A_980 = %broadcast_in_dim3A_805) -> (vector<16xf32>, vector<16xf32>, vector<16xf32>, vector<16xf32>, vector<16xf32>, vector<16xf32>, vector<16xf32>, vector<16xf32>)  : i32 {
        %mul3A_981 = arith.constant 8 : i32
        %mul3A_982 = arith.muli %scan3A_972, %mul3A_981 : i32
        %add3A_983 = arith.constant 200 : i32
        %add3A_984 = arith.addi %add3A_983, %mul3A_982 : i32
        %add3A_985 = arith.constant 0 : i32
        %add3A_986 = arith.addi %add3A_984, %add3A_985 : i32
        %get3A = arith.index_cast %add3A_986 : i32 to index
        %get3A_987 = arith.constant 0 : index
        %get3A_988 = tpu.vector_load %arg12[%get3A, %get3A_987] {strides = array<i32>} : memref<1600x16xf32, #tpu.memory_space<vmem>>, vector<1x16xf32>,
        %get3A_989 = vector.shape_cast %get3A_988 : vector<1x16xf32> to vector<16xf32>
        %add3A_990 = arith.addf %scan3A_973, %get3A_989 : vector<16xf32>
        %add3A_991 = arith.constant 1 : i32
        %add3A_992 = arith.addi %add3A_984, %add3A_991 : i32
        %get3A_993 = arith.index_cast %add3A_992 : i32 to index
        %get3A_994 = arith.constant 0 : index
        %get3A_995 = tpu.vector_load %arg12[%get3A_993, %get3A_994] {strides = array<i32>} : memref<1600x16xf32, #tpu.memory_space<vmem>>, vector<1x16xf32>,
        %get3A_996 = vector.shape_cast %get3A_995 : vector<1x16xf32> to vector<16xf32>
        %add3A_997 = arith.addf %scan3A_974, %get3A_996 : vector<16xf32>
        %add3A_998 = arith.constant 2 : i32
        %add3A_999 = arith.addi %add3A_984, %add3A_998 : i32
        %get3A_1000 = arith.index_cast %add3A_999 : i32 to index
        %get3A_1001 = arith.constant 0 : index
        %get3A_1002 = tpu.vector_load %arg12[%get3A_1000, %get3A_1001] {strides = array<i32>} : memref<1600x16xf32, #tpu.memory_space<vmem>>, vector<1x16xf32>,
        %get3A_1003 = vector.shape_cast %get3A_1002 : vector<1x16xf32> to vector<16xf32>
        %add3A_1004 = arith.addf %scan3A_975, %get3A_1003 : vector<16xf32>
        %add3A_1005 = arith.constant 3 : i32
        %add3A_1006 = arith.addi %add3A_984, %add3A_1005 : i32
        %get3A_1007 = arith.index_cast %add3A_1006 : i32 to index
        %get3A_1008 = arith.constant 0 : index
        %get3A_1009 = tpu.vector_load %arg12[%get3A_1007, %get3A_1008] {strides = array<i32>} : memref<1600x16xf32, #tpu.memory_space<vmem>>, vector<1x16xf32>,
        %get3A_1010 = vector.shape_cast %get3A_1009 : vector<1x16xf32> to vector<16xf32>
        %add3A_1011 = arith.addf %scan3A_976, %get3A_1010 : vector<16xf32>
        %add3A_1012 = arith.constant 4 : i32
        %add3A_1013 = arith.addi %add3A_984, %add3A_1012 : i32
        %get3A_1014 = arith.index_cast %add3A_1013 : i32 to index
        %get3A_1015 = arith.constant 0 : index
        %get3A_1016 = tpu.vector_load %arg12[%get3A_1014, %get3A_1015] {strides = array<i32>} : memref<1600x16xf32, #tpu.memory_space<vmem>>, vector<1x16xf32>,
        %get3A_1017 = vector.shape_cast %get3A_1016 : vector<1x16xf32> to vector<16xf32>
        %add3A_1018 = arith.addf %scan3A_977, %get3A_1017 : vector<16xf32>
        %add3A_1019 = arith.constant 5 : i32
        %add3A_1020 = arith.addi %add3A_984, %add3A_1019 : i32
        %get3A_1021 = arith.index_cast %add3A_1020 : i32 to index
        %get3A_1022 = arith.constant 0 : index
        %get3A_1023 = tpu.vector_load %arg12[%get3A_1021, %get3A_1022] {strides = array<i32>} : memref<1600x16xf32, #tpu.memory_space<vmem>>, vector<1x16xf32>,
        %get3A_1024 = vector.shape_cast %get3A_1023 : vector<1x16xf32> to vector<16xf32>
        %add3A_1025 = arith.addf %scan3A_978, %get3A_1024 : vector<16xf32>
        %add3A_1026 = arith.constant 6 : i32
        %add3A_1027 = arith.addi %add3A_984, %add3A_1026 : i32
        %get3A_1028 = arith.index_cast %add3A_1027 : i32 to index
        %get3A_1029 = arith.constant 0 : index
        %get3A_1030 = tpu.vector_load %arg12[%get3A_1028, %get3A_1029] {strides = array<i32>} : memref<1600x16xf32, #tpu.memory_space<vmem>>, vector<1x16xf32>,
        %get3A_1031 = vector.shape_cast %get3A_1030 : vector<1x16xf32> to vector<16xf32>
        %add3A_1032 = arith.addf %scan3A_979, %get3A_1031 : vector<16xf32>
        %add3A_1033 = arith.constant 7 : i32
        %add3A_1034 = arith.addi %add3A_984, %add3A_1033 : i32
        %get3A_1035 = arith.index_cast %add3A_1034 : i32 to index
        %get3A_1036 = arith.constant 0 : index
        %get3A_1037 = tpu.vector_load %arg12[%get3A_1035, %get3A_1036] {strides = array<i32>} : memref<1600x16xf32, #tpu.memory_space<vmem>>, vector<1x16xf32>,
        %get3A_1038 = vector.shape_cast %get3A_1037 : vector<1x16xf32> to vector<16xf32>
        %add3A_1039 = arith.addf %scan3A_980, %get3A_1038 : vector<16xf32>
        scf.yield %add3A_990, %add3A_997, %add3A_1004, %add3A_1011, %add3A_1018, %add3A_1025, %add3A_1032, %add3A_1039 : vector<16xf32>, vector<16xf32>, vector<16xf32>, vector<16xf32>, vector<16xf32>, vector<16xf32>, vector<16xf32>, vector<16xf32>
      }
      %scan3A_811 = arith.constant 25 : i32
      %add3A_812 = arith.addf %scan3A_810#0, %scan3A_810#1 : vector<16xf32>
      %add3A_813 = arith.addf %add3A_812, %scan3A_810#2 : vector<16xf32>
      %add3A_814 = arith.addf %add3A_813, %scan3A_810#3 : vector<16xf32>
      %add3A_815 = arith.addf %add3A_814, %scan3A_810#4 : vector<16xf32>
      %add3A_816 = arith.addf %add3A_815, %scan3A_810#5 : vector<16xf32>
      %add3A_817 = arith.addf %add3A_816, %scan3A_810#6 : vector<16xf32>
      %add3A_818 = arith.addf %add3A_817, %scan3A_810#7 : vector<16xf32>
      %mul3A_819 = vector.broadcast %scan3A_62 : f32 to vector<16xf32>
      %mul3A_820 = arith.mulf %add3A_818, %mul3A_819 : vector<16xf32>
      %swap3A_821 = arith.constant 1 : i32
      %swap3A_822 = arith.index_cast %swap3A_821 : i32 to index
      %swap3A_823 = arith.constant 0 : index
      %swap3A_824 = tpu.vector_load %arg16[%swap3A_822, %swap3A_823] {strides = array<i32>} : memref<8x16xf32, #tpu.memory_space<vmem>>, vector<1x16xf32>,
      %swap3A_825 = vector.shape_cast %swap3A_824 : vector<1x16xf32> to vector<16xf32>
      %swap3A_826 = vector.shape_cast %mul3A_820 : vector<16xf32> to vector<1x16xf32>
      tpu.vector_store %arg16[%swap3A_822, %swap3A_823], %swap3A_826 {strides = array<i32>} : memref<8x16xf32, #tpu.memory_space<vmem>>, vector<1x16xf32>,
      %broadcast_in_dim3A_827 = arith.constant 0.000000e+00 : f32
      %broadcast_in_dim3A_828 = vector.broadcast %broadcast_in_dim3A_827 : f32 to vector<16xf32>
      %scan3A_829 = arith.constant 0 : i32
      %scan3A_830 = arith.constant 25 : i32
      %scan3A_831 = arith.addi %scan3A_829, %scan3A_830 : i32
      %scan3A_832 = arith.constant 1 : i32
      %scan3A_833:8 = scf.for %scan3A_972 = %scan3A_829 to %scan3A_831 step %scan3A_832 iter_args(%scan3A_973 = %broadcast_in_dim3A_828, %scan3A_974 = %broadcast_in_dim3A_828, %scan3A_975 = %broadcast_in_dim3A_828, %scan3A_976 = %broadcast_in_dim3A_828, %scan3A_977 = %broadcast_in_dim3A_828, %scan3A_978 = %broadcast_in_dim3A_828, %scan3A_979 = %broadcast_in_dim3A_828, %scan3A_980 = %broadcast_in_dim3A_828) -> (vector<16xf32>, vector<16xf32>, vector<16xf32>, vector<16xf32>, vector<16xf32>, vector<16xf32>, vector<16xf32>, vector<16xf32>)  : i32 {
        %mul3A_981 = arith.constant 8 : i32
        %mul3A_982 = arith.muli %scan3A_972, %mul3A_981 : i32
        %add3A_983 = arith.constant 400 : i32
        %add3A_984 = arith.addi %add3A_983, %mul3A_982 : i32
        %add3A_985 = arith.constant 0 : i32
        %add3A_986 = arith.addi %add3A_984, %add3A_985 : i32
        %get3A = arith.index_cast %add3A_986 : i32 to index
        %get3A_987 = arith.constant 0 : index
        %get3A_988 = tpu.vector_load %arg12[%get3A, %get3A_987] {strides = array<i32>} : memref<1600x16xf32, #tpu.memory_space<vmem>>, vector<1x16xf32>,
        %get3A_989 = vector.shape_cast %get3A_988 : vector<1x16xf32> to vector<16xf32>
        %add3A_990 = arith.addf %scan3A_973, %get3A_989 : vector<16xf32>
        %add3A_991 = arith.constant 1 : i32
        %add3A_992 = arith.addi %add3A_984, %add3A_991 : i32
        %get3A_993 = arith.index_cast %add3A_992 : i32 to index
        %get3A_994 = arith.constant 0 : index
        %get3A_995 = tpu.vector_load %arg12[%get3A_993, %get3A_994] {strides = array<i32>} : memref<1600x16xf32, #tpu.memory_space<vmem>>, vector<1x16xf32>,
        %get3A_996 = vector.shape_cast %get3A_995 : vector<1x16xf32> to vector<16xf32>
        %add3A_997 = arith.addf %scan3A_974, %get3A_996 : vector<16xf32>
        %add3A_998 = arith.constant 2 : i32
        %add3A_999 = arith.addi %add3A_984, %add3A_998 : i32
        %get3A_1000 = arith.index_cast %add3A_999 : i32 to index
        %get3A_1001 = arith.constant 0 : index
        %get3A_1002 = tpu.vector_load %arg12[%get3A_1000, %get3A_1001] {strides = array<i32>} : memref<1600x16xf32, #tpu.memory_space<vmem>>, vector<1x16xf32>,
        %get3A_1003 = vector.shape_cast %get3A_1002 : vector<1x16xf32> to vector<16xf32>
        %add3A_1004 = arith.addf %scan3A_975, %get3A_1003 : vector<16xf32>
        %add3A_1005 = arith.constant 3 : i32
        %add3A_1006 = arith.addi %add3A_984, %add3A_1005 : i32
        %get3A_1007 = arith.index_cast %add3A_1006 : i32 to index
        %get3A_1008 = arith.constant 0 : index
        %get3A_1009 = tpu.vector_load %arg12[%get3A_1007, %get3A_1008] {strides = array<i32>} : memref<1600x16xf32, #tpu.memory_space<vmem>>, vector<1x16xf32>,
        %get3A_1010 = vector.shape_cast %get3A_1009 : vector<1x16xf32> to vector<16xf32>
        %add3A_1011 = arith.addf %scan3A_976, %get3A_1010 : vector<16xf32>
        %add3A_1012 = arith.constant 4 : i32
        %add3A_1013 = arith.addi %add3A_984, %add3A_1012 : i32
        %get3A_1014 = arith.index_cast %add3A_1013 : i32 to index
        %get3A_1015 = arith.constant 0 : index
        %get3A_1016 = tpu.vector_load %arg12[%get3A_1014, %get3A_1015] {strides = array<i32>} : memref<1600x16xf32, #tpu.memory_space<vmem>>, vector<1x16xf32>,
        %get3A_1017 = vector.shape_cast %get3A_1016 : vector<1x16xf32> to vector<16xf32>
        %add3A_1018 = arith.addf %scan3A_977, %get3A_1017 : vector<16xf32>
        %add3A_1019 = arith.constant 5 : i32
        %add3A_1020 = arith.addi %add3A_984, %add3A_1019 : i32
        %get3A_1021 = arith.index_cast %add3A_1020 : i32 to index
        %get3A_1022 = arith.constant 0 : index
        %get3A_1023 = tpu.vector_load %arg12[%get3A_1021, %get3A_1022] {strides = array<i32>} : memref<1600x16xf32, #tpu.memory_space<vmem>>, vector<1x16xf32>,
        %get3A_1024 = vector.shape_cast %get3A_1023 : vector<1x16xf32> to vector<16xf32>
        %add3A_1025 = arith.addf %scan3A_978, %get3A_1024 : vector<16xf32>
        %add3A_1026 = arith.constant 6 : i32
        %add3A_1027 = arith.addi %add3A_984, %add3A_1026 : i32
        %get3A_1028 = arith.index_cast %add3A_1027 : i32 to index
        %get3A_1029 = arith.constant 0 : index
        %get3A_1030 = tpu.vector_load %arg12[%get3A_1028, %get3A_1029] {strides = array<i32>} : memref<1600x16xf32, #tpu.memory_space<vmem>>, vector<1x16xf32>,
        %get3A_1031 = vector.shape_cast %get3A_1030 : vector<1x16xf32> to vector<16xf32>
        %add3A_1032 = arith.addf %scan3A_979, %get3A_1031 : vector<16xf32>
        %add3A_1033 = arith.constant 7 : i32
        %add3A_1034 = arith.addi %add3A_984, %add3A_1033 : i32
        %get3A_1035 = arith.index_cast %add3A_1034 : i32 to index
        %get3A_1036 = arith.constant 0 : index
        %get3A_1037 = tpu.vector_load %arg12[%get3A_1035, %get3A_1036] {strides = array<i32>} : memref<1600x16xf32, #tpu.memory_space<vmem>>, vector<1x16xf32>,
        %get3A_1038 = vector.shape_cast %get3A_1037 : vector<1x16xf32> to vector<16xf32>
        %add3A_1039 = arith.addf %scan3A_980, %get3A_1038 : vector<16xf32>
        scf.yield %add3A_990, %add3A_997, %add3A_1004, %add3A_1011, %add3A_1018, %add3A_1025, %add3A_1032, %add3A_1039 : vector<16xf32>, vector<16xf32>, vector<16xf32>, vector<16xf32>, vector<16xf32>, vector<16xf32>, vector<16xf32>, vector<16xf32>
      }
      %scan3A_834 = arith.constant 25 : i32
      %add3A_835 = arith.addf %scan3A_833#0, %scan3A_833#1 : vector<16xf32>
      %add3A_836 = arith.addf %add3A_835, %scan3A_833#2 : vector<16xf32>
      %add3A_837 = arith.addf %add3A_836, %scan3A_833#3 : vector<16xf32>
      %add3A_838 = arith.addf %add3A_837, %scan3A_833#4 : vector<16xf32>
      %add3A_839 = arith.addf %add3A_838, %scan3A_833#5 : vector<16xf32>
      %add3A_840 = arith.addf %add3A_839, %scan3A_833#6 : vector<16xf32>
      %add3A_841 = arith.addf %add3A_840, %scan3A_833#7 : vector<16xf32>
      %mul3A_842 = vector.broadcast %scan3A_62 : f32 to vector<16xf32>
      %mul3A_843 = arith.mulf %add3A_841, %mul3A_842 : vector<16xf32>
      %swap3A_844 = arith.constant 2 : i32
      %swap3A_845 = arith.index_cast %swap3A_844 : i32 to index
      %swap3A_846 = arith.constant 0 : index
      %swap3A_847 = tpu.vector_load %arg16[%swap3A_845, %swap3A_846] {strides = array<i32>} : memref<8x16xf32, #tpu.memory_space<vmem>>, vector<1x16xf32>,
      %swap3A_848 = vector.shape_cast %swap3A_847 : vector<1x16xf32> to vector<16xf32>
      %swap3A_849 = vector.shape_cast %mul3A_843 : vector<16xf32> to vector<1x16xf32>
      tpu.vector_store %arg16[%swap3A_845, %swap3A_846], %swap3A_849 {strides = array<i32>} : memref<8x16xf32, #tpu.memory_space<vmem>>, vector<1x16xf32>,
      %broadcast_in_dim3A_850 = arith.constant 0.000000e+00 : f32
      %broadcast_in_dim3A_851 = vector.broadcast %broadcast_in_dim3A_850 : f32 to vector<16xf32>
      %scan3A_852 = arith.constant 0 : i32
      %scan3A_853 = arith.constant 25 : i32
      %scan3A_854 = arith.addi %scan3A_852, %scan3A_853 : i32
      %scan3A_855 = arith.constant 1 : i32
      %scan3A_856:8 = scf.for %scan3A_972 = %scan3A_852 to %scan3A_854 step %scan3A_855 iter_args(%scan3A_973 = %broadcast_in_dim3A_851, %scan3A_974 = %broadcast_in_dim3A_851, %scan3A_975 = %broadcast_in_dim3A_851, %scan3A_976 = %broadcast_in_dim3A_851, %scan3A_977 = %broadcast_in_dim3A_851, %scan3A_978 = %broadcast_in_dim3A_851, %scan3A_979 = %broadcast_in_dim3A_851, %scan3A_980 = %broadcast_in_dim3A_851) -> (vector<16xf32>, vector<16xf32>, vector<16xf32>, vector<16xf32>, vector<16xf32>, vector<16xf32>, vector<16xf32>, vector<16xf32>)  : i32 {
        %mul3A_981 = arith.constant 8 : i32
        %mul3A_982 = arith.muli %scan3A_972, %mul3A_981 : i32
        %add3A_983 = arith.constant 600 : i32
        %add3A_984 = arith.addi %add3A_983, %mul3A_982 : i32
        %add3A_985 = arith.constant 0 : i32
        %add3A_986 = arith.addi %add3A_984, %add3A_985 : i32
        %get3A = arith.index_cast %add3A_986 : i32 to index
        %get3A_987 = arith.constant 0 : index
        %get3A_988 = tpu.vector_load %arg12[%get3A, %get3A_987] {strides = array<i32>} : memref<1600x16xf32, #tpu.memory_space<vmem>>, vector<1x16xf32>,
        %get3A_989 = vector.shape_cast %get3A_988 : vector<1x16xf32> to vector<16xf32>
        %add3A_990 = arith.addf %scan3A_973, %get3A_989 : vector<16xf32>
        %add3A_991 = arith.constant 1 : i32
        %add3A_992 = arith.addi %add3A_984, %add3A_991 : i32
        %get3A_993 = arith.index_cast %add3A_992 : i32 to index
        %get3A_994 = arith.constant 0 : index
        %get3A_995 = tpu.vector_load %arg12[%get3A_993, %get3A_994] {strides = array<i32>} : memref<1600x16xf32, #tpu.memory_space<vmem>>, vector<1x16xf32>,
        %get3A_996 = vector.shape_cast %get3A_995 : vector<1x16xf32> to vector<16xf32>
        %add3A_997 = arith.addf %scan3A_974, %get3A_996 : vector<16xf32>
        %add3A_998 = arith.constant 2 : i32
        %add3A_999 = arith.addi %add3A_984, %add3A_998 : i32
        %get3A_1000 = arith.index_cast %add3A_999 : i32 to index
        %get3A_1001 = arith.constant 0 : index
        %get3A_1002 = tpu.vector_load %arg12[%get3A_1000, %get3A_1001] {strides = array<i32>} : memref<1600x16xf32, #tpu.memory_space<vmem>>, vector<1x16xf32>,
        %get3A_1003 = vector.shape_cast %get3A_1002 : vector<1x16xf32> to vector<16xf32>
        %add3A_1004 = arith.addf %scan3A_975, %get3A_1003 : vector<16xf32>
        %add3A_1005 = arith.constant 3 : i32
        %add3A_1006 = arith.addi %add3A_984, %add3A_1005 : i32
        %get3A_1007 = arith.index_cast %add3A_1006 : i32 to index
        %get3A_1008 = arith.constant 0 : index
        %get3A_1009 = tpu.vector_load %arg12[%get3A_1007, %get3A_1008] {strides = array<i32>} : memref<1600x16xf32, #tpu.memory_space<vmem>>, vector<1x16xf32>,
        %get3A_1010 = vector.shape_cast %get3A_1009 : vector<1x16xf32> to vector<16xf32>
        %add3A_1011 = arith.addf %scan3A_976, %get3A_1010 : vector<16xf32>
        %add3A_1012 = arith.constant 4 : i32
        %add3A_1013 = arith.addi %add3A_984, %add3A_1012 : i32
        %get3A_1014 = arith.index_cast %add3A_1013 : i32 to index
        %get3A_1015 = arith.constant 0 : index
        %get3A_1016 = tpu.vector_load %arg12[%get3A_1014, %get3A_1015] {strides = array<i32>} : memref<1600x16xf32, #tpu.memory_space<vmem>>, vector<1x16xf32>,
        %get3A_1017 = vector.shape_cast %get3A_1016 : vector<1x16xf32> to vector<16xf32>
        %add3A_1018 = arith.addf %scan3A_977, %get3A_1017 : vector<16xf32>
        %add3A_1019 = arith.constant 5 : i32
        %add3A_1020 = arith.addi %add3A_984, %add3A_1019 : i32
        %get3A_1021 = arith.index_cast %add3A_1020 : i32 to index
        %get3A_1022 = arith.constant 0 : index
        %get3A_1023 = tpu.vector_load %arg12[%get3A_1021, %get3A_1022] {strides = array<i32>} : memref<1600x16xf32, #tpu.memory_space<vmem>>, vector<1x16xf32>,
        %get3A_1024 = vector.shape_cast %get3A_1023 : vector<1x16xf32> to vector<16xf32>
        %add3A_1025 = arith.addf %scan3A_978, %get3A_1024 : vector<16xf32>
        %add3A_1026 = arith.constant 6 : i32
        %add3A_1027 = arith.addi %add3A_984, %add3A_1026 : i32
        %get3A_1028 = arith.index_cast %add3A_1027 : i32 to index
        %get3A_1029 = arith.constant 0 : index
        %get3A_1030 = tpu.vector_load %arg12[%get3A_1028, %get3A_1029] {strides = array<i32>} : memref<1600x16xf32, #tpu.memory_space<vmem>>, vector<1x16xf32>,
        %get3A_1031 = vector.shape_cast %get3A_1030 : vector<1x16xf32> to vector<16xf32>
        %add3A_1032 = arith.addf %scan3A_979, %get3A_1031 : vector<16xf32>
        %add3A_1033 = arith.constant 7 : i32
        %add3A_1034 = arith.addi %add3A_984, %add3A_1033 : i32
        %get3A_1035 = arith.index_cast %add3A_1034 : i32 to index
        %get3A_1036 = arith.constant 0 : index
        %get3A_1037 = tpu.vector_load %arg12[%get3A_1035, %get3A_1036] {strides = array<i32>} : memref<1600x16xf32, #tpu.memory_space<vmem>>, vector<1x16xf32>,
        %get3A_1038 = vector.shape_cast %get3A_1037 : vector<1x16xf32> to vector<16xf32>
        %add3A_1039 = arith.addf %scan3A_980, %get3A_1038 : vector<16xf32>
        scf.yield %add3A_990, %add3A_997, %add3A_1004, %add3A_1011, %add3A_1018, %add3A_1025, %add3A_1032, %add3A_1039 : vector<16xf32>, vector<16xf32>, vector<16xf32>, vector<16xf32>, vector<16xf32>, vector<16xf32>, vector<16xf32>, vector<16xf32>
      }
      %scan3A_857 = arith.constant 25 : i32
      %add3A_858 = arith.addf %scan3A_856#0, %scan3A_856#1 : vector<16xf32>
      %add3A_859 = arith.addf %add3A_858, %scan3A_856#2 : vector<16xf32>
      %add3A_860 = arith.addf %add3A_859, %scan3A_856#3 : vector<16xf32>
      %add3A_861 = arith.addf %add3A_860, %scan3A_856#4 : vector<16xf32>
      %add3A_862 = arith.addf %add3A_861, %scan3A_856#5 : vector<16xf32>
      %add3A_863 = arith.addf %add3A_862, %scan3A_856#6 : vector<16xf32>
      %add3A_864 = arith.addf %add3A_863, %scan3A_856#7 : vector<16xf32>
      %mul3A_865 = vector.broadcast %scan3A_62 : f32 to vector<16xf32>
      %mul3A_866 = arith.mulf %add3A_864, %mul3A_865 : vector<16xf32>
      %swap3A_867 = arith.constant 3 : i32
      %swap3A_868 = arith.index_cast %swap3A_867 : i32 to index
      %swap3A_869 = arith.constant 0 : index
      %swap3A_870 = tpu.vector_load %arg16[%swap3A_868, %swap3A_869] {strides = array<i32>} : memref<8x16xf32, #tpu.memory_space<vmem>>, vector<1x16xf32>,
      %swap3A_871 = vector.shape_cast %swap3A_870 : vector<1x16xf32> to vector<16xf32>
      %swap3A_872 = vector.shape_cast %mul3A_866 : vector<16xf32> to vector<1x16xf32>
      tpu.vector_store %arg16[%swap3A_868, %swap3A_869], %swap3A_872 {strides = array<i32>} : memref<8x16xf32, #tpu.memory_space<vmem>>, vector<1x16xf32>,
      %broadcast_in_dim3A_873 = arith.constant 0.000000e+00 : f32
      %broadcast_in_dim3A_874 = vector.broadcast %broadcast_in_dim3A_873 : f32 to vector<16xf32>
      %scan3A_875 = arith.constant 0 : i32
      %scan3A_876 = arith.constant 25 : i32
      %scan3A_877 = arith.addi %scan3A_875, %scan3A_876 : i32
      %scan3A_878 = arith.constant 1 : i32
      %scan3A_879:8 = scf.for %scan3A_972 = %scan3A_875 to %scan3A_877 step %scan3A_878 iter_args(%scan3A_973 = %broadcast_in_dim3A_874, %scan3A_974 = %broadcast_in_dim3A_874, %scan3A_975 = %broadcast_in_dim3A_874, %scan3A_976 = %broadcast_in_dim3A_874, %scan3A_977 = %broadcast_in_dim3A_874, %scan3A_978 = %broadcast_in_dim3A_874, %scan3A_979 = %broadcast_in_dim3A_874, %scan3A_980 = %broadcast_in_dim3A_874) -> (vector<16xf32>, vector<16xf32>, vector<16xf32>, vector<16xf32>, vector<16xf32>, vector<16xf32>, vector<16xf32>, vector<16xf32>)  : i32 {
        %mul3A_981 = arith.constant 8 : i32
        %mul3A_982 = arith.muli %scan3A_972, %mul3A_981 : i32
        %add3A_983 = arith.constant 800 : i32
        %add3A_984 = arith.addi %add3A_983, %mul3A_982 : i32
        %add3A_985 = arith.constant 0 : i32
        %add3A_986 = arith.addi %add3A_984, %add3A_985 : i32
        %get3A = arith.index_cast %add3A_986 : i32 to index
        %get3A_987 = arith.constant 0 : index
        %get3A_988 = tpu.vector_load %arg12[%get3A, %get3A_987] {strides = array<i32>} : memref<1600x16xf32, #tpu.memory_space<vmem>>, vector<1x16xf32>,
        %get3A_989 = vector.shape_cast %get3A_988 : vector<1x16xf32> to vector<16xf32>
        %add3A_990 = arith.addf %scan3A_973, %get3A_989 : vector<16xf32>
        %add3A_991 = arith.constant 1 : i32
        %add3A_992 = arith.addi %add3A_984, %add3A_991 : i32
        %get3A_993 = arith.index_cast %add3A_992 : i32 to index
        %get3A_994 = arith.constant 0 : index
        %get3A_995 = tpu.vector_load %arg12[%get3A_993, %get3A_994] {strides = array<i32>} : memref<1600x16xf32, #tpu.memory_space<vmem>>, vector<1x16xf32>,
        %get3A_996 = vector.shape_cast %get3A_995 : vector<1x16xf32> to vector<16xf32>
        %add3A_997 = arith.addf %scan3A_974, %get3A_996 : vector<16xf32>
        %add3A_998 = arith.constant 2 : i32
        %add3A_999 = arith.addi %add3A_984, %add3A_998 : i32
        %get3A_1000 = arith.index_cast %add3A_999 : i32 to index
        %get3A_1001 = arith.constant 0 : index
        %get3A_1002 = tpu.vector_load %arg12[%get3A_1000, %get3A_1001] {strides = array<i32>} : memref<1600x16xf32, #tpu.memory_space<vmem>>, vector<1x16xf32>,
        %get3A_1003 = vector.shape_cast %get3A_1002 : vector<1x16xf32> to vector<16xf32>
        %add3A_1004 = arith.addf %scan3A_975, %get3A_1003 : vector<16xf32>
        %add3A_1005 = arith.constant 3 : i32
        %add3A_1006 = arith.addi %add3A_984, %add3A_1005 : i32
        %get3A_1007 = arith.index_cast %add3A_1006 : i32 to index
        %get3A_1008 = arith.constant 0 : index
        %get3A_1009 = tpu.vector_load %arg12[%get3A_1007, %get3A_1008] {strides = array<i32>} : memref<1600x16xf32, #tpu.memory_space<vmem>>, vector<1x16xf32>,
        %get3A_1010 = vector.shape_cast %get3A_1009 : vector<1x16xf32> to vector<16xf32>
        %add3A_1011 = arith.addf %scan3A_976, %get3A_1010 : vector<16xf32>
        %add3A_1012 = arith.constant 4 : i32
        %add3A_1013 = arith.addi %add3A_984, %add3A_1012 : i32
        %get3A_1014 = arith.index_cast %add3A_1013 : i32 to index
        %get3A_1015 = arith.constant 0 : index
        %get3A_1016 = tpu.vector_load %arg12[%get3A_1014, %get3A_1015] {strides = array<i32>} : memref<1600x16xf32, #tpu.memory_space<vmem>>, vector<1x16xf32>,
        %get3A_1017 = vector.shape_cast %get3A_1016 : vector<1x16xf32> to vector<16xf32>
        %add3A_1018 = arith.addf %scan3A_977, %get3A_1017 : vector<16xf32>
        %add3A_1019 = arith.constant 5 : i32
        %add3A_1020 = arith.addi %add3A_984, %add3A_1019 : i32
        %get3A_1021 = arith.index_cast %add3A_1020 : i32 to index
        %get3A_1022 = arith.constant 0 : index
        %get3A_1023 = tpu.vector_load %arg12[%get3A_1021, %get3A_1022] {strides = array<i32>} : memref<1600x16xf32, #tpu.memory_space<vmem>>, vector<1x16xf32>,
        %get3A_1024 = vector.shape_cast %get3A_1023 : vector<1x16xf32> to vector<16xf32>
        %add3A_1025 = arith.addf %scan3A_978, %get3A_1024 : vector<16xf32>
        %add3A_1026 = arith.constant 6 : i32
        %add3A_1027 = arith.addi %add3A_984, %add3A_1026 : i32
        %get3A_1028 = arith.index_cast %add3A_1027 : i32 to index
        %get3A_1029 = arith.constant 0 : index
        %get3A_1030 = tpu.vector_load %arg12[%get3A_1028, %get3A_1029] {strides = array<i32>} : memref<1600x16xf32, #tpu.memory_space<vmem>>, vector<1x16xf32>,
        %get3A_1031 = vector.shape_cast %get3A_1030 : vector<1x16xf32> to vector<16xf32>
        %add3A_1032 = arith.addf %scan3A_979, %get3A_1031 : vector<16xf32>
        %add3A_1033 = arith.constant 7 : i32
        %add3A_1034 = arith.addi %add3A_984, %add3A_1033 : i32
        %get3A_1035 = arith.index_cast %add3A_1034 : i32 to index
        %get3A_1036 = arith.constant 0 : index
        %get3A_1037 = tpu.vector_load %arg12[%get3A_1035, %get3A_1036] {strides = array<i32>} : memref<1600x16xf32, #tpu.memory_space<vmem>>, vector<1x16xf32>,
        %get3A_1038 = vector.shape_cast %get3A_1037 : vector<1x16xf32> to vector<16xf32>
        %add3A_1039 = arith.addf %scan3A_980, %get3A_1038 : vector<16xf32>
        scf.yield %add3A_990, %add3A_997, %add3A_1004, %add3A_1011, %add3A_1018, %add3A_1025, %add3A_1032, %add3A_1039 : vector<16xf32>, vector<16xf32>, vector<16xf32>, vector<16xf32>, vector<16xf32>, vector<16xf32>, vector<16xf32>, vector<16xf32>
      }
      %scan3A_880 = arith.constant 25 : i32
      %add3A_881 = arith.addf %scan3A_879#0, %scan3A_879#1 : vector<16xf32>
      %add3A_882 = arith.addf %add3A_881, %scan3A_879#2 : vector<16xf32>
      %add3A_883 = arith.addf %add3A_882, %scan3A_879#3 : vector<16xf32>
      %add3A_884 = arith.addf %add3A_883, %scan3A_879#4 : vector<16xf32>
      %add3A_885 = arith.addf %add3A_884, %scan3A_879#5 : vector<16xf32>
      %add3A_886 = arith.addf %add3A_885, %scan3A_879#6 : vector<16xf32>
      %add3A_887 = arith.addf %add3A_886, %scan3A_879#7 : vector<16xf32>
      %mul3A_888 = vector.broadcast %scan3A_62 : f32 to vector<16xf32>
      %mul3A_889 = arith.mulf %add3A_887, %mul3A_888 : vector<16xf32>
      %swap3A_890 = arith.constant 4 : i32
      %swap3A_891 = arith.index_cast %swap3A_890 : i32 to index
      %swap3A_892 = arith.constant 0 : index
      %swap3A_893 = tpu.vector_load %arg16[%swap3A_891, %swap3A_892] {strides = array<i32>} : memref<8x16xf32, #tpu.memory_space<vmem>>, vector<1x16xf32>,
      %swap3A_894 = vector.shape_cast %swap3A_893 : vector<1x16xf32> to vector<16xf32>
      %swap3A_895 = vector.shape_cast %mul3A_889 : vector<16xf32> to vector<1x16xf32>
      tpu.vector_store %arg16[%swap3A_891, %swap3A_892], %swap3A_895 {strides = array<i32>} : memref<8x16xf32, #tpu.memory_space<vmem>>, vector<1x16xf32>,
      %broadcast_in_dim3A_896 = arith.constant 0.000000e+00 : f32
      %broadcast_in_dim3A_897 = vector.broadcast %broadcast_in_dim3A_896 : f32 to vector<16xf32>
      %scan3A_898 = arith.constant 0 : i32
      %scan3A_899 = arith.constant 25 : i32
      %scan3A_900 = arith.addi %scan3A_898, %scan3A_899 : i32
      %scan3A_901 = arith.constant 1 : i32
      %scan3A_902:8 = scf.for %scan3A_972 = %scan3A_898 to %scan3A_900 step %scan3A_901 iter_args(%scan3A_973 = %broadcast_in_dim3A_897, %scan3A_974 = %broadcast_in_dim3A_897, %scan3A_975 = %broadcast_in_dim3A_897, %scan3A_976 = %broadcast_in_dim3A_897, %scan3A_977 = %broadcast_in_dim3A_897, %scan3A_978 = %broadcast_in_dim3A_897, %scan3A_979 = %broadcast_in_dim3A_897, %scan3A_980 = %broadcast_in_dim3A_897) -> (vector<16xf32>, vector<16xf32>, vector<16xf32>, vector<16xf32>, vector<16xf32>, vector<16xf32>, vector<16xf32>, vector<16xf32>)  : i32 {
        %mul3A_981 = arith.constant 8 : i32
        %mul3A_982 = arith.muli %scan3A_972, %mul3A_981 : i32
        %add3A_983 = arith.constant 1000 : i32
        %add3A_984 = arith.addi %add3A_983, %mul3A_982 : i32
        %add3A_985 = arith.constant 0 : i32
        %add3A_986 = arith.addi %add3A_984, %add3A_985 : i32
        %get3A = arith.index_cast %add3A_986 : i32 to index
        %get3A_987 = arith.constant 0 : index
        %get3A_988 = tpu.vector_load %arg12[%get3A, %get3A_987] {strides = array<i32>} : memref<1600x16xf32, #tpu.memory_space<vmem>>, vector<1x16xf32>,
        %get3A_989 = vector.shape_cast %get3A_988 : vector<1x16xf32> to vector<16xf32>
        %add3A_990 = arith.addf %scan3A_973, %get3A_989 : vector<16xf32>
        %add3A_991 = arith.constant 1 : i32
        %add3A_992 = arith.addi %add3A_984, %add3A_991 : i32
        %get3A_993 = arith.index_cast %add3A_992 : i32 to index
        %get3A_994 = arith.constant 0 : index
        %get3A_995 = tpu.vector_load %arg12[%get3A_993, %get3A_994] {strides = array<i32>} : memref<1600x16xf32, #tpu.memory_space<vmem>>, vector<1x16xf32>,
        %get3A_996 = vector.shape_cast %get3A_995 : vector<1x16xf32> to vector<16xf32>
        %add3A_997 = arith.addf %scan3A_974, %get3A_996 : vector<16xf32>
        %add3A_998 = arith.constant 2 : i32
        %add3A_999 = arith.addi %add3A_984, %add3A_998 : i32
        %get3A_1000 = arith.index_cast %add3A_999 : i32 to index
        %get3A_1001 = arith.constant 0 : index
        %get3A_1002 = tpu.vector_load %arg12[%get3A_1000, %get3A_1001] {strides = array<i32>} : memref<1600x16xf32, #tpu.memory_space<vmem>>, vector<1x16xf32>,
        %get3A_1003 = vector.shape_cast %get3A_1002 : vector<1x16xf32> to vector<16xf32>
        %add3A_1004 = arith.addf %scan3A_975, %get3A_1003 : vector<16xf32>
        %add3A_1005 = arith.constant 3 : i32
        %add3A_1006 = arith.addi %add3A_984, %add3A_1005 : i32
        %get3A_1007 = arith.index_cast %add3A_1006 : i32 to index
        %get3A_1008 = arith.constant 0 : index
        %get3A_1009 = tpu.vector_load %arg12[%get3A_1007, %get3A_1008] {strides = array<i32>} : memref<1600x16xf32, #tpu.memory_space<vmem>>, vector<1x16xf32>,
        %get3A_1010 = vector.shape_cast %get3A_1009 : vector<1x16xf32> to vector<16xf32>
        %add3A_1011 = arith.addf %scan3A_976, %get3A_1010 : vector<16xf32>
        %add3A_1012 = arith.constant 4 : i32
        %add3A_1013 = arith.addi %add3A_984, %add3A_1012 : i32
        %get3A_1014 = arith.index_cast %add3A_1013 : i32 to index
        %get3A_1015 = arith.constant 0 : index
        %get3A_1016 = tpu.vector_load %arg12[%get3A_1014, %get3A_1015] {strides = array<i32>} : memref<1600x16xf32, #tpu.memory_space<vmem>>, vector<1x16xf32>,
        %get3A_1017 = vector.shape_cast %get3A_1016 : vector<1x16xf32> to vector<16xf32>
        %add3A_1018 = arith.addf %scan3A_977, %get3A_1017 : vector<16xf32>
        %add3A_1019 = arith.constant 5 : i32
        %add3A_1020 = arith.addi %add3A_984, %add3A_1019 : i32
        %get3A_1021 = arith.index_cast %add3A_1020 : i32 to index
        %get3A_1022 = arith.constant 0 : index
        %get3A_1023 = tpu.vector_load %arg12[%get3A_1021, %get3A_1022] {strides = array<i32>} : memref<1600x16xf32, #tpu.memory_space<vmem>>, vector<1x16xf32>,
        %get3A_1024 = vector.shape_cast %get3A_1023 : vector<1x16xf32> to vector<16xf32>
        %add3A_1025 = arith.addf %scan3A_978, %get3A_1024 : vector<16xf32>
        %add3A_1026 = arith.constant 6 : i32
        %add3A_1027 = arith.addi %add3A_984, %add3A_1026 : i32
        %get3A_1028 = arith.index_cast %add3A_1027 : i32 to index
        %get3A_1029 = arith.constant 0 : index
        %get3A_1030 = tpu.vector_load %arg12[%get3A_1028, %get3A_1029] {strides = array<i32>} : memref<1600x16xf32, #tpu.memory_space<vmem>>, vector<1x16xf32>,
        %get3A_1031 = vector.shape_cast %get3A_1030 : vector<1x16xf32> to vector<16xf32>
        %add3A_1032 = arith.addf %scan3A_979, %get3A_1031 : vector<16xf32>
        %add3A_1033 = arith.constant 7 : i32
        %add3A_1034 = arith.addi %add3A_984, %add3A_1033 : i32
        %get3A_1035 = arith.index_cast %add3A_1034 : i32 to index
        %get3A_1036 = arith.constant 0 : index
        %get3A_1037 = tpu.vector_load %arg12[%get3A_1035, %get3A_1036] {strides = array<i32>} : memref<1600x16xf32, #tpu.memory_space<vmem>>, vector<1x16xf32>,
        %get3A_1038 = vector.shape_cast %get3A_1037 : vector<1x16xf32> to vector<16xf32>
        %add3A_1039 = arith.addf %scan3A_980, %get3A_1038 : vector<16xf32>
        scf.yield %add3A_990, %add3A_997, %add3A_1004, %add3A_1011, %add3A_1018, %add3A_1025, %add3A_1032, %add3A_1039 : vector<16xf32>, vector<16xf32>, vector<16xf32>, vector<16xf32>, vector<16xf32>, vector<16xf32>, vector<16xf32>, vector<16xf32>
      }
      %scan3A_903 = arith.constant 25 : i32
      %add3A_904 = arith.addf %scan3A_902#0, %scan3A_902#1 : vector<16xf32>
      %add3A_905 = arith.addf %add3A_904, %scan3A_902#2 : vector<16xf32>
      %add3A_906 = arith.addf %add3A_905, %scan3A_902#3 : vector<16xf32>
      %add3A_907 = arith.addf %add3A_906, %scan3A_902#4 : vector<16xf32>
      %add3A_908 = arith.addf %add3A_907, %scan3A_902#5 : vector<16xf32>
      %add3A_909 = arith.addf %add3A_908, %scan3A_902#6 : vector<16xf32>
      %add3A_910 = arith.addf %add3A_909, %scan3A_902#7 : vector<16xf32>
      %mul3A_911 = vector.broadcast %scan3A_62 : f32 to vector<16xf32>
      %mul3A_912 = arith.mulf %add3A_910, %mul3A_911 : vector<16xf32>
      %swap3A_913 = arith.constant 5 : i32
      %swap3A_914 = arith.index_cast %swap3A_913 : i32 to index
      %swap3A_915 = arith.constant 0 : index
      %swap3A_916 = tpu.vector_load %arg16[%swap3A_914, %swap3A_915] {strides = array<i32>} : memref<8x16xf32, #tpu.memory_space<vmem>>, vector<1x16xf32>,
      %swap3A_917 = vector.shape_cast %swap3A_916 : vector<1x16xf32> to vector<16xf32>
      %swap3A_918 = vector.shape_cast %mul3A_912 : vector<16xf32> to vector<1x16xf32>
      tpu.vector_store %arg16[%swap3A_914, %swap3A_915], %swap3A_918 {strides = array<i32>} : memref<8x16xf32, #tpu.memory_space<vmem>>, vector<1x16xf32>,
      %broadcast_in_dim3A_919 = arith.constant 0.000000e+00 : f32
      %broadcast_in_dim3A_920 = vector.broadcast %broadcast_in_dim3A_919 : f32 to vector<16xf32>
      %scan3A_921 = arith.constant 0 : i32
      %scan3A_922 = arith.constant 25 : i32
      %scan3A_923 = arith.addi %scan3A_921, %scan3A_922 : i32
      %scan3A_924 = arith.constant 1 : i32
      %scan3A_925:8 = scf.for %scan3A_972 = %scan3A_921 to %scan3A_923 step %scan3A_924 iter_args(%scan3A_973 = %broadcast_in_dim3A_920, %scan3A_974 = %broadcast_in_dim3A_920, %scan3A_975 = %broadcast_in_dim3A_920, %scan3A_976 = %broadcast_in_dim3A_920, %scan3A_977 = %broadcast_in_dim3A_920, %scan3A_978 = %broadcast_in_dim3A_920, %scan3A_979 = %broadcast_in_dim3A_920, %scan3A_980 = %broadcast_in_dim3A_920) -> (vector<16xf32>, vector<16xf32>, vector<16xf32>, vector<16xf32>, vector<16xf32>, vector<16xf32>, vector<16xf32>, vector<16xf32>)  : i32 {
        %mul3A_981 = arith.constant 8 : i32
        %mul3A_982 = arith.muli %scan3A_972, %mul3A_981 : i32
        %add3A_983 = arith.constant 1200 : i32
        %add3A_984 = arith.addi %add3A_983, %mul3A_982 : i32
        %add3A_985 = arith.constant 0 : i32
        %add3A_986 = arith.addi %add3A_984, %add3A_985 : i32
        %get3A = arith.index_cast %add3A_986 : i32 to index
        %get3A_987 = arith.constant 0 : index
        %get3A_988 = tpu.vector_load %arg12[%get3A, %get3A_987] {strides = array<i32>} : memref<1600x16xf32, #tpu.memory_space<vmem>>, vector<1x16xf32>,
        %get3A_989 = vector.shape_cast %get3A_988 : vector<1x16xf32> to vector<16xf32>
        %add3A_990 = arith.addf %scan3A_973, %get3A_989 : vector<16xf32>
        %add3A_991 = arith.constant 1 : i32
        %add3A_992 = arith.addi %add3A_984, %add3A_991 : i32
        %get3A_993 = arith.index_cast %add3A_992 : i32 to index
        %get3A_994 = arith.constant 0 : index
        %get3A_995 = tpu.vector_load %arg12[%get3A_993, %get3A_994] {strides = array<i32>} : memref<1600x16xf32, #tpu.memory_space<vmem>>, vector<1x16xf32>,
        %get3A_996 = vector.shape_cast %get3A_995 : vector<1x16xf32> to vector<16xf32>
        %add3A_997 = arith.addf %scan3A_974, %get3A_996 : vector<16xf32>
        %add3A_998 = arith.constant 2 : i32
        %add3A_999 = arith.addi %add3A_984, %add3A_998 : i32
        %get3A_1000 = arith.index_cast %add3A_999 : i32 to index
        %get3A_1001 = arith.constant 0 : index
        %get3A_1002 = tpu.vector_load %arg12[%get3A_1000, %get3A_1001] {strides = array<i32>} : memref<1600x16xf32, #tpu.memory_space<vmem>>, vector<1x16xf32>,
        %get3A_1003 = vector.shape_cast %get3A_1002 : vector<1x16xf32> to vector<16xf32>
        %add3A_1004 = arith.addf %scan3A_975, %get3A_1003 : vector<16xf32>
        %add3A_1005 = arith.constant 3 : i32
        %add3A_1006 = arith.addi %add3A_984, %add3A_1005 : i32
        %get3A_1007 = arith.index_cast %add3A_1006 : i32 to index
        %get3A_1008 = arith.constant 0 : index
        %get3A_1009 = tpu.vector_load %arg12[%get3A_1007, %get3A_1008] {strides = array<i32>} : memref<1600x16xf32, #tpu.memory_space<vmem>>, vector<1x16xf32>,
        %get3A_1010 = vector.shape_cast %get3A_1009 : vector<1x16xf32> to vector<16xf32>
        %add3A_1011 = arith.addf %scan3A_976, %get3A_1010 : vector<16xf32>
        %add3A_1012 = arith.constant 4 : i32
        %add3A_1013 = arith.addi %add3A_984, %add3A_1012 : i32
        %get3A_1014 = arith.index_cast %add3A_1013 : i32 to index
        %get3A_1015 = arith.constant 0 : index
        %get3A_1016 = tpu.vector_load %arg12[%get3A_1014, %get3A_1015] {strides = array<i32>} : memref<1600x16xf32, #tpu.memory_space<vmem>>, vector<1x16xf32>,
        %get3A_1017 = vector.shape_cast %get3A_1016 : vector<1x16xf32> to vector<16xf32>
        %add3A_1018 = arith.addf %scan3A_977, %get3A_1017 : vector<16xf32>
        %add3A_1019 = arith.constant 5 : i32
        %add3A_1020 = arith.addi %add3A_984, %add3A_1019 : i32
        %get3A_1021 = arith.index_cast %add3A_1020 : i32 to index
        %get3A_1022 = arith.constant 0 : index
        %get3A_1023 = tpu.vector_load %arg12[%get3A_1021, %get3A_1022] {strides = array<i32>} : memref<1600x16xf32, #tpu.memory_space<vmem>>, vector<1x16xf32>,
        %get3A_1024 = vector.shape_cast %get3A_1023 : vector<1x16xf32> to vector<16xf32>
        %add3A_1025 = arith.addf %scan3A_978, %get3A_1024 : vector<16xf32>
        %add3A_1026 = arith.constant 6 : i32
        %add3A_1027 = arith.addi %add3A_984, %add3A_1026 : i32
        %get3A_1028 = arith.index_cast %add3A_1027 : i32 to index
        %get3A_1029 = arith.constant 0 : index
        %get3A_1030 = tpu.vector_load %arg12[%get3A_1028, %get3A_1029] {strides = array<i32>} : memref<1600x16xf32, #tpu.memory_space<vmem>>, vector<1x16xf32>,
        %get3A_1031 = vector.shape_cast %get3A_1030 : vector<1x16xf32> to vector<16xf32>
        %add3A_1032 = arith.addf %scan3A_979, %get3A_1031 : vector<16xf32>
        %add3A_1033 = arith.constant 7 : i32
        %add3A_1034 = arith.addi %add3A_984, %add3A_1033 : i32
        %get3A_1035 = arith.index_cast %add3A_1034 : i32 to index
        %get3A_1036 = arith.constant 0 : index
        %get3A_1037 = tpu.vector_load %arg12[%get3A_1035, %get3A_1036] {strides = array<i32>} : memref<1600x16xf32, #tpu.memory_space<vmem>>, vector<1x16xf32>,
        %get3A_1038 = vector.shape_cast %get3A_1037 : vector<1x16xf32> to vector<16xf32>
        %add3A_1039 = arith.addf %scan3A_980, %get3A_1038 : vector<16xf32>
        scf.yield %add3A_990, %add3A_997, %add3A_1004, %add3A_1011, %add3A_1018, %add3A_1025, %add3A_1032, %add3A_1039 : vector<16xf32>, vector<16xf32>, vector<16xf32>, vector<16xf32>, vector<16xf32>, vector<16xf32>, vector<16xf32>, vector<16xf32>
      }
      %scan3A_926 = arith.constant 25 : i32
      %add3A_927 = arith.addf %scan3A_925#0, %scan3A_925#1 : vector<16xf32>
      %add3A_928 = arith.addf %add3A_927, %scan3A_925#2 : vector<16xf32>
      %add3A_929 = arith.addf %add3A_928, %scan3A_925#3 : vector<16xf32>
      %add3A_930 = arith.addf %add3A_929, %scan3A_925#4 : vector<16xf32>
      %add3A_931 = arith.addf %add3A_930, %scan3A_925#5 : vector<16xf32>
      %add3A_932 = arith.addf %add3A_931, %scan3A_925#6 : vector<16xf32>
      %add3A_933 = arith.addf %add3A_932, %scan3A_925#7 : vector<16xf32>
      %mul3A_934 = vector.broadcast %scan3A_62 : f32 to vector<16xf32>
      %mul3A_935 = arith.mulf %add3A_933, %mul3A_934 : vector<16xf32>
      %swap3A_936 = arith.constant 6 : i32
      %swap3A_937 = arith.index_cast %swap3A_936 : i32 to index
      %swap3A_938 = arith.constant 0 : index
      %swap3A_939 = tpu.vector_load %arg16[%swap3A_937, %swap3A_938] {strides = array<i32>} : memref<8x16xf32, #tpu.memory_space<vmem>>, vector<1x16xf32>,
      %swap3A_940 = vector.shape_cast %swap3A_939 : vector<1x16xf32> to vector<16xf32>
      %swap3A_941 = vector.shape_cast %mul3A_935 : vector<16xf32> to vector<1x16xf32>
      tpu.vector_store %arg16[%swap3A_937, %swap3A_938], %swap3A_941 {strides = array<i32>} : memref<8x16xf32, #tpu.memory_space<vmem>>, vector<1x16xf32>,
      %broadcast_in_dim3A_942 = arith.constant 0.000000e+00 : f32
      %broadcast_in_dim3A_943 = vector.broadcast %broadcast_in_dim3A_942 : f32 to vector<16xf32>
      %scan3A_944 = arith.constant 0 : i32
      %scan3A_945 = arith.constant 25 : i32
      %scan3A_946 = arith.addi %scan3A_944, %scan3A_945 : i32
      %scan3A_947 = arith.constant 1 : i32
      %scan3A_948:8 = scf.for %scan3A_972 = %scan3A_944 to %scan3A_946 step %scan3A_947 iter_args(%scan3A_973 = %broadcast_in_dim3A_943, %scan3A_974 = %broadcast_in_dim3A_943, %scan3A_975 = %broadcast_in_dim3A_943, %scan3A_976 = %broadcast_in_dim3A_943, %scan3A_977 = %broadcast_in_dim3A_943, %scan3A_978 = %broadcast_in_dim3A_943, %scan3A_979 = %broadcast_in_dim3A_943, %scan3A_980 = %broadcast_in_dim3A_943) -> (vector<16xf32>, vector<16xf32>, vector<16xf32>, vector<16xf32>, vector<16xf32>, vector<16xf32>, vector<16xf32>, vector<16xf32>)  : i32 {
        %mul3A_981 = arith.constant 8 : i32
        %mul3A_982 = arith.muli %scan3A_972, %mul3A_981 : i32
        %add3A_983 = arith.constant 1400 : i32
        %add3A_984 = arith.addi %add3A_983, %mul3A_982 : i32
        %add3A_985 = arith.constant 0 : i32
        %add3A_986 = arith.addi %add3A_984, %add3A_985 : i32
        %get3A = arith.index_cast %add3A_986 : i32 to index
        %get3A_987 = arith.constant 0 : index
        %get3A_988 = tpu.vector_load %arg12[%get3A, %get3A_987] {strides = array<i32>} : memref<1600x16xf32, #tpu.memory_space<vmem>>, vector<1x16xf32>,
        %get3A_989 = vector.shape_cast %get3A_988 : vector<1x16xf32> to vector<16xf32>
        %add3A_990 = arith.addf %scan3A_973, %get3A_989 : vector<16xf32>
        %add3A_991 = arith.constant 1 : i32
        %add3A_992 = arith.addi %add3A_984, %add3A_991 : i32
        %get3A_993 = arith.index_cast %add3A_992 : i32 to index
        %get3A_994 = arith.constant 0 : index
        %get3A_995 = tpu.vector_load %arg12[%get3A_993, %get3A_994] {strides = array<i32>} : memref<1600x16xf32, #tpu.memory_space<vmem>>, vector<1x16xf32>,
        %get3A_996 = vector.shape_cast %get3A_995 : vector<1x16xf32> to vector<16xf32>
        %add3A_997 = arith.addf %scan3A_974, %get3A_996 : vector<16xf32>
        %add3A_998 = arith.constant 2 : i32
        %add3A_999 = arith.addi %add3A_984, %add3A_998 : i32
        %get3A_1000 = arith.index_cast %add3A_999 : i32 to index
        %get3A_1001 = arith.constant 0 : index
        %get3A_1002 = tpu.vector_load %arg12[%get3A_1000, %get3A_1001] {strides = array<i32>} : memref<1600x16xf32, #tpu.memory_space<vmem>>, vector<1x16xf32>,
        %get3A_1003 = vector.shape_cast %get3A_1002 : vector<1x16xf32> to vector<16xf32>
        %add3A_1004 = arith.addf %scan3A_975, %get3A_1003 : vector<16xf32>
        %add3A_1005 = arith.constant 3 : i32
        %add3A_1006 = arith.addi %add3A_984, %add3A_1005 : i32
        %get3A_1007 = arith.index_cast %add3A_1006 : i32 to index
        %get3A_1008 = arith.constant 0 : index
        %get3A_1009 = tpu.vector_load %arg12[%get3A_1007, %get3A_1008] {strides = array<i32>} : memref<1600x16xf32, #tpu.memory_space<vmem>>, vector<1x16xf32>,
        %get3A_1010 = vector.shape_cast %get3A_1009 : vector<1x16xf32> to vector<16xf32>
        %add3A_1011 = arith.addf %scan3A_976, %get3A_1010 : vector<16xf32>
        %add3A_1012 = arith.constant 4 : i32
        %add3A_1013 = arith.addi %add3A_984, %add3A_1012 : i32
        %get3A_1014 = arith.index_cast %add3A_1013 : i32 to index
        %get3A_1015 = arith.constant 0 : index
        %get3A_1016 = tpu.vector_load %arg12[%get3A_1014, %get3A_1015] {strides = array<i32>} : memref<1600x16xf32, #tpu.memory_space<vmem>>, vector<1x16xf32>,
        %get3A_1017 = vector.shape_cast %get3A_1016 : vector<1x16xf32> to vector<16xf32>
        %add3A_1018 = arith.addf %scan3A_977, %get3A_1017 : vector<16xf32>
        %add3A_1019 = arith.constant 5 : i32
        %add3A_1020 = arith.addi %add3A_984, %add3A_1019 : i32
        %get3A_1021 = arith.index_cast %add3A_1020 : i32 to index
        %get3A_1022 = arith.constant 0 : index
        %get3A_1023 = tpu.vector_load %arg12[%get3A_1021, %get3A_1022] {strides = array<i32>} : memref<1600x16xf32, #tpu.memory_space<vmem>>, vector<1x16xf32>,
        %get3A_1024 = vector.shape_cast %get3A_1023 : vector<1x16xf32> to vector<16xf32>
        %add3A_1025 = arith.addf %scan3A_978, %get3A_1024 : vector<16xf32>
        %add3A_1026 = arith.constant 6 : i32
        %add3A_1027 = arith.addi %add3A_984, %add3A_1026 : i32
        %get3A_1028 = arith.index_cast %add3A_1027 : i32 to index
        %get3A_1029 = arith.constant 0 : index
        %get3A_1030 = tpu.vector_load %arg12[%get3A_1028, %get3A_1029] {strides = array<i32>} : memref<1600x16xf32, #tpu.memory_space<vmem>>, vector<1x16xf32>,
        %get3A_1031 = vector.shape_cast %get3A_1030 : vector<1x16xf32> to vector<16xf32>
        %add3A_1032 = arith.addf %scan3A_979, %get3A_1031 : vector<16xf32>
        %add3A_1033 = arith.constant 7 : i32
        %add3A_1034 = arith.addi %add3A_984, %add3A_1033 : i32
        %get3A_1035 = arith.index_cast %add3A_1034 : i32 to index
        %get3A_1036 = arith.constant 0 : index
        %get3A_1037 = tpu.vector_load %arg12[%get3A_1035, %get3A_1036] {strides = array<i32>} : memref<1600x16xf32, #tpu.memory_space<vmem>>, vector<1x16xf32>,
        %get3A_1038 = vector.shape_cast %get3A_1037 : vector<1x16xf32> to vector<16xf32>
        %add3A_1039 = arith.addf %scan3A_980, %get3A_1038 : vector<16xf32>
        scf.yield %add3A_990, %add3A_997, %add3A_1004, %add3A_1011, %add3A_1018, %add3A_1025, %add3A_1032, %add3A_1039 : vector<16xf32>, vector<16xf32>, vector<16xf32>, vector<16xf32>, vector<16xf32>, vector<16xf32>, vector<16xf32>, vector<16xf32>
      }
      %scan3A_949 = arith.constant 25 : i32
      %add3A_950 = arith.addf %scan3A_948#0, %scan3A_948#1 : vector<16xf32>
      %add3A_951 = arith.addf %add3A_950, %scan3A_948#2 : vector<16xf32>
      %add3A_952 = arith.addf %add3A_951, %scan3A_948#3 : vector<16xf32>
      %add3A_953 = arith.addf %add3A_952, %scan3A_948#4 : vector<16xf32>
      %add3A_954 = arith.addf %add3A_953, %scan3A_948#5 : vector<16xf32>
      %add3A_955 = arith.addf %add3A_954, %scan3A_948#6 : vector<16xf32>
      %add3A_956 = arith.addf %add3A_955, %scan3A_948#7 : vector<16xf32>
      %mul3A_957 = vector.broadcast %scan3A_62 : f32 to vector<16xf32>
      %mul3A_958 = arith.mulf %add3A_956, %mul3A_957 : vector<16xf32>
      %swap3A_959 = arith.constant 7 : i32
      %swap3A_960 = arith.index_cast %swap3A_959 : i32 to index
      %swap3A_961 = arith.constant 0 : index
      %swap3A_962 = tpu.vector_load %arg16[%swap3A_960, %swap3A_961] {strides = array<i32>} : memref<8x16xf32, #tpu.memory_space<vmem>>, vector<1x16xf32>,
      %swap3A_963 = vector.shape_cast %swap3A_962 : vector<1x16xf32> to vector<16xf32>
      %swap3A_964 = vector.shape_cast %mul3A_958 : vector<16xf32> to vector<1x16xf32>
      tpu.vector_store %arg16[%swap3A_960, %swap3A_961], %swap3A_964 {strides = array<i32>} : memref<8x16xf32, #tpu.memory_space<vmem>>, vector<1x16xf32>,
      %mul3A_965 = arith.constant 8 : i32
      %mul3A_966 = arith.muli %add3A_752, %mul3A_965 : i32
      %add3A_967 = arith.addi %mul3A_2, %mul3A_966 : i32
      %dma_start3A_968 = arith.constant 0 : i32
      %dma_start3A_969 = tpu.memref_slice %arg4[%add3A_967, %dma_start3A_968] : memref<16384x16xf32, #tpu.memory_space<hbm>> -> memref<8x16xf32, #tpu.memory_space<hbm>>
      %dma_start3A_970 = arith.constant 0 : i32
      %dma_start3A_971 = tpu.memref_slice %arg4[%add3A_967, %dma_start3A_970] : memref<16384x16xf32, #tpu.memory_space<hbm>> -> memref<8x16xf32, #tpu.memory_space<hbm>>
      tpu.enqueue_dma source(%arg16 : memref<8x16xf32, #tpu.memory_space<vmem>>) target(%dma_start3A_971 : memref<8x16xf32, #tpu.memory_space<hbm>>) target_semaphore(%arg24 : memref<!tpu.dma_semaphore, #tpu.memory_space<semaphore_mem>>)
    }
    %scan3A_67 = arith.constant 16 : i32
    %add3A_68 = arith.constant 480 : i32
    %add3A_69 = arith.addi %mul3A_2, %add3A_68 : i32
    %dma_wait3A = arith.constant 0 : i32
    %dma_wait3A_70 = tpu.memref_slice %arg4[%add3A_69, %dma_wait3A] : memref<16384x16xf32, #tpu.memory_space<hbm>> -> memref<8x16xf32, #tpu.memory_space<hbm>>
    %dma_wait3A_71 = arith.constant 0 : i32
    %dma_wait3A_72 = tpu.memref_slice %arg4[%add3A_69, %dma_wait3A_71] : memref<16384x16xf32, #tpu.memory_space<hbm>> -> memref<8x16xf32, #tpu.memory_space<hbm>>
    tpu.wait_dma2 semaphore(%arg21 : memref<!tpu.dma_semaphore, #tpu.memory_space<semaphore_mem>>) src(%arg13 : memref<8x16xf32, #tpu.memory_space<vmem>>) dst(%dma_wait3A_72 : memref<8x16xf32, #tpu.memory_space<hbm>>)
    %add3A_73 = arith.constant 488 : i32
    %add3A_74 = arith.addi %mul3A_2, %add3A_73 : i32
    %dma_wait3A_75 = arith.constant 0 : i32
    %dma_wait3A_76 = tpu.memref_slice %arg4[%add3A_74, %dma_wait3A_75] : memref<16384x16xf32, #tpu.memory_space<hbm>> -> memref<8x16xf32, #tpu.memory_space<hbm>>
    %dma_wait3A_77 = arith.constant 0 : i32
    %dma_wait3A_78 = tpu.memref_slice %arg4[%add3A_74, %dma_wait3A_77] : memref<16384x16xf32, #tpu.memory_space<hbm>> -> memref<8x16xf32, #tpu.memory_space<hbm>>
    tpu.wait_dma2 semaphore(%arg22 : memref<!tpu.dma_semaphore, #tpu.memory_space<semaphore_mem>>) src(%arg14 : memref<8x16xf32, #tpu.memory_space<vmem>>) dst(%dma_wait3A_78 : memref<8x16xf32, #tpu.memory_space<hbm>>)
    %add3A_79 = arith.constant 496 : i32
    %add3A_80 = arith.addi %mul3A_2, %add3A_79 : i32
    %dma_wait3A_81 = arith.constant 0 : i32
    %dma_wait3A_82 = tpu.memref_slice %arg4[%add3A_80, %dma_wait3A_81] : memref<16384x16xf32, #tpu.memory_space<hbm>> -> memref<8x16xf32, #tpu.memory_space<hbm>>
    %dma_wait3A_83 = arith.constant 0 : i32
    %dma_wait3A_84 = tpu.memref_slice %arg4[%add3A_80, %dma_wait3A_83] : memref<16384x16xf32, #tpu.memory_space<hbm>> -> memref<8x16xf32, #tpu.memory_space<hbm>>
    tpu.wait_dma2 semaphore(%arg23 : memref<!tpu.dma_semaphore, #tpu.memory_space<semaphore_mem>>) src(%arg15 : memref<8x16xf32, #tpu.memory_space<vmem>>) dst(%dma_wait3A_84 : memref<8x16xf32, #tpu.memory_space<hbm>>)
    %add3A_85 = arith.constant 504 : i32
    %add3A_86 = arith.addi %mul3A_2, %add3A_85 : i32
    %dma_wait3A_87 = arith.constant 0 : i32
    %dma_wait3A_88 = tpu.memref_slice %arg4[%add3A_86, %dma_wait3A_87] : memref<16384x16xf32, #tpu.memory_space<hbm>> -> memref<8x16xf32, #tpu.memory_space<hbm>>
    %dma_wait3A_89 = arith.constant 0 : i32
    %dma_wait3A_90 = tpu.memref_slice %arg4[%add3A_86, %dma_wait3A_89] : memref<16384x16xf32, #tpu.memory_space<hbm>> -> memref<8x16xf32, #tpu.memory_space<hbm>>
    tpu.wait_dma2 semaphore(%arg24 : memref<!tpu.dma_semaphore, #tpu.memory_space<semaphore_mem>>) src(%arg16 : memref<8x16xf32, #tpu.memory_space<vmem>>) dst(%dma_wait3A_90 : memref<8x16xf32, #tpu.memory_space<hbm>>)
    return
  }
}

</mosaic_0001>

<sc_bundles>
// kernel: kernel.3.cloned.1.call-start
scs
__scs_entry_jumppad:
0x0: {  	(pc) =	sbr.rel $0x88, $3  }
0x1: {  	(tag) =	ssettag $0x0;
	lr =	simm.s32 $0x1  }
0x2: {  	[smem:$0x3F9F] =	sst lr;
	_ =	strace $0xD0000000  }
0x3: {  	_ = 	snop  }
0x4: {  	_ = 	snop  }
0x5: {  	_ = 	snop  }
0x6: {  	_ = 	snop  }
0x7: {  	_ = 	snop  }
__scs_overlays_trampoline_lowered:
0x8: {  	[smem:$0x3FAE] =	sst s0  }
0x9: {  	[smem:$0x3FAF] =	sst s1  }
0xa: {  	[smem:$0x3FB0] =	sst s2  }
0xb: {  	[smem:$0x3FB1] =	sst s3  }
0xc: {  	[smem:$0x3FB2] =	sst s4  }
0xd: {  	[smem:$0x3FB3] =	sst s5  }
0xe: {  	[smem:$0x3FB4] =	sst s6  }
0xf: {  	[smem:$0x3FB5] =	sst s7  }
0x10: {  	[smem:$0x3FB6] =	sst s8  }
0x11: {  	[smem:$0x3FB7] =	sst s9;
	s0 =	simm.s32 @!p0 $0x0  }
0x12: {  	s1 =	sld [smem:$0x3F9D];
	s0 =	simm.s32 @p0 $0x1  }
0x13: {  	[smem:$0x3FB8] =	sst s0;
	s0 =	simm.s32 @!p1 $0x0  }
0x14: {  	s2 =	sld [smem:$0x3F9C];
	s0 =	simm.s32 @p1 $0x1  }
0x15: {  	[smem:$0x3FB9] =	sst s0;
	s0 =	simm.s32 @!p2 $0x0  }
0x16: {  	s3 =	sld [smem:$0x3FDB];
	s0 =	simm.s32 @p2 $0x1  }
0x17: {  	s4 =	simm.s32 $0x1BF5;
	[smem:$0x3FBB] =	sst s0  }
0x18: {  	s0 =	sld [smem:$0x3F9E];
	_ =	swait.ge [sflag:s4], $0x0  }
0x19: {  	s7 =	sld [smem:$0x3F9F]  }
0x1a: {  	s8 =	sadd.s32 $0xFFFFE003, lr  }
0x1b: {  	s9 =	sadd.s32 $0xFFFFFEF7, lr;
	s5 =	simm.s32 $0xFFFFFFFF;
	p2 =	slt.u32 s8, $0xFFFFF086  }
0x1c: {  	p1 =	slt.u32 s9, $0xF7A;
	s5 =	simm.s32 @!p2 $0x0  }
0x1d: {  	s5 =	simm.s32 @p1 $0x1;
	p0 =	seq.s32 s7, s2  }
0x1e: {  	s7 =	smul.u32 @!p0 $0xF7A, s2;
	p2 =	seq.s32 @!p0 s5, $0x0  }
0x1f: {  	s9 =	smul.u32 $0xF7A, s1;
	s8 =	simm.s32 @!p0 $0x1BF5;
	p2 =	por !p2, p0  }
0x20: {  	[sflag:s8] =	ssyncset.s32 @!p0 $0xFFFFF086;
	s6 =	sadd.s32 @!p0 s3, s7;
	s7 =	simm.s32 @!p0 $0x108  }
0x21: {  	s3 =	sadd.s32 s3, s9;
	s6 =	sadd.s32 @!p0 $0x88, s6;
	s7 =	simm.s32 @p2 $0x1082  }
0x22: {  	[simem:s7], [sflag:s8] =	dma.local @!p0 [hbm:s6], $0xF7A  }
0x23: {  	s9 =	sor.u32 $0xD0000000, s2;
	s6 =	simm.s32 $0x108;
	_ =	swait.ge @!p0 [sflag:s8], $0x0  }
0x24: {  	s3 =	sadd.s32 $0x88, s3;
	s6 =	simm.s32 @!p1 $0x1082;
	[sflag:s4] =	ssyncset.s32 $0xFFFFF086  }
0x25: {  	[simem:s6], [sflag:s4] =	dma.local [hbm:s3], $0xF7A  }
0x26: {  	[smem:$0x3F9F] =	sst s1;
	(tag) =	ssettag s2;
	_ =	strace s9  }
0x27: {  	s1 =	sld [smem:$0x3FAF]  }
0x28: {  	s2 =	sld [smem:$0x3FB0]  }
0x29: {  	s4 =	sld [smem:$0x3FB2]  }
0x2a: {  	p0 =	seq.s32 s5, $0x0;
	s5 =	sld [smem:$0x3FB3]  }
0x2b: {  	s6 =	sld [smem:$0x3FB4]  }
0x2c: {  	s7 =	sld [smem:$0x3FB5]  }
0x2d: {  	s3 =	simm.s32 $0x108;
	s8 =	sld [smem:$0x3FB6]  }
0x2e: {  	s3 =	simm.s32 @!p0 $0x1082;
	s9 =	sld [smem:$0x3FB7]  }
0x2f: {  	lr =	sadd.s32 s0, s3;
	s0 =	sld [smem:$0x3FAE]  }
0x30: {  	s3 =	sld [smem:$0x3FB1]  }
0x31: {  	[smem:$0x3FBA] =	sst s10  }
0x32: {  	s10 =	sld [smem:$0x3FB8];
	_ =	sdelay $0x3  }
0x33: {  	p0 =	seq.s32 s10, $0x1;
	s10 =	sld [smem:$0x3FBA];
	_ =	sdelay $0x3  }
0x34: {  	[smem:$0x3FBA] =	sst s10  }
0x35: {  	s10 =	sld [smem:$0x3FB9];
	_ =	sdelay $0x3  }
0x36: {  	p1 =	seq.s32 s10, $0x1;
	s10 =	sld [smem:$0x3FBA];
	_ =	sdelay $0x3  }
0x37: {  	[smem:$0x3FBA] =	sst s10  }
0x38: {  	s10 =	sld [smem:$0x3FBB]  }
0x39: {  	_ = 	snop;
	(pc) =	sbr.ind lr, $3  }
0x3a: {  	_ = 	snop  }
0x3b: {  	_ = 	snop  }
0x3c: {  	p2 =	seq.s32 s10, $0x1;
	s10 =	sld [smem:$0x3FBA]  }
0x3d: {  	_ =	shalt  }
0x3e: {  	_ =	shalt  }
0x3f: {  	_ =	shalt  }
0x40: {  	_ =	shalt  }
0x41: {  	_ =	shalt  }
0x42: {  	_ =	shalt  }
0x43: {  	_ =	shalt  }
0x44: {  	_ =	shalt  }
0x45: {  	_ =	shalt  }
0x46: {  	_ =	shalt  }
0x47: {  	_ =	shalt  }
0x48: {  	_ =	shalt  }
0x49: {  	_ =	shalt  }
0x4a: {  	_ =	shalt  }
0x4b: {  	_ =	shalt  }
0x4c: {  	_ =	shalt  }
0x4d: {  	_ =	shalt  }
0x4e: {  	_ =	shalt  }
0x4f: {  	_ =	shalt  }
0x50: {  	_ =	shalt  }
0x51: {  	_ =	shalt  }
0x52: {  	_ =	shalt  }
0x53: {  	_ =	shalt  }
0x54: {  	_ =	shalt  }
0x55: {  	_ =	shalt  }
0x56: {  	_ =	shalt  }
0x57: {  	_ =	shalt  }
0x58: {  	_ =	shalt  }
0x59: {  	_ =	shalt  }
0x5a: {  	_ =	shalt  }
0x5b: {  	_ =	shalt  }
0x5c: {  	_ =	shalt  }
0x5d: {  	_ =	shalt  }
0x5e: {  	_ =	shalt  }
0x5f: {  	_ =	shalt  }
0x60: {  	_ =	shalt  }
0x61: {  	_ =	shalt  }
0x62: {  	_ =	shalt  }
0x63: {  	_ =	shalt  }
0x64: {  	_ =	shalt  }
0x65: {  	_ =	shalt  }
0x66: {  	_ =	shalt  }
0x67: {  	_ =	shalt  }
0x68: {  	_ =	shalt  }
0x69: {  	_ =	shalt  }
0x6a: {  	_ =	shalt  }
0x6b: {  	_ =	shalt  }
0x6c: {  	_ =	shalt  }
0x6d: {  	_ =	shalt  }
0x6e: {  	_ =	shalt  }
0x6f: {  	_ =	shalt  }
0x70: {  	_ =	shalt  }
0x71: {  	_ =	shalt  }
0x72: {  	_ =	shalt  }
0x73: {  	_ =	shalt  }
0x74: {  	_ =	shalt  }
0x75: {  	_ =	shalt  }
0x76: {  	_ =	shalt  }
0x77: {  	_ =	shalt  }
0x78: {  	_ =	shalt  }
0x79: {  	_ =	shalt  }
0x7a: {  	_ =	shalt  }
0x7b: {  	_ =	shalt  }
0x7c: {  	_ =	shalt  }
0x7d: {  	_ =	shalt  }
0x7e: {  	_ =	shalt  }
0x7f: {  	_ =	shalt  }
0x80: {  	_ =	shalt  }
0x81: {  	_ =	shalt  }
0x82: {  	_ =	shalt  }
0x83: {  	_ =	shalt  }
0x84: {  	_ =	shalt  }
0x85: {  	_ =	shalt  }
0x86: {  	_ =	shalt  }
0x87: {  	_ =	shalt  }
.Lfunc_end0:
.L_simem_size_0:
called_computation_lowered:
.L_overlay_start_0:
0x88: {  	s2 =	sld [smem:$0x3FD9]  }
0x89: {  	s3 =	sld [smem:$0x3FFE];
	_ =	sdelay $0x1  }
0x8a: {  	s1 =	srdreg.scid  }
0x8b: {  	s0 =	sand.u32 $0x1, s1  }
0x8c: {  	s17 =	sshll.u32 s0, $0xA;
	s2 =	sadd.s32 s3, s2  }
0x8d: {  	s2 =	sadd.s32 s2, s17  }
0x8e: {  	[smem:$0x3FC6] =	sst s2  }
0x8f: {  	_ = 	snop  }
0x90: {  	s2 =	sld [smem:$0x3FD0];
	(tm) =	ssettm $0x1  }
0x91: {  	s18 =	sld [smem:$0x3FFB];
	_ =	sdelay $0x3  }
0x92: {  	_ =	strace s18  }
0x93: {  	s3 =	sld [smem:$0x3FFC];
	_ =	sdelay $0x3  }
0x94: {  	_ =	strace s3  }
0x95: {  	s3 =	sld [smem:$0x3FFD];
	_ =	sdelay $0x3  }
0x96: {  	_ =	strace s3  }
0x97: {  	_ =	strace $0x8FFFFFFF  }
0x98: {  	s19 =	sld [smem:$0x3FDB];
	_ =	sdelay $0x1  }
0x99: {  	s4 =	simm.s32 $_scs_section_size  }
0x9a: {  	s5 =	simm.s32 $_size__tile_overlayer_lowered;
	s6 =	simm.s32 $_tile_overlayer_lowered  }
0x9b: {  	s22 =	simm.s32 $0x1BFF;
	s21 =	sshll.u32 s6, $0x1;
	s3 =	sadd.s32 s4, s19  }
0x9c: {  	s7 =	simm.s32 $0x0;
	s20 =	sshll.u32 s5, $0x1;
	s5 =	sadd.s32 s21, s3  }
0x9d: {  	[timem:s7], [sflag:s22] =	dma.local [hbm:s5], s20  }
0x9e: {  	_ =	swait.ge [sflag:s22], s20  }
0x9f: {  	s4 =	ssub.s32 $0x0, s20;
	[sflag:s22] =	ssyncset.done $0x0  }
0xa0: {  	[sflag:s22] =	ssyncadd.s32 s4;
	_ =	sdelay $0x1  }
0xa1: {  	s23 =	simm.s32 $0x1B8B  }
0xa2: {  	_ =	swait.ge [sflag:s23], $0x1  }
0xa3: {  	[sflag:s23] =	ssyncset.done $0x0  }
0xa4: {  	s25 =	simm.s32 $0x1B8E;
	s24 =	sld [smem:$0x3FFE];
	[sflag:s23] =	ssyncadd.s32 $0xFFFFFFFF  }
0xa5: {  	s26 =	simm.s32 $execute0_lowered;
	[smem:$0x3FD2] =	sst s25  }
0xa6: {  	s5 =	sshll.u32 s26, $0x1;
	_ =	strace $0x80000046;
	[dreg:$0x1] =	wrdreg $0xFFFFFFFF  }
0xa7: {  	s28 =	simm.s32 $_size_execute0_lowered;
	s3 =	sadd.s32 s3, s5;
	[dreg:$0x0] =	wrdreg $0x0  }
0xa8: {  	s5 =	sshll.u32 s28, $0x1;
	[dreg:$0x2] =	wrdreg s3  }
0xa9: {  	[dreg:$0x3] =	wrdreg s5  }
0xaa: {  	[dreg:$0x4] =	wrdreg $0xC0  }
0xab: {  	_ =	task [dreg:s7], $0x5FFFF  }
0xac: {  	[dreg:$0x1] =	wrdreg $0xFFFFFFFF  }
0xad: {  	[dreg:$0x0] =	wrdreg $0x60  }
0xae: {  	[dreg:$0x2] =	wrdreg s24  }
0xaf: {  	[dreg:$0x3] =	wrdreg s2  }
0xb0: {  	[dreg:$0x4] =	wrdreg $0x9  }
0xb1: {  	_ =	task.clear_ibuf [dreg:s7], $0x5FFFF;
	_ =	strace $0x90000046  }
0xb2: {  	s29 =	simm.s32 $0x9;
	_ =	strace $0x80000048  }
0xb3: {  	_ =	swait.ge [sflag:s29], $0x1  }
0xb4: {  	[sflag:s29] =	ssyncadd.s32 $0xFFFFFFFF  }
0xb5: {  	_ =	strace $0x90000048  }
0xb6: {  	_ =	sfence  }
0xb7: {  	s30 =	sld [smem:$0x0];
	_ =	sdelay $0x2  }
0xb8: {  	s31 =	sshll.u32 s1, $0xD;
	s1 =	sshrl.u32 s1, $0x2  }
0xb9: {  	s3 =	sand.u32 $0x4000, s31;
	s1 =	sadd.s32 s1, s30  }
0xba: {  	s0 =	sor.u32 s3, s0;
	s1 =	sshll.u32 s1, $0x11  }
0xbb: {  	s0 =	sor.u32 s1, s0  }
0xbc: {  	s0 =	sadd.s32 $0x8F2B, s0  }
0xbd: {  	[sflag:s0] =	ssyncadd.remote.s32 $0x1  }
0xbe: {  	_ =	sfence.sel $0xFFFF  }
0xbf: {  	[dreg:$0x0] =	wrdreg $0xFFFFFFFF;
	(pc) =	sbr.abs _section_cstart, $3  }
0xc0: {  	[dreg:$0x1] =	wrdreg $0xFFFFFFFF  }
0xc1: {  	_ =	task.clear_ibuf [dreg:s7], $0x2FFFF;
	_ =	strace $0x9FFFFFFF  }
0xc2: {  	(tm) =	ssettm $0x7FFFFFFF  }
0xc3: {  	_ =	shalt  }
tec
execute0_lowered:
.L_overlay_start_1:
0x0: {  	(tag) =	ssettag $0x1  }
0x1: {  	s0 =	rddreg [dreg:$0x0]  }
0x2: {  	s1 =	srdreg.scid;
	s3 =	stileid.u32  }
0x3: {  	s2 =	rddreg [dreg:$0x1];
	s17 =	simm.s32 $0x9;
	s18 =	simm.s32 $0x320  }
0x4: {  	s30 =	simm.s32 $0x12C0;
	s19 =	simm.s32 $0x1;
	s20 =	simm.s32 $0x1A900  }
0x5: {  	s22 =	simm.s32 $0x2;
	s23 =	simm.s32 $0x1A980;
	s24 =	simm.s32 $0x3  }
0x6: {  	s28 =	simm.s32 $0x4;
	s29 =	simm.s32 $0x1AA80;
	s9 =	simm.s32 $0x0  }
0x7: {  	s1 =	sand.u32 $0x1, s1;
	s4 =	sshll.u32 s3, $0x1;
	s3 =	simm.s32 $0x0  }
0x8: {  	s5 =	sadd.s32 $0xF42A00, s0;
	s13 =	sadd.s32 $0x20, s2;
	s6 =	sor.u32 s1, s4  }
0x9: {  	[smem:$0x7FF] =	sst s3;
	s1 =	ssub.s32 $0x2, s1;
	s4 =	sadd.s32 $0x600, s0  }
0xa: {  	s7 =	smul.u32 $0x3200, s6;
	s8 =	sshrl.u32 s1, $0x1;
	s10 =	sshll.u32 s6, $0xA  }
0xb: {  	_ =	strace $0x80000047;
	s25 =	ssub.s32 s1, s8;
	s15 =	sadd.s32 s2, s10  }
0xc: {  	s26 =	sadd.s32 s4, s7;
	s7 =	sshll.u32 s6, $0x9;
	s0 =	smax.u32 s25, $0x1  }
0xd: {  	s31 =	sadd.s32 $0xC8, s26;
	[dreg:$0x3] =	wrdreg s26;
	s1 =	sadd.s32 $0x190, s26  }
0xe: {  	s11 =	sor.u32 $0x20, s7;
	s12 =	sor.u32 $0x28, s7;
	[dreg:$0x6] =	wrdreg s0  }
0xf: {  	s14 =	sor.u32 $0x30, s7;
	s0 =	simm.s32 $0x17700;
	[dreg:$0x4] =	wrdreg s31  }
0x10: {  	s26 =	simm.s32 $0x1AA00;
	[dreg:$0x5] =	wrdreg s1;
	s1 =	simm.s32 $0x15E0  }
.LBB2_1:
0x11: {  	[dreg:$0x7] =	wrdreg s9  }
0x12: {  	s6 =	rddreg [dreg:$0x3]  }
0x13: {  	[tilespmem:s3], [sflag:$0x9] =	stream.linear.gather [hbm4b:s6+s3], $0x640, $0x38;
	[tilespmem:$0x1AB00] =	vst v63  }
0x14: {  	_ =	swait.ge [sflag:s17], $0x640  }
0x15: {  	[sflag:s17] =	ssyncset.done $0x0  }
0x16: {  	s8 =	simm.s32 $0x1900;
	[sflag:s17] =	ssyncadd.s32 $0xFFFFF9C0  }
0x17: {  	[tilespmem:s8], [sflag:$0x1] =	stream.indirect.gather [hbm4b:s5+s18], $0x10, s3, s18, $0xb8;
	[tilespmem:$0x1AB00] =	vst v63  }
0x18: {  	s9 =	simm.s32 $0x4B00  }
0x19: {  	[tilespmem:s9], [sflag:$0x1] =	stream.indirect.gather [hbm4b:s5+s18], $0x10, s18, s18, $0xb8;
	[tilespmem:$0x1AB00] =	vst v63  }
0x1a: {  	s16 =	rddreg [dreg:$0x4];
	s8 =	simm.s32 $0x640  }
0x1b: {  	[tilespmem:s8], [sflag:$0x9] =	stream.linear.gather [hbm4b:s16+s3], $0x640, $0x38;
	[tilespmem:$0x1AB00] =	vst v63  }
0x1c: {  	_ =	swait.ge [sflag:s17], $0x640  }
0x1d: {  	[sflag:s17] =	ssyncset.done $0x0  }
0x1e: {  	s21 =	simm.s32 $0x7D00;
	[sflag:s17] =	ssyncadd.s32 $0xFFFFF9C0  }
0x1f: {  	[tilespmem:s21], [sflag:$0x2] =	stream.indirect.gather [hbm4b:s5+s18], $0x10, s8, s18, $0xb8;
	[tilespmem:$0x1AB00] =	vst v63  }
0x20: {  	s25 =	simm.s32 $0x960;
	s31 =	simm.s32 $0xAF00  }
0x21: {  	[tilespmem:s31], [sflag:$0x2] =	stream.indirect.gather [hbm4b:s5+s18], $0x10, s25, s18, $0xb8;
	[tilespmem:$0x1AB00] =	vst v63  }
0x22: {  	s16 =	simm.s32 $0xC80;
	s9 =	rddreg [dreg:$0x5]  }
0x23: {  	[tilespmem:s16], [sflag:$0x9] =	stream.linear.gather [hbm4b:s9+s3], $0x640, $0x38;
	[tilespmem:$0x1AB00] =	vst v63  }
0x24: {  	_ =	swait.ge [sflag:s17], $0x640  }
0x25: {  	[sflag:s17] =	ssyncset.done $0x0  }
0x26: {  	s21 =	simm.s32 $0xE100;
	[sflag:s17] =	ssyncadd.s32 $0xFFFFF9C0  }
0x27: {  	[tilespmem:s21], [sflag:$0x3] =	stream.indirect.gather [hbm4b:s5+s18], $0x10, s16, s18, $0xb8;
	[tilespmem:$0x1AB00] =	vst v63  }
0x28: {  	s6 =	simm.s32 $0x0;
	s25 =	simm.s32 $0xFA0;
	s31 =	simm.s32 $0x11300  }
0x29: {  	[tilespmem:s31], [sflag:$0x3] =	stream.indirect.gather [hbm4b:s5+s18], $0x10, s25, s18, $0xb8;
	[tilespmem:$0x1AB00] =	vst v63  }
.LBB2_2:
0x2a: {  	s21 =	sshllo.u32 s6, $0x2  }
0x2b: {  	s8 =	sshll.u32 s21, $0x3  }
0x2c: {  	s8 =	sadd.s32 s7, s8  }
0x2d: {  	s8 =	smul.u32 $0x19, s8;
	_ =	sdelay $0x1  }
0x2e: {  	s8 =	sadd.s32 s4, s8  }
0x2f: {  	[tilespmem:s30], [sflag:$0x9] =	stream.linear.gather [hbm4b:s8+s3], $0x640, $0x38;
	[tilespmem:$0x1AB00] =	vst v63  }
0x30: {  	_ =	swait.ge [sflag:s17], $0x640  }
0x31: {  	[sflag:s17] =	ssyncset.done $0x0  }
0x32: {  	s31 =	simm.s32 $0x14500;
	[sflag:s17] =	ssyncadd.s32 $0xFFFFF9C0  }
0x33: {  	[tilespmem:s31], [sflag:$0x4] =	stream.indirect.gather [hbm4b:s5+s18], $0x10, s30, s18, $0xb8;
	[tilespmem:$0x1AB00] =	vst v63  }
0x34: {  	_ = 	snop  }
0x35: {  	[tilespmem:s0], [sflag:$0x4] =	stream.indirect.gather [hbm4b:s5+s18], $0x10, s1, s18, $0xb8;
	[tilespmem:$0x1AB00] =	vst v63  }
0x36: {  	_ =	swait.ge [sflag:s19], $0x3200  }
0x37: {  	[sflag:s19] =	ssyncset.done $0x0  }
0x38: {  	[sflag:s19] =	ssyncadd.s32 $0xFFFFCE00  }
0x39: {  	_ =	swait.ge [sflag:s19], $0x3200  }
0x3a: {  	p0 =	seq.s32 s6, $0x0;
	[sflag:s19] =	ssyncset.done $0x0  }
0x3b: {  	s8 =	simm.s32 @!p0 $0x5;
	[sflag:s19] =	ssyncadd.s32 $0xFFFFCE00  }
0x3c: {  	_ =	swait.ge @!p0 [sflag:s8], $0x80  }
0x3d: {  	[sflag:s8] =	ssyncset.done @!p0 $0x0  }
0x3e: {  	s16 =	simm.s32 $0x0;
	[sflag:s8] =	ssyncadd.s32 @!p0 $0xFFFFFF80  }
0x3f: {  	v0 =	vld [tilespmem:s16+$0x1970]  }
0x40: {  	v1 =	vld [tilespmem:s16+$0x1900]  }
0x41: {  	v3 =	vld [tilespmem:s16+$0x1910]  }
0x42: {  	v12 =	vld [tilespmem:s16+$0x1920]  }
0x43: {  	v11 =	vld [tilespmem:s16+$0x1930]  }
0x44: {  	v2 =	vimm.f32 $0.0e+00;
	v8 =	vimm.f32 $0.0e+00;
	v4 =	vld [tilespmem:s16+$0x1940]  }
0x45: {  	v9 =	vimm.f32 $0.0e+00;
	v5 =	vld [tilespmem:s16+$0x1950];
	v0 =	vadd.f32 v0, v2;
	v7 =	vadd.f32 v1, v2  }
0x46: {  	s9 =	simm.s32 $0x400;
	s8 =	simm.s32 $0x80;
	v6 =	vld [tilespmem:s16+$0x1960];
	v10 =	vadd.f32 v3, v2;
	v3 =	vimm.f32 $0.0e+00;
	v1 =	vimm.f32 $0.0e+00  }
.LBB2_3:
0x47: {  	p1 =	sne.s32 s9, $0x3000;
	v13 =	vld [tilespmem:s8+$0x1970];
	v2 =	vadd.f32 v12, v2  }
0x48: {  	v14 =	vld [tilespmem:s8+$0x1900];
	v8 =	vadd.f32 v11, v8  }
0x49: {  	v15 =	vld [tilespmem:s8+$0x1910];
	v9 =	vadd.f32 v4, v9  }
.Ltmp0:
0x4a: {  	v12 =	vld [tilespmem:s8+$0x1920];
	v3 =	vadd.f32 v5, v3;
	(pc) =	sbr.rel @p1 .LBB2_3-.Ltmp0, $4  }
0x4b: {  	v11 =	vld [tilespmem:s8+$0x1930];
	v1 =	vadd.f32 v6, v1  }
0x4c: {  	v4 =	vld [tilespmem:s8+$0x1940];
	v0 =	vadd.f32 v13, v0  }
0x4d: {  	v7 =	vadd.f32 v14, v7;
	v5 =	vld [tilespmem:s8+$0x1950]  }
0x4e: {  	v10 =	vadd.f32 v15, v10;
	v6 =	vld [tilespmem:s8+$0x1960];
	s8 =	sshra.s32 s9, $0x2;
	s9 =	sadd.s32 $0x200, s9  }
0x4f: {  	v13 =	vld [tilespmem:s8+$0x1900]  }
0x50: {  	v14 =	vld [tilespmem:s8+$0x1910];
	_ =	sdelay $0x1  }
0x51: {  	v15 =	vld [tilespmem:s8+$0x1920];
	_ =	sdelay $0x1  }
0x52: {  	v2 =	vadd.f32 v12, v2;
	v12 =	vld [tilespmem:s8+$0x1930]  }
0x53: {  	v7 =	vadd.f32 v13, v7;
	v10 =	vadd.f32 v14, v10  }
0x54: {  	v8 =	vadd.f32 v11, v8;
	v11 =	vld [tilespmem:s8+$0x1940]  }
0x55: {  	v2 =	vadd.f32 v15, v2;
	v7 =	vadd.f32 v10, v7  }
0x56: {  	v4 =	vadd.f32 v4, v9;
	v9 =	vld [tilespmem:s8+$0x1950]  }
0x57: {  	v8 =	vadd.f32 v12, v8;
	v2 =	vadd.f32 v2, v7  }
0x58: {  	v3 =	vadd.f32 v5, v3;
	v5 =	vld [tilespmem:s8+$0x1960]  }
0x59: {  	v4 =	vadd.f32 v11, v4;
	v2 =	vadd.f32 v8, v2  }
0x5a: {  	v1 =	vadd.f32 v6, v1;
	v7 =	vld [tilespmem:s8+$0x1970]  }
0x5b: {  	v3 =	vadd.f32 v9, v3;
	v2 =	vadd.f32 v4, v2;
	_ =	sdelay $0x1  }
0x5c: {  	v1 =	vadd.f32 v5, v1;
	v2 =	vadd.f32 v3, v2;
	_ =	sdelay $0x1  }
0x5d: {  	v0 =	vadd.f32 v7, v0;
	v1 =	vadd.f32 v1, v2;
	_ =	sdelay $0x1  }
0x5e: {  	v0 =	vadd.f32 v0, v1;
	_ =	sdelay $0x1  }
0x5f: {  	v0 =	vmul.f32 $4.999999890e-03, v0;
	_ =	sdelay $0x1  }
0x60: {  	s16 =	simm.s32 $0x0;
	[tilespmem:$0x1A900] =	vst v0  }
0x61: {  	v0 =	vld [tilespmem:s16+$0x25F0]  }
0x62: {  	v1 =	vld [tilespmem:s16+$0x2580]  }
0x63: {  	v3 =	vld [tilespmem:s16+$0x2590]  }
0x64: {  	v12 =	vld [tilespmem:s16+$0x25A0]  }
0x65: {  	v11 =	vld [tilespmem:s16+$0x25B0]  }
0x66: {  	v9 =	vimm.f32 $0.0e+00;
	v2 =	vimm.f32 $0.0e+00;
	v4 =	vld [tilespmem:s16+$0x25C0]  }
0x67: {  	v8 =	vimm.f32 $0.0e+00;
	v5 =	vld [tilespmem:s16+$0x25D0];
	v0 =	vadd.f32 v0, v2;
	v7 =	vadd.f32 v1, v2  }
0x68: {  	s9 =	simm.s32 $0x400;
	s8 =	simm.s32 $0x80;
	v6 =	vld [tilespmem:s16+$0x25E0];
	v10 =	vadd.f32 v3, v2;
	v3 =	vimm.f32 $0.0e+00;
	v1 =	vimm.f32 $0.0e+00  }
.LBB2_5:
0x69: {  	p1 =	sne.s32 s9, $0x3000;
	v13 =	vld [tilespmem:s8+$0x25F0];
	v2 =	vadd.f32 v12, v2  }
0x6a: {  	v14 =	vld [tilespmem:s8+$0x2580];
	v8 =	vadd.f32 v11, v8  }
0x6b: {  	v15 =	vld [tilespmem:s8+$0x2590];
	v9 =	vadd.f32 v4, v9  }
.Ltmp1:
0x6c: {  	v12 =	vld [tilespmem:s8+$0x25A0];
	v3 =	vadd.f32 v5, v3;
	(pc) =	sbr.rel @p1 .LBB2_5-.Ltmp1, $4  }
0x6d: {  	v11 =	vld [tilespmem:s8+$0x25B0];
	v1 =	vadd.f32 v6, v1  }
0x6e: {  	v4 =	vld [tilespmem:s8+$0x25C0];
	v0 =	vadd.f32 v13, v0  }
0x6f: {  	v7 =	vadd.f32 v14, v7;
	v5 =	vld [tilespmem:s8+$0x25D0]  }
0x70: {  	v10 =	vadd.f32 v15, v10;
	v6 =	vld [tilespmem:s8+$0x25E0];
	s8 =	sshra.s32 s9, $0x2;
	s9 =	sadd.s32 $0x200, s9  }
0x71: {  	v13 =	vld [tilespmem:s8+$0x2580]  }
0x72: {  	v14 =	vld [tilespmem:s8+$0x2590];
	_ =	sdelay $0x1  }
0x73: {  	v15 =	vld [tilespmem:s8+$0x25A0];
	_ =	sdelay $0x1  }
0x74: {  	v2 =	vadd.f32 v12, v2;
	v12 =	vld [tilespmem:s8+$0x25B0]  }
0x75: {  	v7 =	vadd.f32 v13, v7;
	v10 =	vadd.f32 v14, v10  }
0x76: {  	v8 =	vadd.f32 v11, v8;
	v11 =	vld [tilespmem:s8+$0x25C0]  }
0x77: {  	v2 =	vadd.f32 v15, v2;
	v7 =	vadd.f32 v10, v7  }
0x78: {  	v4 =	vadd.f32 v4, v9;
	v9 =	vld [tilespmem:s8+$0x25D0]  }
0x79: {  	v8 =	vadd.f32 v12, v8;
	v2 =	vadd.f32 v2, v7  }
0x7a: {  	v3 =	vadd.f32 v5, v3;
	v5 =	vld [tilespmem:s8+$0x25E0]  }
0x7b: {  	v4 =	vadd.f32 v11, v4;
	v2 =	vadd.f32 v8, v2  }
0x7c: {  	v1 =	vadd.f32 v6, v1;
	v7 =	vld [tilespmem:s8+$0x25F0]  }
0x7d: {  	v3 =	vadd.f32 v9, v3;
	v2 =	vadd.f32 v4, v2;
	_ =	sdelay $0x1  }
0x7e: {  	v1 =	vadd.f32 v5, v1;
	v2 =	vadd.f32 v3, v2;
	_ =	sdelay $0x1  }
0x7f: {  	v0 =	vadd.f32 v7, v0;
	v1 =	vadd.f32 v1, v2;
	_ =	sdelay $0x1  }
0x80: {  	v0 =	vadd.f32 v0, v1;
	_ =	sdelay $0x1  }
0x81: {  	v0 =	vmul.f32 $4.999999890e-03, v0;
	_ =	sdelay $0x1  }
0x82: {  	s16 =	simm.s32 $0x0;
	[tilespmem:$0x1A910] =	vst v0  }
0x83: {  	v0 =	vld [tilespmem:s16+$0x3270]  }
0x84: {  	v1 =	vld [tilespmem:s16+$0x3200]  }
0x85: {  	v3 =	vld [tilespmem:s16+$0x3210]  }
0x86: {  	v12 =	vld [tilespmem:s16+$0x3220]  }
0x87: {  	v11 =	vld [tilespmem:s16+$0x3230]  }
0x88: {  	v9 =	vimm.f32 $0.0e+00;
	v2 =	vimm.f32 $0.0e+00;
	v4 =	vld [tilespmem:s16+$0x3240]  }
0x89: {  	v8 =	vimm.f32 $0.0e+00;
	v5 =	vld [tilespmem:s16+$0x3250];
	v0 =	vadd.f32 v0, v2;
	v7 =	vadd.f32 v1, v2  }
0x8a: {  	s9 =	simm.s32 $0x400;
	s8 =	simm.s32 $0x80;
	v6 =	vld [tilespmem:s16+$0x3260];
	v10 =	vadd.f32 v3, v2;
	v3 =	vimm.f32 $0.0e+00;
	v1 =	vimm.f32 $0.0e+00  }
.LBB2_7:
0x8b: {  	p1 =	sne.s32 s9, $0x3000;
	v13 =	vld [tilespmem:s8+$0x3270];
	v2 =	vadd.f32 v12, v2  }
0x8c: {  	v14 =	vld [tilespmem:s8+$0x3200];
	v8 =	vadd.f32 v11, v8  }
0x8d: {  	v15 =	vld [tilespmem:s8+$0x3210];
	v9 =	vadd.f32 v4, v9  }
.Ltmp2:
0x8e: {  	v12 =	vld [tilespmem:s8+$0x3220];
	v3 =	vadd.f32 v5, v3;
	(pc) =	sbr.rel @p1 .LBB2_7-.Ltmp2, $4  }
0x8f: {  	v11 =	vld [tilespmem:s8+$0x3230];
	v1 =	vadd.f32 v6, v1  }
0x90: {  	v4 =	vld [tilespmem:s8+$0x3240];
	v0 =	vadd.f32 v13, v0  }
0x91: {  	v7 =	vadd.f32 v14, v7;
	v5 =	vld [tilespmem:s8+$0x3250]  }
0x92: {  	v10 =	vadd.f32 v15, v10;
	v6 =	vld [tilespmem:s8+$0x3260];
	s8 =	sshra.s32 s9, $0x2;
	s9 =	sadd.s32 $0x200, s9  }
0x93: {  	v13 =	vld [tilespmem:s8+$0x3200]  }
0x94: {  	v14 =	vld [tilespmem:s8+$0x3210];
	_ =	sdelay $0x1  }
0x95: {  	v15 =	vld [tilespmem:s8+$0x3220];
	_ =	sdelay $0x1  }
0x96: {  	v2 =	vadd.f32 v12, v2;
	v12 =	vld [tilespmem:s8+$0x3230]  }
0x97: {  	v7 =	vadd.f32 v13, v7;
	v10 =	vadd.f32 v14, v10  }
0x98: {  	v8 =	vadd.f32 v11, v8;
	v11 =	vld [tilespmem:s8+$0x3240]  }
0x99: {  	v2 =	vadd.f32 v15, v2;
	v7 =	vadd.f32 v10, v7  }
0x9a: {  	v4 =	vadd.f32 v4, v9;
	v9 =	vld [tilespmem:s8+$0x3250]  }
0x9b: {  	v8 =	vadd.f32 v12, v8;
	v2 =	vadd.f32 v2, v7  }
0x9c: {  	v3 =	vadd.f32 v5, v3;
	v5 =	vld [tilespmem:s8+$0x3260]  }
0x9d: {  	v4 =	vadd.f32 v11, v4;
	v2 =	vadd.f32 v8, v2  }
0x9e: {  	v1 =	vadd.f32 v6, v1;
	v7 =	vld [tilespmem:s8+$0x3270]  }
0x9f: {  	v3 =	vadd.f32 v9, v3;
	v2 =	vadd.f32 v4, v2;
	_ =	sdelay $0x1  }
0xa0: {  	v1 =	vadd.f32 v5, v1;
	v2 =	vadd.f32 v3, v2;
	_ =	sdelay $0x1  }
0xa1: {  	v0 =	vadd.f32 v7, v0;
	v1 =	vadd.f32 v1, v2;
	_ =	sdelay $0x1  }
0xa2: {  	v0 =	vadd.f32 v0, v1;
	_ =	sdelay $0x1  }
0xa3: {  	v0 =	vmul.f32 $4.999999890e-03, v0;
	_ =	sdelay $0x1  }
0xa4: {  	s16 =	simm.s32 $0x0;
	[tilespmem:$0x1A920] =	vst v0  }
0xa5: {  	v0 =	vld [tilespmem:s16+$0x3EF0]  }
0xa6: {  	v1 =	vld [tilespmem:s16+$0x3E80]  }
0xa7: {  	v3 =	vld [tilespmem:s16+$0x3E90]  }
0xa8: {  	v12 =	vld [tilespmem:s16+$0x3EA0]  }
0xa9: {  	v11 =	vld [tilespmem:s16+$0x3EB0]  }
0xaa: {  	v9 =	vimm.f32 $0.0e+00;
	v2 =	vimm.f32 $0.0e+00;
	v4 =	vld [tilespmem:s16+$0x3EC0]  }
0xab: {  	v8 =	vimm.f32 $0.0e+00;
	v5 =	vld [tilespmem:s16+$0x3ED0];
	v0 =	vadd.f32 v0, v2;
	v7 =	vadd.f32 v1, v2  }
0xac: {  	s9 =	simm.s32 $0x400;
	s8 =	simm.s32 $0x80;
	v6 =	vld [tilespmem:s16+$0x3EE0];
	v10 =	vadd.f32 v3, v2;
	v3 =	vimm.f32 $0.0e+00;
	v1 =	vimm.f32 $0.0e+00  }
.LBB2_9:
0xad: {  	p1 =	sne.s32 s9, $0x3000;
	v13 =	vld [tilespmem:s8+$0x3EF0];
	v2 =	vadd.f32 v12, v2  }
0xae: {  	v14 =	vld [tilespmem:s8+$0x3E80];
	v8 =	vadd.f32 v11, v8  }
0xaf: {  	v15 =	vld [tilespmem:s8+$0x3E90];
	v9 =	vadd.f32 v4, v9  }
.Ltmp3:
0xb0: {  	v12 =	vld [tilespmem:s8+$0x3EA0];
	v3 =	vadd.f32 v5, v3;
	(pc) =	sbr.rel @p1 .LBB2_9-.Ltmp3, $4  }
0xb1: {  	v11 =	vld [tilespmem:s8+$0x3EB0];
	v1 =	vadd.f32 v6, v1  }
0xb2: {  	v4 =	vld [tilespmem:s8+$0x3EC0];
	v0 =	vadd.f32 v13, v0  }
0xb3: {  	v7 =	vadd.f32 v14, v7;
	v5 =	vld [tilespmem:s8+$0x3ED0]  }
0xb4: {  	v10 =	vadd.f32 v15, v10;
	v6 =	vld [tilespmem:s8+$0x3EE0];
	s8 =	sshra.s32 s9, $0x2;
	s9 =	sadd.s32 $0x200, s9  }
0xb5: {  	v13 =	vld [tilespmem:s8+$0x3E80]  }
0xb6: {  	v14 =	vld [tilespmem:s8+$0x3E90];
	_ =	sdelay $0x1  }
0xb7: {  	v15 =	vld [tilespmem:s8+$0x3EA0];
	_ =	sdelay $0x1  }
0xb8: {  	v2 =	vadd.f32 v12, v2;
	v12 =	vld [tilespmem:s8+$0x3EB0]  }
0xb9: {  	v7 =	vadd.f32 v13, v7;
	v10 =	vadd.f32 v14, v10  }
0xba: {  	v8 =	vadd.f32 v11, v8;
	v11 =	vld [tilespmem:s8+$0x3EC0]  }
0xbb: {  	v2 =	vadd.f32 v15, v2;
	v7 =	vadd.f32 v10, v7  }
0xbc: {  	v4 =	vadd.f32 v4, v9;
	v9 =	vld [tilespmem:s8+$0x3ED0]  }
0xbd: {  	v8 =	vadd.f32 v12, v8;
	v2 =	vadd.f32 v2, v7  }
0xbe: {  	v3 =	vadd.f32 v5, v3;
	v5 =	vld [tilespmem:s8+$0x3EE0]  }
0xbf: {  	v4 =	vadd.f32 v11, v4;
	v2 =	vadd.f32 v8, v2  }
0xc0: {  	v1 =	vadd.f32 v6, v1;
	v7 =	vld [tilespmem:s8+$0x3EF0]  }
0xc1: {  	v3 =	vadd.f32 v9, v3;
	v2 =	vadd.f32 v4, v2;
	_ =	sdelay $0x1  }
0xc2: {  	v1 =	vadd.f32 v5, v1;
	v2 =	vadd.f32 v3, v2;
	_ =	sdelay $0x1  }
0xc3: {  	v0 =	vadd.f32 v7, v0;
	v1 =	vadd.f32 v1, v2;
	_ =	sdelay $0x1  }
0xc4: {  	v0 =	vadd.f32 v0, v1;
	_ =	sdelay $0x1  }
0xc5: {  	v0 =	vmul.f32 $4.999999890e-03, v0;
	_ =	sdelay $0x1  }
0xc6: {  	s16 =	simm.s32 $0x0;
	[tilespmem:$0x1A930] =	vst v0  }
0xc7: {  	v0 =	vld [tilespmem:s16+$0x4B70]  }
0xc8: {  	v1 =	vld [tilespmem:s16+$0x4B00]  }
0xc9: {  	v3 =	vld [tilespmem:s16+$0x4B10]  }
0xca: {  	v12 =	vld [tilespmem:s16+$0x4B20]  }
0xcb: {  	v11 =	vld [tilespmem:s16+$0x4B30]  }
0xcc: {  	v9 =	vimm.f32 $0.0e+00;
	v2 =	vimm.f32 $0.0e+00;
	v4 =	vld [tilespmem:s16+$0x4B40]  }
0xcd: {  	v8 =	vimm.f32 $0.0e+00;
	v5 =	vld [tilespmem:s16+$0x4B50];
	v0 =	vadd.f32 v0, v2;
	v7 =	vadd.f32 v1, v2  }
0xce: {  	s9 =	simm.s32 $0x400;
	s8 =	simm.s32 $0x80;
	v6 =	vld [tilespmem:s16+$0x4B60];
	v10 =	vadd.f32 v3, v2;
	v3 =	vimm.f32 $0.0e+00;
	v1 =	vimm.f32 $0.0e+00  }
.LBB2_11:
0xcf: {  	p1 =	sne.s32 s9, $0x3000;
	v13 =	vld [tilespmem:s8+$0x4B70];
	v2 =	vadd.f32 v12, v2  }
0xd0: {  	v14 =	vld [tilespmem:s8+$0x4B00];
	v8 =	vadd.f32 v11, v8  }
0xd1: {  	v15 =	vld [tilespmem:s8+$0x4B10];
	v9 =	vadd.f32 v4, v9  }
.Ltmp4:
0xd2: {  	v12 =	vld [tilespmem:s8+$0x4B20];
	v3 =	vadd.f32 v5, v3;
	(pc) =	sbr.rel @p1 .LBB2_11-.Ltmp4, $4  }
0xd3: {  	v11 =	vld [tilespmem:s8+$0x4B30];
	v1 =	vadd.f32 v6, v1  }
0xd4: {  	v4 =	vld [tilespmem:s8+$0x4B40];
	v0 =	vadd.f32 v13, v0  }
0xd5: {  	v7 =	vadd.f32 v14, v7;
	v5 =	vld [tilespmem:s8+$0x4B50]  }
0xd6: {  	v10 =	vadd.f32 v15, v10;
	v6 =	vld [tilespmem:s8+$0x4B60];
	s8 =	sshra.s32 s9, $0x2;
	s9 =	sadd.s32 $0x200, s9  }
0xd7: {  	v13 =	vld [tilespmem:s8+$0x4B00]  }
0xd8: {  	v14 =	vld [tilespmem:s8+$0x4B10];
	_ =	sdelay $0x1  }
0xd9: {  	v15 =	vld [tilespmem:s8+$0x4B20];
	_ =	sdelay $0x1  }
0xda: {  	v2 =	vadd.f32 v12, v2;
	v12 =	vld [tilespmem:s8+$0x4B30]  }
0xdb: {  	v7 =	vadd.f32 v13, v7;
	v10 =	vadd.f32 v14, v10  }
0xdc: {  	v8 =	vadd.f32 v11, v8;
	v11 =	vld [tilespmem:s8+$0x4B40]  }
0xdd: {  	v2 =	vadd.f32 v15, v2;
	v7 =	vadd.f32 v10, v7  }
0xde: {  	v4 =	vadd.f32 v4, v9;
	v9 =	vld [tilespmem:s8+$0x4B50]  }
0xdf: {  	v8 =	vadd.f32 v12, v8;
	v2 =	vadd.f32 v2, v7  }
0xe0: {  	v3 =	vadd.f32 v5, v3;
	v5 =	vld [tilespmem:s8+$0x4B60]  }
0xe1: {  	v4 =	vadd.f32 v11, v4;
	v2 =	vadd.f32 v8, v2  }
0xe2: {  	v1 =	vadd.f32 v6, v1;
	v7 =	vld [tilespmem:s8+$0x4B70]  }
0xe3: {  	v3 =	vadd.f32 v9, v3;
	v2 =	vadd.f32 v4, v2;
	_ =	sdelay $0x1  }
0xe4: {  	v1 =	vadd.f32 v5, v1;
	v2 =	vadd.f32 v3, v2;
	_ =	sdelay $0x1  }
0xe5: {  	v0 =	vadd.f32 v7, v0;
	v1 =	vadd.f32 v1, v2;
	_ =	sdelay $0x1  }
0xe6: {  	v0 =	vadd.f32 v0, v1;
	_ =	sdelay $0x1  }
0xe7: {  	v0 =	vmul.f32 $4.999999890e-03, v0;
	_ =	sdelay $0x1  }
0xe8: {  	s16 =	simm.s32 $0x0;
	[tilespmem:$0x1A940] =	vst v0  }
0xe9: {  	v0 =	vld [tilespmem:s16+$0x57F0]  }
0xea: {  	v1 =	vld [tilespmem:s16+$0x5780]  }
0xeb: {  	v3 =	vld [tilespmem:s16+$0x5790]  }
0xec: {  	v12 =	vld [tilespmem:s16+$0x57A0]  }
0xed: {  	v11 =	vld [tilespmem:s16+$0x57B0]  }
0xee: {  	v9 =	vimm.f32 $0.0e+00;
	v2 =	vimm.f32 $0.0e+00;
	v4 =	vld [tilespmem:s16+$0x57C0]  }
0xef: {  	v8 =	vimm.f32 $0.0e+00;
	v5 =	vld [tilespmem:s16+$0x57D0];
	v0 =	vadd.f32 v0, v2;
	v7 =	vadd.f32 v1, v2  }
0xf0: {  	s9 =	simm.s32 $0x400;
	s8 =	simm.s32 $0x80;
	v6 =	vld [tilespmem:s16+$0x57E0];
	v10 =	vadd.f32 v3, v2;
	v3 =	vimm.f32 $0.0e+00;
	v1 =	vimm.f32 $0.0e+00  }
.LBB2_13:
0xf1: {  	p1 =	sne.s32 s9, $0x3000;
	v13 =	vld [tilespmem:s8+$0x57F0];
	v2 =	vadd.f32 v12, v2  }
0xf2: {  	v14 =	vld [tilespmem:s8+$0x5780];
	v8 =	vadd.f32 v11, v8  }
0xf3: {  	v15 =	vld [tilespmem:s8+$0x5790];
	v9 =	vadd.f32 v4, v9  }
.Ltmp5:
0xf4: {  	v12 =	vld [tilespmem:s8+$0x57A0];
	v3 =	vadd.f32 v5, v3;
	(pc) =	sbr.rel @p1 .LBB2_13-.Ltmp5, $4  }
0xf5: {  	v11 =	vld [tilespmem:s8+$0x57B0];
	v1 =	vadd.f32 v6, v1  }
0xf6: {  	v4 =	vld [tilespmem:s8+$0x57C0];
	v0 =	vadd.f32 v13, v0  }
0xf7: {  	v7 =	vadd.f32 v14, v7;
	v5 =	vld [tilespmem:s8+$0x57D0]  }
0xf8: {  	v10 =	vadd.f32 v15, v10;
	v6 =	vld [tilespmem:s8+$0x57E0];
	s8 =	sshra.s32 s9, $0x2;
	s9 =	sadd.s32 $0x200, s9  }
0xf9: {  	v13 =	vld [tilespmem:s8+$0x5780]  }
0xfa: {  	v14 =	vld [tilespmem:s8+$0x5790];
	_ =	sdelay $0x1  }
0xfb: {  	v15 =	vld [tilespmem:s8+$0x57A0];
	_ =	sdelay $0x1  }
0xfc: {  	v2 =	vadd.f32 v12, v2;
	v12 =	vld [tilespmem:s8+$0x57B0]  }
0xfd: {  	v7 =	vadd.f32 v13, v7;
	v10 =	vadd.f32 v14, v10  }
0xfe: {  	v8 =	vadd.f32 v11, v8;
	v11 =	vld [tilespmem:s8+$0x57C0]  }
0xff: {  	v2 =	vadd.f32 v15, v2;
	v7 =	vadd.f32 v10, v7  }
0x100: {  	v4 =	vadd.f32 v4, v9;
	v9 =	vld [tilespmem:s8+$0x57D0]  }
0x101: {  	v8 =	vadd.f32 v12, v8;
	v2 =	vadd.f32 v2, v7  }
0x102: {  	v3 =	vadd.f32 v5, v3;
	v5 =	vld [tilespmem:s8+$0x57E0]  }
0x103: {  	v4 =	vadd.f32 v11, v4;
	v2 =	vadd.f32 v8, v2  }
0x104: {  	v1 =	vadd.f32 v6, v1;
	v7 =	vld [tilespmem:s8+$0x57F0]  }
0x105: {  	v3 =	vadd.f32 v9, v3;
	v2 =	vadd.f32 v4, v2;
	_ =	sdelay $0x1  }
0x106: {  	v1 =	vadd.f32 v5, v1;
	v2 =	vadd.f32 v3, v2;
	_ =	sdelay $0x1  }
0x107: {  	v0 =	vadd.f32 v7, v0;
	v1 =	vadd.f32 v1, v2;
	_ =	sdelay $0x1  }
0x108: {  	v0 =	vadd.f32 v0, v1;
	_ =	sdelay $0x1  }
0x109: {  	v0 =	vmul.f32 $4.999999890e-03, v0;
	_ =	sdelay $0x1  }
0x10a: {  	s16 =	simm.s32 $0x0;
	[tilespmem:$0x1A950] =	vst v0  }
0x10b: {  	v0 =	vld [tilespmem:s16+$0x6470]  }
0x10c: {  	v1 =	vld [tilespmem:s16+$0x6400]  }
0x10d: {  	v3 =	vld [tilespmem:s16+$0x6410]  }
0x10e: {  	v12 =	vld [tilespmem:s16+$0x6420]  }
0x10f: {  	v11 =	vld [tilespmem:s16+$0x6430]  }
0x110: {  	v9 =	vimm.f32 $0.0e+00;
	v2 =	vimm.f32 $0.0e+00;
	v4 =	vld [tilespmem:s16+$0x6440]  }
0x111: {  	v8 =	vimm.f32 $0.0e+00;
	v5 =	vld [tilespmem:s16+$0x6450];
	v0 =	vadd.f32 v0, v2;
	v7 =	vadd.f32 v1, v2  }
0x112: {  	s9 =	simm.s32 $0x400;
	s8 =	simm.s32 $0x80;
	v6 =	vld [tilespmem:s16+$0x6460];
	v10 =	vadd.f32 v3, v2;
	v3 =	vimm.f32 $0.0e+00;
	v1 =	vimm.f32 $0.0e+00  }
.LBB2_15:
0x113: {  	p1 =	sne.s32 s9, $0x3000;
	v13 =	vld [tilespmem:s8+$0x6470];
	v2 =	vadd.f32 v12, v2  }
0x114: {  	v14 =	vld [tilespmem:s8+$0x6400];
	v8 =	vadd.f32 v11, v8  }
0x115: {  	v15 =	vld [tilespmem:s8+$0x6410];
	v9 =	vadd.f32 v4, v9  }
.Ltmp6:
0x116: {  	v12 =	vld [tilespmem:s8+$0x6420];
	v3 =	vadd.f32 v5, v3;
	(pc) =	sbr.rel @p1 .LBB2_15-.Ltmp6, $4  }
0x117: {  	v11 =	vld [tilespmem:s8+$0x6430];
	v1 =	vadd.f32 v6, v1  }
0x118: {  	v4 =	vld [tilespmem:s8+$0x6440];
	v0 =	vadd.f32 v13, v0  }
0x119: {  	v7 =	vadd.f32 v14, v7;
	v5 =	vld [tilespmem:s8+$0x6450]  }
0x11a: {  	v10 =	vadd.f32 v15, v10;
	v6 =	vld [tilespmem:s8+$0x6460];
	s8 =	sshra.s32 s9, $0x2;
	s9 =	sadd.s32 $0x200, s9  }
0x11b: {  	v13 =	vld [tilespmem:s8+$0x6400]  }
0x11c: {  	v14 =	vld [tilespmem:s8+$0x6410];
	_ =	sdelay $0x1  }
0x11d: {  	v15 =	vld [tilespmem:s8+$0x6420];
	_ =	sdelay $0x1  }
0x11e: {  	v2 =	vadd.f32 v12, v2;
	v12 =	vld [tilespmem:s8+$0x6430]  }
0x11f: {  	v7 =	vadd.f32 v13, v7;
	v10 =	vadd.f32 v14, v10  }
0x120: {  	v8 =	vadd.f32 v11, v8;
	v11 =	vld [tilespmem:s8+$0x6440]  }
0x121: {  	v2 =	vadd.f32 v15, v2;
	v7 =	vadd.f32 v10, v7  }
0x122: {  	v4 =	vadd.f32 v4, v9;
	v9 =	vld [tilespmem:s8+$0x6450]  }
0x123: {  	v8 =	vadd.f32 v12, v8;
	v2 =	vadd.f32 v2, v7  }
0x124: {  	v3 =	vadd.f32 v5, v3;
	v5 =	vld [tilespmem:s8+$0x6460]  }
0x125: {  	v4 =	vadd.f32 v11, v4;
	v2 =	vadd.f32 v8, v2  }
0x126: {  	v1 =	vadd.f32 v6, v1;
	v7 =	vld [tilespmem:s8+$0x6470]  }
0x127: {  	v3 =	vadd.f32 v9, v3;
	v2 =	vadd.f32 v4, v2;
	_ =	sdelay $0x1  }
0x128: {  	v1 =	vadd.f32 v5, v1;
	v2 =	vadd.f32 v3, v2;
	_ =	sdelay $0x1  }
0x129: {  	v0 =	vadd.f32 v7, v0;
	v1 =	vadd.f32 v1, v2;
	_ =	sdelay $0x1  }
0x12a: {  	v0 =	vadd.f32 v0, v1;
	_ =	sdelay $0x1  }
0x12b: {  	v0 =	vmul.f32 $4.999999890e-03, v0;
	_ =	sdelay $0x1  }
0x12c: {  	s16 =	simm.s32 $0x0;
	[tilespmem:$0x1A960] =	vst v0  }
0x12d: {  	v0 =	vld [tilespmem:s16+$0x70F0]  }
0x12e: {  	v1 =	vld [tilespmem:s16+$0x7080]  }
0x12f: {  	v3 =	vld [tilespmem:s16+$0x7090]  }
0x130: {  	v12 =	vld [tilespmem:s16+$0x70A0]  }
0x131: {  	v11 =	vld [tilespmem:s16+$0x70B0]  }
0x132: {  	v9 =	vimm.f32 $0.0e+00;
	v2 =	vimm.f32 $0.0e+00;
	v4 =	vld [tilespmem:s16+$0x70C0]  }
0x133: {  	v8 =	vimm.f32 $0.0e+00;
	v5 =	vld [tilespmem:s16+$0x70D0];
	v0 =	vadd.f32 v0, v2;
	v7 =	vadd.f32 v1, v2  }
0x134: {  	s9 =	simm.s32 $0x400;
	s8 =	simm.s32 $0x80;
	v6 =	vld [tilespmem:s16+$0x70E0];
	v10 =	vadd.f32 v3, v2;
	v3 =	vimm.f32 $0.0e+00;
	v1 =	vimm.f32 $0.0e+00  }
.LBB2_17:
0x135: {  	p1 =	sne.s32 s9, $0x3000;
	v13 =	vld [tilespmem:s8+$0x70F0];
	v2 =	vadd.f32 v12, v2  }
0x136: {  	v14 =	vld [tilespmem:s8+$0x7080];
	v8 =	vadd.f32 v11, v8  }
0x137: {  	v15 =	vld [tilespmem:s8+$0x7090];
	v9 =	vadd.f32 v4, v9  }
.Ltmp7:
0x138: {  	v12 =	vld [tilespmem:s8+$0x70A0];
	v3 =	vadd.f32 v5, v3;
	(pc) =	sbr.rel @p1 .LBB2_17-.Ltmp7, $4  }
0x139: {  	v11 =	vld [tilespmem:s8+$0x70B0];
	v1 =	vadd.f32 v6, v1  }
0x13a: {  	v4 =	vld [tilespmem:s8+$0x70C0];
	v0 =	vadd.f32 v13, v0  }
0x13b: {  	v7 =	vadd.f32 v14, v7;
	v5 =	vld [tilespmem:s8+$0x70D0]  }
0x13c: {  	v10 =	vadd.f32 v15, v10;
	v6 =	vld [tilespmem:s8+$0x70E0];
	s8 =	sshra.s32 s9, $0x2;
	s9 =	sadd.s32 $0x200, s9  }
0x13d: {  	v13 =	vld [tilespmem:s8+$0x7080]  }
0x13e: {  	v14 =	vld [tilespmem:s8+$0x7090];
	_ =	sdelay $0x1  }
0x13f: {  	v15 =	vld [tilespmem:s8+$0x70A0];
	_ =	sdelay $0x1  }
0x140: {  	v2 =	vadd.f32 v12, v2;
	v12 =	vld [tilespmem:s8+$0x70B0]  }
0x141: {  	v7 =	vadd.f32 v13, v7;
	v10 =	vadd.f32 v14, v10  }
0x142: {  	v8 =	vadd.f32 v11, v8;
	v11 =	vld [tilespmem:s8+$0x70C0]  }
0x143: {  	v2 =	vadd.f32 v15, v2;
	v7 =	vadd.f32 v10, v7  }
0x144: {  	v4 =	vadd.f32 v4, v9;
	v9 =	vld [tilespmem:s8+$0x70D0]  }
0x145: {  	v8 =	vadd.f32 v12, v8;
	v2 =	vadd.f32 v2, v7  }
0x146: {  	v3 =	vadd.f32 v5, v3;
	v5 =	vld [tilespmem:s8+$0x70E0]  }
0x147: {  	v4 =	vadd.f32 v11, v4;
	v2 =	vadd.f32 v8, v2  }
0x148: {  	v1 =	vadd.f32 v6, v1;
	v7 =	vld [tilespmem:s8+$0x70F0]  }
0x149: {  	v3 =	vadd.f32 v9, v3;
	v2 =	vadd.f32 v4, v2;
	_ =	sdelay $0x1  }
0x14a: {  	v1 =	vadd.f32 v5, v1;
	v2 =	vadd.f32 v3, v2;
	_ =	sdelay $0x1  }
0x14b: {  	v0 =	vadd.f32 v7, v0;
	v1 =	vadd.f32 v1, v2;
	_ =	sdelay $0x1  }
0x14c: {  	v0 =	vadd.f32 v0, v1  }
0x14d: {  	p1 =	seq.s32 s6, $0xF  }
0x14e: {  	s31 =	sshll.u32 s6, $0x6;
	s9 =	sshll.u32 @!p1 s6, $0x5;
	v0 =	vmul.f32 $4.999999890e-03, v0  }
0x14f: {  	s25 =	sadd.s32 s10, s31;
	s8 =	sadd.s32 @!p1 s9, s11  }
0x150: {  	s16 =	sadd.s32 s2, s25;
	s8 =	smul.u32 @!p1 $0x19, s8;
	[tilespmem:$0x1A970] =	vst v0  }
0x151: {  	[hbm4b:s16+s3] =	stream.linear.scatter [tilespmem:s20], [sflag:$0x5], $0x80, $0x38;
	[tilespmem:$0x1AB00] =	vst v63  }
0x152: {  	s9 =	simm.s32 @!p1 $0x0;
	s8 =	sadd.s32 @!p1 s4, s8  }
0x153: {  	[tilespmem:s9], [sflag:$0x9] =	stream.linear.gather @!p1 [hbm4b:s8+s9], $0x640, $0x38;
	[tilespmem:$0x1AB00] =	vst v63  }
0x154: {  	s8 =	simm.s32 @!p1 $0x9  }
0x155: {  	_ =	swait.ge @!p1 [sflag:s8], $0x640  }
0x156: {  	[sflag:s8] =	ssyncset.done @!p1 $0x0  }
0x157: {  	s16 =	simm.s32 @!p1 $0x1900;
	[sflag:s8] =	ssyncadd.s32 @!p1 $0xFFFFF9C0;
	s8 =	simm.s32 @!p1 $0x320  }
0x158: {  	[tilespmem:s16], [sflag:$0x1] =	stream.indirect.gather @!p1 [hbm4b:s5+s8], $0x10, s9, s8, $0xb8;
	[tilespmem:$0x1AB00] =	vst v63  }
0x159: {  	s9 =	simm.s32 @!p1 $0x4B00  }
0x15a: {  	[tilespmem:s9], [sflag:$0x1] =	stream.indirect.gather @!p1 [hbm4b:s5+s8], $0x10, s8, s8, $0xb8;
	[tilespmem:$0x1AB00] =	vst v63  }
0x15b: {  	_ =	swait.ge [sflag:s22], $0x3200  }
0x15c: {  	[sflag:s22] =	ssyncset.done $0x0  }
0x15d: {  	[sflag:s22] =	ssyncadd.s32 $0xFFFFCE00  }
0x15e: {  	_ =	swait.ge [sflag:s22], $0x3200  }
0x15f: {  	[sflag:s22] =	ssyncset.done $0x0  }
0x160: {  	s8 =	simm.s32 @!p0 $0x6;
	[sflag:s22] =	ssyncadd.s32 $0xFFFFCE00  }
0x161: {  	_ =	swait.ge @!p0 [sflag:s8], $0x80  }
0x162: {  	[sflag:s8] =	ssyncset.done @!p0 $0x0  }
0x163: {  	s31 =	simm.s32 $0x0;
	[sflag:s8] =	ssyncadd.s32 @!p0 $0xFFFFFF80  }
0x164: {  	v0 =	vld [tilespmem:s31+$0x7D70]  }
0x165: {  	v1 =	vld [tilespmem:s31+$0x7D00]  }
0x166: {  	v3 =	vld [tilespmem:s31+$0x7D10]  }
0x167: {  	v12 =	vld [tilespmem:s31+$0x7D20]  }
0x168: {  	v11 =	vld [tilespmem:s31+$0x7D30]  }
0x169: {  	v9 =	vimm.f32 $0.0e+00;
	v2 =	vimm.f32 $0.0e+00;
	v4 =	vld [tilespmem:s31+$0x7D40]  }
0x16a: {  	v8 =	vimm.f32 $0.0e+00;
	v5 =	vld [tilespmem:s31+$0x7D50];
	v0 =	vadd.f32 v0, v2;
	v7 =	vadd.f32 v1, v2  }
0x16b: {  	s9 =	simm.s32 $0x400;
	s8 =	simm.s32 $0x80;
	v6 =	vld [tilespmem:s31+$0x7D60];
	v10 =	vadd.f32 v3, v2;
	v3 =	vimm.f32 $0.0e+00;
	v1 =	vimm.f32 $0.0e+00  }
.LBB2_19:
0x16c: {  	p2 =	sne.s32 s9, $0x3000;
	v13 =	vld [tilespmem:s8+$0x7D70];
	v2 =	vadd.f32 v12, v2  }
0x16d: {  	v14 =	vld [tilespmem:s8+$0x7D00];
	v8 =	vadd.f32 v11, v8  }
0x16e: {  	v15 =	vld [tilespmem:s8+$0x7D10];
	v9 =	vadd.f32 v4, v9  }
.Ltmp8:
0x16f: {  	v12 =	vld [tilespmem:s8+$0x7D20];
	v3 =	vadd.f32 v5, v3;
	(pc) =	sbr.rel @p2 .LBB2_19-.Ltmp8, $4  }
0x170: {  	v11 =	vld [tilespmem:s8+$0x7D30];
	v1 =	vadd.f32 v6, v1  }
0x171: {  	v4 =	vld [tilespmem:s8+$0x7D40];
	v0 =	vadd.f32 v13, v0  }
0x172: {  	v7 =	vadd.f32 v14, v7;
	v5 =	vld [tilespmem:s8+$0x7D50]  }
0x173: {  	v10 =	vadd.f32 v15, v10;
	v6 =	vld [tilespmem:s8+$0x7D60];
	s8 =	sshra.s32 s9, $0x2;
	s9 =	sadd.s32 $0x200, s9  }
0x174: {  	v13 =	vld [tilespmem:s8+$0x7D00]  }
0x175: {  	v14 =	vld [tilespmem:s8+$0x7D10];
	_ =	sdelay $0x1  }
0x176: {  	v15 =	vld [tilespmem:s8+$0x7D20];
	_ =	sdelay $0x1  }
0x177: {  	v2 =	vadd.f32 v12, v2;
	v12 =	vld [tilespmem:s8+$0x7D30]  }
0x178: {  	v7 =	vadd.f32 v13, v7;
	v10 =	vadd.f32 v14, v10  }
0x179: {  	v8 =	vadd.f32 v11, v8;
	v11 =	vld [tilespmem:s8+$0x7D40]  }
0x17a: {  	v2 =	vadd.f32 v15, v2;
	v7 =	vadd.f32 v10, v7  }
0x17b: {  	v4 =	vadd.f32 v4, v9;
	v9 =	vld [tilespmem:s8+$0x7D50]  }
0x17c: {  	v8 =	vadd.f32 v12, v8;
	v2 =	vadd.f32 v2, v7  }
0x17d: {  	v3 =	vadd.f32 v5, v3;
	v5 =	vld [tilespmem:s8+$0x7D60]  }
0x17e: {  	v4 =	vadd.f32 v11, v4;
	v2 =	vadd.f32 v8, v2  }
0x17f: {  	v1 =	vadd.f32 v6, v1;
	v7 =	vld [tilespmem:s8+$0x7D70]  }
0x180: {  	v3 =	vadd.f32 v9, v3;
	v2 =	vadd.f32 v4, v2;
	_ =	sdelay $0x1  }
0x181: {  	v1 =	vadd.f32 v5, v1;
	v2 =	vadd.f32 v3, v2;
	_ =	sdelay $0x1  }
0x182: {  	v0 =	vadd.f32 v7, v0;
	v1 =	vadd.f32 v1, v2;
	_ =	sdelay $0x1  }
0x183: {  	v0 =	vadd.f32 v0, v1;
	_ =	sdelay $0x1  }
0x184: {  	v0 =	vmul.f32 $4.999999890e-03, v0;
	_ =	sdelay $0x1  }
0x185: {  	s16 =	simm.s32 $0x0;
	[tilespmem:$0x1A980] =	vst v0  }
0x186: {  	v0 =	vld [tilespmem:s16+$0x89F0]  }
0x187: {  	v1 =	vld [tilespmem:s16+$0x8980]  }
0x188: {  	v3 =	vld [tilespmem:s16+$0x8990]  }
0x189: {  	v12 =	vld [tilespmem:s16+$0x89A0]  }
0x18a: {  	v11 =	vld [tilespmem:s16+$0x89B0]  }
0x18b: {  	v9 =	vimm.f32 $0.0e+00;
	v2 =	vimm.f32 $0.0e+00;
	v4 =	vld [tilespmem:s16+$0x89C0]  }
0x18c: {  	v8 =	vimm.f32 $0.0e+00;
	v5 =	vld [tilespmem:s16+$0x89D0];
	v0 =	vadd.f32 v0, v2;
	v7 =	vadd.f32 v1, v2  }
0x18d: {  	s9 =	simm.s32 $0x400;
	s8 =	simm.s32 $0x80;
	v6 =	vld [tilespmem:s16+$0x89E0];
	v10 =	vadd.f32 v3, v2;
	v3 =	vimm.f32 $0.0e+00;
	v1 =	vimm.f32 $0.0e+00  }
.LBB2_21:
0x18e: {  	p2 =	sne.s32 s9, $0x3000;
	v13 =	vld [tilespmem:s8+$0x89F0];
	v2 =	vadd.f32 v12, v2  }
0x18f: {  	v14 =	vld [tilespmem:s8+$0x8980];
	v8 =	vadd.f32 v11, v8  }
0x190: {  	v15 =	vld [tilespmem:s8+$0x8990];
	v9 =	vadd.f32 v4, v9  }
.Ltmp9:
0x191: {  	v12 =	vld [tilespmem:s8+$0x89A0];
	v3 =	vadd.f32 v5, v3;
	(pc) =	sbr.rel @p2 .LBB2_21-.Ltmp9, $4  }
0x192: {  	v11 =	vld [tilespmem:s8+$0x89B0];
	v1 =	vadd.f32 v6, v1  }
0x193: {  	v4 =	vld [tilespmem:s8+$0x89C0];
	v0 =	vadd.f32 v13, v0  }
0x194: {  	v7 =	vadd.f32 v14, v7;
	v5 =	vld [tilespmem:s8+$0x89D0]  }
0x195: {  	v10 =	vadd.f32 v15, v10;
	v6 =	vld [tilespmem:s8+$0x89E0];
	s8 =	sshra.s32 s9, $0x2;
	s9 =	sadd.s32 $0x200, s9  }
0x196: {  	v13 =	vld [tilespmem:s8+$0x8980]  }
0x197: {  	v14 =	vld [tilespmem:s8+$0x8990];
	_ =	sdelay $0x1  }
0x198: {  	v15 =	vld [tilespmem:s8+$0x89A0];
	_ =	sdelay $0x1  }
0x199: {  	v2 =	vadd.f32 v12, v2;
	v12 =	vld [tilespmem:s8+$0x89B0]  }
0x19a: {  	v7 =	vadd.f32 v13, v7;
	v10 =	vadd.f32 v14, v10  }
0x19b: {  	v8 =	vadd.f32 v11, v8;
	v11 =	vld [tilespmem:s8+$0x89C0]  }
0x19c: {  	v2 =	vadd.f32 v15, v2;
	v7 =	vadd.f32 v10, v7  }
0x19d: {  	v4 =	vadd.f32 v4, v9;
	v9 =	vld [tilespmem:s8+$0x89D0]  }
0x19e: {  	v8 =	vadd.f32 v12, v8;
	v2 =	vadd.f32 v2, v7  }
0x19f: {  	v3 =	vadd.f32 v5, v3;
	v5 =	vld [tilespmem:s8+$0x89E0]  }
0x1a0: {  	v4 =	vadd.f32 v11, v4;
	v2 =	vadd.f32 v8, v2  }
0x1a1: {  	v1 =	vadd.f32 v6, v1;
	v7 =	vld [tilespmem:s8+$0x89F0]  }
0x1a2: {  	v3 =	vadd.f32 v9, v3;
	v2 =	vadd.f32 v4, v2;
	_ =	sdelay $0x1  }
0x1a3: {  	v1 =	vadd.f32 v5, v1;
	v2 =	vadd.f32 v3, v2;
	_ =	sdelay $0x1  }
0x1a4: {  	v0 =	vadd.f32 v7, v0;
	v1 =	vadd.f32 v1, v2;
	_ =	sdelay $0x1  }
0x1a5: {  	v0 =	vadd.f32 v0, v1;
	_ =	sdelay $0x1  }
0x1a6: {  	v0 =	vmul.f32 $4.999999890e-03, v0;
	_ =	sdelay $0x1  }
0x1a7: {  	s16 =	simm.s32 $0x0;
	[tilespmem:$0x1A990] =	vst v0  }
0x1a8: {  	v0 =	vld [tilespmem:s16+$0x9670]  }
0x1a9: {  	v1 =	vld [tilespmem:s16+$0x9600]  }
0x1aa: {  	v3 =	vld [tilespmem:s16+$0x9610]  }
0x1ab: {  	v12 =	vld [tilespmem:s16+$0x9620]  }
0x1ac: {  	v11 =	vld [tilespmem:s16+$0x9630]  }
0x1ad: {  	v9 =	vimm.f32 $0.0e+00;
	v2 =	vimm.f32 $0.0e+00;
	v4 =	vld [tilespmem:s16+$0x9640]  }
0x1ae: {  	v8 =	vimm.f32 $0.0e+00;
	v5 =	vld [tilespmem:s16+$0x9650];
	v0 =	vadd.f32 v0, v2;
	v7 =	vadd.f32 v1, v2  }
0x1af: {  	s9 =	simm.s32 $0x400;
	s8 =	simm.s32 $0x80;
	v6 =	vld [tilespmem:s16+$0x9660];
	v10 =	vadd.f32 v3, v2;
	v3 =	vimm.f32 $0.0e+00;
	v1 =	vimm.f32 $0.0e+00  }
.LBB2_23:
0x1b0: {  	p2 =	sne.s32 s9, $0x3000;
	v13 =	vld [tilespmem:s8+$0x9670];
	v2 =	vadd.f32 v12, v2  }
0x1b1: {  	v14 =	vld [tilespmem:s8+$0x9600];
	v8 =	vadd.f32 v11, v8  }
0x1b2: {  	v15 =	vld [tilespmem:s8+$0x9610];
	v9 =	vadd.f32 v4, v9  }
.Ltmp10:
0x1b3: {  	v12 =	vld [tilespmem:s8+$0x9620];
	v3 =	vadd.f32 v5, v3;
	(pc) =	sbr.rel @p2 .LBB2_23-.Ltmp10, $4  }
0x1b4: {  	v11 =	vld [tilespmem:s8+$0x9630];
	v1 =	vadd.f32 v6, v1  }
0x1b5: {  	v4 =	vld [tilespmem:s8+$0x9640];
	v0 =	vadd.f32 v13, v0  }
0x1b6: {  	v7 =	vadd.f32 v14, v7;
	v5 =	vld [tilespmem:s8+$0x9650]  }
0x1b7: {  	v10 =	vadd.f32 v15, v10;
	v6 =	vld [tilespmem:s8+$0x9660];
	s8 =	sshra.s32 s9, $0x2;
	s9 =	sadd.s32 $0x200, s9  }
0x1b8: {  	v13 =	vld [tilespmem:s8+$0x9600]  }
0x1b9: {  	v14 =	vld [tilespmem:s8+$0x9610];
	_ =	sdelay $0x1  }
0x1ba: {  	v15 =	vld [tilespmem:s8+$0x9620];
	_ =	sdelay $0x1  }
0x1bb: {  	v2 =	vadd.f32 v12, v2;
	v12 =	vld [tilespmem:s8+$0x9630]  }
0x1bc: {  	v7 =	vadd.f32 v13, v7;
	v10 =	vadd.f32 v14, v10  }
0x1bd: {  	v8 =	vadd.f32 v11, v8;
	v11 =	vld [tilespmem:s8+$0x9640]  }
0x1be: {  	v2 =	vadd.f32 v15, v2;
	v7 =	vadd.f32 v10, v7  }
0x1bf: {  	v4 =	vadd.f32 v4, v9;
	v9 =	vld [tilespmem:s8+$0x9650]  }
0x1c0: {  	v8 =	vadd.f32 v12, v8;
	v2 =	vadd.f32 v2, v7  }
0x1c1: {  	v3 =	vadd.f32 v5, v3;
	v5 =	vld [tilespmem:s8+$0x9660]  }
0x1c2: {  	v4 =	vadd.f32 v11, v4;
	v2 =	vadd.f32 v8, v2  }
0x1c3: {  	v1 =	vadd.f32 v6, v1;
	v7 =	vld [tilespmem:s8+$0x9670]  }
0x1c4: {  	v3 =	vadd.f32 v9, v3;
	v2 =	vadd.f32 v4, v2;
	_ =	sdelay $0x1  }
0x1c5: {  	v1 =	vadd.f32 v5, v1;
	v2 =	vadd.f32 v3, v2;
	_ =	sdelay $0x1  }
0x1c6: {  	v0 =	vadd.f32 v7, v0;
	v1 =	vadd.f32 v1, v2;
	_ =	sdelay $0x1  }
0x1c7: {  	v0 =	vadd.f32 v0, v1;
	_ =	sdelay $0x1  }
0x1c8: {  	v0 =	vmul.f32 $4.999999890e-03, v0;
	_ =	sdelay $0x1  }
0x1c9: {  	s16 =	simm.s32 $0x0;
	[tilespmem:$0x1A9A0] =	vst v0  }
0x1ca: {  	v0 =	vld [tilespmem:s16+$0xA2F0]  }
0x1cb: {  	v1 =	vld [tilespmem:s16+$0xA280]  }
0x1cc: {  	v3 =	vld [tilespmem:s16+$0xA290]  }
0x1cd: {  	v12 =	vld [tilespmem:s16+$0xA2A0]  }
0x1ce: {  	v11 =	vld [tilespmem:s16+$0xA2B0]  }
0x1cf: {  	v9 =	vimm.f32 $0.0e+00;
	v2 =	vimm.f32 $0.0e+00;
	v4 =	vld [tilespmem:s16+$0xA2C0]  }
0x1d0: {  	v8 =	vimm.f32 $0.0e+00;
	v5 =	vld [tilespmem:s16+$0xA2D0];
	v0 =	vadd.f32 v0, v2;
	v7 =	vadd.f32 v1, v2  }
0x1d1: {  	s9 =	simm.s32 $0x400;
	s8 =	simm.s32 $0x80;
	v6 =	vld [tilespmem:s16+$0xA2E0];
	v10 =	vadd.f32 v3, v2;
	v3 =	vimm.f32 $0.0e+00;
	v1 =	vimm.f32 $0.0e+00  }
.LBB2_25:
0x1d2: {  	p2 =	sne.s32 s9, $0x3000;
	v13 =	vld [tilespmem:s8+$0xA2F0];
	v2 =	vadd.f32 v12, v2  }
0x1d3: {  	v14 =	vld [tilespmem:s8+$0xA280];
	v8 =	vadd.f32 v11, v8  }
0x1d4: {  	v15 =	vld [tilespmem:s8+$0xA290];
	v9 =	vadd.f32 v4, v9  }
.Ltmp11:
0x1d5: {  	v12 =	vld [tilespmem:s8+$0xA2A0];
	v3 =	vadd.f32 v5, v3;
	(pc) =	sbr.rel @p2 .LBB2_25-.Ltmp11, $4  }
0x1d6: {  	v11 =	vld [tilespmem:s8+$0xA2B0];
	v1 =	vadd.f32 v6, v1  }
0x1d7: {  	v4 =	vld [tilespmem:s8+$0xA2C0];
	v0 =	vadd.f32 v13, v0  }
0x1d8: {  	v7 =	vadd.f32 v14, v7;
	v5 =	vld [tilespmem:s8+$0xA2D0]  }
0x1d9: {  	v10 =	vadd.f32 v15, v10;
	v6 =	vld [tilespmem:s8+$0xA2E0];
	s8 =	sshra.s32 s9, $0x2;
	s9 =	sadd.s32 $0x200, s9  }
0x1da: {  	v13 =	vld [tilespmem:s8+$0xA280]  }
0x1db: {  	v14 =	vld [tilespmem:s8+$0xA290];
	_ =	sdelay $0x1  }
0x1dc: {  	v15 =	vld [tilespmem:s8+$0xA2A0];
	_ =	sdelay $0x1  }
0x1dd: {  	v2 =	vadd.f32 v12, v2;
	v12 =	vld [tilespmem:s8+$0xA2B0]  }
0x1de: {  	v7 =	vadd.f32 v13, v7;
	v10 =	vadd.f32 v14, v10  }
0x1df: {  	v8 =	vadd.f32 v11, v8;
	v11 =	vld [tilespmem:s8+$0xA2C0]  }
0x1e0: {  	v2 =	vadd.f32 v15, v2;
	v7 =	vadd.f32 v10, v7  }
0x1e1: {  	v4 =	vadd.f32 v4, v9;
	v9 =	vld [tilespmem:s8+$0xA2D0]  }
0x1e2: {  	v8 =	vadd.f32 v12, v8;
	v2 =	vadd.f32 v2, v7  }
0x1e3: {  	v3 =	vadd.f32 v5, v3;
	v5 =	vld [tilespmem:s8+$0xA2E0]  }
0x1e4: {  	v4 =	vadd.f32 v11, v4;
	v2 =	vadd.f32 v8, v2  }
0x1e5: {  	v1 =	vadd.f32 v6, v1;
	v7 =	vld [tilespmem:s8+$0xA2F0]  }
0x1e6: {  	v3 =	vadd.f32 v9, v3;
	v2 =	vadd.f32 v4, v2;
	_ =	sdelay $0x1  }
0x1e7: {  	v1 =	vadd.f32 v5, v1;
	v2 =	vadd.f32 v3, v2;
	_ =	sdelay $0x1  }
0x1e8: {  	v0 =	vadd.f32 v7, v0;
	v1 =	vadd.f32 v1, v2;
	_ =	sdelay $0x1  }
0x1e9: {  	v0 =	vadd.f32 v0, v1;
	_ =	sdelay $0x1  }
0x1ea: {  	v0 =	vmul.f32 $4.999999890e-03, v0;
	_ =	sdelay $0x1  }
0x1eb: {  	s16 =	simm.s32 $0x0;
	[tilespmem:$0x1A9B0] =	vst v0  }
0x1ec: {  	v0 =	vld [tilespmem:s16+$0xAF70]  }
0x1ed: {  	v1 =	vld [tilespmem:s16+$0xAF00]  }
0x1ee: {  	v3 =	vld [tilespmem:s16+$0xAF10]  }
0x1ef: {  	v12 =	vld [tilespmem:s16+$0xAF20]  }
0x1f0: {  	v11 =	vld [tilespmem:s16+$0xAF30]  }
0x1f1: {  	v9 =	vimm.f32 $0.0e+00;
	v2 =	vimm.f32 $0.0e+00;
	v4 =	vld [tilespmem:s16+$0xAF40]  }
0x1f2: {  	v8 =	vimm.f32 $0.0e+00;
	v5 =	vld [tilespmem:s16+$0xAF50];
	v0 =	vadd.f32 v0, v2;
	v7 =	vadd.f32 v1, v2  }
0x1f3: {  	s9 =	simm.s32 $0x400;
	s8 =	simm.s32 $0x80;
	v6 =	vld [tilespmem:s16+$0xAF60];
	v10 =	vadd.f32 v3, v2;
	v3 =	vimm.f32 $0.0e+00;
	v1 =	vimm.f32 $0.0e+00  }
.LBB2_27:
0x1f4: {  	p2 =	sne.s32 s9, $0x3000;
	v13 =	vld [tilespmem:s8+$0xAF70];
	v2 =	vadd.f32 v12, v2  }
0x1f5: {  	v14 =	vld [tilespmem:s8+$0xAF00];
	v8 =	vadd.f32 v11, v8  }
0x1f6: {  	v15 =	vld [tilespmem:s8+$0xAF10];
	v9 =	vadd.f32 v4, v9  }
.Ltmp12:
0x1f7: {  	v12 =	vld [tilespmem:s8+$0xAF20];
	v3 =	vadd.f32 v5, v3;
	(pc) =	sbr.rel @p2 .LBB2_27-.Ltmp12, $4  }
0x1f8: {  	v11 =	vld [tilespmem:s8+$0xAF30];
	v1 =	vadd.f32 v6, v1  }
0x1f9: {  	v4 =	vld [tilespmem:s8+$0xAF40];
	v0 =	vadd.f32 v13, v0  }
0x1fa: {  	v7 =	vadd.f32 v14, v7;
	v5 =	vld [tilespmem:s8+$0xAF50]  }
0x1fb: {  	v10 =	vadd.f32 v15, v10;
	v6 =	vld [tilespmem:s8+$0xAF60];
	s8 =	sshra.s32 s9, $0x2;
	s9 =	sadd.s32 $0x200, s9  }
0x1fc: {  	v13 =	vld [tilespmem:s8+$0xAF00]  }
0x1fd: {  	v14 =	vld [tilespmem:s8+$0xAF10];
	_ =	sdelay $0x1  }
0x1fe: {  	v15 =	vld [tilespmem:s8+$0xAF20];
	_ =	sdelay $0x1  }
0x1ff: {  	v2 =	vadd.f32 v12, v2;
	v12 =	vld [tilespmem:s8+$0xAF30]  }
0x200: {  	v7 =	vadd.f32 v13, v7;
	v10 =	vadd.f32 v14, v10  }
0x201: {  	v8 =	vadd.f32 v11, v8;
	v11 =	vld [tilespmem:s8+$0xAF40]  }
0x202: {  	v2 =	vadd.f32 v15, v2;
	v7 =	vadd.f32 v10, v7  }
0x203: {  	v4 =	vadd.f32 v4, v9;
	v9 =	vld [tilespmem:s8+$0xAF50]  }
0x204: {  	v8 =	vadd.f32 v12, v8;
	v2 =	vadd.f32 v2, v7  }
0x205: {  	v3 =	vadd.f32 v5, v3;
	v5 =	vld [tilespmem:s8+$0xAF60]  }
0x206: {  	v4 =	vadd.f32 v11, v4;
	v2 =	vadd.f32 v8, v2  }
0x207: {  	v1 =	vadd.f32 v6, v1;
	v7 =	vld [tilespmem:s8+$0xAF70]  }
0x208: {  	v3 =	vadd.f32 v9, v3;
	v2 =	vadd.f32 v4, v2;
	_ =	sdelay $0x1  }
0x209: {  	v1 =	vadd.f32 v5, v1;
	v2 =	vadd.f32 v3, v2;
	_ =	sdelay $0x1  }
0x20a: {  	v0 =	vadd.f32 v7, v0;
	v1 =	vadd.f32 v1, v2;
	_ =	sdelay $0x1  }
0x20b: {  	v0 =	vadd.f32 v0, v1;
	_ =	sdelay $0x1  }
0x20c: {  	v0 =	vmul.f32 $4.999999890e-03, v0;
	_ =	sdelay $0x1  }
0x20d: {  	s16 =	simm.s32 $0x0;
	[tilespmem:$0x1A9C0] =	vst v0  }
0x20e: {  	v0 =	vld [tilespmem:s16+$0xBBF0]  }
0x20f: {  	v1 =	vld [tilespmem:s16+$0xBB80]  }
0x210: {  	v3 =	vld [tilespmem:s16+$0xBB90]  }
0x211: {  	v12 =	vld [tilespmem:s16+$0xBBA0]  }
0x212: {  	v11 =	vld [tilespmem:s16+$0xBBB0]  }
0x213: {  	v9 =	vimm.f32 $0.0e+00;
	v2 =	vimm.f32 $0.0e+00;
	v4 =	vld [tilespmem:s16+$0xBBC0]  }
0x214: {  	v8 =	vimm.f32 $0.0e+00;
	v5 =	vld [tilespmem:s16+$0xBBD0];
	v0 =	vadd.f32 v0, v2;
	v7 =	vadd.f32 v1, v2  }
0x215: {  	s9 =	simm.s32 $0x400;
	s8 =	simm.s32 $0x80;
	v6 =	vld [tilespmem:s16+$0xBBE0];
	v10 =	vadd.f32 v3, v2;
	v3 =	vimm.f32 $0.0e+00;
	v1 =	vimm.f32 $0.0e+00  }
.LBB2_29:
0x216: {  	p2 =	sne.s32 s9, $0x3000;
	v13 =	vld [tilespmem:s8+$0xBBF0];
	v2 =	vadd.f32 v12, v2  }
0x217: {  	v14 =	vld [tilespmem:s8+$0xBB80];
	v8 =	vadd.f32 v11, v8  }
0x218: {  	v15 =	vld [tilespmem:s8+$0xBB90];
	v9 =	vadd.f32 v4, v9  }
.Ltmp13:
0x219: {  	v12 =	vld [tilespmem:s8+$0xBBA0];
	v3 =	vadd.f32 v5, v3;
	(pc) =	sbr.rel @p2 .LBB2_29-.Ltmp13, $4  }
0x21a: {  	v11 =	vld [tilespmem:s8+$0xBBB0];
	v1 =	vadd.f32 v6, v1  }
0x21b: {  	v4 =	vld [tilespmem:s8+$0xBBC0];
	v0 =	vadd.f32 v13, v0  }
0x21c: {  	v7 =	vadd.f32 v14, v7;
	v5 =	vld [tilespmem:s8+$0xBBD0]  }
0x21d: {  	v10 =	vadd.f32 v15, v10;
	v6 =	vld [tilespmem:s8+$0xBBE0];
	s8 =	sshra.s32 s9, $0x2;
	s9 =	sadd.s32 $0x200, s9  }
0x21e: {  	v13 =	vld [tilespmem:s8+$0xBB80]  }
0x21f: {  	v14 =	vld [tilespmem:s8+$0xBB90];
	_ =	sdelay $0x1  }
0x220: {  	v15 =	vld [tilespmem:s8+$0xBBA0];
	_ =	sdelay $0x1  }
0x221: {  	v2 =	vadd.f32 v12, v2;
	v12 =	vld [tilespmem:s8+$0xBBB0]  }
0x222: {  	v7 =	vadd.f32 v13, v7;
	v10 =	vadd.f32 v14, v10  }
0x223: {  	v8 =	vadd.f32 v11, v8;
	v11 =	vld [tilespmem:s8+$0xBBC0]  }
0x224: {  	v2 =	vadd.f32 v15, v2;
	v7 =	vadd.f32 v10, v7  }
0x225: {  	v4 =	vadd.f32 v4, v9;
	v9 =	vld [tilespmem:s8+$0xBBD0]  }
0x226: {  	v8 =	vadd.f32 v12, v8;
	v2 =	vadd.f32 v2, v7  }
0x227: {  	v3 =	vadd.f32 v5, v3;
	v5 =	vld [tilespmem:s8+$0xBBE0]  }
0x228: {  	v4 =	vadd.f32 v11, v4;
	v2 =	vadd.f32 v8, v2  }
0x229: {  	v1 =	vadd.f32 v6, v1;
	v7 =	vld [tilespmem:s8+$0xBBF0]  }
0x22a: {  	v3 =	vadd.f32 v9, v3;
	v2 =	vadd.f32 v4, v2;
	_ =	sdelay $0x1  }
0x22b: {  	v1 =	vadd.f32 v5, v1;
	v2 =	vadd.f32 v3, v2;
	_ =	sdelay $0x1  }
0x22c: {  	v0 =	vadd.f32 v7, v0;
	v1 =	vadd.f32 v1, v2;
	_ =	sdelay $0x1  }
0x22d: {  	v0 =	vadd.f32 v0, v1;
	_ =	sdelay $0x1  }
0x22e: {  	v0 =	vmul.f32 $4.999999890e-03, v0;
	_ =	sdelay $0x1  }
0x22f: {  	s16 =	simm.s32 $0x0;
	[tilespmem:$0x1A9D0] =	vst v0  }
0x230: {  	v0 =	vld [tilespmem:s16+$0xC870]  }
0x231: {  	v1 =	vld [tilespmem:s16+$0xC800]  }
0x232: {  	v3 =	vld [tilespmem:s16+$0xC810]  }
0x233: {  	v12 =	vld [tilespmem:s16+$0xC820]  }
0x234: {  	v11 =	vld [tilespmem:s16+$0xC830]  }
0x235: {  	v9 =	vimm.f32 $0.0e+00;
	v2 =	vimm.f32 $0.0e+00;
	v4 =	vld [tilespmem:s16+$0xC840]  }
0x236: {  	v8 =	vimm.f32 $0.0e+00;
	v5 =	vld [tilespmem:s16+$0xC850];
	v0 =	vadd.f32 v0, v2;
	v7 =	vadd.f32 v1, v2  }
0x237: {  	s9 =	simm.s32 $0x400;
	s8 =	simm.s32 $0x80;
	v6 =	vld [tilespmem:s16+$0xC860];
	v10 =	vadd.f32 v3, v2;
	v3 =	vimm.f32 $0.0e+00;
	v1 =	vimm.f32 $0.0e+00  }
.LBB2_31:
0x238: {  	p2 =	sne.s32 s9, $0x3000;
	v13 =	vld [tilespmem:s8+$0xC870];
	v2 =	vadd.f32 v12, v2  }
0x239: {  	v14 =	vld [tilespmem:s8+$0xC800];
	v8 =	vadd.f32 v11, v8  }
0x23a: {  	v15 =	vld [tilespmem:s8+$0xC810];
	v9 =	vadd.f32 v4, v9  }
.Ltmp14:
0x23b: {  	v12 =	vld [tilespmem:s8+$0xC820];
	v3 =	vadd.f32 v5, v3;
	(pc) =	sbr.rel @p2 .LBB2_31-.Ltmp14, $4  }
0x23c: {  	v11 =	vld [tilespmem:s8+$0xC830];
	v1 =	vadd.f32 v6, v1  }
0x23d: {  	v4 =	vld [tilespmem:s8+$0xC840];
	v0 =	vadd.f32 v13, v0  }
0x23e: {  	v7 =	vadd.f32 v14, v7;
	v5 =	vld [tilespmem:s8+$0xC850]  }
0x23f: {  	v10 =	vadd.f32 v15, v10;
	v6 =	vld [tilespmem:s8+$0xC860];
	s8 =	sshra.s32 s9, $0x2;
	s9 =	sadd.s32 $0x200, s9  }
0x240: {  	v13 =	vld [tilespmem:s8+$0xC800]  }
0x241: {  	v14 =	vld [tilespmem:s8+$0xC810];
	_ =	sdelay $0x1  }
0x242: {  	v15 =	vld [tilespmem:s8+$0xC820];
	_ =	sdelay $0x1  }
0x243: {  	v2 =	vadd.f32 v12, v2;
	v12 =	vld [tilespmem:s8+$0xC830]  }
0x244: {  	v7 =	vadd.f32 v13, v7;
	v10 =	vadd.f32 v14, v10  }
0x245: {  	v8 =	vadd.f32 v11, v8;
	v11 =	vld [tilespmem:s8+$0xC840]  }
0x246: {  	v2 =	vadd.f32 v15, v2;
	v7 =	vadd.f32 v10, v7  }
0x247: {  	v4 =	vadd.f32 v4, v9;
	v9 =	vld [tilespmem:s8+$0xC850]  }
0x248: {  	v8 =	vadd.f32 v12, v8;
	v2 =	vadd.f32 v2, v7  }
0x249: {  	v3 =	vadd.f32 v5, v3;
	v5 =	vld [tilespmem:s8+$0xC860]  }
0x24a: {  	v4 =	vadd.f32 v11, v4;
	v2 =	vadd.f32 v8, v2  }
0x24b: {  	v1 =	vadd.f32 v6, v1;
	v7 =	vld [tilespmem:s8+$0xC870]  }
0x24c: {  	v3 =	vadd.f32 v9, v3;
	v2 =	vadd.f32 v4, v2;
	_ =	sdelay $0x1  }
0x24d: {  	v1 =	vadd.f32 v5, v1;
	v2 =	vadd.f32 v3, v2;
	_ =	sdelay $0x1  }
0x24e: {  	v0 =	vadd.f32 v7, v0;
	v1 =	vadd.f32 v1, v2;
	_ =	sdelay $0x1  }
0x24f: {  	v0 =	vadd.f32 v0, v1;
	_ =	sdelay $0x1  }
0x250: {  	v0 =	vmul.f32 $4.999999890e-03, v0;
	_ =	sdelay $0x1  }
0x251: {  	s16 =	simm.s32 $0x0;
	[tilespmem:$0x1A9E0] =	vst v0  }
0x252: {  	v0 =	vld [tilespmem:s16+$0xD4F0]  }
0x253: {  	v1 =	vld [tilespmem:s16+$0xD480]  }
0x254: {  	v3 =	vld [tilespmem:s16+$0xD490]  }
0x255: {  	v12 =	vld [tilespmem:s16+$0xD4A0]  }
0x256: {  	v11 =	vld [tilespmem:s16+$0xD4B0]  }
0x257: {  	v9 =	vimm.f32 $0.0e+00;
	v2 =	vimm.f32 $0.0e+00;
	v4 =	vld [tilespmem:s16+$0xD4C0]  }
0x258: {  	v8 =	vimm.f32 $0.0e+00;
	v5 =	vld [tilespmem:s16+$0xD4D0];
	v0 =	vadd.f32 v0, v2;
	v7 =	vadd.f32 v1, v2  }
0x259: {  	s9 =	simm.s32 $0x400;
	s8 =	simm.s32 $0x80;
	v6 =	vld [tilespmem:s16+$0xD4E0];
	v10 =	vadd.f32 v3, v2;
	v3 =	vimm.f32 $0.0e+00;
	v1 =	vimm.f32 $0.0e+00  }
.LBB2_33:
0x25a: {  	p2 =	sne.s32 s9, $0x3000;
	v13 =	vld [tilespmem:s8+$0xD4F0];
	v2 =	vadd.f32 v12, v2  }
0x25b: {  	v14 =	vld [tilespmem:s8+$0xD480];
	v8 =	vadd.f32 v11, v8  }
0x25c: {  	v15 =	vld [tilespmem:s8+$0xD490];
	v9 =	vadd.f32 v4, v9  }
.Ltmp15:
0x25d: {  	v12 =	vld [tilespmem:s8+$0xD4A0];
	v3 =	vadd.f32 v5, v3;
	(pc) =	sbr.rel @p2 .LBB2_33-.Ltmp15, $4  }
0x25e: {  	v11 =	vld [tilespmem:s8+$0xD4B0];
	v1 =	vadd.f32 v6, v1  }
0x25f: {  	v4 =	vld [tilespmem:s8+$0xD4C0];
	v0 =	vadd.f32 v13, v0  }
0x260: {  	v7 =	vadd.f32 v14, v7;
	v5 =	vld [tilespmem:s8+$0xD4D0]  }
0x261: {  	v10 =	vadd.f32 v15, v10;
	v6 =	vld [tilespmem:s8+$0xD4E0];
	s8 =	sshra.s32 s9, $0x2;
	s9 =	sadd.s32 $0x200, s9  }
0x262: {  	v13 =	vld [tilespmem:s8+$0xD480]  }
0x263: {  	v14 =	vld [tilespmem:s8+$0xD490];
	_ =	sdelay $0x1  }
0x264: {  	v15 =	vld [tilespmem:s8+$0xD4A0];
	_ =	sdelay $0x1  }
0x265: {  	v2 =	vadd.f32 v12, v2;
	v12 =	vld [tilespmem:s8+$0xD4B0]  }
0x266: {  	v7 =	vadd.f32 v13, v7;
	v10 =	vadd.f32 v14, v10  }
0x267: {  	v8 =	vadd.f32 v11, v8;
	v11 =	vld [tilespmem:s8+$0xD4C0]  }
0x268: {  	v2 =	vadd.f32 v15, v2;
	v7 =	vadd.f32 v10, v7  }
0x269: {  	v4 =	vadd.f32 v4, v9;
	v9 =	vld [tilespmem:s8+$0xD4D0]  }
0x26a: {  	v8 =	vadd.f32 v12, v8;
	v2 =	vadd.f32 v2, v7  }
0x26b: {  	v3 =	vadd.f32 v5, v3;
	v5 =	vld [tilespmem:s8+$0xD4E0]  }
0x26c: {  	v4 =	vadd.f32 v11, v4;
	v2 =	vadd.f32 v8, v2  }
0x26d: {  	v1 =	vadd.f32 v6, v1;
	v7 =	vld [tilespmem:s8+$0xD4F0]  }
0x26e: {  	v3 =	vadd.f32 v9, v3;
	v2 =	vadd.f32 v4, v2;
	_ =	sdelay $0x1  }
0x26f: {  	v1 =	vadd.f32 v5, v1;
	v2 =	vadd.f32 v3, v2;
	_ =	sdelay $0x1  }
0x270: {  	v0 =	vadd.f32 v7, v0;
	v1 =	vadd.f32 v1, v2  }
0x271: {  	s8 =	sshll.u32 s6, $0x5  }
0x272: {  	s9 =	sadd.s32 s8, s7;
	v0 =	vadd.f32 v0, v1  }
0x273: {  	s9 =	sshll.u32 s9, $0x1  }
0x274: {  	s9 =	sadd.s32 $0x10, s9;
	v0 =	vmul.f32 $4.999999890e-03, v0  }
0x275: {  	s16 =	sadd.s32 @!p1 s8, s12;
	s9 =	sand.u32 $0x1FFFFFD0, s9  }
0x276: {  	s16 =	smul.u32 @!p1 $0x19, s16;
	s9 =	sadd.s32 s2, s9;
	[tilespmem:$0x1A9F0] =	vst v0  }
0x277: {  	[hbm4b:s9+s3] =	stream.linear.scatter [tilespmem:s23], [sflag:$0x6], $0x80, $0x38;
	[tilespmem:$0x1AB00] =	vst v63  }
0x278: {  	s31 =	simm.s32 @!p1 $0x640;
	s9 =	sadd.s32 @!p1 s4, s16;
	s16 =	simm.s32 @!p1 $0x0  }
0x279: {  	[tilespmem:s31], [sflag:$0x9] =	stream.linear.gather @!p1 [hbm4b:s9+s16], $0x640, $0x38;
	[tilespmem:$0x1AB00] =	vst v63  }
0x27a: {  	s9 =	simm.s32 @!p1 $0x9  }
0x27b: {  	_ =	swait.ge @!p1 [sflag:s9], $0x640  }
0x27c: {  	[sflag:s9] =	ssyncset.done @!p1 $0x0  }
0x27d: {  	s16 =	simm.s32 @!p1 $0x7D00;
	[sflag:s9] =	ssyncadd.s32 @!p1 $0xFFFFF9C0;
	s9 =	simm.s32 @!p1 $0x320  }
0x27e: {  	[tilespmem:s16], [sflag:$0x2] =	stream.indirect.gather @!p1 [hbm4b:s5+s9], $0x10, s31, s9, $0xb8;
	[tilespmem:$0x1AB00] =	vst v63  }
0x27f: {  	s16 =	simm.s32 @!p1 $0x960;
	s31 =	simm.s32 @!p1 $0xAF00  }
0x280: {  	[tilespmem:s31], [sflag:$0x2] =	stream.indirect.gather @!p1 [hbm4b:s5+s9], $0x10, s16, s9, $0xb8;
	[tilespmem:$0x1AB00] =	vst v63  }
0x281: {  	_ =	swait.ge [sflag:s24], $0x3200  }
0x282: {  	[sflag:s24] =	ssyncset.done $0x0  }
0x283: {  	[sflag:s24] =	ssyncadd.s32 $0xFFFFCE00  }
0x284: {  	_ =	swait.ge [sflag:s24], $0x3200  }
0x285: {  	[sflag:s24] =	ssyncset.done $0x0  }
0x286: {  	s9 =	simm.s32 @!p0 $0x7;
	[sflag:s24] =	ssyncadd.s32 $0xFFFFCE00  }
0x287: {  	_ =	swait.ge @!p0 [sflag:s9], $0x80  }
0x288: {  	[sflag:s9] =	ssyncset.done @!p0 $0x0  }
0x289: {  	s31 =	simm.s32 $0x0;
	[sflag:s9] =	ssyncadd.s32 @!p0 $0xFFFFFF80  }
0x28a: {  	v0 =	vld [tilespmem:s31+$0xE170]  }
0x28b: {  	v1 =	vld [tilespmem:s31+$0xE100]  }
0x28c: {  	v3 =	vld [tilespmem:s31+$0xE110]  }
0x28d: {  	v12 =	vld [tilespmem:s31+$0xE120]  }
0x28e: {  	v11 =	vld [tilespmem:s31+$0xE130]  }
0x28f: {  	v9 =	vimm.f32 $0.0e+00;
	v2 =	vimm.f32 $0.0e+00;
	v4 =	vld [tilespmem:s31+$0xE140]  }
0x290: {  	v8 =	vimm.f32 $0.0e+00;
	v5 =	vld [tilespmem:s31+$0xE150];
	v0 =	vadd.f32 v0, v2;
	v7 =	vadd.f32 v1, v2  }
0x291: {  	s16 =	simm.s32 $0x400;
	s9 =	simm.s32 $0x80;
	v6 =	vld [tilespmem:s31+$0xE160];
	v10 =	vadd.f32 v3, v2;
	v3 =	vimm.f32 $0.0e+00;
	v1 =	vimm.f32 $0.0e+00  }
.LBB2_35:
0x292: {  	p2 =	sne.s32 s16, $0x3000;
	v13 =	vld [tilespmem:s9+$0xE170];
	v2 =	vadd.f32 v12, v2  }
0x293: {  	v14 =	vld [tilespmem:s9+$0xE100];
	v8 =	vadd.f32 v11, v8  }
0x294: {  	v15 =	vld [tilespmem:s9+$0xE110];
	v9 =	vadd.f32 v4, v9  }
.Ltmp16:
0x295: {  	v12 =	vld [tilespmem:s9+$0xE120];
	v3 =	vadd.f32 v5, v3;
	(pc) =	sbr.rel @p2 .LBB2_35-.Ltmp16, $4  }
0x296: {  	v11 =	vld [tilespmem:s9+$0xE130];
	v1 =	vadd.f32 v6, v1  }
0x297: {  	v4 =	vld [tilespmem:s9+$0xE140];
	v0 =	vadd.f32 v13, v0  }
0x298: {  	v7 =	vadd.f32 v14, v7;
	v5 =	vld [tilespmem:s9+$0xE150]  }
0x299: {  	v10 =	vadd.f32 v15, v10;
	v6 =	vld [tilespmem:s9+$0xE160];
	s9 =	sshra.s32 s16, $0x2;
	s16 =	sadd.s32 $0x200, s16  }
0x29a: {  	v13 =	vld [tilespmem:s9+$0xE100]  }
0x29b: {  	v14 =	vld [tilespmem:s9+$0xE110];
	_ =	sdelay $0x1  }
0x29c: {  	v15 =	vld [tilespmem:s9+$0xE120];
	_ =	sdelay $0x1  }
0x29d: {  	v2 =	vadd.f32 v12, v2;
	v12 =	vld [tilespmem:s9+$0xE130]  }
0x29e: {  	v7 =	vadd.f32 v13, v7;
	v10 =	vadd.f32 v14, v10  }
0x29f: {  	v8 =	vadd.f32 v11, v8;
	v11 =	vld [tilespmem:s9+$0xE140]  }
0x2a0: {  	v2 =	vadd.f32 v15, v2;
	v7 =	vadd.f32 v10, v7  }
0x2a1: {  	v4 =	vadd.f32 v4, v9;
	v9 =	vld [tilespmem:s9+$0xE150]  }
0x2a2: {  	v8 =	vadd.f32 v12, v8;
	v2 =	vadd.f32 v2, v7  }
0x2a3: {  	v3 =	vadd.f32 v5, v3;
	v5 =	vld [tilespmem:s9+$0xE160]  }
0x2a4: {  	v4 =	vadd.f32 v11, v4;
	v2 =	vadd.f32 v8, v2  }
0x2a5: {  	v1 =	vadd.f32 v6, v1;
	v7 =	vld [tilespmem:s9+$0xE170]  }
0x2a6: {  	v3 =	vadd.f32 v9, v3;
	v2 =	vadd.f32 v4, v2;
	_ =	sdelay $0x1  }
0x2a7: {  	v1 =	vadd.f32 v5, v1;
	v2 =	vadd.f32 v3, v2;
	_ =	sdelay $0x1  }
0x2a8: {  	v0 =	vadd.f32 v7, v0;
	v1 =	vadd.f32 v1, v2;
	_ =	sdelay $0x1  }
0x2a9: {  	v0 =	vadd.f32 v0, v1;
	_ =	sdelay $0x1  }
0x2aa: {  	v0 =	vmul.f32 $4.999999890e-03, v0;
	_ =	sdelay $0x1  }
0x2ab: {  	s31 =	simm.s32 $0x0;
	[tilespmem:$0x1AA00] =	vst v0  }
0x2ac: {  	v0 =	vld [tilespmem:s31+$0xEDF0]  }
0x2ad: {  	v1 =	vld [tilespmem:s31+$0xED80]  }
0x2ae: {  	v3 =	vld [tilespmem:s31+$0xED90]  }
0x2af: {  	v12 =	vld [tilespmem:s31+$0xEDA0]  }
0x2b0: {  	v11 =	vld [tilespmem:s31+$0xEDB0]  }
0x2b1: {  	v9 =	vimm.f32 $0.0e+00;
	v2 =	vimm.f32 $0.0e+00;
	v4 =	vld [tilespmem:s31+$0xEDC0]  }
0x2b2: {  	v8 =	vimm.f32 $0.0e+00;
	v5 =	vld [tilespmem:s31+$0xEDD0];
	v0 =	vadd.f32 v0, v2;
	v7 =	vadd.f32 v1, v2  }
0x2b3: {  	s16 =	simm.s32 $0x400;
	s9 =	simm.s32 $0x80;
	v6 =	vld [tilespmem:s31+$0xEDE0];
	v10 =	vadd.f32 v3, v2;
	v3 =	vimm.f32 $0.0e+00;
	v1 =	vimm.f32 $0.0e+00  }
.LBB2_37:
0x2b4: {  	p2 =	sne.s32 s16, $0x3000;
	v13 =	vld [tilespmem:s9+$0xEDF0];
	v2 =	vadd.f32 v12, v2  }
0x2b5: {  	v14 =	vld [tilespmem:s9+$0xED80];
	v8 =	vadd.f32 v11, v8  }
0x2b6: {  	v15 =	vld [tilespmem:s9+$0xED90];
	v9 =	vadd.f32 v4, v9  }
.Ltmp17:
0x2b7: {  	v12 =	vld [tilespmem:s9+$0xEDA0];
	v3 =	vadd.f32 v5, v3;
	(pc) =	sbr.rel @p2 .LBB2_37-.Ltmp17, $4  }
0x2b8: {  	v11 =	vld [tilespmem:s9+$0xEDB0];
	v1 =	vadd.f32 v6, v1  }
0x2b9: {  	v4 =	vld [tilespmem:s9+$0xEDC0];
	v0 =	vadd.f32 v13, v0  }
0x2ba: {  	v7 =	vadd.f32 v14, v7;
	v5 =	vld [tilespmem:s9+$0xEDD0]  }
0x2bb: {  	v10 =	vadd.f32 v15, v10;
	v6 =	vld [tilespmem:s9+$0xEDE0];
	s9 =	sshra.s32 s16, $0x2;
	s16 =	sadd.s32 $0x200, s16  }
0x2bc: {  	v13 =	vld [tilespmem:s9+$0xED80]  }
0x2bd: {  	v14 =	vld [tilespmem:s9+$0xED90];
	_ =	sdelay $0x1  }
0x2be: {  	v15 =	vld [tilespmem:s9+$0xEDA0];
	_ =	sdelay $0x1  }
0x2bf: {  	v2 =	vadd.f32 v12, v2;
	v12 =	vld [tilespmem:s9+$0xEDB0]  }
0x2c0: {  	v7 =	vadd.f32 v13, v7;
	v10 =	vadd.f32 v14, v10  }
0x2c1: {  	v8 =	vadd.f32 v11, v8;
	v11 =	vld [tilespmem:s9+$0xEDC0]  }
0x2c2: {  	v2 =	vadd.f32 v15, v2;
	v7 =	vadd.f32 v10, v7  }
0x2c3: {  	v4 =	vadd.f32 v4, v9;
	v9 =	vld [tilespmem:s9+$0xEDD0]  }
0x2c4: {  	v8 =	vadd.f32 v12, v8;
	v2 =	vadd.f32 v2, v7  }
0x2c5: {  	v3 =	vadd.f32 v5, v3;
	v5 =	vld [tilespmem:s9+$0xEDE0]  }
0x2c6: {  	v4 =	vadd.f32 v11, v4;
	v2 =	vadd.f32 v8, v2  }
0x2c7: {  	v1 =	vadd.f32 v6, v1;
	v7 =	vld [tilespmem:s9+$0xEDF0]  }
0x2c8: {  	v3 =	vadd.f32 v9, v3;
	v2 =	vadd.f32 v4, v2;
	_ =	sdelay $0x1  }
0x2c9: {  	v1 =	vadd.f32 v5, v1;
	v2 =	vadd.f32 v3, v2;
	_ =	sdelay $0x1  }
0x2ca: {  	v0 =	vadd.f32 v7, v0;
	v1 =	vadd.f32 v1, v2;
	_ =	sdelay $0x1  }
0x2cb: {  	v0 =	vadd.f32 v0, v1;
	_ =	sdelay $0x1  }
0x2cc: {  	v0 =	vmul.f32 $4.999999890e-03, v0;
	_ =	sdelay $0x1  }
0x2cd: {  	s31 =	simm.s32 $0x0;
	[tilespmem:$0x1AA10] =	vst v0  }
0x2ce: {  	v0 =	vld [tilespmem:s31+$0xFA70]  }
0x2cf: {  	v1 =	vld [tilespmem:s31+$0xFA00]  }
0x2d0: {  	v3 =	vld [tilespmem:s31+$0xFA10]  }
0x2d1: {  	v12 =	vld [tilespmem:s31+$0xFA20]  }
0x2d2: {  	v11 =	vld [tilespmem:s31+$0xFA30]  }
0x2d3: {  	v9 =	vimm.f32 $0.0e+00;
	v2 =	vimm.f32 $0.0e+00;
	v4 =	vld [tilespmem:s31+$0xFA40]  }
0x2d4: {  	v8 =	vimm.f32 $0.0e+00;
	v5 =	vld [tilespmem:s31+$0xFA50];
	v0 =	vadd.f32 v0, v2;
	v7 =	vadd.f32 v1, v2  }
0x2d5: {  	s16 =	simm.s32 $0x400;
	s9 =	simm.s32 $0x80;
	v6 =	vld [tilespmem:s31+$0xFA60];
	v10 =	vadd.f32 v3, v2;
	v3 =	vimm.f32 $0.0e+00;
	v1 =	vimm.f32 $0.0e+00  }
.LBB2_39:
0x2d6: {  	p2 =	sne.s32 s16, $0x3000;
	v13 =	vld [tilespmem:s9+$0xFA70];
	v2 =	vadd.f32 v12, v2  }
0x2d7: {  	v14 =	vld [tilespmem:s9+$0xFA00];
	v8 =	vadd.f32 v11, v8  }
0x2d8: {  	v15 =	vld [tilespmem:s9+$0xFA10];
	v9 =	vadd.f32 v4, v9  }
.Ltmp18:
0x2d9: {  	v12 =	vld [tilespmem:s9+$0xFA20];
	v3 =	vadd.f32 v5, v3;
	(pc) =	sbr.rel @p2 .LBB2_39-.Ltmp18, $4  }
0x2da: {  	v11 =	vld [tilespmem:s9+$0xFA30];
	v1 =	vadd.f32 v6, v1  }
0x2db: {  	v4 =	vld [tilespmem:s9+$0xFA40];
	v0 =	vadd.f32 v13, v0  }
0x2dc: {  	v7 =	vadd.f32 v14, v7;
	v5 =	vld [tilespmem:s9+$0xFA50]  }
0x2dd: {  	v10 =	vadd.f32 v15, v10;
	v6 =	vld [tilespmem:s9+$0xFA60];
	s9 =	sshra.s32 s16, $0x2;
	s16 =	sadd.s32 $0x200, s16  }
0x2de: {  	v13 =	vld [tilespmem:s9+$0xFA00]  }
0x2df: {  	v14 =	vld [tilespmem:s9+$0xFA10];
	_ =	sdelay $0x1  }
0x2e0: {  	v15 =	vld [tilespmem:s9+$0xFA20];
	_ =	sdelay $0x1  }
0x2e1: {  	v2 =	vadd.f32 v12, v2;
	v12 =	vld [tilespmem:s9+$0xFA30]  }
0x2e2: {  	v7 =	vadd.f32 v13, v7;
	v10 =	vadd.f32 v14, v10  }
0x2e3: {  	v8 =	vadd.f32 v11, v8;
	v11 =	vld [tilespmem:s9+$0xFA40]  }
0x2e4: {  	v2 =	vadd.f32 v15, v2;
	v7 =	vadd.f32 v10, v7  }
0x2e5: {  	v4 =	vadd.f32 v4, v9;
	v9 =	vld [tilespmem:s9+$0xFA50]  }
0x2e6: {  	v8 =	vadd.f32 v12, v8;
	v2 =	vadd.f32 v2, v7  }
0x2e7: {  	v3 =	vadd.f32 v5, v3;
	v5 =	vld [tilespmem:s9+$0xFA60]  }
0x2e8: {  	v4 =	vadd.f32 v11, v4;
	v2 =	vadd.f32 v8, v2  }
0x2e9: {  	v1 =	vadd.f32 v6, v1;
	v7 =	vld [tilespmem:s9+$0xFA70]  }
0x2ea: {  	v3 =	vadd.f32 v9, v3;
	v2 =	vadd.f32 v4, v2;
	_ =	sdelay $0x1  }
0x2eb: {  	v1 =	vadd.f32 v5, v1;
	v2 =	vadd.f32 v3, v2;
	_ =	sdelay $0x1  }
0x2ec: {  	v0 =	vadd.f32 v7, v0;
	v1 =	vadd.f32 v1, v2;
	_ =	sdelay $0x1  }
0x2ed: {  	v0 =	vadd.f32 v0, v1;
	_ =	sdelay $0x1  }
0x2ee: {  	v0 =	vmul.f32 $4.999999890e-03, v0;
	_ =	sdelay $0x1  }
0x2ef: {  	s31 =	simm.s32 $0x0;
	[tilespmem:$0x1AA20] =	vst v0  }
0x2f0: {  	v0 =	vld [tilespmem:s31+$0x106F0]  }
0x2f1: {  	v1 =	vld [tilespmem:s31+$0x10680]  }
0x2f2: {  	v3 =	vld [tilespmem:s31+$0x10690]  }
0x2f3: {  	v12 =	vld [tilespmem:s31+$0x106A0]  }
0x2f4: {  	v11 =	vld [tilespmem:s31+$0x106B0]  }
0x2f5: {  	v9 =	vimm.f32 $0.0e+00;
	v2 =	vimm.f32 $0.0e+00;
	v4 =	vld [tilespmem:s31+$0x106C0]  }
0x2f6: {  	v8 =	vimm.f32 $0.0e+00;
	v5 =	vld [tilespmem:s31+$0x106D0];
	v0 =	vadd.f32 v0, v2;
	v7 =	vadd.f32 v1, v2  }
0x2f7: {  	s16 =	simm.s32 $0x400;
	s9 =	simm.s32 $0x80;
	v6 =	vld [tilespmem:s31+$0x106E0];
	v10 =	vadd.f32 v3, v2;
	v3 =	vimm.f32 $0.0e+00;
	v1 =	vimm.f32 $0.0e+00  }
.LBB2_41:
0x2f8: {  	p2 =	sne.s32 s16, $0x3000;
	v13 =	vld [tilespmem:s9+$0x106F0];
	v2 =	vadd.f32 v12, v2  }
0x2f9: {  	v14 =	vld [tilespmem:s9+$0x10680];
	v8 =	vadd.f32 v11, v8  }
0x2fa: {  	v15 =	vld [tilespmem:s9+$0x10690];
	v9 =	vadd.f32 v4, v9  }
.Ltmp19:
0x2fb: {  	v12 =	vld [tilespmem:s9+$0x106A0];
	v3 =	vadd.f32 v5, v3;
	(pc) =	sbr.rel @p2 .LBB2_41-.Ltmp19, $4  }
0x2fc: {  	v11 =	vld [tilespmem:s9+$0x106B0];
	v1 =	vadd.f32 v6, v1  }
0x2fd: {  	v4 =	vld [tilespmem:s9+$0x106C0];
	v0 =	vadd.f32 v13, v0  }
0x2fe: {  	v7 =	vadd.f32 v14, v7;
	v5 =	vld [tilespmem:s9+$0x106D0]  }
0x2ff: {  	v10 =	vadd.f32 v15, v10;
	v6 =	vld [tilespmem:s9+$0x106E0];
	s9 =	sshra.s32 s16, $0x2;
	s16 =	sadd.s32 $0x200, s16  }
0x300: {  	v13 =	vld [tilespmem:s9+$0x10680]  }
0x301: {  	v14 =	vld [tilespmem:s9+$0x10690];
	_ =	sdelay $0x1  }
0x302: {  	v15 =	vld [tilespmem:s9+$0x106A0];
	_ =	sdelay $0x1  }
0x303: {  	v2 =	vadd.f32 v12, v2;
	v12 =	vld [tilespmem:s9+$0x106B0]  }
0x304: {  	v7 =	vadd.f32 v13, v7;
	v10 =	vadd.f32 v14, v10  }
0x305: {  	v8 =	vadd.f32 v11, v8;
	v11 =	vld [tilespmem:s9+$0x106C0]  }
0x306: {  	v2 =	vadd.f32 v15, v2;
	v7 =	vadd.f32 v10, v7  }
0x307: {  	v4 =	vadd.f32 v4, v9;
	v9 =	vld [tilespmem:s9+$0x106D0]  }
0x308: {  	v8 =	vadd.f32 v12, v8;
	v2 =	vadd.f32 v2, v7  }
0x309: {  	v3 =	vadd.f32 v5, v3;
	v5 =	vld [tilespmem:s9+$0x106E0]  }
0x30a: {  	v4 =	vadd.f32 v11, v4;
	v2 =	vadd.f32 v8, v2  }
0x30b: {  	v1 =	vadd.f32 v6, v1;
	v7 =	vld [tilespmem:s9+$0x106F0]  }
0x30c: {  	v3 =	vadd.f32 v9, v3;
	v2 =	vadd.f32 v4, v2;
	_ =	sdelay $0x1  }
0x30d: {  	v1 =	vadd.f32 v5, v1;
	v2 =	vadd.f32 v3, v2;
	_ =	sdelay $0x1  }
0x30e: {  	v0 =	vadd.f32 v7, v0;
	v1 =	vadd.f32 v1, v2;
	_ =	sdelay $0x1  }
0x30f: {  	v0 =	vadd.f32 v0, v1;
	_ =	sdelay $0x1  }
0x310: {  	v0 =	vmul.f32 $4.999999890e-03, v0;
	_ =	sdelay $0x1  }
0x311: {  	s31 =	simm.s32 $0x0;
	[tilespmem:$0x1AA30] =	vst v0  }
0x312: {  	v0 =	vld [tilespmem:s31+$0x11370]  }
0x313: {  	v1 =	vld [tilespmem:s31+$0x11300]  }
0x314: {  	v3 =	vld [tilespmem:s31+$0x11310]  }
0x315: {  	v12 =	vld [tilespmem:s31+$0x11320]  }
0x316: {  	v11 =	vld [tilespmem:s31+$0x11330]  }
0x317: {  	v9 =	vimm.f32 $0.0e+00;
	v2 =	vimm.f32 $0.0e+00;
	v4 =	vld [tilespmem:s31+$0x11340]  }
0x318: {  	v8 =	vimm.f32 $0.0e+00;
	v5 =	vld [tilespmem:s31+$0x11350];
	v0 =	vadd.f32 v0, v2;
	v7 =	vadd.f32 v1, v2  }
0x319: {  	s16 =	simm.s32 $0x400;
	s9 =	simm.s32 $0x80;
	v6 =	vld [tilespmem:s31+$0x11360];
	v10 =	vadd.f32 v3, v2;
	v3 =	vimm.f32 $0.0e+00;
	v1 =	vimm.f32 $0.0e+00  }
.LBB2_43:
0x31a: {  	p2 =	sne.s32 s16, $0x3000;
	v13 =	vld [tilespmem:s9+$0x11370];
	v2 =	vadd.f32 v12, v2  }
0x31b: {  	v14 =	vld [tilespmem:s9+$0x11300];
	v8 =	vadd.f32 v11, v8  }
0x31c: {  	v15 =	vld [tilespmem:s9+$0x11310];
	v9 =	vadd.f32 v4, v9  }
.Ltmp20:
0x31d: {  	v12 =	vld [tilespmem:s9+$0x11320];
	v3 =	vadd.f32 v5, v3;
	(pc) =	sbr.rel @p2 .LBB2_43-.Ltmp20, $4  }
0x31e: {  	v11 =	vld [tilespmem:s9+$0x11330];
	v1 =	vadd.f32 v6, v1  }
0x31f: {  	v4 =	vld [tilespmem:s9+$0x11340];
	v0 =	vadd.f32 v13, v0  }
0x320: {  	v7 =	vadd.f32 v14, v7;
	v5 =	vld [tilespmem:s9+$0x11350]  }
0x321: {  	v10 =	vadd.f32 v15, v10;
	v6 =	vld [tilespmem:s9+$0x11360];
	s9 =	sshra.s32 s16, $0x2;
	s16 =	sadd.s32 $0x200, s16  }
0x322: {  	v13 =	vld [tilespmem:s9+$0x11300]  }
0x323: {  	v14 =	vld [tilespmem:s9+$0x11310];
	_ =	sdelay $0x1  }
0x324: {  	v15 =	vld [tilespmem:s9+$0x11320];
	_ =	sdelay $0x1  }
0x325: {  	v2 =	vadd.f32 v12, v2;
	v12 =	vld [tilespmem:s9+$0x11330]  }
0x326: {  	v7 =	vadd.f32 v13, v7;
	v10 =	vadd.f32 v14, v10  }
0x327: {  	v8 =	vadd.f32 v11, v8;
	v11 =	vld [tilespmem:s9+$0x11340]  }
0x328: {  	v2 =	vadd.f32 v15, v2;
	v7 =	vadd.f32 v10, v7  }
0x329: {  	v4 =	vadd.f32 v4, v9;
	v9 =	vld [tilespmem:s9+$0x11350]  }
0x32a: {  	v8 =	vadd.f32 v12, v8;
	v2 =	vadd.f32 v2, v7  }
0x32b: {  	v3 =	vadd.f32 v5, v3;
	v5 =	vld [tilespmem:s9+$0x11360]  }
0x32c: {  	v4 =	vadd.f32 v11, v4;
	v2 =	vadd.f32 v8, v2  }
0x32d: {  	v1 =	vadd.f32 v6, v1;
	v7 =	vld [tilespmem:s9+$0x11370]  }
0x32e: {  	v3 =	vadd.f32 v9, v3;
	v2 =	vadd.f32 v4, v2;
	_ =	sdelay $0x1  }
0x32f: {  	v1 =	vadd.f32 v5, v1;
	v2 =	vadd.f32 v3, v2;
	_ =	sdelay $0x1  }
0x330: {  	v0 =	vadd.f32 v7, v0;
	v1 =	vadd.f32 v1, v2;
	_ =	sdelay $0x1  }
0x331: {  	v0 =	vadd.f32 v0, v1;
	_ =	sdelay $0x1  }
0x332: {  	v0 =	vmul.f32 $4.999999890e-03, v0;
	_ =	sdelay $0x1  }
0x333: {  	s31 =	simm.s32 $0x0;
	[tilespmem:$0x1AA40] =	vst v0  }
0x334: {  	v0 =	vld [tilespmem:s31+$0x11FF0]  }
0x335: {  	v1 =	vld [tilespmem:s31+$0x11F80]  }
0x336: {  	v3 =	vld [tilespmem:s31+$0x11F90]  }
0x337: {  	v12 =	vld [tilespmem:s31+$0x11FA0]  }
0x338: {  	v11 =	vld [tilespmem:s31+$0x11FB0]  }
0x339: {  	v9 =	vimm.f32 $0.0e+00;
	v2 =	vimm.f32 $0.0e+00;
	v4 =	vld [tilespmem:s31+$0x11FC0]  }
0x33a: {  	v8 =	vimm.f32 $0.0e+00;
	v5 =	vld [tilespmem:s31+$0x11FD0];
	v0 =	vadd.f32 v0, v2;
	v7 =	vadd.f32 v1, v2  }
0x33b: {  	s16 =	simm.s32 $0x400;
	s9 =	simm.s32 $0x80;
	v6 =	vld [tilespmem:s31+$0x11FE0];
	v10 =	vadd.f32 v3, v2;
	v3 =	vimm.f32 $0.0e+00;
	v1 =	vimm.f32 $0.0e+00  }
.LBB2_45:
0x33c: {  	p2 =	sne.s32 s16, $0x3000;
	v13 =	vld [tilespmem:s9+$0x11FF0];
	v2 =	vadd.f32 v12, v2  }
0x33d: {  	v14 =	vld [tilespmem:s9+$0x11F80];
	v8 =	vadd.f32 v11, v8  }
0x33e: {  	v15 =	vld [tilespmem:s9+$0x11F90];
	v9 =	vadd.f32 v4, v9  }
.Ltmp21:
0x33f: {  	v12 =	vld [tilespmem:s9+$0x11FA0];
	v3 =	vadd.f32 v5, v3;
	(pc) =	sbr.rel @p2 .LBB2_45-.Ltmp21, $4  }
0x340: {  	v11 =	vld [tilespmem:s9+$0x11FB0];
	v1 =	vadd.f32 v6, v1  }
0x341: {  	v4 =	vld [tilespmem:s9+$0x11FC0];
	v0 =	vadd.f32 v13, v0  }
0x342: {  	v7 =	vadd.f32 v14, v7;
	v5 =	vld [tilespmem:s9+$0x11FD0]  }
0x343: {  	v10 =	vadd.f32 v15, v10;
	v6 =	vld [tilespmem:s9+$0x11FE0];
	s9 =	sshra.s32 s16, $0x2;
	s16 =	sadd.s32 $0x200, s16  }
0x344: {  	v13 =	vld [tilespmem:s9+$0x11F80]  }
0x345: {  	v14 =	vld [tilespmem:s9+$0x11F90];
	_ =	sdelay $0x1  }
0x346: {  	v15 =	vld [tilespmem:s9+$0x11FA0];
	_ =	sdelay $0x1  }
0x347: {  	v2 =	vadd.f32 v12, v2;
	v12 =	vld [tilespmem:s9+$0x11FB0]  }
0x348: {  	v7 =	vadd.f32 v13, v7;
	v10 =	vadd.f32 v14, v10  }
0x349: {  	v8 =	vadd.f32 v11, v8;
	v11 =	vld [tilespmem:s9+$0x11FC0]  }
0x34a: {  	v2 =	vadd.f32 v15, v2;
	v7 =	vadd.f32 v10, v7  }
0x34b: {  	v4 =	vadd.f32 v4, v9;
	v9 =	vld [tilespmem:s9+$0x11FD0]  }
0x34c: {  	v8 =	vadd.f32 v12, v8;
	v2 =	vadd.f32 v2, v7  }
0x34d: {  	v3 =	vadd.f32 v5, v3;
	v5 =	vld [tilespmem:s9+$0x11FE0]  }
0x34e: {  	v4 =	vadd.f32 v11, v4;
	v2 =	vadd.f32 v8, v2  }
0x34f: {  	v1 =	vadd.f32 v6, v1;
	v7 =	vld [tilespmem:s9+$0x11FF0]  }
0x350: {  	v3 =	vadd.f32 v9, v3;
	v2 =	vadd.f32 v4, v2;
	_ =	sdelay $0x1  }
0x351: {  	v1 =	vadd.f32 v5, v1;
	v2 =	vadd.f32 v3, v2;
	_ =	sdelay $0x1  }
0x352: {  	v0 =	vadd.f32 v7, v0;
	v1 =	vadd.f32 v1, v2;
	_ =	sdelay $0x1  }
0x353: {  	v0 =	vadd.f32 v0, v1;
	_ =	sdelay $0x1  }
0x354: {  	v0 =	vmul.f32 $4.999999890e-03, v0;
	_ =	sdelay $0x1  }
0x355: {  	s31 =	simm.s32 $0x0;
	[tilespmem:$0x1AA50] =	vst v0  }
0x356: {  	v0 =	vld [tilespmem:s31+$0x12C70]  }
0x357: {  	v1 =	vld [tilespmem:s31+$0x12C00]  }
0x358: {  	v3 =	vld [tilespmem:s31+$0x12C10]  }
0x359: {  	v12 =	vld [tilespmem:s31+$0x12C20]  }
0x35a: {  	v11 =	vld [tilespmem:s31+$0x12C30]  }
0x35b: {  	v9 =	vimm.f32 $0.0e+00;
	v2 =	vimm.f32 $0.0e+00;
	v4 =	vld [tilespmem:s31+$0x12C40]  }
0x35c: {  	v8 =	vimm.f32 $0.0e+00;
	v5 =	vld [tilespmem:s31+$0x12C50];
	v0 =	vadd.f32 v0, v2;
	v7 =	vadd.f32 v1, v2  }
0x35d: {  	s16 =	simm.s32 $0x400;
	s9 =	simm.s32 $0x80;
	v6 =	vld [tilespmem:s31+$0x12C60];
	v10 =	vadd.f32 v3, v2;
	v3 =	vimm.f32 $0.0e+00;
	v1 =	vimm.f32 $0.0e+00  }
.LBB2_47:
0x35e: {  	p2 =	sne.s32 s16, $0x3000;
	v13 =	vld [tilespmem:s9+$0x12C70];
	v2 =	vadd.f32 v12, v2  }
0x35f: {  	v14 =	vld [tilespmem:s9+$0x12C00];
	v8 =	vadd.f32 v11, v8  }
0x360: {  	v15 =	vld [tilespmem:s9+$0x12C10];
	v9 =	vadd.f32 v4, v9  }
.Ltmp22:
0x361: {  	v12 =	vld [tilespmem:s9+$0x12C20];
	v3 =	vadd.f32 v5, v3;
	(pc) =	sbr.rel @p2 .LBB2_47-.Ltmp22, $4  }
0x362: {  	v11 =	vld [tilespmem:s9+$0x12C30];
	v1 =	vadd.f32 v6, v1  }
0x363: {  	v4 =	vld [tilespmem:s9+$0x12C40];
	v0 =	vadd.f32 v13, v0  }
0x364: {  	v7 =	vadd.f32 v14, v7;
	v5 =	vld [tilespmem:s9+$0x12C50]  }
0x365: {  	v10 =	vadd.f32 v15, v10;
	v6 =	vld [tilespmem:s9+$0x12C60];
	s9 =	sshra.s32 s16, $0x2;
	s16 =	sadd.s32 $0x200, s16  }
0x366: {  	v13 =	vld [tilespmem:s9+$0x12C00]  }
0x367: {  	v14 =	vld [tilespmem:s9+$0x12C10];
	_ =	sdelay $0x1  }
0x368: {  	v15 =	vld [tilespmem:s9+$0x12C20];
	_ =	sdelay $0x1  }
0x369: {  	v2 =	vadd.f32 v12, v2;
	v12 =	vld [tilespmem:s9+$0x12C30]  }
0x36a: {  	v7 =	vadd.f32 v13, v7;
	v10 =	vadd.f32 v14, v10  }
0x36b: {  	v8 =	vadd.f32 v11, v8;
	v11 =	vld [tilespmem:s9+$0x12C40]  }
0x36c: {  	v2 =	vadd.f32 v15, v2;
	v7 =	vadd.f32 v10, v7  }
0x36d: {  	v4 =	vadd.f32 v4, v9;
	v9 =	vld [tilespmem:s9+$0x12C50]  }
0x36e: {  	v8 =	vadd.f32 v12, v8;
	v2 =	vadd.f32 v2, v7  }
0x36f: {  	v3 =	vadd.f32 v5, v3;
	v5 =	vld [tilespmem:s9+$0x12C60]  }
0x370: {  	v4 =	vadd.f32 v11, v4;
	v2 =	vadd.f32 v8, v2  }
0x371: {  	v1 =	vadd.f32 v6, v1;
	v7 =	vld [tilespmem:s9+$0x12C70]  }
0x372: {  	v3 =	vadd.f32 v9, v3;
	v2 =	vadd.f32 v4, v2;
	_ =	sdelay $0x1  }
0x373: {  	v1 =	vadd.f32 v5, v1;
	v2 =	vadd.f32 v3, v2;
	_ =	sdelay $0x1  }
0x374: {  	v0 =	vadd.f32 v7, v0;
	v1 =	vadd.f32 v1, v2;
	_ =	sdelay $0x1  }
0x375: {  	v0 =	vadd.f32 v0, v1;
	_ =	sdelay $0x1  }
0x376: {  	v0 =	vmul.f32 $4.999999890e-03, v0;
	_ =	sdelay $0x1  }
0x377: {  	s31 =	simm.s32 $0x0;
	[tilespmem:$0x1AA60] =	vst v0  }
0x378: {  	v0 =	vld [tilespmem:s31+$0x138F0]  }
0x379: {  	v1 =	vld [tilespmem:s31+$0x13880]  }
0x37a: {  	v3 =	vld [tilespmem:s31+$0x13890]  }
0x37b: {  	v12 =	vld [tilespmem:s31+$0x138A0]  }
0x37c: {  	v11 =	vld [tilespmem:s31+$0x138B0]  }
0x37d: {  	v9 =	vimm.f32 $0.0e+00;
	v2 =	vimm.f32 $0.0e+00;
	v4 =	vld [tilespmem:s31+$0x138C0]  }
0x37e: {  	v8 =	vimm.f32 $0.0e+00;
	v5 =	vld [tilespmem:s31+$0x138D0];
	v0 =	vadd.f32 v0, v2;
	v7 =	vadd.f32 v1, v2  }
0x37f: {  	s16 =	simm.s32 $0x400;
	s9 =	simm.s32 $0x80;
	v6 =	vld [tilespmem:s31+$0x138E0];
	v10 =	vadd.f32 v3, v2;
	v3 =	vimm.f32 $0.0e+00;
	v1 =	vimm.f32 $0.0e+00  }
.LBB2_49:
0x380: {  	p2 =	sne.s32 s16, $0x3000;
	v13 =	vld [tilespmem:s9+$0x138F0];
	v2 =	vadd.f32 v12, v2  }
0x381: {  	v14 =	vld [tilespmem:s9+$0x13880];
	v8 =	vadd.f32 v11, v8  }
0x382: {  	v15 =	vld [tilespmem:s9+$0x13890];
	v9 =	vadd.f32 v4, v9  }
.Ltmp23:
0x383: {  	v12 =	vld [tilespmem:s9+$0x138A0];
	v3 =	vadd.f32 v5, v3;
	(pc) =	sbr.rel @p2 .LBB2_49-.Ltmp23, $4  }
0x384: {  	v11 =	vld [tilespmem:s9+$0x138B0];
	v1 =	vadd.f32 v6, v1  }
0x385: {  	v4 =	vld [tilespmem:s9+$0x138C0];
	v0 =	vadd.f32 v13, v0  }
0x386: {  	v7 =	vadd.f32 v14, v7;
	v5 =	vld [tilespmem:s9+$0x138D0]  }
0x387: {  	v10 =	vadd.f32 v15, v10;
	v6 =	vld [tilespmem:s9+$0x138E0];
	s9 =	sshra.s32 s16, $0x2;
	s16 =	sadd.s32 $0x200, s16  }
0x388: {  	v13 =	vld [tilespmem:s9+$0x13880]  }
0x389: {  	v14 =	vld [tilespmem:s9+$0x13890];
	_ =	sdelay $0x1  }
0x38a: {  	v15 =	vld [tilespmem:s9+$0x138A0];
	_ =	sdelay $0x1  }
0x38b: {  	v2 =	vadd.f32 v12, v2;
	v12 =	vld [tilespmem:s9+$0x138B0]  }
0x38c: {  	v7 =	vadd.f32 v13, v7;
	v10 =	vadd.f32 v14, v10  }
0x38d: {  	v8 =	vadd.f32 v11, v8;
	v11 =	vld [tilespmem:s9+$0x138C0]  }
0x38e: {  	v2 =	vadd.f32 v15, v2;
	v7 =	vadd.f32 v10, v7  }
0x38f: {  	v4 =	vadd.f32 v4, v9;
	v9 =	vld [tilespmem:s9+$0x138D0]  }
0x390: {  	v8 =	vadd.f32 v12, v8;
	v2 =	vadd.f32 v2, v7  }
0x391: {  	v3 =	vadd.f32 v5, v3;
	v5 =	vld [tilespmem:s9+$0x138E0]  }
0x392: {  	v4 =	vadd.f32 v11, v4;
	v2 =	vadd.f32 v8, v2  }
0x393: {  	v1 =	vadd.f32 v6, v1;
	v7 =	vld [tilespmem:s9+$0x138F0]  }
0x394: {  	v3 =	vadd.f32 v9, v3;
	v2 =	vadd.f32 v4, v2;
	_ =	sdelay $0x1  }
0x395: {  	v1 =	vadd.f32 v5, v1;
	v2 =	vadd.f32 v3, v2;
	_ =	sdelay $0x1  }
0x396: {  	v0 =	vadd.f32 v7, v0;
	v1 =	vadd.f32 v1, v2;
	_ =	sdelay $0x1  }
0x397: {  	v0 =	vadd.f32 v0, v1;
	_ =	sdelay $0x1  }
0x398: {  	v0 =	vmul.f32 $4.999999890e-03, v0  }
0x399: {  	s8 =	sadd.s32 @!p1 s8, s14  }
0x39a: {  	s25 =	sadd.s32 s25, s13;
	s8 =	smul.u32 @!p1 $0x19, s8;
	[tilespmem:$0x1AA70] =	vst v0  }
0x39b: {  	[hbm4b:s25+s3] =	stream.linear.scatter [tilespmem:s26], [sflag:$0x7], $0x80, $0x38;
	[tilespmem:$0x1AB00] =	vst v63  }
0x39c: {  	s16 =	simm.s32 @!p1 $0xC80;
	s8 =	sadd.s32 @!p1 s4, s8;
	s9 =	simm.s32 @!p1 $0x0  }
0x39d: {  	[tilespmem:s16], [sflag:$0x9] =	stream.linear.gather @!p1 [hbm4b:s8+s9], $0x640, $0x38;
	[tilespmem:$0x1AB00] =	vst v63  }
0x39e: {  	s8 =	simm.s32 @!p1 $0x9  }
0x39f: {  	_ =	swait.ge @!p1 [sflag:s8], $0x640  }
0x3a0: {  	[sflag:s8] =	ssyncset.done @!p1 $0x0  }
0x3a1: {  	s9 =	simm.s32 @!p1 $0xE100;
	[sflag:s8] =	ssyncadd.s32 @!p1 $0xFFFFF9C0;
	s8 =	simm.s32 @!p1 $0x320  }
0x3a2: {  	[tilespmem:s9], [sflag:$0x3] =	stream.indirect.gather @!p1 [hbm4b:s5+s8], $0x10, s16, s8, $0xb8;
	[tilespmem:$0x1AB00] =	vst v63  }
0x3a3: {  	s9 =	simm.s32 @!p1 $0xFA0;
	s16 =	simm.s32 @!p1 $0x11300  }
0x3a4: {  	[tilespmem:s16], [sflag:$0x3] =	stream.indirect.gather @!p1 [hbm4b:s5+s8], $0x10, s9, s8, $0xb8;
	[tilespmem:$0x1AB00] =	vst v63  }
0x3a5: {  	_ =	swait.ge [sflag:s28], $0x3200  }
0x3a6: {  	[sflag:s28] =	ssyncset.done $0x0  }
0x3a7: {  	[sflag:s28] =	ssyncadd.s32 $0xFFFFCE00  }
0x3a8: {  	_ =	swait.ge [sflag:s28], $0x3200  }
0x3a9: {  	[sflag:s28] =	ssyncset.done $0x0  }
0x3aa: {  	s8 =	simm.s32 @!p0 $0x8;
	[sflag:s28] =	ssyncadd.s32 $0xFFFFCE00  }
0x3ab: {  	_ =	swait.ge @!p0 [sflag:s8], $0x80  }
0x3ac: {  	[sflag:s8] =	ssyncset.done @!p0 $0x0  }
0x3ad: {  	s31 =	simm.s32 $0x0;
	[sflag:s8] =	ssyncadd.s32 @!p0 $0xFFFFFF80  }
0x3ae: {  	v0 =	vld [tilespmem:s31+$0x14570]  }
0x3af: {  	v1 =	vld [tilespmem:s31+$0x14500]  }
0x3b0: {  	v3 =	vld [tilespmem:s31+$0x14510]  }
0x3b1: {  	v12 =	vld [tilespmem:s31+$0x14520]  }
0x3b2: {  	v11 =	vld [tilespmem:s31+$0x14530]  }
0x3b3: {  	v9 =	vimm.f32 $0.0e+00;
	v2 =	vimm.f32 $0.0e+00;
	v4 =	vld [tilespmem:s31+$0x14540]  }
0x3b4: {  	v8 =	vimm.f32 $0.0e+00;
	v5 =	vld [tilespmem:s31+$0x14550];
	v0 =	vadd.f32 v0, v2;
	v7 =	vadd.f32 v1, v2  }
0x3b5: {  	s9 =	simm.s32 $0x400;
	s8 =	simm.s32 $0x80;
	v6 =	vld [tilespmem:s31+$0x14560];
	v10 =	vadd.f32 v3, v2;
	v3 =	vimm.f32 $0.0e+00;
	v1 =	vimm.f32 $0.0e+00  }
.LBB2_51:
0x3b6: {  	p0 =	sne.s32 s9, $0x3000;
	v13 =	vld [tilespmem:s8+$0x14570];
	v2 =	vadd.f32 v12, v2  }
0x3b7: {  	v14 =	vld [tilespmem:s8+$0x14500];
	v8 =	vadd.f32 v11, v8  }
0x3b8: {  	v15 =	vld [tilespmem:s8+$0x14510];
	v9 =	vadd.f32 v4, v9  }
.Ltmp24:
0x3b9: {  	v12 =	vld [tilespmem:s8+$0x14520];
	v3 =	vadd.f32 v5, v3;
	(pc) =	sbr.rel @p0 .LBB2_51-.Ltmp24, $4  }
0x3ba: {  	v11 =	vld [tilespmem:s8+$0x14530];
	v1 =	vadd.f32 v6, v1  }
0x3bb: {  	v4 =	vld [tilespmem:s8+$0x14540];
	v0 =	vadd.f32 v13, v0  }
0x3bc: {  	v7 =	vadd.f32 v14, v7;
	v5 =	vld [tilespmem:s8+$0x14550]  }
0x3bd: {  	v10 =	vadd.f32 v15, v10;
	v6 =	vld [tilespmem:s8+$0x14560];
	s8 =	sshra.s32 s9, $0x2;
	s9 =	sadd.s32 $0x200, s9  }
0x3be: {  	v13 =	vld [tilespmem:s8+$0x14500]  }
0x3bf: {  	v14 =	vld [tilespmem:s8+$0x14510];
	_ =	sdelay $0x1  }
0x3c0: {  	v15 =	vld [tilespmem:s8+$0x14520];
	_ =	sdelay $0x1  }
0x3c1: {  	v2 =	vadd.f32 v12, v2;
	v12 =	vld [tilespmem:s8+$0x14530]  }
0x3c2: {  	v7 =	vadd.f32 v13, v7;
	v10 =	vadd.f32 v14, v10  }
0x3c3: {  	v8 =	vadd.f32 v11, v8;
	v11 =	vld [tilespmem:s8+$0x14540]  }
0x3c4: {  	v2 =	vadd.f32 v15, v2;
	v7 =	vadd.f32 v10, v7  }
0x3c5: {  	v4 =	vadd.f32 v4, v9;
	v9 =	vld [tilespmem:s8+$0x14550]  }
0x3c6: {  	v8 =	vadd.f32 v12, v8;
	v2 =	vadd.f32 v2, v7  }
0x3c7: {  	v3 =	vadd.f32 v5, v3;
	v5 =	vld [tilespmem:s8+$0x14560]  }
0x3c8: {  	v4 =	vadd.f32 v11, v4;
	v2 =	vadd.f32 v8, v2  }
0x3c9: {  	v1 =	vadd.f32 v6, v1;
	v7 =	vld [tilespmem:s8+$0x14570]  }
0x3ca: {  	v3 =	vadd.f32 v9, v3;
	v2 =	vadd.f32 v4, v2;
	_ =	sdelay $0x1  }
0x3cb: {  	v1 =	vadd.f32 v5, v1;
	v2 =	vadd.f32 v3, v2;
	_ =	sdelay $0x1  }
0x3cc: {  	v0 =	vadd.f32 v7, v0;
	v1 =	vadd.f32 v1, v2;
	_ =	sdelay $0x1  }
0x3cd: {  	v0 =	vadd.f32 v0, v1;
	_ =	sdelay $0x1  }
0x3ce: {  	v0 =	vmul.f32 $4.999999890e-03, v0;
	_ =	sdelay $0x1  }
0x3cf: {  	s16 =	simm.s32 $0x0;
	[tilespmem:$0x1AA80] =	vst v0  }
0x3d0: {  	v0 =	vld [tilespmem:s16+$0x151F0]  }
0x3d1: {  	v1 =	vld [tilespmem:s16+$0x15180]  }
0x3d2: {  	v3 =	vld [tilespmem:s16+$0x15190]  }
0x3d3: {  	v12 =	vld [tilespmem:s16+$0x151A0]  }
0x3d4: {  	v11 =	vld [tilespmem:s16+$0x151B0]  }
0x3d5: {  	v9 =	vimm.f32 $0.0e+00;
	v2 =	vimm.f32 $0.0e+00;
	v4 =	vld [tilespmem:s16+$0x151C0]  }
0x3d6: {  	v8 =	vimm.f32 $0.0e+00;
	v5 =	vld [tilespmem:s16+$0x151D0];
	v0 =	vadd.f32 v0, v2;
	v7 =	vadd.f32 v1, v2  }
0x3d7: {  	s9 =	simm.s32 $0x400;
	s8 =	simm.s32 $0x80;
	v6 =	vld [tilespmem:s16+$0x151E0];
	v10 =	vadd.f32 v3, v2;
	v3 =	vimm.f32 $0.0e+00;
	v1 =	vimm.f32 $0.0e+00  }
.LBB2_53:
0x3d8: {  	p0 =	sne.s32 s9, $0x3000;
	v13 =	vld [tilespmem:s8+$0x151F0];
	v2 =	vadd.f32 v12, v2  }
0x3d9: {  	v14 =	vld [tilespmem:s8+$0x15180];
	v8 =	vadd.f32 v11, v8  }
0x3da: {  	v15 =	vld [tilespmem:s8+$0x15190];
	v9 =	vadd.f32 v4, v9  }
.Ltmp25:
0x3db: {  	v12 =	vld [tilespmem:s8+$0x151A0];
	v3 =	vadd.f32 v5, v3;
	(pc) =	sbr.rel @p0 .LBB2_53-.Ltmp25, $4  }
0x3dc: {  	v11 =	vld [tilespmem:s8+$0x151B0];
	v1 =	vadd.f32 v6, v1  }
0x3dd: {  	v4 =	vld [tilespmem:s8+$0x151C0];
	v0 =	vadd.f32 v13, v0  }
0x3de: {  	v7 =	vadd.f32 v14, v7;
	v5 =	vld [tilespmem:s8+$0x151D0]  }
0x3df: {  	v10 =	vadd.f32 v15, v10;
	v6 =	vld [tilespmem:s8+$0x151E0];
	s8 =	sshra.s32 s9, $0x2;
	s9 =	sadd.s32 $0x200, s9  }
0x3e0: {  	v13 =	vld [tilespmem:s8+$0x15180]  }
0x3e1: {  	v14 =	vld [tilespmem:s8+$0x15190];
	_ =	sdelay $0x1  }
0x3e2: {  	v15 =	vld [tilespmem:s8+$0x151A0];
	_ =	sdelay $0x1  }
0x3e3: {  	v2 =	vadd.f32 v12, v2;
	v12 =	vld [tilespmem:s8+$0x151B0]  }
0x3e4: {  	v7 =	vadd.f32 v13, v7;
	v10 =	vadd.f32 v14, v10  }
0x3e5: {  	v8 =	vadd.f32 v11, v8;
	v11 =	vld [tilespmem:s8+$0x151C0]  }
0x3e6: {  	v2 =	vadd.f32 v15, v2;
	v7 =	vadd.f32 v10, v7  }
0x3e7: {  	v4 =	vadd.f32 v4, v9;
	v9 =	vld [tilespmem:s8+$0x151D0]  }
0x3e8: {  	v8 =	vadd.f32 v12, v8;
	v2 =	vadd.f32 v2, v7  }
0x3e9: {  	v3 =	vadd.f32 v5, v3;
	v5 =	vld [tilespmem:s8+$0x151E0]  }
0x3ea: {  	v4 =	vadd.f32 v11, v4;
	v2 =	vadd.f32 v8, v2  }
0x3eb: {  	v1 =	vadd.f32 v6, v1;
	v7 =	vld [tilespmem:s8+$0x151F0]  }
0x3ec: {  	v3 =	vadd.f32 v9, v3;
	v2 =	vadd.f32 v4, v2;
	_ =	sdelay $0x1  }
0x3ed: {  	v1 =	vadd.f32 v5, v1;
	v2 =	vadd.f32 v3, v2;
	_ =	sdelay $0x1  }
0x3ee: {  	v0 =	vadd.f32 v7, v0;
	v1 =	vadd.f32 v1, v2;
	_ =	sdelay $0x1  }
0x3ef: {  	v0 =	vadd.f32 v0, v1;
	_ =	sdelay $0x1  }
0x3f0: {  	v0 =	vmul.f32 $4.999999890e-03, v0;
	_ =	sdelay $0x1  }
0x3f1: {  	s16 =	simm.s32 $0x0;
	[tilespmem:$0x1AA90] =	vst v0  }
0x3f2: {  	v0 =	vld [tilespmem:s16+$0x15E70]  }
0x3f3: {  	v1 =	vld [tilespmem:s16+$0x15E00]  }
0x3f4: {  	v3 =	vld [tilespmem:s16+$0x15E10]  }
0x3f5: {  	v12 =	vld [tilespmem:s16+$0x15E20]  }
0x3f6: {  	v11 =	vld [tilespmem:s16+$0x15E30]  }
0x3f7: {  	v9 =	vimm.f32 $0.0e+00;
	v2 =	vimm.f32 $0.0e+00;
	v4 =	vld [tilespmem:s16+$0x15E40]  }
0x3f8: {  	v8 =	vimm.f32 $0.0e+00;
	v5 =	vld [tilespmem:s16+$0x15E50];
	v0 =	vadd.f32 v0, v2;
	v7 =	vadd.f32 v1, v2  }
0x3f9: {  	s9 =	simm.s32 $0x400;
	s8 =	simm.s32 $0x80;
	v6 =	vld [tilespmem:s16+$0x15E60];
	v10 =	vadd.f32 v3, v2;
	v3 =	vimm.f32 $0.0e+00;
	v1 =	vimm.f32 $0.0e+00  }
.LBB2_55:
0x3fa: {  	p0 =	sne.s32 s9, $0x3000;
	v13 =	vld [tilespmem:s8+$0x15E70];
	v2 =	vadd.f32 v12, v2  }
0x3fb: {  	v14 =	vld [tilespmem:s8+$0x15E00];
	v8 =	vadd.f32 v11, v8  }
0x3fc: {  	v15 =	vld [tilespmem:s8+$0x15E10];
	v9 =	vadd.f32 v4, v9  }
.Ltmp26:
0x3fd: {  	v12 =	vld [tilespmem:s8+$0x15E20];
	v3 =	vadd.f32 v5, v3;
	(pc) =	sbr.rel @p0 .LBB2_55-.Ltmp26, $4  }
0x3fe: {  	v11 =	vld [tilespmem:s8+$0x15E30];
	v1 =	vadd.f32 v6, v1  }
0x3ff: {  	v4 =	vld [tilespmem:s8+$0x15E40];
	v0 =	vadd.f32 v13, v0  }
0x400: {  	v7 =	vadd.f32 v14, v7;
	v5 =	vld [tilespmem:s8+$0x15E50]  }
0x401: {  	v10 =	vadd.f32 v15, v10;
	v6 =	vld [tilespmem:s8+$0x15E60];
	s8 =	sshra.s32 s9, $0x2;
	s9 =	sadd.s32 $0x200, s9  }
0x402: {  	v13 =	vld [tilespmem:s8+$0x15E00]  }
0x403: {  	v14 =	vld [tilespmem:s8+$0x15E10];
	_ =	sdelay $0x1  }
0x404: {  	v15 =	vld [tilespmem:s8+$0x15E20];
	_ =	sdelay $0x1  }
0x405: {  	v2 =	vadd.f32 v12, v2;
	v12 =	vld [tilespmem:s8+$0x15E30]  }
0x406: {  	v7 =	vadd.f32 v13, v7;
	v10 =	vadd.f32 v14, v10  }
0x407: {  	v8 =	vadd.f32 v11, v8;
	v11 =	vld [tilespmem:s8+$0x15E40]  }
0x408: {  	v2 =	vadd.f32 v15, v2;
	v7 =	vadd.f32 v10, v7  }
0x409: {  	v4 =	vadd.f32 v4, v9;
	v9 =	vld [tilespmem:s8+$0x15E50]  }
0x40a: {  	v8 =	vadd.f32 v12, v8;
	v2 =	vadd.f32 v2, v7  }
0x40b: {  	v3 =	vadd.f32 v5, v3;
	v5 =	vld [tilespmem:s8+$0x15E60]  }
0x40c: {  	v4 =	vadd.f32 v11, v4;
	v2 =	vadd.f32 v8, v2  }
0x40d: {  	v1 =	vadd.f32 v6, v1;
	v7 =	vld [tilespmem:s8+$0x15E70]  }
0x40e: {  	v3 =	vadd.f32 v9, v3;
	v2 =	vadd.f32 v4, v2;
	_ =	sdelay $0x1  }
0x40f: {  	v1 =	vadd.f32 v5, v1;
	v2 =	vadd.f32 v3, v2;
	_ =	sdelay $0x1  }
0x410: {  	v0 =	vadd.f32 v7, v0;
	v1 =	vadd.f32 v1, v2;
	_ =	sdelay $0x1  }
0x411: {  	v0 =	vadd.f32 v0, v1;
	_ =	sdelay $0x1  }
0x412: {  	v0 =	vmul.f32 $4.999999890e-03, v0;
	_ =	sdelay $0x1  }
0x413: {  	s16 =	simm.s32 $0x0;
	[tilespmem:$0x1AAA0] =	vst v0  }
0x414: {  	v0 =	vld [tilespmem:s16+$0x16AF0]  }
0x415: {  	v1 =	vld [tilespmem:s16+$0x16A80]  }
0x416: {  	v3 =	vld [tilespmem:s16+$0x16A90]  }
0x417: {  	v12 =	vld [tilespmem:s16+$0x16AA0]  }
0x418: {  	v11 =	vld [tilespmem:s16+$0x16AB0]  }
0x419: {  	v9 =	vimm.f32 $0.0e+00;
	v2 =	vimm.f32 $0.0e+00;
	v4 =	vld [tilespmem:s16+$0x16AC0]  }
0x41a: {  	v8 =	vimm.f32 $0.0e+00;
	v5 =	vld [tilespmem:s16+$0x16AD0];
	v0 =	vadd.f32 v0, v2;
	v7 =	vadd.f32 v1, v2  }
0x41b: {  	s9 =	simm.s32 $0x400;
	s8 =	simm.s32 $0x80;
	v6 =	vld [tilespmem:s16+$0x16AE0];
	v10 =	vadd.f32 v3, v2;
	v3 =	vimm.f32 $0.0e+00;
	v1 =	vimm.f32 $0.0e+00  }
.LBB2_57:
0x41c: {  	p0 =	sne.s32 s9, $0x3000;
	v13 =	vld [tilespmem:s8+$0x16AF0];
	v2 =	vadd.f32 v12, v2  }
0x41d: {  	v14 =	vld [tilespmem:s8+$0x16A80];
	v8 =	vadd.f32 v11, v8  }
0x41e: {  	v15 =	vld [tilespmem:s8+$0x16A90];
	v9 =	vadd.f32 v4, v9  }
.Ltmp27:
0x41f: {  	v12 =	vld [tilespmem:s8+$0x16AA0];
	v3 =	vadd.f32 v5, v3;
	(pc) =	sbr.rel @p0 .LBB2_57-.Ltmp27, $4  }
0x420: {  	v11 =	vld [tilespmem:s8+$0x16AB0];
	v1 =	vadd.f32 v6, v1  }
0x421: {  	v4 =	vld [tilespmem:s8+$0x16AC0];
	v0 =	vadd.f32 v13, v0  }
0x422: {  	v7 =	vadd.f32 v14, v7;
	v5 =	vld [tilespmem:s8+$0x16AD0]  }
0x423: {  	v10 =	vadd.f32 v15, v10;
	v6 =	vld [tilespmem:s8+$0x16AE0];
	s8 =	sshra.s32 s9, $0x2;
	s9 =	sadd.s32 $0x200, s9  }
0x424: {  	v13 =	vld [tilespmem:s8+$0x16A80]  }
0x425: {  	v14 =	vld [tilespmem:s8+$0x16A90];
	_ =	sdelay $0x1  }
0x426: {  	v15 =	vld [tilespmem:s8+$0x16AA0];
	_ =	sdelay $0x1  }
0x427: {  	v2 =	vadd.f32 v12, v2;
	v12 =	vld [tilespmem:s8+$0x16AB0]  }
0x428: {  	v7 =	vadd.f32 v13, v7;
	v10 =	vadd.f32 v14, v10  }
0x429: {  	v8 =	vadd.f32 v11, v8;
	v11 =	vld [tilespmem:s8+$0x16AC0]  }
0x42a: {  	v2 =	vadd.f32 v15, v2;
	v7 =	vadd.f32 v10, v7  }
0x42b: {  	v4 =	vadd.f32 v4, v9;
	v9 =	vld [tilespmem:s8+$0x16AD0]  }
0x42c: {  	v8 =	vadd.f32 v12, v8;
	v2 =	vadd.f32 v2, v7  }
0x42d: {  	v3 =	vadd.f32 v5, v3;
	v5 =	vld [tilespmem:s8+$0x16AE0]  }
0x42e: {  	v4 =	vadd.f32 v11, v4;
	v2 =	vadd.f32 v8, v2  }
0x42f: {  	v1 =	vadd.f32 v6, v1;
	v7 =	vld [tilespmem:s8+$0x16AF0]  }
0x430: {  	v3 =	vadd.f32 v9, v3;
	v2 =	vadd.f32 v4, v2;
	_ =	sdelay $0x1  }
0x431: {  	v1 =	vadd.f32 v5, v1;
	v2 =	vadd.f32 v3, v2;
	_ =	sdelay $0x1  }
0x432: {  	v0 =	vadd.f32 v7, v0;
	v1 =	vadd.f32 v1, v2;
	_ =	sdelay $0x1  }
0x433: {  	v0 =	vadd.f32 v0, v1;
	_ =	sdelay $0x1  }
0x434: {  	v0 =	vmul.f32 $4.999999890e-03, v0;
	_ =	sdelay $0x1  }
0x435: {  	s16 =	simm.s32 $0x0;
	[tilespmem:$0x1AAB0] =	vst v0  }
0x436: {  	v0 =	vld [tilespmem:s16+$0x17770]  }
0x437: {  	v1 =	vld [tilespmem:s16+$0x17700]  }
0x438: {  	v3 =	vld [tilespmem:s16+$0x17710]  }
0x439: {  	v12 =	vld [tilespmem:s16+$0x17720]  }
0x43a: {  	v11 =	vld [tilespmem:s16+$0x17730]  }
0x43b: {  	v9 =	vimm.f32 $0.0e+00;
	v2 =	vimm.f32 $0.0e+00;
	v4 =	vld [tilespmem:s16+$0x17740]  }
0x43c: {  	v8 =	vimm.f32 $0.0e+00;
	v5 =	vld [tilespmem:s16+$0x17750];
	v0 =	vadd.f32 v0, v2;
	v7 =	vadd.f32 v1, v2  }
0x43d: {  	s9 =	simm.s32 $0x400;
	s8 =	simm.s32 $0x80;
	v6 =	vld [tilespmem:s16+$0x17760];
	v10 =	vadd.f32 v3, v2;
	v3 =	vimm.f32 $0.0e+00;
	v1 =	vimm.f32 $0.0e+00  }
.LBB2_59:
0x43e: {  	p0 =	sne.s32 s9, $0x3000;
	v13 =	vld [tilespmem:s8+$0x17770];
	v2 =	vadd.f32 v12, v2  }
0x43f: {  	v14 =	vld [tilespmem:s8+$0x17700];
	v8 =	vadd.f32 v11, v8  }
0x440: {  	v15 =	vld [tilespmem:s8+$0x17710];
	v9 =	vadd.f32 v4, v9  }
.Ltmp28:
0x441: {  	v12 =	vld [tilespmem:s8+$0x17720];
	v3 =	vadd.f32 v5, v3;
	(pc) =	sbr.rel @p0 .LBB2_59-.Ltmp28, $4  }
0x442: {  	v11 =	vld [tilespmem:s8+$0x17730];
	v1 =	vadd.f32 v6, v1  }
0x443: {  	v4 =	vld [tilespmem:s8+$0x17740];
	v0 =	vadd.f32 v13, v0  }
0x444: {  	v7 =	vadd.f32 v14, v7;
	v5 =	vld [tilespmem:s8+$0x17750]  }
0x445: {  	v10 =	vadd.f32 v15, v10;
	v6 =	vld [tilespmem:s8+$0x17760];
	s8 =	sshra.s32 s9, $0x2;
	s9 =	sadd.s32 $0x200, s9  }
0x446: {  	v13 =	vld [tilespmem:s8+$0x17700]  }
0x447: {  	v14 =	vld [tilespmem:s8+$0x17710];
	_ =	sdelay $0x1  }
0x448: {  	v15 =	vld [tilespmem:s8+$0x17720];
	_ =	sdelay $0x1  }
0x449: {  	v2 =	vadd.f32 v12, v2;
	v12 =	vld [tilespmem:s8+$0x17730]  }
0x44a: {  	v7 =	vadd.f32 v13, v7;
	v10 =	vadd.f32 v14, v10  }
0x44b: {  	v8 =	vadd.f32 v11, v8;
	v11 =	vld [tilespmem:s8+$0x17740]  }
0x44c: {  	v2 =	vadd.f32 v15, v2;
	v7 =	vadd.f32 v10, v7  }
0x44d: {  	v4 =	vadd.f32 v4, v9;
	v9 =	vld [tilespmem:s8+$0x17750]  }
0x44e: {  	v8 =	vadd.f32 v12, v8;
	v2 =	vadd.f32 v2, v7  }
0x44f: {  	v3 =	vadd.f32 v5, v3;
	v5 =	vld [tilespmem:s8+$0x17760]  }
0x450: {  	v4 =	vadd.f32 v11, v4;
	v2 =	vadd.f32 v8, v2  }
0x451: {  	v1 =	vadd.f32 v6, v1;
	v7 =	vld [tilespmem:s8+$0x17770]  }
0x452: {  	v3 =	vadd.f32 v9, v3;
	v2 =	vadd.f32 v4, v2;
	_ =	sdelay $0x1  }
0x453: {  	v1 =	vadd.f32 v5, v1;
	v2 =	vadd.f32 v3, v2;
	_ =	sdelay $0x1  }
0x454: {  	v0 =	vadd.f32 v7, v0;
	v1 =	vadd.f32 v1, v2;
	_ =	sdelay $0x1  }
0x455: {  	v0 =	vadd.f32 v0, v1;
	_ =	sdelay $0x1  }
0x456: {  	v0 =	vmul.f32 $4.999999890e-03, v0;
	_ =	sdelay $0x1  }
0x457: {  	s16 =	simm.s32 $0x0;
	[tilespmem:$0x1AAC0] =	vst v0  }
0x458: {  	v0 =	vld [tilespmem:s16+$0x183F0]  }
0x459: {  	v1 =	vld [tilespmem:s16+$0x18380]  }
0x45a: {  	v3 =	vld [tilespmem:s16+$0x18390]  }
0x45b: {  	v12 =	vld [tilespmem:s16+$0x183A0]  }
0x45c: {  	v11 =	vld [tilespmem:s16+$0x183B0]  }
0x45d: {  	v9 =	vimm.f32 $0.0e+00;
	v2 =	vimm.f32 $0.0e+00;
	v4 =	vld [tilespmem:s16+$0x183C0]  }
0x45e: {  	v8 =	vimm.f32 $0.0e+00;
	v5 =	vld [tilespmem:s16+$0x183D0];
	v0 =	vadd.f32 v0, v2;
	v7 =	vadd.f32 v1, v2  }
0x45f: {  	s9 =	simm.s32 $0x400;
	s8 =	simm.s32 $0x80;
	v6 =	vld [tilespmem:s16+$0x183E0];
	v10 =	vadd.f32 v3, v2;
	v3 =	vimm.f32 $0.0e+00;
	v1 =	vimm.f32 $0.0e+00  }
.LBB2_61:
0x460: {  	p0 =	sne.s32 s9, $0x3000;
	v13 =	vld [tilespmem:s8+$0x183F0];
	v2 =	vadd.f32 v12, v2  }
0x461: {  	v14 =	vld [tilespmem:s8+$0x18380];
	v8 =	vadd.f32 v11, v8  }
0x462: {  	v15 =	vld [tilespmem:s8+$0x18390];
	v9 =	vadd.f32 v4, v9  }
.Ltmp29:
0x463: {  	v12 =	vld [tilespmem:s8+$0x183A0];
	v3 =	vadd.f32 v5, v3;
	(pc) =	sbr.rel @p0 .LBB2_61-.Ltmp29, $4  }
0x464: {  	v11 =	vld [tilespmem:s8+$0x183B0];
	v1 =	vadd.f32 v6, v1  }
0x465: {  	v4 =	vld [tilespmem:s8+$0x183C0];
	v0 =	vadd.f32 v13, v0  }
0x466: {  	v7 =	vadd.f32 v14, v7;
	v5 =	vld [tilespmem:s8+$0x183D0]  }
0x467: {  	v10 =	vadd.f32 v15, v10;
	v6 =	vld [tilespmem:s8+$0x183E0];
	s8 =	sshra.s32 s9, $0x2;
	s9 =	sadd.s32 $0x200, s9  }
0x468: {  	v13 =	vld [tilespmem:s8+$0x18380]  }
0x469: {  	v14 =	vld [tilespmem:s8+$0x18390];
	_ =	sdelay $0x1  }
0x46a: {  	v15 =	vld [tilespmem:s8+$0x183A0];
	_ =	sdelay $0x1  }
0x46b: {  	v2 =	vadd.f32 v12, v2;
	v12 =	vld [tilespmem:s8+$0x183B0]  }
0x46c: {  	v7 =	vadd.f32 v13, v7;
	v10 =	vadd.f32 v14, v10  }
0x46d: {  	v8 =	vadd.f32 v11, v8;
	v11 =	vld [tilespmem:s8+$0x183C0]  }
0x46e: {  	v2 =	vadd.f32 v15, v2;
	v7 =	vadd.f32 v10, v7  }
0x46f: {  	v4 =	vadd.f32 v4, v9;
	v9 =	vld [tilespmem:s8+$0x183D0]  }
0x470: {  	v8 =	vadd.f32 v12, v8;
	v2 =	vadd.f32 v2, v7  }
0x471: {  	v3 =	vadd.f32 v5, v3;
	v5 =	vld [tilespmem:s8+$0x183E0]  }
0x472: {  	v4 =	vadd.f32 v11, v4;
	v2 =	vadd.f32 v8, v2  }
0x473: {  	v1 =	vadd.f32 v6, v1;
	v7 =	vld [tilespmem:s8+$0x183F0]  }
0x474: {  	v3 =	vadd.f32 v9, v3;
	v2 =	vadd.f32 v4, v2;
	_ =	sdelay $0x1  }
0x475: {  	v1 =	vadd.f32 v5, v1;
	v2 =	vadd.f32 v3, v2;
	_ =	sdelay $0x1  }
0x476: {  	v0 =	vadd.f32 v7, v0;
	v1 =	vadd.f32 v1, v2;
	_ =	sdelay $0x1  }
0x477: {  	v0 =	vadd.f32 v0, v1;
	_ =	sdelay $0x1  }
0x478: {  	v0 =	vmul.f32 $4.999999890e-03, v0;
	_ =	sdelay $0x1  }
0x479: {  	s16 =	simm.s32 $0x0;
	[tilespmem:$0x1AAD0] =	vst v0  }
0x47a: {  	v0 =	vld [tilespmem:s16+$0x19070]  }
0x47b: {  	v1 =	vld [tilespmem:s16+$0x19000]  }
0x47c: {  	v3 =	vld [tilespmem:s16+$0x19010]  }
0x47d: {  	v12 =	vld [tilespmem:s16+$0x19020]  }
0x47e: {  	v11 =	vld [tilespmem:s16+$0x19030]  }
0x47f: {  	v9 =	vimm.f32 $0.0e+00;
	v2 =	vimm.f32 $0.0e+00;
	v4 =	vld [tilespmem:s16+$0x19040]  }
0x480: {  	v8 =	vimm.f32 $0.0e+00;
	v5 =	vld [tilespmem:s16+$0x19050];
	v0 =	vadd.f32 v0, v2;
	v7 =	vadd.f32 v1, v2  }
0x481: {  	s9 =	simm.s32 $0x400;
	s8 =	simm.s32 $0x80;
	v6 =	vld [tilespmem:s16+$0x19060];
	v10 =	vadd.f32 v3, v2;
	v3 =	vimm.f32 $0.0e+00;
	v1 =	vimm.f32 $0.0e+00  }
.LBB2_63:
0x482: {  	p0 =	sne.s32 s9, $0x3000;
	v13 =	vld [tilespmem:s8+$0x19070];
	v2 =	vadd.f32 v12, v2  }
0x483: {  	v14 =	vld [tilespmem:s8+$0x19000];
	v8 =	vadd.f32 v11, v8  }
0x484: {  	v15 =	vld [tilespmem:s8+$0x19010];
	v9 =	vadd.f32 v4, v9  }
.Ltmp30:
0x485: {  	v12 =	vld [tilespmem:s8+$0x19020];
	v3 =	vadd.f32 v5, v3;
	(pc) =	sbr.rel @p0 .LBB2_63-.Ltmp30, $4  }
0x486: {  	v11 =	vld [tilespmem:s8+$0x19030];
	v1 =	vadd.f32 v6, v1  }
0x487: {  	v4 =	vld [tilespmem:s8+$0x19040];
	v0 =	vadd.f32 v13, v0  }
0x488: {  	v7 =	vadd.f32 v14, v7;
	v5 =	vld [tilespmem:s8+$0x19050]  }
0x489: {  	v10 =	vadd.f32 v15, v10;
	v6 =	vld [tilespmem:s8+$0x19060];
	s8 =	sshra.s32 s9, $0x2;
	s9 =	sadd.s32 $0x200, s9  }
0x48a: {  	v13 =	vld [tilespmem:s8+$0x19000]  }
0x48b: {  	v14 =	vld [tilespmem:s8+$0x19010];
	_ =	sdelay $0x1  }
0x48c: {  	v15 =	vld [tilespmem:s8+$0x19020];
	_ =	sdelay $0x1  }
0x48d: {  	v2 =	vadd.f32 v12, v2;
	v12 =	vld [tilespmem:s8+$0x19030]  }
0x48e: {  	v7 =	vadd.f32 v13, v7;
	v10 =	vadd.f32 v14, v10  }
0x48f: {  	v8 =	vadd.f32 v11, v8;
	v11 =	vld [tilespmem:s8+$0x19040]  }
0x490: {  	v2 =	vadd.f32 v15, v2;
	v7 =	vadd.f32 v10, v7  }
0x491: {  	v4 =	vadd.f32 v4, v9;
	v9 =	vld [tilespmem:s8+$0x19050]  }
0x492: {  	v8 =	vadd.f32 v12, v8;
	v2 =	vadd.f32 v2, v7  }
0x493: {  	v3 =	vadd.f32 v5, v3;
	v5 =	vld [tilespmem:s8+$0x19060]  }
0x494: {  	v4 =	vadd.f32 v11, v4;
	v2 =	vadd.f32 v8, v2  }
0x495: {  	v1 =	vadd.f32 v6, v1;
	v7 =	vld [tilespmem:s8+$0x19070]  }
0x496: {  	v3 =	vadd.f32 v9, v3;
	v2 =	vadd.f32 v4, v2;
	_ =	sdelay $0x1  }
0x497: {  	v1 =	vadd.f32 v5, v1;
	v2 =	vadd.f32 v3, v2;
	_ =	sdelay $0x1  }
0x498: {  	v0 =	vadd.f32 v7, v0;
	v1 =	vadd.f32 v1, v2;
	_ =	sdelay $0x1  }
0x499: {  	v0 =	vadd.f32 v0, v1;
	_ =	sdelay $0x1  }
0x49a: {  	v0 =	vmul.f32 $4.999999890e-03, v0;
	_ =	sdelay $0x1  }
0x49b: {  	s16 =	simm.s32 $0x0;
	[tilespmem:$0x1AAE0] =	vst v0  }
0x49c: {  	v0 =	vld [tilespmem:s16+$0x19CF0]  }
0x49d: {  	v1 =	vld [tilespmem:s16+$0x19C80]  }
0x49e: {  	v3 =	vld [tilespmem:s16+$0x19C90]  }
0x49f: {  	v12 =	vld [tilespmem:s16+$0x19CA0]  }
0x4a0: {  	v11 =	vld [tilespmem:s16+$0x19CB0]  }
0x4a1: {  	v9 =	vimm.f32 $0.0e+00;
	v2 =	vimm.f32 $0.0e+00;
	v4 =	vld [tilespmem:s16+$0x19CC0]  }
0x4a2: {  	v8 =	vimm.f32 $0.0e+00;
	v5 =	vld [tilespmem:s16+$0x19CD0];
	v0 =	vadd.f32 v0, v2;
	v7 =	vadd.f32 v1, v2  }
0x4a3: {  	s9 =	simm.s32 $0x400;
	s8 =	simm.s32 $0x80;
	v6 =	vld [tilespmem:s16+$0x19CE0];
	v10 =	vadd.f32 v3, v2;
	v3 =	vimm.f32 $0.0e+00;
	v1 =	vimm.f32 $0.0e+00  }
.LBB2_65:
0x4a4: {  	p0 =	sne.s32 s9, $0x3000;
	v13 =	vld [tilespmem:s8+$0x19CF0];
	v2 =	vadd.f32 v12, v2  }
0x4a5: {  	v14 =	vld [tilespmem:s8+$0x19C80];
	v8 =	vadd.f32 v11, v8  }
0x4a6: {  	v15 =	vld [tilespmem:s8+$0x19C90];
	v9 =	vadd.f32 v4, v9  }
.Ltmp31:
0x4a7: {  	v12 =	vld [tilespmem:s8+$0x19CA0];
	v3 =	vadd.f32 v5, v3;
	(pc) =	sbr.rel @p0 .LBB2_65-.Ltmp31, $4  }
0x4a8: {  	v11 =	vld [tilespmem:s8+$0x19CB0];
	v1 =	vadd.f32 v6, v1  }
0x4a9: {  	v4 =	vld [tilespmem:s8+$0x19CC0];
	v0 =	vadd.f32 v13, v0  }
0x4aa: {  	v7 =	vadd.f32 v14, v7;
	v5 =	vld [tilespmem:s8+$0x19CD0]  }
0x4ab: {  	v10 =	vadd.f32 v15, v10;
	v6 =	vld [tilespmem:s8+$0x19CE0];
	s8 =	sshra.s32 s9, $0x2;
	s9 =	sadd.s32 $0x200, s9  }
0x4ac: {  	v13 =	vld [tilespmem:s8+$0x19C80]  }
0x4ad: {  	v14 =	vld [tilespmem:s8+$0x19C90];
	_ =	sdelay $0x1  }
0x4ae: {  	v15 =	vld [tilespmem:s8+$0x19CA0];
	_ =	sdelay $0x1  }
0x4af: {  	v2 =	vadd.f32 v12, v2;
	v59 =	vld [tilespmem:s8+$0x19CB0]  }
0x4b0: {  	v7 =	vadd.f32 v13, v7;
	v10 =	vadd.f32 v14, v10  }
0x4b1: {  	v60 =	vld [tilespmem:s8+$0x19CC0];
	v8 =	vadd.f32 v11, v8  }
0x4b2: {  	v2 =	vadd.f32 v15, v2;
	v7 =	vadd.f32 v10, v7  }
0x4b3: {  	v61 =	vld [tilespmem:s8+$0x19CD0];
	v4 =	vadd.f32 v4, v9  }
0x4b4: {  	v8 =	vadd.f32 v59, v8;
	v2 =	vadd.f32 v2, v7  }
0x4b5: {  	v62 =	vld [tilespmem:s8+$0x19CE0];
	v3 =	vadd.f32 v5, v3  }
0x4b6: {  	v4 =	vadd.f32 v60, v4;
	v2 =	vadd.f32 v8, v2  }
0x4b7: {  	v63 =	vld [tilespmem:s8+$0x19CF0];
	v1 =	vadd.f32 v6, v1  }
0x4b8: {  	v3 =	vadd.f32 v61, v3;
	v2 =	vadd.f32 v4, v2;
	_ =	sdelay $0x1  }
0x4b9: {  	v1 =	vadd.f32 v62, v1;
	v2 =	vadd.f32 v3, v2;
	_ =	sdelay $0x1  }
0x4ba: {  	v0 =	vadd.f32 v63, v0;
	v1 =	vadd.f32 v1, v2  }
0x4bb: {  	s6 =	sadd.s32 $0x1, s6  }
0x4bc: {  	p0 =	sne.s32 s6, $0x10;
	v0 =	vadd.f32 v0, v1  }
.Ltmp32:
0x4bd: {  	_ = 	snop;
	(pc) =	sbr.rel @p0 .LBB2_2-.Ltmp32, $4  }
0x4be: {  	v0 =	vmul.f32 $4.999999890e-03, v0  }
0x4bf: {  	s31 =	sshll.u32 s21, $0x4  }
0x4c0: {  	s8 =	sadd.s32 s31, s15;
	[tilespmem:$0x1AAF0] =	vst v0  }
0x4c1: {  	[hbm4b:s8+s3] =	stream.linear.scatter [tilespmem:s29], [sflag:$0x8], $0x80, $0x38;
	[tilespmem:$0x1AB00] =	vst v63  }
0x4c2: {  	s6 =	simm.s32 $0x5  }
0x4c3: {  	_ =	swait.ge [sflag:s6], $0x80  }
0x4c4: {  	[sflag:s6] =	ssyncset.done $0x0  }
0x4c5: {  	s21 =	simm.s32 $0x6;
	[sflag:s6] =	ssyncadd.s32 $0xFFFFFF80  }
0x4c6: {  	_ =	swait.ge [sflag:s21], $0x80  }
0x4c7: {  	[sflag:s21] =	ssyncset.done $0x0  }
0x4c8: {  	s25 =	simm.s32 $0x7;
	[sflag:s21] =	ssyncadd.s32 $0xFFFFFF80  }
0x4c9: {  	_ =	swait.ge [sflag:s25], $0x80  }
0x4ca: {  	[sflag:s25] =	ssyncset.done $0x0  }
0x4cb: {  	s8 =	simm.s32 $0x8;
	[sflag:s25] =	ssyncadd.s32 $0xFFFFFF80  }
0x4cc: {  	_ =	swait.ge [sflag:s8], $0x80  }
0x4cd: {  	s9 =	rddreg [dreg:$0x7]  }
0x4ce: {  	s31 =	rddreg [dreg:$0x6];
	s9 =	sadd.s32 $0x1, s9  }
0x4cf: {  	p0 =	sne.s32 s9, s31  }
.Ltmp33:
0x4d0: {  	_ = 	snop;
	(pc) =	sbr.rel @p0 .LBB2_1-.Ltmp33, $3  }
0x4d1: {  	_ =	sdelay $0x1  }
0x4d2: {  	[sflag:s8] =	ssyncset.done $0x0  }
0x4d3: {  	[sflag:s8] =	ssyncadd.s32 $0xFFFFFF80  }
0x4d4: {  	_ =	sfence.sel $0x180000  }
0x4d5: {  	[bflag:$0x0] =	sbarrier.arrive $0xFFFF  }
0x4d6: {  	_ =	strace $0x90000047  }
0x4d7: {  	s0 =	stileid.u32;
	[bflag:$0x2] =	sbarrier.arrive $0xFFFF  }
0x4d8: {  	p0 =	sne.s32 s0, $0x0;
	s0 =	rddreg [dreg:$0x2]  }
0x4d9: {  	s0 =	sadd.s32 @!p0 $0x100000, s0  }
0x4da: {  	[sflag:s0] =	ssyncadd.tile.s32 @!p0 $0x1;
	_ =	shalt  }
.Lfunc_end2:
_tile_overlayer_lowered:
.L_overlay_start_2:
0x4db: {  	(tag) =	ssettag $0x2  }
0x4dc: {  	s0 =	rddreg [dreg:$0x0];
	s2 =	stileid.u32  }
0x4dd: {  	s1 =	rddreg [dreg:$0x1];
	p0 =	sne.s32 s2, $0x0  }
0x4de: {  	s3 =	rddreg [dreg:$0x2];
	[bflag:$0x3] =	sbarrier.arrive $0xFFFF;
	s2 =	simm.s32 @!p0 $0x1C09  }
0x4df: {  	[timem:s3], [sflag:s2] =	dma.local @!p0 [hbm:s0], s1  }
0x4e0: {  	s0 =	simm.s32 @!p0 $0x9  }
0x4e1: {  	_ =	swait.ge @!p0 [sflag:s0], s1  }
0x4e2: {  	s1 =	ssub.s32 @!p0 $0x0, s1;
	[sflag:s0] =	ssyncset.done @!p0 $0x0  }
0x4e3: {  	[sflag:s0] =	ssyncadd.s32 @!p0 s1  }
0x4e4: {  	[bflag:$0x3] =	sbarrier.arrive $0xFFFF  }
0x4e5: {  	_ =	shalt  }

</sc_bundles>
